<compile_context>
chip_gen: v7x
topology: tpu7x:2x2x1
jax: 0.10.2.dev20260603
libtpu: 0.0.44.dev20260713+nightly
codegen_flags: <defaults>
</compile_context>

<pallas_src>
import jax
import jax.numpy as jnp
from jax import lax
from jax.experimental import pallas as pl
from jax.experimental.pallas import tpu as pltpu
from jax.experimental.pallas import tpu_sc as plsc

NN = 100000
EE = 1600000
HID = 64
NSHEET = 256
LSHEET = 128

ACC_ROWS = 100352
ACC_DEG = 131072
EPADN = 5632
EROWS = 3136
WIN = 49
NB = 3
DP = 2


def _ring(J, table, acc, sbuf, dbuf, rbuf, gsem, ssem):
    gd = [None] * J
    sd = [None] * J

    def gather(k):
        return pltpu.async_copy(table.at[sbuf.at[k]], rbuf.at[k % NB], gsem)

    def scatter(j):
        return pltpu.async_copy(rbuf.at[j % NB], acc.at[dbuf.at[j]], ssem,
                                add=True)

    for k in range(min(DP, J)):
        gd[k] = gather(k)
    for j in range(J):
        gd[j].wait()
        sd[j] = scatter(j)
        k = j + DP
        if k < J:
            if k - NB >= 0:
                sd[k - NB].wait()
            gd[k] = gather(k)
    for j in range(max(0, J - NB), J):
        sd[j].wait()


def _deg_body(esd, out0, out1, idxb, ones, zbuf, acc, ssem):
    c = lax.axis_index("c")
    s = lax.axis_index("s")

    def zb(i, carry):
        zbuf[pl.ds(i * 16, 16)] = jnp.zeros((16,), jnp.float32)
        return carry
    lax.fori_loop(0, 512, zb, None)
    def ob(i, carry):
        ones[pl.ds(i * 16, 16)] = jnp.ones((16,), jnp.float32)
        return carry
    lax.fori_loop(0, 32, ob, None)
    pltpu.sync_copy(zbuf, acc.at[pl.ds(s * 8192, 8192)])
    plsc.subcore_barrier()

    base = c * 1568 + s * 98

    def win(w, carry):
        pltpu.sync_copy(esd.at[1].at[pl.ds(base + w * 2, 2)], idxb)
        d0 = pltpu.async_copy(ones, acc.at[idxb.at[0]], ssem, add=True)
        d1 = pltpu.async_copy(ones, acc.at[idxb.at[1]], ssem, add=True)
        d0.wait()
        d1.wait()
        return carry
    lax.fori_loop(0, WIN, win, None)
    plsc.subcore_barrier()

    pltpu.sync_copy(acc.at[pl.ds(s * 8192, 8192)], zbuf)

    @pl.when(c == 0)
    def _():
        pltpu.sync_copy(zbuf, out0.at[pl.ds(s * 8192, 8192)])

    @pl.when(c == 1)
    def _():
        pltpu.sync_copy(zbuf, out1.at[pl.ds(s * 8192, 8192)])


def _prop1_body(vp1, esd, out, sbuf, dbuf, rbuf, acc, gsem, ssem):
    c = lax.axis_index("c")
    s = lax.axis_index("s")

    rows = pl.ds(s * 6272, 6272)
    pltpu.sync_copy(vp1.at[rows], acc.at[rows])
    plsc.subcore_barrier()

    base = c * 1568 + s * 98

    def win(w, carry):
        r0 = base + w * 2
        ds = pltpu.async_copy(esd.at[0].at[pl.ds(r0, 2)], sbuf, gsem)
        dd = pltpu.async_copy(esd.at[1].at[pl.ds(r0, 2)], dbuf, gsem)
        ds.wait()
        dd.wait()
        _ring(2, vp1, acc, sbuf, dbuf, rbuf, gsem, ssem)
        return carry
    lax.fori_loop(0, WIN, win, None)
    plsc.subcore_barrier()

    pltpu.sync_copy(acc.at[rows], out.at[c].at[rows])


def _prop23_body(vps, esd, out, sbuf, dbuf, rbuf, acc, gsem, ssem):
    c = lax.axis_index("c")
    s = lax.axis_index("s")

    rows = pl.ds(s * 6272, 6272)
    for i in range(2):
        cc = c * 2 + i
        pltpu.sync_copy(vps.at[cc].at[rows], acc.at[rows])
        plsc.subcore_barrier()

        base = s * 196

        def win(w, carry):
            r0 = base + w * 4
            ds = pltpu.async_copy(esd.at[0].at[pl.ds(r0, 4)], sbuf, gsem)
            dd = pltpu.async_copy(esd.at[1].at[pl.ds(r0, 4)], dbuf, gsem)
            ds.wait()
            dd.wait()
            _ring(4, vps.at[cc], acc, sbuf, dbuf, rbuf, gsem, ssem)
            return carry
        lax.fori_loop(0, WIN, win, None)
        plsc.subcore_barrier()

        pltpu.sync_copy(acc.at[rows], out.at[cc].at[rows])
        if i == 0:
            plsc.subcore_barrier()


def _sheet_body(h3c, sidx, sdstl, out, sbuf, dbuf, rbuf, zstage, acc,
                gsem, ssem):
    c = lax.axis_index("c")
    s = lax.axis_index("s")

    for i in range(8):
        zstage[i, :] = jnp.zeros((16,), jnp.float32)
    for cc in range(4):
        pltpu.sync_copy(zstage, acc.at[cc].at[pl.ds(s * 8, 8)])
    plsc.subcore_barrier()

    rr = c * 32 + s * 2
    pltpu.sync_copy(sidx.at[pl.ds(rr, 2)], sbuf)
    pltpu.sync_copy(sdstl.at[pl.ds(rr, 2)], dbuf)
    for cc in range(4):
        gd = [pltpu.async_copy(h3c.at[cc].at[sbuf.at[k]], rbuf.at[k], gsem)
              for k in range(2)]
        sd = []
        for j in range(2):
            gd[j].wait()
            sd.append(pltpu.async_copy(rbuf.at[j], acc.at[cc].at[dbuf.at[j]],
                                       ssem, add=True))
        for d in sd:
            d.wait()
    plsc.subcore_barrier()

    r0 = c * 128 + s * 8
    for cc in range(4):
        pltpu.sync_copy(acc.at[cc].at[pl.ds(s * 8, 8)],
                        out.at[cc].at[pl.ds(r0, 8)])


_MESH = None


def _mesh():
    global _MESH
    if _MESH is None:
        _MESH = plsc.VectorSubcoreMesh(core_axis_name="c",
                                       subcore_axis_name="s", num_cores=2,
                                       num_subcores=16)
    return _MESH


def _sc_deg(esd):
    return pl.kernel(
        _deg_body,
        out_type=[jax.ShapeDtypeStruct((ACC_DEG,), jnp.float32),
                  jax.ShapeDtypeStruct((ACC_DEG,), jnp.float32)],
        mesh=_mesh(),
        compiler_params=pltpu.CompilerParams(use_tc_tiling_on_sc=False),
        scratch_types=[
            pltpu.VMEM((2, 512), jnp.int32),
            pltpu.VMEM((512,), jnp.float32),
            pltpu.VMEM((8192,), jnp.float32),
            pltpu.VMEM_SHARED((ACC_DEG,), jnp.float32),
            pltpu.SemaphoreType.DMA,
        ],
    )(esd)


def _sc_prop1(vp1, esd):
    return pl.kernel(
        _prop1_body,
        out_type=jax.ShapeDtypeStruct((2, ACC_ROWS, 16), jnp.float32),
        mesh=_mesh(),
        compiler_params=pltpu.CompilerParams(use_tc_tiling_on_sc=False),
        scratch_types=[
            pltpu.VMEM((2, 512), jnp.int32),
            pltpu.VMEM((2, 512), jnp.int32),
            pltpu.VMEM((NB, 512, 16), jnp.float32),
            pltpu.VMEM_SHARED((ACC_ROWS, 16), jnp.float32),
            pltpu.SemaphoreType.DMA,
            pltpu.SemaphoreType.DMA,
        ],
    )(vp1, esd)


def _sc_prop23(vps, esd):
    return pl.kernel(
        _prop23_body,
        out_type=jax.ShapeDtypeStruct((4, ACC_ROWS, 16), jnp.float32),
        mesh=_mesh(),
        compiler_params=pltpu.CompilerParams(use_tc_tiling_on_sc=False),
        scratch_types=[
            pltpu.VMEM((4, 512), jnp.int32),
            pltpu.VMEM((4, 512), jnp.int32),
            pltpu.VMEM((NB, 512, 16), jnp.float32),
            pltpu.VMEM_SHARED((ACC_ROWS, 16), jnp.float32),
            pltpu.SemaphoreType.DMA,
            pltpu.SemaphoreType.DMA,
        ],
    )(vps, esd)


def _sc_sheet(h3c, sidx, sdstl):
    return pl.kernel(
        _sheet_body,
        out_type=jax.ShapeDtypeStruct((4, NSHEET, 16), jnp.float32),
        mesh=_mesh(),
        compiler_params=pltpu.CompilerParams(use_tc_tiling_on_sc=False),
        scratch_types=[
            pltpu.VMEM((2, 512), jnp.int32),
            pltpu.VMEM((2, 512), jnp.int32),
            pltpu.VMEM((2, 512, 16), jnp.float32),
            pltpu.VMEM((8, 16), jnp.float32),
            pltpu.VMEM_SHARED((4, 128, 16), jnp.float32),
            pltpu.SemaphoreType.DMA,
            pltpu.SemaphoreType.DMA,
        ],
    )(h3c, sidx, sdstl)



RP = ACC_ROWS // 8
PB = 128
TGRID = RP // PB
NPKROWS = NN // 8


def _dis_body(d0, d1, o):
    sh = (RP // 16, 128)
    m = ((lax.broadcasted_iota(jnp.int32, sh, 0) == 0)
         & (lax.broadcasted_iota(jnp.int32, sh, 1) == 0)).astype(jnp.float32)
    o[...] = lax.rsqrt(d0[...] + d1[...] + 1.0 - float(EPADN) * m)


def _tc_dis(d0, d1):
    return pl.pallas_call(
        _dis_body,
        out_shape=jax.ShapeDtypeStruct((RP // 16, 128), jnp.float32),
    )(d0, d1)


def _vp1_body(dis, xp, o):
    o[...] = dis[...] * xp[...]


def _tc_vp1(dis_pk, xp_pk):
    return pl.pallas_call(
        _vp1_body,
        grid=(TGRID,),
        in_specs=[
            pl.BlockSpec((PB, 128), lambda i: (i, 0)),
            pl.BlockSpec((PB, 128), lambda i: (i, 0)),
        ],
        out_specs=pl.BlockSpec((PB, 128), lambda i: (i, 0)),
        out_shape=jax.ShapeDtypeStruct((RP, 128), jnp.float32),
    )(dis_pk, xp_pk)


def _comb1_body(o, vp1, dis, w0, w1, b0, corr, vp2):
    rm = ((lax.broadcasted_iota(jnp.int32, (PB, 1), 0) == 0)
          & (pl.program_id(0) == 0)).astype(jnp.float32)
    t = dis[...] * (o[0] + o[1] - vp1[...] - rm * corr[...])
    h1 = jnp.maximum(jnp.dot(t, w0[...]) + b0[...], 0.0)
    y = jnp.dot(h1, w1[...])
    for cc in range(4):
        vp2[cc] = dis[...] * y[:, cc * 128:(cc + 1) * 128]


def _tc_comb1(o, vp1, dis, w0bd, w1bd, b0bd, corr1):
    return pl.pallas_call(
        _comb1_body,
        grid=(TGRID,),
        in_specs=[
            pl.BlockSpec((2, PB, 128), lambda i: (0, i, 0)),
            pl.BlockSpec((PB, 128), lambda i: (i, 0)),
            pl.BlockSpec((PB, 128), lambda i: (i, 0)),
            pl.BlockSpec((128, 512), lambda i: (0, 0)),
            pl.BlockSpec((512, 512), lambda i: (0, 0)),
            pl.BlockSpec((1, 512), lambda i: (0, 0)),
            pl.BlockSpec((1, 128), lambda i: (0, 0)),
        ],
        out_specs=pl.BlockSpec((4, PB, 128), lambda i: (0, i, 0)),
        out_shape=jax.ShapeDtypeStruct((4, RP, 128), jnp.float32),
    )(o, vp1, dis, w0bd, w1bd, b0bd, corr1)


def _comb2_body(o, dis, w2, b1, corr, vp3):
    rm = ((lax.broadcasted_iota(jnp.int32, (PB, 1), 0) == 0)
          & (pl.program_id(0) == 0)).astype(jnp.float32)
    parts = [jnp.maximum(dis[...] * (o[cc]
                                     - rm * corr[:, cc * 128:(cc + 1) * 128])
                         + b1[:, cc * 128:(cc + 1) * 128],
                         0.0) for cc in range(4)]
    h2 = jnp.concatenate(parts, axis=1)
    y = jnp.dot(h2, w2[...])
    for cc in range(4):
        vp3[cc] = dis[...] * y[:, cc * 128:(cc + 1) * 128]


def _tc_comb2(o, dis, w2bd, b1bd, corr2):
    return pl.pallas_call(
        _comb2_body,
        grid=(TGRID,),
        in_specs=[
            pl.BlockSpec((4, PB, 128), lambda i: (0, i, 0)),
            pl.BlockSpec((PB, 128), lambda i: (i, 0)),
            pl.BlockSpec((512, 512), lambda i: (0, 0)),
            pl.BlockSpec((1, 512), lambda i: (0, 0)),
            pl.BlockSpec((1, 512), lambda i: (0, 0)),
        ],
        out_specs=pl.BlockSpec((4, PB, 128), lambda i: (0, i, 0)),
        out_shape=jax.ShapeDtypeStruct((4, RP, 128), jnp.float32),
    )(o, dis, w2bd, b1bd, corr2)


def _comb3_body(o, dis, b2, corr, h3, gs):
    rm = ((lax.broadcasted_iota(jnp.int32, (PB, 1), 0) == 0)
          & (pl.program_id(0) == 0)).astype(jnp.float32)
    parts = []
    for cc in range(4):
        p = jnp.maximum(dis[...] * (o[cc]
                                    - rm * corr[:, cc * 128:(cc + 1) * 128])
                        + b2[:, cc * 128:(cc + 1) * 128],
                        0.0)
        h3[cc] = p
        parts.append(p)

    i = pl.program_id(0)
    rowid = lax.broadcasted_iota(jnp.int32, (PB, 1), 0)
    nv = NPKROWS - i * PB
    sums = [jnp.sum(jnp.where(rowid < nv, p, 0.0), axis=0, keepdims=True)
            for p in parts]
    ps = jnp.concatenate(sums, axis=1)

    @pl.when(i == 0)
    def _():
        gs[...] = jnp.zeros_like(gs)
    gs[...] += ps


def _tc_comb3(o, dis, b2bd, corr3):
    return pl.pallas_call(
        _comb3_body,
        grid=(TGRID,),
        in_specs=[
            pl.BlockSpec((4, PB, 128), lambda i: (0, i, 0)),
            pl.BlockSpec((PB, 128), lambda i: (i, 0)),
            pl.BlockSpec((1, 512), lambda i: (0, 0)),
            pl.BlockSpec((1, 512), lambda i: (0, 0)),
        ],
        out_specs=[
            pl.BlockSpec((4, PB, 128), lambda i: (0, i, 0)),
            pl.BlockSpec((1, 512), lambda i: (0, 0)),
        ],
        out_shape=[
            jax.ShapeDtypeStruct((4, RP, 128), jnp.float32),
            jax.ShapeDtypeStruct((1, 512), jnp.float32),
        ],
    )(o, dis, b2bd, corr3)


def _mlp_body(ssum, gs, sfp, wg1, bg1, wg2, bg2, wfa, wfb, bf,
              wq1a, wq1b, bq1, wq2, bq2, out):
    se = jnp.concatenate([ssum[cc] for cc in range(4)], axis=1) * (1.0 / LSHEET)
    gl = []
    for cc in range(4):
        t = gs[:, cc * 128:cc * 128 + 16]
        for n in range(1, 8):
            t = t + gs[:, cc * 128 + n * 16:cc * 128 + (n + 1) * 16]
        gl.append(t)
    ge = jnp.concatenate(gl, axis=1) * (1.0 / NN)
    geo = jnp.dot(jnp.maximum(jnp.dot(sfp[...], wg1[...]) + bg1[...], 0.0),
                  wg2[...]) + bg2[...]
    fused = jnp.maximum(jnp.dot(se, wfa[...]) + jnp.dot(geo, wfb[...])
                        + bf[...], 0.0)
    gq = jnp.dot(ge, wq1b[...])
    z = jnp.maximum(jnp.dot(fused, wq1a[...]) + gq + bq1[...], 0.0)
    out[...] = jnp.dot(z, wq2[...]) + bq2[...]


def _tc_mlp(*args):
    return pl.pallas_call(
        _mlp_body,
        out_shape=jax.ShapeDtypeStruct((NSHEET, 1), jnp.float32),
    )(*args)


def kernel(x, edge_index, batch, sheet_node_idx, sheet_features,
           W0, b0, W1, b1, W2, b2, Wg1, bg1, Wg2, bg2, Wf, bf,
           Wq1, bq1, Wq2, bq2):
    i32 = jnp.int32
    f32 = jnp.float32
    esd = jnp.pad(edge_index, ((0, 0), (0, EPADN))).reshape(2, EROWS, 512)
    xp_pk = jnp.pad(x, ((0, ACC_ROWS - NN), (0, 6))).reshape(RP, 128)
    w0p = jnp.pad(W0, ((0, 6), (0, 0)))
    wg1p = jnp.pad(Wg1, ((0, 6), (0, 0)))
    sfp = jnp.pad(sheet_features, ((0, 0), (0, 6)))
    sdstl = jnp.broadcast_to(
        (jnp.arange(NSHEET, dtype=i32) % 128)[:, None],
        (NSHEET, LSHEET)).reshape(64, 512)
    sidxr = sheet_node_idx.reshape(64, 512)
    eye8 = jnp.eye(8, dtype=f32)
    w0bd = (eye8[:, None, None, :, None]
            * w0p.reshape(16, 4, 16)[None, :, :, None, :]).reshape(128, 512)
    w1bd = (eye8[None, :, None, None, :, None]
            * W1.reshape(4, 16, 4, 16)[:, None, :, :, None, :]
            ).reshape(512, 512)
    w2bd = (eye8[None, :, None, None, :, None]
            * W2.reshape(4, 16, 4, 16)[:, None, :, :, None, :]
            ).reshape(512, 512)
    b0bd = jnp.broadcast_to(b0.reshape(4, 1, 16), (4, 8, 16)).reshape(1, 512)
    b1bd = jnp.broadcast_to(b1.reshape(4, 1, 16), (4, 8, 16)).reshape(1, 512)
    b2bd = jnp.broadcast_to(b2.reshape(4, 1, 16), (4, 8, 16)).reshape(1, 512)
    bg1r = bg1.reshape(1, HID)
    bg2r = bg2.reshape(1, HID)
    bfr = bf.reshape(1, HID)
    bq1r = bq1.reshape(1, HID)
    bq2r = bq2.reshape(1, 1)
    wfa, wfb = Wf[:HID], Wf[HID:]
    wq1a, wq1b = Wq1[:HID], Wq1[HID:]

    dg0, dg1 = _sc_deg(esd)
    d0 = dg0[:ACC_ROWS].reshape(RP // 16, 128)
    d1 = dg1[:ACC_ROWS].reshape(RP // 16, 128)
    dis_np = _tc_dis(d0, d1)
    dis_pk = jnp.broadcast_to(dis_np.reshape(ACC_ROWS)[:, None],
                              (ACC_ROWS, 16)).reshape(RP, 128)
    vp1_pk = _tc_vp1(dis_pk, xp_pk)
    vp1_sc = vp1_pk.reshape(ACC_ROWS, 16)

    o1 = _sc_prop1(vp1_sc, esd)
    corr1 = jnp.pad(vp1_pk[0:1, 0:16] * float(EPADN), ((0, 0), (0, 112)))
    vp2_pk = _tc_comb1(o1.reshape(2, RP, 128), vp1_pk, dis_pk,
                       w0bd, w1bd, b0bd, corr1)

    o2 = _sc_prop23(vp2_pk.reshape(4, ACC_ROWS, 16), esd)
    corr2 = jnp.pad(vp2_pk[:, 0:1, 0:16] * float(EPADN),
                    ((0, 0), (0, 0), (0, 112))).reshape(1, 512)
    vp3_pk = _tc_comb2(o2.reshape(4, RP, 128), dis_pk, w2bd, b1bd, corr2)

    o3 = _sc_prop23(vp3_pk.reshape(4, ACC_ROWS, 16), esd)
    corr3 = jnp.pad(vp3_pk[:, 0:1, 0:16] * float(EPADN),
                    ((0, 0), (0, 0), (0, 112))).reshape(1, 512)
    h3c_pk, gs = _tc_comb3(o3.reshape(4, RP, 128), dis_pk, b2bd, corr3)

    ssum = _sc_sheet(h3c_pk.reshape(4, ACC_ROWS, 16), sidxr, sdstl)
    q = _tc_mlp(ssum, gs, sfp, wg1p, bg1r, Wg2, bg2r, wfa, wfb, bfr,
                wq1a, wq1b, bq1r, Wq2, bq2r)
    return jnp.squeeze(q, -1)

# --- scband reference (transcript-rebuilt; emitter-appended) ---
"""Pipeline reference for scband-hex-mesh-qnet-50345606644282 (READ-ONLY COPY).

The authoritative reference and input builder live on the scoring server;
editing this copy changes nothing except your own understanding.
"""

import jax, jax.numpy as jnp
import numpy as np

N = 100000
E = 1600000
F_IN = 10
H = 64
S = 256
L = 128


def gcn_conv(x, src, dst, W, b):
    # PyG GCNConv: x' = D^{-1/2} (A + I) D^{-1/2} X W + b  (self loops appended by caller)
    n = x.shape[0]
    xw = x @ W
    deg = jnp.zeros((n,), dtype=xw.dtype).at[dst].add(1.0)
    dis = jnp.where(deg > 0, deg ** -0.5, 0.0)
    norm = dis[src] * dis[dst]
    msg = xw[src] * norm[:, None]
    out = jnp.zeros_like(xw).at[dst].add(msg)
    return out + b


def forward(x, edge_index, batch, sheet_node_idx, sheet_features, params):
    (W0, b0, W1, b1, W2, b2, Wg1, bg1, Wg2, bg2, Wf, bf, Wq1, bq1, Wq2, bq2) = params
    n = x.shape[0]
    loop = jnp.arange(n, dtype=edge_index.dtype)
    src = jnp.concatenate([edge_index[0], loop])
    dst = jnp.concatenate([edge_index[1], loop])
    h = jax.nn.relu(gcn_conv(x, src, dst, W0, b0))
    h = jax.nn.relu(gcn_conv(h, src, dst, W1, b1))
    h = jax.nn.relu(gcn_conv(h, src, dst, W2, b2))
    # global_mean_pool (single graph: batch is all zeros)
    sums = jax.ops.segment_sum(h, batch, num_segments=1)
    cnts = jax.ops.segment_sum(jnp.ones((n, 1), h.dtype), batch, num_segments=1)
    g_emb = sums / cnts
    # per-sheet mean of gathered node embeddings (vectorized form of the python loop)
    sheet_embs = h[sheet_node_idx].mean(axis=1)
    geo = jax.nn.relu(sheet_features @ Wg1 + bg1) @ Wg2 + bg2
    fused = jax.nn.relu(jnp.concatenate([sheet_embs, geo], axis=1) @ Wf + bf)
    ge = jnp.broadcast_to(g_emb, (sheet_embs.shape[0], g_emb.shape[1]))
    hcat = jnp.concatenate([fused, ge], axis=1)
    q = jax.nn.relu(hcat @ Wq1 + bq1) @ Wq2 + bq2
    return q.squeeze(-1)


def setup_inputs(seed: int = 0) -> dict:
    key = jax.random.key(seed)
    ks = jax.random.split(key, 24)

    def glorot(k, shape):
        lim = (6.0 / (shape[0] + shape[1])) ** 0.5
        return jax.random.uniform(k, shape, jnp.float32, -lim, lim)

    inp = {}
    inp["x"] = jax.random.normal(ks[0], (N, F_IN), dtype=jnp.float32)
    inp["edge_index"] = jax.random.randint(ks[1], (2, E), 0, N, dtype=jnp.int32)
    inp["batch"] = jnp.zeros((N,), dtype=jnp.int32)
    inp["sheet_node_idx"] = jax.random.randint(ks[2], (S, L), 0, N, dtype=jnp.int32)
    inp["sheet_features"] = jax.random.normal(ks[3], (S, F_IN), dtype=jnp.float32)
    inp["W0"] = glorot(ks[4], (F_IN, H)); inp["b0"] = jnp.zeros((H,), jnp.float32)
    inp["W1"] = glorot(ks[5], (H, H));    inp["b1"] = jnp.zeros((H,), jnp.float32)
    inp["W2"] = glorot(ks[6], (H, H));    inp["b2"] = jnp.zeros((H,), jnp.float32)
    inp["Wg1"] = glorot(ks[7], (F_IN, H)); inp["bg1"] = jnp.zeros((H,), jnp.float32)
    inp["Wg2"] = glorot(ks[8], (H, H));    inp["bg2"] = jnp.zeros((H,), jnp.float32)
    inp["Wf"] = glorot(ks[9], (2 * H, H)); inp["bf"] = jnp.zeros((H,), jnp.float32)
    inp["Wq1"] = glorot(ks[10], (2 * H, H)); inp["bq1"] = jnp.zeros((H,), jnp.float32)
    inp["Wq2"] = glorot(ks[11], (H, 1));     inp["bq2"] = jnp.zeros((1,), jnp.float32)
    return inp


def reference(x, edge_index, batch, sheet_node_idx, sheet_features,
              W0, b0, W1, b1, W2, b2, Wg1, bg1, Wg2, bg2, Wf, bf, Wq1, bq1, Wq2, bq2):
    params = (W0, b0, W1, b1, W2, b2, Wg1, bg1, Wg2, bg2, Wf, bf, Wq1, bq1, Wq2, bq2)
    return forward(x, edge_index, batch, sheet_node_idx, sheet_features, params)

if __name__ == "__main__":
    import jax
    _d = setup_inputs()
    print(jax.jit(kernel)(*tuple(_d.values())))

</pallas_src>

<mosaic_0001>
#map = affine_map<(d0, d1) -> (0, 0)>
#map1 = affine_map<(d0, d1) -> (0, 0, 0)>
module attributes {stable_mosaic.version = 14 : i64} {
  func.func @_prop1_body(%arg0: i32, %arg1: i32, %arg2: memref<100352x16xf32, #tpu.memory_space<hbm>>, %arg3: memref<2x3136x512xi32, #tpu.memory_space<hbm>>, %arg4: memref<2x100352x16xf32, #tpu.memory_space<hbm>>, %arg5: memref<2x512xi32, #tpu.memory_space<vmem>>, %arg6: memref<2x512xi32, #tpu.memory_space<vmem>>, %arg7: memref<3x512x16xf32, #tpu.memory_space<vmem>>, %arg8: memref<100352x16xf32, #tpu.memory_space<vmem_shared>>, %arg9: memref<!tpu.dma_semaphore, #tpu.memory_space<semaphore_mem>>, %arg10: memref<!tpu.dma_semaphore, #tpu.memory_space<semaphore_mem>>) attributes {dimension_semantics = [#tpu.dimension_semantics<core_parallel>, #tpu.dimension_semantics<subcore_parallel>], iteration_bounds = array<i64: 2, 16>, scalar_prefetch = 0 : i64, scratch_operands = 6 : i64, tpu.core_type = #tpu.core_type<sc_vector_subcore>, window_params = [{transform_indices = #map}, {transform_indices = #map1}, {transform_indices = #map1}]} {
    %mul3A = arith.constant 6272 : i32
    %mul3A_0 = arith.muli %arg1, %mul3A : i32
    "tpu.region"() ({
      %run_scoped3A = tpu.sem_alloc : memref<!tpu.dma_semaphore, #tpu.memory_space<semaphore_mem>>
      %dma_start3A = arith.constant 0 : i32
      %dma_start3A_10 = tpu.memref_slice %arg8[%mul3A_0, %dma_start3A] : memref<100352x16xf32, #tpu.memory_space<vmem_shared>> -> memref<6272x16xf32, #tpu.memory_space<vmem_shared>>
      %dma_start3A_11 = arith.constant 0 : i32
      %dma_start3A_12 = tpu.memref_slice %arg2[%mul3A_0, %dma_start3A_11] : memref<100352x16xf32, #tpu.memory_space<hbm>> -> memref<6272x16xf32, #tpu.memory_space<hbm>>
      tpu.enqueue_dma source(%dma_start3A_12 : memref<6272x16xf32, #tpu.memory_space<hbm>>) target(%dma_start3A_10 : memref<6272x16xf32, #tpu.memory_space<vmem_shared>>) target_semaphore(%run_scoped3A : memref<!tpu.dma_semaphore, #tpu.memory_space<semaphore_mem>>)
      %dma_wait3A = arith.constant 0 : i32
      %dma_wait3A_13 = tpu.memref_slice %arg8[%mul3A_0, %dma_wait3A] : memref<100352x16xf32, #tpu.memory_space<vmem_shared>> -> memref<6272x16xf32, #tpu.memory_space<vmem_shared>>
      %dma_wait3A_14 = arith.constant 0 : i32
      %dma_wait3A_15 = tpu.memref_slice %arg2[%mul3A_0, %dma_wait3A_14] : memref<100352x16xf32, #tpu.memory_space<hbm>> -> memref<6272x16xf32, #tpu.memory_space<hbm>>
      tpu.wait_dma2 semaphore(%run_scoped3A : memref<!tpu.dma_semaphore, #tpu.memory_space<semaphore_mem>>) src(%dma_wait3A_15 : memref<6272x16xf32, #tpu.memory_space<hbm>>) dst(%dma_wait3A_13 : memref<6272x16xf32, #tpu.memory_space<vmem_shared>>)
      tpu.yield
    }) : () -> ()
    %barrier3A = arith.constant 0 : index
    tpu.barrier barrier_id(%barrier3A)
    %mul3A_1 = arith.constant 1568 : i32
    %mul3A_2 = arith.muli %arg0, %mul3A_1 : i32
    %mul3A_3 = arith.constant 98 : i32
    %mul3A_4 = arith.muli %arg1, %mul3A_3 : i32
    %add3A = arith.addi %mul3A_2, %mul3A_4 : i32
    %scan3A = arith.constant 0 : i32
    %scan3A_5 = arith.constant 49 : i32
    %scan3A_6 = arith.addi %scan3A, %scan3A_5 : i32
    %scan3A_7 = arith.constant 1 : i32
    scf.for %scan3A_10 = %scan3A to %scan3A_6 step %scan3A_7  : i32 {
      %mul3A_11 = arith.constant 2 : i32
      %mul3A_12 = arith.muli %scan3A_10, %mul3A_11 : i32
      %add3A_13 = arith.addi %add3A, %mul3A_12 : i32
      %dma_start3A = arith.constant 0 : i32
      %dma_start3A_14 = arith.constant 0 : i32
      %dma_start3A_15 = arith.constant 0 : i32
      %dma_start3A_16 = tpu.memref_slice %arg3[%dma_start3A, %dma_start3A_14, %dma_start3A_15] : memref<2x3136x512xi32, #tpu.memory_space<hbm>> -> memref<1x3136x512xi32, #tpu.memory_space<hbm>>
      %dma_start3A_17 = tpu.memref_squeeze %dma_start3A_16 : memref<1x3136x512xi32, #tpu.memory_space<hbm>> -> memref<3136x512xi32, #tpu.memory_space<hbm>>
      %dma_start3A_18 = arith.constant 0 : i32
      %dma_start3A_19 = tpu.memref_slice %dma_start3A_17[%add3A_13, %dma_start3A_18] : memref<3136x512xi32, #tpu.memory_space<hbm>> -> memref<2x512xi32, #tpu.memory_space<hbm>>
      %dma_start3A_20 = arith.constant 0 : i32
      %dma_start3A_21 = arith.constant 0 : i32
      %dma_start3A_22 = tpu.memref_slice %arg3[%dma_start3A, %dma_start3A_20, %dma_start3A_21] : memref<2x3136x512xi32, #tpu.memory_space<hbm>> -> memref<1x3136x512xi32, #tpu.memory_space<hbm>>
      %dma_start3A_23 = tpu.memref_squeeze %dma_start3A_22 : memref<1x3136x512xi32, #tpu.memory_space<hbm>> -> memref<3136x512xi32, #tpu.memory_space<hbm>>
      %dma_start3A_24 = arith.constant 0 : i32
      %dma_start3A_25 = tpu.memref_slice %dma_start3A_23[%add3A_13, %dma_start3A_24] : memref<3136x512xi32, #tpu.memory_space<hbm>> -> memref<2x512xi32, #tpu.memory_space<hbm>>
      tpu.enqueue_dma source(%dma_start3A_25 : memref<2x512xi32, #tpu.memory_space<hbm>>) target(%arg5 : memref<2x512xi32, #tpu.memory_space<vmem>>) target_semaphore(%arg9 : memref<!tpu.dma_semaphore, #tpu.memory_space<semaphore_mem>>)
      %dma_start3A_26 = arith.constant 1 : i32
      %dma_start3A_27 = arith.constant 0 : i32
      %dma_start3A_28 = arith.constant 0 : i32
      %dma_start3A_29 = tpu.memref_slice %arg3[%dma_start3A_26, %dma_start3A_27, %dma_start3A_28] : memref<2x3136x512xi32, #tpu.memory_space<hbm>> -> memref<1x3136x512xi32, #tpu.memory_space<hbm>>
      %dma_start3A_30 = tpu.memref_squeeze %dma_start3A_29 : memref<1x3136x512xi32, #tpu.memory_space<hbm>> -> memref<3136x512xi32, #tpu.memory_space<hbm>>
      %dma_start3A_31 = arith.constant 0 : i32
      %dma_start3A_32 = tpu.memref_slice %dma_start3A_30[%add3A_13, %dma_start3A_31] : memref<3136x512xi32, #tpu.memory_space<hbm>> -> memref<2x512xi32, #tpu.memory_space<hbm>>
      %dma_start3A_33 = arith.constant 0 : i32
      %dma_start3A_34 = arith.constant 0 : i32
      %dma_start3A_35 = tpu.memref_slice %arg3[%dma_start3A_26, %dma_start3A_33, %dma_start3A_34] : memref<2x3136x512xi32, #tpu.memory_space<hbm>> -> memref<1x3136x512xi32, #tpu.memory_space<hbm>>
      %dma_start3A_36 = tpu.memref_squeeze %dma_start3A_35 : memref<1x3136x512xi32, #tpu.memory_space<hbm>> -> memref<3136x512xi32, #tpu.memory_space<hbm>>
      %dma_start3A_37 = arith.constant 0 : i32
      %dma_start3A_38 = tpu.memref_slice %dma_start3A_36[%add3A_13, %dma_start3A_37] : memref<3136x512xi32, #tpu.memory_space<hbm>> -> memref<2x512xi32, #tpu.memory_space<hbm>>
      tpu.enqueue_dma source(%dma_start3A_38 : memref<2x512xi32, #tpu.memory_space<hbm>>) target(%arg6 : memref<2x512xi32, #tpu.memory_space<vmem>>) target_semaphore(%arg9 : memref<!tpu.dma_semaphore, #tpu.memory_space<semaphore_mem>>)
      %dma_wait3A = arith.constant 0 : i32
      %dma_wait3A_39 = arith.constant 0 : i32
      %dma_wait3A_40 = arith.constant 0 : i32
      %dma_wait3A_41 = tpu.memref_slice %arg3[%dma_wait3A, %dma_wait3A_39, %dma_wait3A_40] : memref<2x3136x512xi32, #tpu.memory_space<hbm>> -> memref<1x3136x512xi32, #tpu.memory_space<hbm>>
      %dma_wait3A_42 = tpu.memref_squeeze %dma_wait3A_41 : memref<1x3136x512xi32, #tpu.memory_space<hbm>> -> memref<3136x512xi32, #tpu.memory_space<hbm>>
      %dma_wait3A_43 = arith.constant 0 : i32
      %dma_wait3A_44 = tpu.memref_slice %dma_wait3A_42[%add3A_13, %dma_wait3A_43] : memref<3136x512xi32, #tpu.memory_space<hbm>> -> memref<2x512xi32, #tpu.memory_space<hbm>>
      %dma_wait3A_45 = arith.constant 0 : i32
      %dma_wait3A_46 = arith.constant 0 : i32
      %dma_wait3A_47 = tpu.memref_slice %arg3[%dma_wait3A, %dma_wait3A_45, %dma_wait3A_46] : memref<2x3136x512xi32, #tpu.memory_space<hbm>> -> memref<1x3136x512xi32, #tpu.memory_space<hbm>>
      %dma_wait3A_48 = tpu.memref_squeeze %dma_wait3A_47 : memref<1x3136x512xi32, #tpu.memory_space<hbm>> -> memref<3136x512xi32, #tpu.memory_space<hbm>>
      %dma_wait3A_49 = arith.constant 0 : i32
      %dma_wait3A_50 = tpu.memref_slice %dma_wait3A_48[%add3A_13, %dma_wait3A_49] : memref<3136x512xi32, #tpu.memory_space<hbm>> -> memref<2x512xi32, #tpu.memory_space<hbm>>
      tpu.wait_dma2 semaphore(%arg9 : memref<!tpu.dma_semaphore, #tpu.memory_space<semaphore_mem>>) src(%dma_wait3A_50 : memref<2x512xi32, #tpu.memory_space<hbm>>) dst(%arg5 : memref<2x512xi32, #tpu.memory_space<vmem>>)
      %dma_wait3A_51 = arith.constant 1 : i32
      %dma_wait3A_52 = arith.constant 0 : i32
      %dma_wait3A_53 = arith.constant 0 : i32
      %dma_wait3A_54 = tpu.memref_slice %arg3[%dma_wait3A_51, %dma_wait3A_52, %dma_wait3A_53] : memref<2x3136x512xi32, #tpu.memory_space<hbm>> -> memref<1x3136x512xi32, #tpu.memory_space<hbm>>
      %dma_wait3A_55 = tpu.memref_squeeze %dma_wait3A_54 : memref<1x3136x512xi32, #tpu.memory_space<hbm>> -> memref<3136x512xi32, #tpu.memory_space<hbm>>
      %dma_wait3A_56 = arith.constant 0 : i32
      %dma_wait3A_57 = tpu.memref_slice %dma_wait3A_55[%add3A_13, %dma_wait3A_56] : memref<3136x512xi32, #tpu.memory_space<hbm>> -> memref<2x512xi32, #tpu.memory_space<hbm>>
      %dma_wait3A_58 = arith.constant 0 : i32
      %dma_wait3A_59 = arith.constant 0 : i32
      %dma_wait3A_60 = tpu.memref_slice %arg3[%dma_wait3A_51, %dma_wait3A_58, %dma_wait3A_59] : memref<2x3136x512xi32, #tpu.memory_space<hbm>> -> memref<1x3136x512xi32, #tpu.memory_space<hbm>>
      %dma_wait3A_61 = tpu.memref_squeeze %dma_wait3A_60 : memref<1x3136x512xi32, #tpu.memory_space<hbm>> -> memref<3136x512xi32, #tpu.memory_space<hbm>>
      %dma_wait3A_62 = arith.constant 0 : i32
      %dma_wait3A_63 = tpu.memref_slice %dma_wait3A_61[%add3A_13, %dma_wait3A_62] : memref<3136x512xi32, #tpu.memory_space<hbm>> -> memref<2x512xi32, #tpu.memory_space<hbm>>
      tpu.wait_dma2 semaphore(%arg9 : memref<!tpu.dma_semaphore, #tpu.memory_space<semaphore_mem>>) src(%dma_wait3A_63 : memref<2x512xi32, #tpu.memory_space<hbm>>) dst(%arg6 : memref<2x512xi32, #tpu.memory_space<vmem>>)
      %dma_start3A_64 = arith.constant 0 : i32
      %dma_start3A_65 = arith.constant 0 : i32
      %dma_start3A_66 = arith.constant 0 : i32
      %dma_start3A_67 = arith.constant 0 : i32
      %dma_start3A_68 = tpu.memref_slice %arg7[%dma_start3A_65, %dma_start3A_66, %dma_start3A_67] : memref<3x512x16xf32, #tpu.memory_space<vmem>> -> memref<1x512x16xf32, #tpu.memory_space<vmem>>
      %dma_start3A_69 = tpu.memref_squeeze %dma_start3A_68 : memref<1x512x16xf32, #tpu.memory_space<vmem>> -> memref<512x16xf32, #tpu.memory_space<vmem>>
      %dma_start3A_70 = arith.constant 0 : i32
      %dma_start3A_71 = tpu.memref_slice %arg5[%dma_start3A_64, %dma_start3A_70] : memref<2x512xi32, #tpu.memory_space<vmem>> -> memref<1x512xi32, #tpu.memory_space<vmem>>
      %dma_start3A_72 = tpu.memref_squeeze %dma_start3A_71 : memref<1x512xi32, #tpu.memory_space<vmem>> -> memref<512xi32, #tpu.memory_space<vmem>>
      %dma_start3A_73 = arith.constant 0 : i32
      %dma_start3A_74 = arith.constant 0 : i32
      %dma_start3A_75 = tpu.memref_slice %arg2[%dma_start3A_73, %dma_start3A_74] : memref<100352x16xf32, #tpu.memory_space<hbm>> -> memref<100352x16xf32, #tpu.memory_space<hbm>>
      tpu.enqueue_indirect_dma source(%dma_start3A_75 : memref<100352x16xf32, #tpu.memory_space<hbm>>) target(%dma_start3A_69 : memref<512x16xf32, #tpu.memory_space<vmem>>) offsets(%dma_start3A_72 : memref<512xi32, #tpu.memory_space<vmem>>) semaphore(%arg9 : memref<!tpu.dma_semaphore, #tpu.memory_space<semaphore_mem>>)
      %dma_start3A_76 = arith.constant 1 : i32
      %dma_start3A_77 = arith.constant 1 : i32
      %dma_start3A_78 = arith.constant 0 : i32
      %dma_start3A_79 = arith.constant 0 : i32
      %dma_start3A_80 = tpu.memref_slice %arg7[%dma_start3A_77, %dma_start3A_78, %dma_start3A_79] : memref<3x512x16xf32, #tpu.memory_space<vmem>> -> memref<1x512x16xf32, #tpu.memory_space<vmem>>
      %dma_start3A_81 = tpu.memref_squeeze %dma_start3A_80 : memref<1x512x16xf32, #tpu.memory_space<vmem>> -> memref<512x16xf32, #tpu.memory_space<vmem>>
      %dma_start3A_82 = arith.constant 0 : i32
      %dma_start3A_83 = tpu.memref_slice %arg5[%dma_start3A_76, %dma_start3A_82] : memref<2x512xi32, #tpu.memory_space<vmem>> -> memref<1x512xi32, #tpu.memory_space<vmem>>
      %dma_start3A_84 = tpu.memref_squeeze %dma_start3A_83 : memref<1x512xi32, #tpu.memory_space<vmem>> -> memref<512xi32, #tpu.memory_space<vmem>>
      %dma_start3A_85 = arith.constant 0 : i32
      %dma_start3A_86 = arith.constant 0 : i32
      %dma_start3A_87 = tpu.memref_slice %arg2[%dma_start3A_85, %dma_start3A_86] : memref<100352x16xf32, #tpu.memory_space<hbm>> -> memref<100352x16xf32, #tpu.memory_space<hbm>>
      tpu.enqueue_indirect_dma source(%dma_start3A_87 : memref<100352x16xf32, #tpu.memory_space<hbm>>) target(%dma_start3A_81 : memref<512x16xf32, #tpu.memory_space<vmem>>) offsets(%dma_start3A_84 : memref<512xi32, #tpu.memory_space<vmem>>) semaphore(%arg9 : memref<!tpu.dma_semaphore, #tpu.memory_space<semaphore_mem>>)
      %dma_wait3A_88 = arith.constant 0 : i32
      %dma_wait3A_89 = arith.constant 0 : i32
      %dma_wait3A_90 = arith.constant 0 : i32
      %dma_wait3A_91 = arith.constant 0 : i32
      %dma_wait3A_92 = tpu.memref_slice %arg7[%dma_wait3A_89, %dma_wait3A_90, %dma_wait3A_91] : memref<3x512x16xf32, #tpu.memory_space<vmem>> -> memref<1x512x16xf32, #tpu.memory_space<vmem>>
      %dma_wait3A_93 = tpu.memref_squeeze %dma_wait3A_92 : memref<1x512x16xf32, #tpu.memory_space<vmem>> -> memref<512x16xf32, #tpu.memory_space<vmem>>
      %dma_wait3A_94 = arith.constant 0 : i32
      %dma_wait3A_95 = tpu.memref_slice %arg5[%dma_wait3A_88, %dma_wait3A_94] : memref<2x512xi32, #tpu.memory_space<vmem>> -> memref<1x512xi32, #tpu.memory_space<vmem>>
      %dma_wait3A_96 = tpu.memref_squeeze %dma_wait3A_95 : memref<1x512xi32, #tpu.memory_space<vmem>> -> memref<512xi32, #tpu.memory_space<vmem>>
      %dma_wait3A_97 = arith.constant 0 : i32
      %dma_wait3A_98 = arith.constant 0 : i32
      %dma_wait3A_99 = tpu.memref_slice %arg2[%dma_wait3A_97, %dma_wait3A_98] : memref<100352x16xf32, #tpu.memory_space<hbm>> -> memref<100352x16xf32, #tpu.memory_space<hbm>>
      tpu.wait_indirect_dma semaphore(%arg9 : memref<!tpu.dma_semaphore, #tpu.memory_space<semaphore_mem>>) src(%dma_wait3A_99 : memref<100352x16xf32, #tpu.memory_space<hbm>>) dst(%dma_wait3A_93 : memref<512x16xf32, #tpu.memory_space<vmem>>)
      %dma_start3A_100 = arith.constant 0 : i32
      %dma_start3A_101 = arith.constant 0 : i32
      %dma_start3A_102 = arith.constant 0 : i32
      %dma_start3A_103 = arith.constant 0 : i32
      %dma_start3A_104 = tpu.memref_slice %arg7[%dma_start3A_100, %dma_start3A_102, %dma_start3A_103] : memref<3x512x16xf32, #tpu.memory_space<vmem>> -> memref<1x512x16xf32, #tpu.memory_space<vmem>>
      %dma_start3A_105 = tpu.memref_squeeze %dma_start3A_104 : memref<1x512x16xf32, #tpu.memory_space<vmem>> -> memref<512x16xf32, #tpu.memory_space<vmem>>
      %dma_start3A_106 = arith.constant 0 : i32
      %dma_start3A_107 = tpu.memref_slice %arg6[%dma_start3A_101, %dma_start3A_106] : memref<2x512xi32, #tpu.memory_space<vmem>> -> memref<1x512xi32, #tpu.memory_space<vmem>>
      %dma_start3A_108 = tpu.memref_squeeze %dma_start3A_107 : memref<1x512xi32, #tpu.memory_space<vmem>> -> memref<512xi32, #tpu.memory_space<vmem>>
      %dma_start3A_109 = arith.constant 0 : i32
      %dma_start3A_110 = arith.constant 0 : i32
      %dma_start3A_111 = tpu.memref_slice %arg8[%dma_start3A_109, %dma_start3A_110] : memref<100352x16xf32, #tpu.memory_space<vmem_shared>> -> memref<100352x16xf32, #tpu.memory_space<vmem_shared>>
      tpu.enqueue_indirect_dma source(%dma_start3A_105 : memref<512x16xf32, #tpu.memory_space<vmem>>) target(%dma_start3A_111 : memref<100352x16xf32, #tpu.memory_space<vmem_shared>>) offsets(%dma_start3A_108 : memref<512xi32, #tpu.memory_space<vmem>>) semaphore(%arg10 : memref<!tpu.dma_semaphore, #tpu.memory_space<semaphore_mem>>) {add = true}
      %dma_wait3A_112 = arith.constant 1 : i32
      %dma_wait3A_113 = arith.constant 1 : i32
      %dma_wait3A_114 = arith.constant 0 : i32
      %dma_wait3A_115 = arith.constant 0 : i32
      %dma_wait3A_116 = tpu.memref_slice %arg7[%dma_wait3A_113, %dma_wait3A_114, %dma_wait3A_115] : memref<3x512x16xf32, #tpu.memory_space<vmem>> -> memref<1x512x16xf32, #tpu.memory_space<vmem>>
      %dma_wait3A_117 = tpu.memref_squeeze %dma_wait3A_116 : memref<1x512x16xf32, #tpu.memory_space<vmem>> -> memref<512x16xf32, #tpu.memory_space<vmem>>
      %dma_wait3A_118 = arith.constant 0 : i32
      %dma_wait3A_119 = tpu.memref_slice %arg5[%dma_wait3A_112, %dma_wait3A_118] : memref<2x512xi32, #tpu.memory_space<vmem>> -> memref<1x512xi32, #tpu.memory_space<vmem>>
      %dma_wait3A_120 = tpu.memref_squeeze %dma_wait3A_119 : memref<1x512xi32, #tpu.memory_space<vmem>> -> memref<512xi32, #tpu.memory_space<vmem>>
      %dma_wait3A_121 = arith.constant 0 : i32
      %dma_wait3A_122 = arith.constant 0 : i32
      %dma_wait3A_123 = tpu.memref_slice %arg2[%dma_wait3A_121, %dma_wait3A_122] : memref<100352x16xf32, #tpu.memory_space<hbm>> -> memref<100352x16xf32, #tpu.memory_space<hbm>>
      tpu.wait_indirect_dma semaphore(%arg9 : memref<!tpu.dma_semaphore, #tpu.memory_space<semaphore_mem>>) src(%dma_wait3A_123 : memref<100352x16xf32, #tpu.memory_space<hbm>>) dst(%dma_wait3A_117 : memref<512x16xf32, #tpu.memory_space<vmem>>)
      %dma_start3A_124 = arith.constant 1 : i32
      %dma_start3A_125 = arith.constant 1 : i32
      %dma_start3A_126 = arith.constant 0 : i32
      %dma_start3A_127 = arith.constant 0 : i32
      %dma_start3A_128 = tpu.memref_slice %arg7[%dma_start3A_124, %dma_start3A_126, %dma_start3A_127] : memref<3x512x16xf32, #tpu.memory_space<vmem>> -> memref<1x512x16xf32, #tpu.memory_space<vmem>>
      %dma_start3A_129 = tpu.memref_squeeze %dma_start3A_128 : memref<1x512x16xf32, #tpu.memory_space<vmem>> -> memref<512x16xf32, #tpu.memory_space<vmem>>
      %dma_start3A_130 = arith.constant 0 : i32
      %dma_start3A_131 = tpu.memref_slice %arg6[%dma_start3A_125, %dma_start3A_130] : memref<2x512xi32, #tpu.memory_space<vmem>> -> memref<1x512xi32, #tpu.memory_space<vmem>>
      %dma_start3A_132 = tpu.memref_squeeze %dma_start3A_131 : memref<1x512xi32, #tpu.memory_space<vmem>> -> memref<512xi32, #tpu.memory_space<vmem>>
      %dma_start3A_133 = arith.constant 0 : i32
      %dma_start3A_134 = arith.constant 0 : i32
      %dma_start3A_135 = tpu.memref_slice %arg8[%dma_start3A_133, %dma_start3A_134] : memref<100352x16xf32, #tpu.memory_space<vmem_shared>> -> memref<100352x16xf32, #tpu.memory_space<vmem_shared>>
      tpu.enqueue_indirect_dma source(%dma_start3A_129 : memref<512x16xf32, #tpu.memory_space<vmem>>) target(%dma_start3A_135 : memref<100352x16xf32, #tpu.memory_space<vmem_shared>>) offsets(%dma_start3A_132 : memref<512xi32, #tpu.memory_space<vmem>>) semaphore(%arg10 : memref<!tpu.dma_semaphore, #tpu.memory_space<semaphore_mem>>) {add = true}
      %dma_wait3A_136 = arith.constant 0 : i32
      %dma_wait3A_137 = arith.constant 0 : i32
      %dma_wait3A_138 = arith.constant 0 : i32
      %dma_wait3A_139 = arith.constant 0 : i32
      %dma_wait3A_140 = tpu.memref_slice %arg7[%dma_wait3A_136, %dma_wait3A_138, %dma_wait3A_139] : memref<3x512x16xf32, #tpu.memory_space<vmem>> -> memref<1x512x16xf32, #tpu.memory_space<vmem>>
      %dma_wait3A_141 = tpu.memref_squeeze %dma_wait3A_140 : memref<1x512x16xf32, #tpu.memory_space<vmem>> -> memref<512x16xf32, #tpu.memory_space<vmem>>
      %dma_wait3A_142 = arith.constant 0 : i32
      %dma_wait3A_143 = tpu.memref_slice %arg6[%dma_wait3A_137, %dma_wait3A_142] : memref<2x512xi32, #tpu.memory_space<vmem>> -> memref<1x512xi32, #tpu.memory_space<vmem>>
      %dma_wait3A_144 = tpu.memref_squeeze %dma_wait3A_143 : memref<1x512xi32, #tpu.memory_space<vmem>> -> memref<512xi32, #tpu.memory_space<vmem>>
      %dma_wait3A_145 = arith.constant 0 : i32
      %dma_wait3A_146 = arith.constant 0 : i32
      %dma_wait3A_147 = tpu.memref_slice %arg8[%dma_wait3A_145, %dma_wait3A_146] : memref<100352x16xf32, #tpu.memory_space<vmem_shared>> -> memref<100352x16xf32, #tpu.memory_space<vmem_shared>>
      tpu.wait_indirect_dma semaphore(%arg10 : memref<!tpu.dma_semaphore, #tpu.memory_space<semaphore_mem>>) src(%dma_wait3A_141 : memref<512x16xf32, #tpu.memory_space<vmem>>) dst(%dma_wait3A_147 : memref<100352x16xf32, #tpu.memory_space<vmem_shared>>)
      %dma_wait3A_148 = arith.constant 1 : i32
      %dma_wait3A_149 = arith.constant 1 : i32
      %dma_wait3A_150 = arith.constant 0 : i32
      %dma_wait3A_151 = arith.constant 0 : i32
      %dma_wait3A_152 = tpu.memref_slice %arg7[%dma_wait3A_148, %dma_wait3A_150, %dma_wait3A_151] : memref<3x512x16xf32, #tpu.memory_space<vmem>> -> memref<1x512x16xf32, #tpu.memory_space<vmem>>
      %dma_wait3A_153 = tpu.memref_squeeze %dma_wait3A_152 : memref<1x512x16xf32, #tpu.memory_space<vmem>> -> memref<512x16xf32, #tpu.memory_space<vmem>>
      %dma_wait3A_154 = arith.constant 0 : i32
      %dma_wait3A_155 = tpu.memref_slice %arg6[%dma_wait3A_149, %dma_wait3A_154] : memref<2x512xi32, #tpu.memory_space<vmem>> -> memref<1x512xi32, #tpu.memory_space<vmem>>
      %dma_wait3A_156 = tpu.memref_squeeze %dma_wait3A_155 : memref<1x512xi32, #tpu.memory_space<vmem>> -> memref<512xi32, #tpu.memory_space<vmem>>
      %dma_wait3A_157 = arith.constant 0 : i32
      %dma_wait3A_158 = arith.constant 0 : i32
      %dma_wait3A_159 = tpu.memref_slice %arg8[%dma_wait3A_157, %dma_wait3A_158] : memref<100352x16xf32, #tpu.memory_space<vmem_shared>> -> memref<100352x16xf32, #tpu.memory_space<vmem_shared>>
      tpu.wait_indirect_dma semaphore(%arg10 : memref<!tpu.dma_semaphore, #tpu.memory_space<semaphore_mem>>) src(%dma_wait3A_153 : memref<512x16xf32, #tpu.memory_space<vmem>>) dst(%dma_wait3A_159 : memref<100352x16xf32, #tpu.memory_space<vmem_shared>>)
    }
    %scan3A_8 = arith.constant 49 : i32
    %barrier3A_9 = arith.constant 0 : index
    tpu.barrier barrier_id(%barrier3A_9)
    "tpu.region"() ({
      %run_scoped3A = tpu.sem_alloc : memref<!tpu.dma_semaphore, #tpu.memory_space<semaphore_mem>>
      %dma_start3A = arith.constant 0 : i32
      %dma_start3A_10 = arith.constant 0 : i32
      %dma_start3A_11 = tpu.memref_slice %arg4[%arg0, %dma_start3A, %dma_start3A_10] : memref<2x100352x16xf32, #tpu.memory_space<hbm>> -> memref<1x100352x16xf32, #tpu.memory_space<hbm>>
      %dma_start3A_12 = tpu.memref_squeeze %dma_start3A_11 : memref<1x100352x16xf32, #tpu.memory_space<hbm>> -> memref<100352x16xf32, #tpu.memory_space<hbm>>
      %dma_start3A_13 = arith.constant 0 : i32
      %dma_start3A_14 = tpu.memref_slice %dma_start3A_12[%mul3A_0, %dma_start3A_13] : memref<100352x16xf32, #tpu.memory_space<hbm>> -> memref<6272x16xf32, #tpu.memory_space<hbm>>
      %dma_start3A_15 = arith.constant 0 : i32
      %dma_start3A_16 = tpu.memref_slice %arg8[%mul3A_0, %dma_start3A_15] : memref<100352x16xf32, #tpu.memory_space<vmem_shared>> -> memref<6272x16xf32, #tpu.memory_space<vmem_shared>>
      tpu.enqueue_dma source(%dma_start3A_16 : memref<6272x16xf32, #tpu.memory_space<vmem_shared>>) target(%dma_start3A_14 : memref<6272x16xf32, #tpu.memory_space<hbm>>) target_semaphore(%run_scoped3A : memref<!tpu.dma_semaphore, #tpu.memory_space<semaphore_mem>>)
      %dma_wait3A = arith.constant 0 : i32
      %dma_wait3A_17 = arith.constant 0 : i32
      %dma_wait3A_18 = tpu.memref_slice %arg4[%arg0, %dma_wait3A, %dma_wait3A_17] : memref<2x100352x16xf32, #tpu.memory_space<hbm>> -> memref<1x100352x16xf32, #tpu.memory_space<hbm>>
      %dma_wait3A_19 = tpu.memref_squeeze %dma_wait3A_18 : memref<1x100352x16xf32, #tpu.memory_space<hbm>> -> memref<100352x16xf32, #tpu.memory_space<hbm>>
      %dma_wait3A_20 = arith.constant 0 : i32
      %dma_wait3A_21 = tpu.memref_slice %dma_wait3A_19[%mul3A_0, %dma_wait3A_20] : memref<100352x16xf32, #tpu.memory_space<hbm>> -> memref<6272x16xf32, #tpu.memory_space<hbm>>
      %dma_wait3A_22 = arith.constant 0 : i32
      %dma_wait3A_23 = tpu.memref_slice %arg8[%mul3A_0, %dma_wait3A_22] : memref<100352x16xf32, #tpu.memory_space<vmem_shared>> -> memref<6272x16xf32, #tpu.memory_space<vmem_shared>>
      tpu.wait_dma2 semaphore(%run_scoped3A : memref<!tpu.dma_semaphore, #tpu.memory_space<semaphore_mem>>) src(%dma_wait3A_23 : memref<6272x16xf32, #tpu.memory_space<vmem_shared>>) dst(%dma_wait3A_21 : memref<6272x16xf32, #tpu.memory_space<hbm>>)
      tpu.yield
    }) : () -> ()
    return
  }
}

#map = affine_map<(d0, d1) -> (0, 0, 0)>
#map1 = affine_map<(d0, d1) -> (0)>
module attributes {stable_mosaic.version = 14 : i64} {
  func.func @_deg_body(%arg0: i32, %arg1: i32, %arg2: memref<2x3136x512xi32, #tpu.memory_space<hbm>>, %arg3: memref<131072xf32, #tpu.memory_space<hbm>>, %arg4: memref<131072xf32, #tpu.memory_space<hbm>>, %arg5: memref<2x512xi32, #tpu.memory_space<vmem>>, %arg6: memref<512xf32, #tpu.memory_space<vmem>>, %arg7: memref<8192xf32, #tpu.memory_space<vmem>>, %arg8: memref<131072xf32, #tpu.memory_space<vmem_shared>>, %arg9: memref<!tpu.dma_semaphore, #tpu.memory_space<semaphore_mem>>) attributes {dimension_semantics = [#tpu.dimension_semantics<core_parallel>, #tpu.dimension_semantics<subcore_parallel>], iteration_bounds = array<i64: 2, 16>, scalar_prefetch = 0 : i64, scratch_operands = 5 : i64, tpu.core_type = #tpu.core_type<sc_vector_subcore>, window_params = [{transform_indices = #map}, {transform_indices = #map1}, {transform_indices = #map1}]} {
    %scan3A = arith.constant 0 : i32
    %scan3A_0 = arith.constant 512 : i32
    %scan3A_1 = arith.addi %scan3A, %scan3A_0 : i32
    %scan3A_2 = arith.constant 1 : i32
    scf.for %scan3A_29 = %scan3A to %scan3A_1 step %scan3A_2  : i32 {
      %broadcast_in_dim3A = arith.constant 0.000000e+00 : f32
      %broadcast_in_dim3A_30 = vector.broadcast %broadcast_in_dim3A : f32 to vector<16xf32>
      %mul3A_31 = arith.constant 16 : i32
      %mul3A_32 = arith.muli %scan3A_29, %mul3A_31 : i32
      %swap3A = arith.index_cast %mul3A_32 : i32 to index
      %swap3A_33 = tpu.vector_load %arg7[%swap3A] {strides = array<i32>} : memref<8192xf32, #tpu.memory_space<vmem>>, vector<16xf32>,
      %swap3A_34 = vector.shape_cast %swap3A_33 : vector<16xf32> to vector<16xf32>
      %swap3A_35 = vector.shape_cast %broadcast_in_dim3A_30 : vector<16xf32> to vector<16xf32>
      tpu.vector_store %arg7[%swap3A], %swap3A_35 {strides = array<i32>} : memref<8192xf32, #tpu.memory_space<vmem>>, vector<16xf32>,
    }
    %scan3A_3 = arith.constant 512 : i32
    %scan3A_4 = arith.constant 0 : i32
    %scan3A_5 = arith.constant 32 : i32
    %scan3A_6 = arith.addi %scan3A_4, %scan3A_5 : i32
    %scan3A_7 = arith.constant 1 : i32
    scf.for %scan3A_29 = %scan3A_4 to %scan3A_6 step %scan3A_7  : i32 {
      %broadcast_in_dim3A = arith.constant 1.000000e+00 : f32
      %broadcast_in_dim3A_30 = vector.broadcast %broadcast_in_dim3A : f32 to vector<16xf32>
      %mul3A_31 = arith.constant 16 : i32
      %mul3A_32 = arith.muli %scan3A_29, %mul3A_31 : i32
      %swap3A = arith.index_cast %mul3A_32 : i32 to index
      %swap3A_33 = tpu.vector_load %arg6[%swap3A] {strides = array<i32>} : memref<512xf32, #tpu.memory_space<vmem>>, vector<16xf32>,
      %swap3A_34 = vector.shape_cast %swap3A_33 : vector<16xf32> to vector<16xf32>
      %swap3A_35 = vector.shape_cast %broadcast_in_dim3A_30 : vector<16xf32> to vector<16xf32>
      tpu.vector_store %arg6[%swap3A], %swap3A_35 {strides = array<i32>} : memref<512xf32, #tpu.memory_space<vmem>>, vector<16xf32>,
    }
    %scan3A_8 = arith.constant 32 : i32
    %mul3A = arith.constant 8192 : i32
    %mul3A_9 = arith.muli %arg1, %mul3A : i32
    "tpu.region"() ({
      %run_scoped3A = tpu.sem_alloc : memref<!tpu.dma_semaphore, #tpu.memory_space<semaphore_mem>>
      %dma_start3A = tpu.memref_slice %arg8[%mul3A_9] : memref<131072xf32, #tpu.memory_space<vmem_shared>> -> memref<8192xf32, #tpu.memory_space<vmem_shared>>
      %dma_start3A_29 = tpu.memref_slice %arg8[%mul3A_9] : memref<131072xf32, #tpu.memory_space<vmem_shared>> -> memref<8192xf32, #tpu.memory_space<vmem_shared>>
      tpu.enqueue_dma source(%arg7 : memref<8192xf32, #tpu.memory_space<vmem>>) target(%dma_start3A_29 : memref<8192xf32, #tpu.memory_space<vmem_shared>>) target_semaphore(%run_scoped3A : memref<!tpu.dma_semaphore, #tpu.memory_space<semaphore_mem>>)
      %dma_wait3A = tpu.memref_slice %arg8[%mul3A_9] : memref<131072xf32, #tpu.memory_space<vmem_shared>> -> memref<8192xf32, #tpu.memory_space<vmem_shared>>
      %dma_wait3A_30 = tpu.memref_slice %arg8[%mul3A_9] : memref<131072xf32, #tpu.memory_space<vmem_shared>> -> memref<8192xf32, #tpu.memory_space<vmem_shared>>
      tpu.wait_dma2 semaphore(%run_scoped3A : memref<!tpu.dma_semaphore, #tpu.memory_space<semaphore_mem>>) src(%arg7 : memref<8192xf32, #tpu.memory_space<vmem>>) dst(%dma_wait3A_30 : memref<8192xf32, #tpu.memory_space<vmem_shared>>)
      tpu.yield
    }) : () -> ()
    %barrier3A = arith.constant 0 : index
    tpu.barrier barrier_id(%barrier3A)
    %mul3A_10 = arith.constant 1568 : i32
    %mul3A_11 = arith.muli %arg0, %mul3A_10 : i32
    %mul3A_12 = arith.constant 98 : i32
    %mul3A_13 = arith.muli %arg1, %mul3A_12 : i32
    %add3A = arith.addi %mul3A_11, %mul3A_13 : i32
    %scan3A_14 = arith.constant 0 : i32
    %scan3A_15 = arith.constant 49 : i32
    %scan3A_16 = arith.addi %scan3A_14, %scan3A_15 : i32
    %scan3A_17 = arith.constant 1 : i32
    scf.for %scan3A_29 = %scan3A_14 to %scan3A_16 step %scan3A_17  : i32 {
      %mul3A_30 = arith.constant 2 : i32
      %mul3A_31 = arith.muli %scan3A_29, %mul3A_30 : i32
      %add3A_32 = arith.addi %add3A, %mul3A_31 : i32
      %run_scoped3A = arith.constant 1 : i32
      "tpu.region"() ({
        %run_scoped3A_55 = tpu.sem_alloc : memref<!tpu.dma_semaphore, #tpu.memory_space<semaphore_mem>>
        %dma_start3A_56 = arith.constant 0 : i32
        %dma_start3A_57 = arith.constant 0 : i32
        %dma_start3A_58 = tpu.memref_slice %arg2[%run_scoped3A, %dma_start3A_56, %dma_start3A_57] : memref<2x3136x512xi32, #tpu.memory_space<hbm>> -> memref<1x3136x512xi32, #tpu.memory_space<hbm>>
        %dma_start3A_59 = tpu.memref_squeeze %dma_start3A_58 : memref<1x3136x512xi32, #tpu.memory_space<hbm>> -> memref<3136x512xi32, #tpu.memory_space<hbm>>
        %dma_start3A_60 = arith.constant 0 : i32
        %dma_start3A_61 = tpu.memref_slice %dma_start3A_59[%add3A_32, %dma_start3A_60] : memref<3136x512xi32, #tpu.memory_space<hbm>> -> memref<2x512xi32, #tpu.memory_space<hbm>>
        %dma_start3A_62 = arith.constant 0 : i32
        %dma_start3A_63 = arith.constant 0 : i32
        %dma_start3A_64 = tpu.memref_slice %arg2[%run_scoped3A, %dma_start3A_62, %dma_start3A_63] : memref<2x3136x512xi32, #tpu.memory_space<hbm>> -> memref<1x3136x512xi32, #tpu.memory_space<hbm>>
        %dma_start3A_65 = tpu.memref_squeeze %dma_start3A_64 : memref<1x3136x512xi32, #tpu.memory_space<hbm>> -> memref<3136x512xi32, #tpu.memory_space<hbm>>
        %dma_start3A_66 = arith.constant 0 : i32
        %dma_start3A_67 = tpu.memref_slice %dma_start3A_65[%add3A_32, %dma_start3A_66] : memref<3136x512xi32, #tpu.memory_space<hbm>> -> memref<2x512xi32, #tpu.memory_space<hbm>>
        tpu.enqueue_dma source(%dma_start3A_67 : memref<2x512xi32, #tpu.memory_space<hbm>>) target(%arg5 : memref<2x512xi32, #tpu.memory_space<vmem>>) target_semaphore(%run_scoped3A_55 : memref<!tpu.dma_semaphore, #tpu.memory_space<semaphore_mem>>)
        %dma_wait3A_68 = arith.constant 0 : i32
        %dma_wait3A_69 = arith.constant 0 : i32
        %dma_wait3A_70 = tpu.memref_slice %arg2[%run_scoped3A, %dma_wait3A_68, %dma_wait3A_69] : memref<2x3136x512xi32, #tpu.memory_space<hbm>> -> memref<1x3136x512xi32, #tpu.memory_space<hbm>>
        %dma_wait3A_71 = tpu.memref_squeeze %dma_wait3A_70 : memref<1x3136x512xi32, #tpu.memory_space<hbm>> -> memref<3136x512xi32, #tpu.memory_space<hbm>>
        %dma_wait3A_72 = arith.constant 0 : i32
        %dma_wait3A_73 = tpu.memref_slice %dma_wait3A_71[%add3A_32, %dma_wait3A_72] : memref<3136x512xi32, #tpu.memory_space<hbm>> -> memref<2x512xi32, #tpu.memory_space<hbm>>
        %dma_wait3A_74 = arith.constant 0 : i32
        %dma_wait3A_75 = arith.constant 0 : i32
        %dma_wait3A_76 = tpu.memref_slice %arg2[%run_scoped3A, %dma_wait3A_74, %dma_wait3A_75] : memref<2x3136x512xi32, #tpu.memory_space<hbm>> -> memref<1x3136x512xi32, #tpu.memory_space<hbm>>
        %dma_wait3A_77 = tpu.memref_squeeze %dma_wait3A_76 : memref<1x3136x512xi32, #tpu.memory_space<hbm>> -> memref<3136x512xi32, #tpu.memory_space<hbm>>
        %dma_wait3A_78 = arith.constant 0 : i32
        %dma_wait3A_79 = tpu.memref_slice %dma_wait3A_77[%add3A_32, %dma_wait3A_78] : memref<3136x512xi32, #tpu.memory_space<hbm>> -> memref<2x512xi32, #tpu.memory_space<hbm>>
        tpu.wait_dma2 semaphore(%run_scoped3A_55 : memref<!tpu.dma_semaphore, #tpu.memory_space<semaphore_mem>>) src(%dma_wait3A_79 : memref<2x512xi32, #tpu.memory_space<hbm>>) dst(%arg5 : memref<2x512xi32, #tpu.memory_space<vmem>>)
        tpu.yield
      }) : () -> ()
      %dma_start3A = arith.constant 0 : i32
      %dma_start3A_33 = arith.constant 0 : i32
      %dma_start3A_34 = tpu.memref_slice %arg5[%dma_start3A, %dma_start3A_33] : memref<2x512xi32, #tpu.memory_space<vmem>> -> memref<1x512xi32, #tpu.memory_space<vmem>>
      %dma_start3A_35 = tpu.memref_squeeze %dma_start3A_34 : memref<1x512xi32, #tpu.memory_space<vmem>> -> memref<512xi32, #tpu.memory_space<vmem>>
      %dma_start3A_36 = arith.constant 0 : i32
      %dma_start3A_37 = tpu.memref_slice %arg8[%dma_start3A_36] : memref<131072xf32, #tpu.memory_space<vmem_shared>> -> memref<131072xf32, #tpu.memory_space<vmem_shared>>
      tpu.enqueue_indirect_dma source(%arg6 : memref<512xf32, #tpu.memory_space<vmem>>) target(%dma_start3A_37 : memref<131072xf32, #tpu.memory_space<vmem_shared>>) offsets(%dma_start3A_35 : memref<512xi32, #tpu.memory_space<vmem>>) semaphore(%arg9 : memref<!tpu.dma_semaphore, #tpu.memory_space<semaphore_mem>>) {add = true}
      %dma_start3A_38 = arith.constant 1 : i32
      %dma_start3A_39 = arith.constant 0 : i32
      %dma_start3A_40 = tpu.memref_slice %arg5[%dma_start3A_38, %dma_start3A_39] : memref<2x512xi32, #tpu.memory_space<vmem>> -> memref<1x512xi32, #tpu.memory_space<vmem>>
      %dma_start3A_41 = tpu.memref_squeeze %dma_start3A_40 : memref<1x512xi32, #tpu.memory_space<vmem>> -> memref<512xi32, #tpu.memory_space<vmem>>
      %dma_start3A_42 = arith.constant 0 : i32
      %dma_start3A_43 = tpu.memref_slice %arg8[%dma_start3A_42] : memref<131072xf32, #tpu.memory_space<vmem_shared>> -> memref<131072xf32, #tpu.memory_space<vmem_shared>>
      tpu.enqueue_indirect_dma source(%arg6 : memref<512xf32, #tpu.memory_space<vmem>>) target(%dma_start3A_43 : memref<131072xf32, #tpu.memory_space<vmem_shared>>) offsets(%dma_start3A_41 : memref<512xi32, #tpu.memory_space<vmem>>) semaphore(%arg9 : memref<!tpu.dma_semaphore, #tpu.memory_space<semaphore_mem>>) {add = true}
      %dma_wait3A = arith.constant 0 : i32
      %dma_wait3A_44 = arith.constant 0 : i32
      %dma_wait3A_45 = tpu.memref_slice %arg5[%dma_wait3A, %dma_wait3A_44] : memref<2x512xi32, #tpu.memory_space<vmem>> -> memref<1x512xi32, #tpu.memory_space<vmem>>
      %dma_wait3A_46 = tpu.memref_squeeze %dma_wait3A_45 : memref<1x512xi32, #tpu.memory_space<vmem>> -> memref<512xi32, #tpu.memory_space<vmem>>
      %dma_wait3A_47 = arith.constant 0 : i32
      %dma_wait3A_48 = tpu.memref_slice %arg8[%dma_wait3A_47] : memref<131072xf32, #tpu.memory_space<vmem_shared>> -> memref<131072xf32, #tpu.memory_space<vmem_shared>>
      tpu.wait_indirect_dma semaphore(%arg9 : memref<!tpu.dma_semaphore, #tpu.memory_space<semaphore_mem>>) src(%arg6 : memref<512xf32, #tpu.memory_space<vmem>>) dst(%dma_wait3A_48 : memref<131072xf32, #tpu.memory_space<vmem_shared>>)
      %dma_wait3A_49 = arith.constant 1 : i32
      %dma_wait3A_50 = arith.constant 0 : i32
      %dma_wait3A_51 = tpu.memref_slice %arg5[%dma_wait3A_49, %dma_wait3A_50] : memref<2x512xi32, #tpu.memory_space<vmem>> -> memref<1x512xi32, #tpu.memory_space<vmem>>
      %dma_wait3A_52 = tpu.memref_squeeze %dma_wait3A_51 : memref<1x512xi32, #tpu.memory_space<vmem>> -> memref<512xi32, #tpu.memory_space<vmem>>
      %dma_wait3A_53 = arith.constant 0 : i32
      %dma_wait3A_54 = tpu.memref_slice %arg8[%dma_wait3A_53] : memref<131072xf32, #tpu.memory_space<vmem_shared>> -> memref<131072xf32, #tpu.memory_space<vmem_shared>>
      tpu.wait_indirect_dma semaphore(%arg9 : memref<!tpu.dma_semaphore, #tpu.memory_space<semaphore_mem>>) src(%arg6 : memref<512xf32, #tpu.memory_space<vmem>>) dst(%dma_wait3A_54 : memref<131072xf32, #tpu.memory_space<vmem_shared>>)
    }
    %scan3A_18 = arith.constant 49 : i32
    %barrier3A_19 = arith.constant 0 : index
    tpu.barrier barrier_id(%barrier3A_19)
    %mul3A_20 = arith.constant 8192 : i32
    %mul3A_21 = arith.muli %arg1, %mul3A_20 : i32
    "tpu.region"() ({
      %run_scoped3A = tpu.sem_alloc : memref<!tpu.dma_semaphore, #tpu.memory_space<semaphore_mem>>
      %dma_start3A = tpu.memref_slice %arg8[%mul3A_21] : memref<131072xf32, #tpu.memory_space<vmem_shared>> -> memref<8192xf32, #tpu.memory_space<vmem_shared>>
      %dma_start3A_29 = tpu.memref_slice %arg8[%mul3A_21] : memref<131072xf32, #tpu.memory_space<vmem_shared>> -> memref<8192xf32, #tpu.memory_space<vmem_shared>>
      tpu.enqueue_dma source(%dma_start3A_29 : memref<8192xf32, #tpu.memory_space<vmem_shared>>) target(%arg7 : memref<8192xf32, #tpu.memory_space<vmem>>) target_semaphore(%run_scoped3A : memref<!tpu.dma_semaphore, #tpu.memory_space<semaphore_mem>>)
      %dma_wait3A = tpu.memref_slice %arg8[%mul3A_21] : memref<131072xf32, #tpu.memory_space<vmem_shared>> -> memref<8192xf32, #tpu.memory_space<vmem_shared>>
      %dma_wait3A_30 = tpu.memref_slice %arg8[%mul3A_21] : memref<131072xf32, #tpu.memory_space<vmem_shared>> -> memref<8192xf32, #tpu.memory_space<vmem_shared>>
      tpu.wait_dma2 semaphore(%run_scoped3A : memref<!tpu.dma_semaphore, #tpu.memory_space<semaphore_mem>>) src(%dma_wait3A_30 : memref<8192xf32, #tpu.memory_space<vmem_shared>>) dst(%arg7 : memref<8192xf32, #tpu.memory_space<vmem>>)
      tpu.yield
    }) : () -> ()
    %eq3A = arith.constant 0 : i32
    %eq3A_22 = arith.cmpi eq, %arg0, %eq3A : i32
    %convert_element_type3A = arith.extui %eq3A_22 : i1 to i32
    %cond3A = arith.constant 0 : i32
    %cond3A_23 = arith.cmpi ne, %convert_element_type3A, %cond3A : i32
    scf.if %cond3A_23 {
      %mul3A_29 = arith.constant 8192 : i32
      %mul3A_30 = arith.muli %arg1, %mul3A_29 : i32
      "tpu.region"() ({
        %run_scoped3A = tpu.sem_alloc : memref<!tpu.dma_semaphore, #tpu.memory_space<semaphore_mem>>
        %dma_start3A = tpu.memref_slice %arg3[%mul3A_30] : memref<131072xf32, #tpu.memory_space<hbm>> -> memref<8192xf32, #tpu.memory_space<hbm>>
        %dma_start3A_31 = tpu.memref_slice %arg3[%mul3A_30] : memref<131072xf32, #tpu.memory_space<hbm>> -> memref<8192xf32, #tpu.memory_space<hbm>>
        tpu.enqueue_dma source(%arg7 : memref<8192xf32, #tpu.memory_space<vmem>>) target(%dma_start3A_31 : memref<8192xf32, #tpu.memory_space<hbm>>) target_semaphore(%run_scoped3A : memref<!tpu.dma_semaphore, #tpu.memory_space<semaphore_mem>>)
        %dma_wait3A = tpu.memref_slice %arg3[%mul3A_30] : memref<131072xf32, #tpu.memory_space<hbm>> -> memref<8192xf32, #tpu.memory_space<hbm>>
        %dma_wait3A_32 = tpu.memref_slice %arg3[%mul3A_30] : memref<131072xf32, #tpu.memory_space<hbm>> -> memref<8192xf32, #tpu.memory_space<hbm>>
        tpu.wait_dma2 semaphore(%run_scoped3A : memref<!tpu.dma_semaphore, #tpu.memory_space<semaphore_mem>>) src(%arg7 : memref<8192xf32, #tpu.memory_space<vmem>>) dst(%dma_wait3A_32 : memref<8192xf32, #tpu.memory_space<hbm>>)
        tpu.yield
      }) : () -> ()
    } else {
    }
    %eq3A_24 = arith.constant 1 : i32
    %eq3A_25 = arith.cmpi eq, %arg0, %eq3A_24 : i32
    %convert_element_type3A_26 = arith.extui %eq3A_25 : i1 to i32
    %cond3A_27 = arith.constant 0 : i32
    %cond3A_28 = arith.cmpi ne, %convert_element_type3A_26, %cond3A_27 : i32
    scf.if %cond3A_28 {
      %mul3A_29 = arith.constant 8192 : i32
      %mul3A_30 = arith.muli %arg1, %mul3A_29 : i32
      "tpu.region"() ({
        %run_scoped3A = tpu.sem_alloc : memref<!tpu.dma_semaphore, #tpu.memory_space<semaphore_mem>>
        %dma_start3A = tpu.memref_slice %arg4[%mul3A_30] : memref<131072xf32, #tpu.memory_space<hbm>> -> memref<8192xf32, #tpu.memory_space<hbm>>
        %dma_start3A_31 = tpu.memref_slice %arg4[%mul3A_30] : memref<131072xf32, #tpu.memory_space<hbm>> -> memref<8192xf32, #tpu.memory_space<hbm>>
        tpu.enqueue_dma source(%arg7 : memref<8192xf32, #tpu.memory_space<vmem>>) target(%dma_start3A_31 : memref<8192xf32, #tpu.memory_space<hbm>>) target_semaphore(%run_scoped3A : memref<!tpu.dma_semaphore, #tpu.memory_space<semaphore_mem>>)
        %dma_wait3A = tpu.memref_slice %arg4[%mul3A_30] : memref<131072xf32, #tpu.memory_space<hbm>> -> memref<8192xf32, #tpu.memory_space<hbm>>
        %dma_wait3A_32 = tpu.memref_slice %arg4[%mul3A_30] : memref<131072xf32, #tpu.memory_space<hbm>> -> memref<8192xf32, #tpu.memory_space<hbm>>
        tpu.wait_dma2 semaphore(%run_scoped3A : memref<!tpu.dma_semaphore, #tpu.memory_space<semaphore_mem>>) src(%arg7 : memref<8192xf32, #tpu.memory_space<vmem>>) dst(%dma_wait3A_32 : memref<8192xf32, #tpu.memory_space<hbm>>)
        tpu.yield
      }) : () -> ()
    } else {
    }
    return
  }
}

#map = affine_map<(d0, d1) -> (0, 0, 0)>
module attributes {stable_mosaic.version = 14 : i64} {
  func.func @_prop23_body(%arg0: i32, %arg1: i32, %arg2: memref<4x100352x16xf32, #tpu.memory_space<hbm>>, %arg3: memref<2x3136x512xi32, #tpu.memory_space<hbm>>, %arg4: memref<4x100352x16xf32, #tpu.memory_space<hbm>>, %arg5: memref<4x512xi32, #tpu.memory_space<vmem>>, %arg6: memref<4x512xi32, #tpu.memory_space<vmem>>, %arg7: memref<3x512x16xf32, #tpu.memory_space<vmem>>, %arg8: memref<100352x16xf32, #tpu.memory_space<vmem_shared>>, %arg9: memref<!tpu.dma_semaphore, #tpu.memory_space<semaphore_mem>>, %arg10: memref<!tpu.dma_semaphore, #tpu.memory_space<semaphore_mem>>) attributes {dimension_semantics = [#tpu.dimension_semantics<core_parallel>, #tpu.dimension_semantics<subcore_parallel>], iteration_bounds = array<i64: 2, 16>, scalar_prefetch = 0 : i64, scratch_operands = 6 : i64, tpu.core_type = #tpu.core_type<sc_vector_subcore>, window_params = [{transform_indices = #map}, {transform_indices = #map}, {transform_indices = #map}]} {
    %mul3A = arith.constant 6272 : i32
    %mul3A_0 = arith.muli %arg1, %mul3A : i32
    %mul3A_1 = arith.constant 2 : i32
    %mul3A_2 = arith.muli %arg0, %mul3A_1 : i32
    %add3A = arith.constant 0 : i32
    %add3A_3 = arith.addi %mul3A_2, %add3A : i32
    "tpu.region"() ({
      %run_scoped3A = tpu.sem_alloc : memref<!tpu.dma_semaphore, #tpu.memory_space<semaphore_mem>>
      %dma_start3A = arith.constant 0 : i32
      %dma_start3A_25 = tpu.memref_slice %arg8[%mul3A_0, %dma_start3A] : memref<100352x16xf32, #tpu.memory_space<vmem_shared>> -> memref<6272x16xf32, #tpu.memory_space<vmem_shared>>
      %dma_start3A_26 = arith.constant 0 : i32
      %dma_start3A_27 = arith.constant 0 : i32
      %dma_start3A_28 = tpu.memref_slice %arg2[%add3A_3, %dma_start3A_26, %dma_start3A_27] : memref<4x100352x16xf32, #tpu.memory_space<hbm>> -> memref<1x100352x16xf32, #tpu.memory_space<hbm>>
      %dma_start3A_29 = tpu.memref_squeeze %dma_start3A_28 : memref<1x100352x16xf32, #tpu.memory_space<hbm>> -> memref<100352x16xf32, #tpu.memory_space<hbm>>
      %dma_start3A_30 = arith.constant 0 : i32
      %dma_start3A_31 = tpu.memref_slice %dma_start3A_29[%mul3A_0, %dma_start3A_30] : memref<100352x16xf32, #tpu.memory_space<hbm>> -> memref<6272x16xf32, #tpu.memory_space<hbm>>
      tpu.enqueue_dma source(%dma_start3A_31 : memref<6272x16xf32, #tpu.memory_space<hbm>>) target(%dma_start3A_25 : memref<6272x16xf32, #tpu.memory_space<vmem_shared>>) target_semaphore(%run_scoped3A : memref<!tpu.dma_semaphore, #tpu.memory_space<semaphore_mem>>)
      %dma_wait3A = arith.constant 0 : i32
      %dma_wait3A_32 = tpu.memref_slice %arg8[%mul3A_0, %dma_wait3A] : memref<100352x16xf32, #tpu.memory_space<vmem_shared>> -> memref<6272x16xf32, #tpu.memory_space<vmem_shared>>
      %dma_wait3A_33 = arith.constant 0 : i32
      %dma_wait3A_34 = arith.constant 0 : i32
      %dma_wait3A_35 = tpu.memref_slice %arg2[%add3A_3, %dma_wait3A_33, %dma_wait3A_34] : memref<4x100352x16xf32, #tpu.memory_space<hbm>> -> memref<1x100352x16xf32, #tpu.memory_space<hbm>>
      %dma_wait3A_36 = tpu.memref_squeeze %dma_wait3A_35 : memref<1x100352x16xf32, #tpu.memory_space<hbm>> -> memref<100352x16xf32, #tpu.memory_space<hbm>>
      %dma_wait3A_37 = arith.constant 0 : i32
      %dma_wait3A_38 = tpu.memref_slice %dma_wait3A_36[%mul3A_0, %dma_wait3A_37] : memref<100352x16xf32, #tpu.memory_space<hbm>> -> memref<6272x16xf32, #tpu.memory_space<hbm>>
      tpu.wait_dma2 semaphore(%run_scoped3A : memref<!tpu.dma_semaphore, #tpu.memory_space<semaphore_mem>>) src(%dma_wait3A_38 : memref<6272x16xf32, #tpu.memory_space<hbm>>) dst(%dma_wait3A_32 : memref<6272x16xf32, #tpu.memory_space<vmem_shared>>)
      tpu.yield
    }) : () -> ()
    %barrier3A = arith.constant 0 : index
    tpu.barrier barrier_id(%barrier3A)
    %mul3A_4 = arith.constant 196 : i32
    %mul3A_5 = arith.muli %arg1, %mul3A_4 : i32
    %scan3A = arith.constant 0 : i32
    %scan3A_6 = arith.constant 49 : i32
    %scan3A_7 = arith.addi %scan3A, %scan3A_6 : i32
    %scan3A_8 = arith.constant 1 : i32
    scf.for %scan3A_25 = %scan3A to %scan3A_7 step %scan3A_8  : i32 {
      %mul3A_26 = arith.constant 4 : i32
      %mul3A_27 = arith.muli %scan3A_25, %mul3A_26 : i32
      %add3A_28 = arith.addi %mul3A_5, %mul3A_27 : i32
      %dma_start3A = arith.constant 0 : i32
      %dma_start3A_29 = arith.constant 0 : i32
      %dma_start3A_30 = arith.constant 0 : i32
      %dma_start3A_31 = tpu.memref_slice %arg3[%dma_start3A, %dma_start3A_29, %dma_start3A_30] : memref<2x3136x512xi32, #tpu.memory_space<hbm>> -> memref<1x3136x512xi32, #tpu.memory_space<hbm>>
      %dma_start3A_32 = tpu.memref_squeeze %dma_start3A_31 : memref<1x3136x512xi32, #tpu.memory_space<hbm>> -> memref<3136x512xi32, #tpu.memory_space<hbm>>
      %dma_start3A_33 = arith.constant 0 : i32
      %dma_start3A_34 = tpu.memref_slice %dma_start3A_32[%add3A_28, %dma_start3A_33] : memref<3136x512xi32, #tpu.memory_space<hbm>> -> memref<4x512xi32, #tpu.memory_space<hbm>>
      %dma_start3A_35 = arith.constant 0 : i32
      %dma_start3A_36 = arith.constant 0 : i32
      %dma_start3A_37 = tpu.memref_slice %arg3[%dma_start3A, %dma_start3A_35, %dma_start3A_36] : memref<2x3136x512xi32, #tpu.memory_space<hbm>> -> memref<1x3136x512xi32, #tpu.memory_space<hbm>>
      %dma_start3A_38 = tpu.memref_squeeze %dma_start3A_37 : memref<1x3136x512xi32, #tpu.memory_space<hbm>> -> memref<3136x512xi32, #tpu.memory_space<hbm>>
      %dma_start3A_39 = arith.constant 0 : i32
      %dma_start3A_40 = tpu.memref_slice %dma_start3A_38[%add3A_28, %dma_start3A_39] : memref<3136x512xi32, #tpu.memory_space<hbm>> -> memref<4x512xi32, #tpu.memory_space<hbm>>
      tpu.enqueue_dma source(%dma_start3A_40 : memref<4x512xi32, #tpu.memory_space<hbm>>) target(%arg5 : memref<4x512xi32, #tpu.memory_space<vmem>>) target_semaphore(%arg9 : memref<!tpu.dma_semaphore, #tpu.memory_space<semaphore_mem>>)
      %dma_start3A_41 = arith.constant 1 : i32
      %dma_start3A_42 = arith.constant 0 : i32
      %dma_start3A_43 = arith.constant 0 : i32
      %dma_start3A_44 = tpu.memref_slice %arg3[%dma_start3A_41, %dma_start3A_42, %dma_start3A_43] : memref<2x3136x512xi32, #tpu.memory_space<hbm>> -> memref<1x3136x512xi32, #tpu.memory_space<hbm>>
      %dma_start3A_45 = tpu.memref_squeeze %dma_start3A_44 : memref<1x3136x512xi32, #tpu.memory_space<hbm>> -> memref<3136x512xi32, #tpu.memory_space<hbm>>
      %dma_start3A_46 = arith.constant 0 : i32
      %dma_start3A_47 = tpu.memref_slice %dma_start3A_45[%add3A_28, %dma_start3A_46] : memref<3136x512xi32, #tpu.memory_space<hbm>> -> memref<4x512xi32, #tpu.memory_space<hbm>>
      %dma_start3A_48 = arith.constant 0 : i32
      %dma_start3A_49 = arith.constant 0 : i32
      %dma_start3A_50 = tpu.memref_slice %arg3[%dma_start3A_41, %dma_start3A_48, %dma_start3A_49] : memref<2x3136x512xi32, #tpu.memory_space<hbm>> -> memref<1x3136x512xi32, #tpu.memory_space<hbm>>
      %dma_start3A_51 = tpu.memref_squeeze %dma_start3A_50 : memref<1x3136x512xi32, #tpu.memory_space<hbm>> -> memref<3136x512xi32, #tpu.memory_space<hbm>>
      %dma_start3A_52 = arith.constant 0 : i32
      %dma_start3A_53 = tpu.memref_slice %dma_start3A_51[%add3A_28, %dma_start3A_52] : memref<3136x512xi32, #tpu.memory_space<hbm>> -> memref<4x512xi32, #tpu.memory_space<hbm>>
      tpu.enqueue_dma source(%dma_start3A_53 : memref<4x512xi32, #tpu.memory_space<hbm>>) target(%arg6 : memref<4x512xi32, #tpu.memory_space<vmem>>) target_semaphore(%arg9 : memref<!tpu.dma_semaphore, #tpu.memory_space<semaphore_mem>>)
      %dma_wait3A = arith.constant 0 : i32
      %dma_wait3A_54 = arith.constant 0 : i32
      %dma_wait3A_55 = arith.constant 0 : i32
      %dma_wait3A_56 = tpu.memref_slice %arg3[%dma_wait3A, %dma_wait3A_54, %dma_wait3A_55] : memref<2x3136x512xi32, #tpu.memory_space<hbm>> -> memref<1x3136x512xi32, #tpu.memory_space<hbm>>
      %dma_wait3A_57 = tpu.memref_squeeze %dma_wait3A_56 : memref<1x3136x512xi32, #tpu.memory_space<hbm>> -> memref<3136x512xi32, #tpu.memory_space<hbm>>
      %dma_wait3A_58 = arith.constant 0 : i32
      %dma_wait3A_59 = tpu.memref_slice %dma_wait3A_57[%add3A_28, %dma_wait3A_58] : memref<3136x512xi32, #tpu.memory_space<hbm>> -> memref<4x512xi32, #tpu.memory_space<hbm>>
      %dma_wait3A_60 = arith.constant 0 : i32
      %dma_wait3A_61 = arith.constant 0 : i32
      %dma_wait3A_62 = tpu.memref_slice %arg3[%dma_wait3A, %dma_wait3A_60, %dma_wait3A_61] : memref<2x3136x512xi32, #tpu.memory_space<hbm>> -> memref<1x3136x512xi32, #tpu.memory_space<hbm>>
      %dma_wait3A_63 = tpu.memref_squeeze %dma_wait3A_62 : memref<1x3136x512xi32, #tpu.memory_space<hbm>> -> memref<3136x512xi32, #tpu.memory_space<hbm>>
      %dma_wait3A_64 = arith.constant 0 : i32
      %dma_wait3A_65 = tpu.memref_slice %dma_wait3A_63[%add3A_28, %dma_wait3A_64] : memref<3136x512xi32, #tpu.memory_space<hbm>> -> memref<4x512xi32, #tpu.memory_space<hbm>>
      tpu.wait_dma2 semaphore(%arg9 : memref<!tpu.dma_semaphore, #tpu.memory_space<semaphore_mem>>) src(%dma_wait3A_65 : memref<4x512xi32, #tpu.memory_space<hbm>>) dst(%arg5 : memref<4x512xi32, #tpu.memory_space<vmem>>)
      %dma_wait3A_66 = arith.constant 1 : i32
      %dma_wait3A_67 = arith.constant 0 : i32
      %dma_wait3A_68 = arith.constant 0 : i32
      %dma_wait3A_69 = tpu.memref_slice %arg3[%dma_wait3A_66, %dma_wait3A_67, %dma_wait3A_68] : memref<2x3136x512xi32, #tpu.memory_space<hbm>> -> memref<1x3136x512xi32, #tpu.memory_space<hbm>>
      %dma_wait3A_70 = tpu.memref_squeeze %dma_wait3A_69 : memref<1x3136x512xi32, #tpu.memory_space<hbm>> -> memref<3136x512xi32, #tpu.memory_space<hbm>>
      %dma_wait3A_71 = arith.constant 0 : i32
      %dma_wait3A_72 = tpu.memref_slice %dma_wait3A_70[%add3A_28, %dma_wait3A_71] : memref<3136x512xi32, #tpu.memory_space<hbm>> -> memref<4x512xi32, #tpu.memory_space<hbm>>
      %dma_wait3A_73 = arith.constant 0 : i32
      %dma_wait3A_74 = arith.constant 0 : i32
      %dma_wait3A_75 = tpu.memref_slice %arg3[%dma_wait3A_66, %dma_wait3A_73, %dma_wait3A_74] : memref<2x3136x512xi32, #tpu.memory_space<hbm>> -> memref<1x3136x512xi32, #tpu.memory_space<hbm>>
      %dma_wait3A_76 = tpu.memref_squeeze %dma_wait3A_75 : memref<1x3136x512xi32, #tpu.memory_space<hbm>> -> memref<3136x512xi32, #tpu.memory_space<hbm>>
      %dma_wait3A_77 = arith.constant 0 : i32
      %dma_wait3A_78 = tpu.memref_slice %dma_wait3A_76[%add3A_28, %dma_wait3A_77] : memref<3136x512xi32, #tpu.memory_space<hbm>> -> memref<4x512xi32, #tpu.memory_space<hbm>>
      tpu.wait_dma2 semaphore(%arg9 : memref<!tpu.dma_semaphore, #tpu.memory_space<semaphore_mem>>) src(%dma_wait3A_78 : memref<4x512xi32, #tpu.memory_space<hbm>>) dst(%arg6 : memref<4x512xi32, #tpu.memory_space<vmem>>)
      %dma_start3A_79 = arith.constant 0 : i32
      %dma_start3A_80 = arith.constant 0 : i32
      %dma_start3A_81 = arith.constant 0 : i32
      %dma_start3A_82 = arith.constant 0 : i32
      %dma_start3A_83 = tpu.memref_slice %arg7[%dma_start3A_80, %dma_start3A_81, %dma_start3A_82] : memref<3x512x16xf32, #tpu.memory_space<vmem>> -> memref<1x512x16xf32, #tpu.memory_space<vmem>>
      %dma_start3A_84 = tpu.memref_squeeze %dma_start3A_83 : memref<1x512x16xf32, #tpu.memory_space<vmem>> -> memref<512x16xf32, #tpu.memory_space<vmem>>
      %dma_start3A_85 = arith.constant 0 : i32
      %dma_start3A_86 = tpu.memref_slice %arg5[%dma_start3A_79, %dma_start3A_85] : memref<4x512xi32, #tpu.memory_space<vmem>> -> memref<1x512xi32, #tpu.memory_space<vmem>>
      %dma_start3A_87 = tpu.memref_squeeze %dma_start3A_86 : memref<1x512xi32, #tpu.memory_space<vmem>> -> memref<512xi32, #tpu.memory_space<vmem>>
      %dma_start3A_88 = arith.constant 0 : i32
      %dma_start3A_89 = arith.constant 0 : i32
      %dma_start3A_90 = tpu.memref_slice %arg2[%add3A_3, %dma_start3A_88, %dma_start3A_89] : memref<4x100352x16xf32, #tpu.memory_space<hbm>> -> memref<1x100352x16xf32, #tpu.memory_space<hbm>>
      %dma_start3A_91 = tpu.memref_squeeze %dma_start3A_90 : memref<1x100352x16xf32, #tpu.memory_space<hbm>> -> memref<100352x16xf32, #tpu.memory_space<hbm>>
      %dma_start3A_92 = arith.constant 0 : i32
      %dma_start3A_93 = arith.constant 0 : i32
      %dma_start3A_94 = tpu.memref_slice %dma_start3A_91[%dma_start3A_92, %dma_start3A_93] : memref<100352x16xf32, #tpu.memory_space<hbm>> -> memref<100352x16xf32, #tpu.memory_space<hbm>>
      tpu.enqueue_indirect_dma source(%dma_start3A_94 : memref<100352x16xf32, #tpu.memory_space<hbm>>) target(%dma_start3A_84 : memref<512x16xf32, #tpu.memory_space<vmem>>) offsets(%dma_start3A_87 : memref<512xi32, #tpu.memory_space<vmem>>) semaphore(%arg9 : memref<!tpu.dma_semaphore, #tpu.memory_space<semaphore_mem>>)
      %dma_start3A_95 = arith.constant 1 : i32
      %dma_start3A_96 = arith.constant 1 : i32
      %dma_start3A_97 = arith.constant 0 : i32
      %dma_start3A_98 = arith.constant 0 : i32
      %dma_start3A_99 = tpu.memref_slice %arg7[%dma_start3A_96, %dma_start3A_97, %dma_start3A_98] : memref<3x512x16xf32, #tpu.memory_space<vmem>> -> memref<1x512x16xf32, #tpu.memory_space<vmem>>
      %dma_start3A_100 = tpu.memref_squeeze %dma_start3A_99 : memref<1x512x16xf32, #tpu.memory_space<vmem>> -> memref<512x16xf32, #tpu.memory_space<vmem>>
      %dma_start3A_101 = arith.constant 0 : i32
      %dma_start3A_102 = tpu.memref_slice %arg5[%dma_start3A_95, %dma_start3A_101] : memref<4x512xi32, #tpu.memory_space<vmem>> -> memref<1x512xi32, #tpu.memory_space<vmem>>
      %dma_start3A_103 = tpu.memref_squeeze %dma_start3A_102 : memref<1x512xi32, #tpu.memory_space<vmem>> -> memref<512xi32, #tpu.memory_space<vmem>>
      %dma_start3A_104 = arith.constant 0 : i32
      %dma_start3A_105 = arith.constant 0 : i32
      %dma_start3A_106 = tpu.memref_slice %arg2[%add3A_3, %dma_start3A_104, %dma_start3A_105] : memref<4x100352x16xf32, #tpu.memory_space<hbm>> -> memref<1x100352x16xf32, #tpu.memory_space<hbm>>
      %dma_start3A_107 = tpu.memref_squeeze %dma_start3A_106 : memref<1x100352x16xf32, #tpu.memory_space<hbm>> -> memref<100352x16xf32, #tpu.memory_space<hbm>>
      %dma_start3A_108 = arith.constant 0 : i32
      %dma_start3A_109 = arith.constant 0 : i32
      %dma_start3A_110 = tpu.memref_slice %dma_start3A_107[%dma_start3A_108, %dma_start3A_109] : memref<100352x16xf32, #tpu.memory_space<hbm>> -> memref<100352x16xf32, #tpu.memory_space<hbm>>
      tpu.enqueue_indirect_dma source(%dma_start3A_110 : memref<100352x16xf32, #tpu.memory_space<hbm>>) target(%dma_start3A_100 : memref<512x16xf32, #tpu.memory_space<vmem>>) offsets(%dma_start3A_103 : memref<512xi32, #tpu.memory_space<vmem>>) semaphore(%arg9 : memref<!tpu.dma_semaphore, #tpu.memory_space<semaphore_mem>>)
      %dma_wait3A_111 = arith.constant 0 : i32
      %dma_wait3A_112 = arith.constant 0 : i32
      %dma_wait3A_113 = arith.constant 0 : i32
      %dma_wait3A_114 = arith.constant 0 : i32
      %dma_wait3A_115 = tpu.memref_slice %arg7[%dma_wait3A_112, %dma_wait3A_113, %dma_wait3A_114] : memref<3x512x16xf32, #tpu.memory_space<vmem>> -> memref<1x512x16xf32, #tpu.memory_space<vmem>>
      %dma_wait3A_116 = tpu.memref_squeeze %dma_wait3A_115 : memref<1x512x16xf32, #tpu.memory_space<vmem>> -> memref<512x16xf32, #tpu.memory_space<vmem>>
      %dma_wait3A_117 = arith.constant 0 : i32
      %dma_wait3A_118 = tpu.memref_slice %arg5[%dma_wait3A_111, %dma_wait3A_117] : memref<4x512xi32, #tpu.memory_space<vmem>> -> memref<1x512xi32, #tpu.memory_space<vmem>>
      %dma_wait3A_119 = tpu.memref_squeeze %dma_wait3A_118 : memref<1x512xi32, #tpu.memory_space<vmem>> -> memref<512xi32, #tpu.memory_space<vmem>>
      %dma_wait3A_120 = arith.constant 0 : i32
      %dma_wait3A_121 = arith.constant 0 : i32
      %dma_wait3A_122 = tpu.memref_slice %arg2[%add3A_3, %dma_wait3A_120, %dma_wait3A_121] : memref<4x100352x16xf32, #tpu.memory_space<hbm>> -> memref<1x100352x16xf32, #tpu.memory_space<hbm>>
      %dma_wait3A_123 = tpu.memref_squeeze %dma_wait3A_122 : memref<1x100352x16xf32, #tpu.memory_space<hbm>> -> memref<100352x16xf32, #tpu.memory_space<hbm>>
      %dma_wait3A_124 = arith.constant 0 : i32
      %dma_wait3A_125 = arith.constant 0 : i32
      %dma_wait3A_126 = tpu.memref_slice %dma_wait3A_123[%dma_wait3A_124, %dma_wait3A_125] : memref<100352x16xf32, #tpu.memory_space<hbm>> -> memref<100352x16xf32, #tpu.memory_space<hbm>>
      tpu.wait_indirect_dma semaphore(%arg9 : memref<!tpu.dma_semaphore, #tpu.memory_space<semaphore_mem>>) src(%dma_wait3A_126 : memref<100352x16xf32, #tpu.memory_space<hbm>>) dst(%dma_wait3A_116 : memref<512x16xf32, #tpu.memory_space<vmem>>)
      %dma_start3A_127 = arith.constant 0 : i32
      %dma_start3A_128 = arith.constant 0 : i32
      %dma_start3A_129 = arith.constant 0 : i32
      %dma_start3A_130 = arith.constant 0 : i32
      %dma_start3A_131 = tpu.memref_slice %arg7[%dma_start3A_127, %dma_start3A_129, %dma_start3A_130] : memref<3x512x16xf32, #tpu.memory_space<vmem>> -> memref<1x512x16xf32, #tpu.memory_space<vmem>>
      %dma_start3A_132 = tpu.memref_squeeze %dma_start3A_131 : memref<1x512x16xf32, #tpu.memory_space<vmem>> -> memref<512x16xf32, #tpu.memory_space<vmem>>
      %dma_start3A_133 = arith.constant 0 : i32
      %dma_start3A_134 = tpu.memref_slice %arg6[%dma_start3A_128, %dma_start3A_133] : memref<4x512xi32, #tpu.memory_space<vmem>> -> memref<1x512xi32, #tpu.memory_space<vmem>>
      %dma_start3A_135 = tpu.memref_squeeze %dma_start3A_134 : memref<1x512xi32, #tpu.memory_space<vmem>> -> memref<512xi32, #tpu.memory_space<vmem>>
      %dma_start3A_136 = arith.constant 0 : i32
      %dma_start3A_137 = arith.constant 0 : i32
      %dma_start3A_138 = tpu.memref_slice %arg8[%dma_start3A_136, %dma_start3A_137] : memref<100352x16xf32, #tpu.memory_space<vmem_shared>> -> memref<100352x16xf32, #tpu.memory_space<vmem_shared>>
      tpu.enqueue_indirect_dma source(%dma_start3A_132 : memref<512x16xf32, #tpu.memory_space<vmem>>) target(%dma_start3A_138 : memref<100352x16xf32, #tpu.memory_space<vmem_shared>>) offsets(%dma_start3A_135 : memref<512xi32, #tpu.memory_space<vmem>>) semaphore(%arg10 : memref<!tpu.dma_semaphore, #tpu.memory_space<semaphore_mem>>) {add = true}
      %dma_start3A_139 = arith.constant 2 : i32
      %dma_start3A_140 = arith.constant 2 : i32
      %dma_start3A_141 = arith.constant 0 : i32
      %dma_start3A_142 = arith.constant 0 : i32
      %dma_start3A_143 = tpu.memref_slice %arg7[%dma_start3A_140, %dma_start3A_141, %dma_start3A_142] : memref<3x512x16xf32, #tpu.memory_space<vmem>> -> memref<1x512x16xf32, #tpu.memory_space<vmem>>
      %dma_start3A_144 = tpu.memref_squeeze %dma_start3A_143 : memref<1x512x16xf32, #tpu.memory_space<vmem>> -> memref<512x16xf32, #tpu.memory_space<vmem>>
      %dma_start3A_145 = arith.constant 0 : i32
      %dma_start3A_146 = tpu.memref_slice %arg5[%dma_start3A_139, %dma_start3A_145] : memref<4x512xi32, #tpu.memory_space<vmem>> -> memref<1x512xi32, #tpu.memory_space<vmem>>
      %dma_start3A_147 = tpu.memref_squeeze %dma_start3A_146 : memref<1x512xi32, #tpu.memory_space<vmem>> -> memref<512xi32, #tpu.memory_space<vmem>>
      %dma_start3A_148 = arith.constant 0 : i32
      %dma_start3A_149 = arith.constant 0 : i32
      %dma_start3A_150 = tpu.memref_slice %arg2[%add3A_3, %dma_start3A_148, %dma_start3A_149] : memref<4x100352x16xf32, #tpu.memory_space<hbm>> -> memref<1x100352x16xf32, #tpu.memory_space<hbm>>
      %dma_start3A_151 = tpu.memref_squeeze %dma_start3A_150 : memref<1x100352x16xf32, #tpu.memory_space<hbm>> -> memref<100352x16xf32, #tpu.memory_space<hbm>>
      %dma_start3A_152 = arith.constant 0 : i32
      %dma_start3A_153 = arith.constant 0 : i32
      %dma_start3A_154 = tpu.memref_slice %dma_start3A_151[%dma_start3A_152, %dma_start3A_153] : memref<100352x16xf32, #tpu.memory_space<hbm>> -> memref<100352x16xf32, #tpu.memory_space<hbm>>
      tpu.enqueue_indirect_dma source(%dma_start3A_154 : memref<100352x16xf32, #tpu.memory_space<hbm>>) target(%dma_start3A_144 : memref<512x16xf32, #tpu.memory_space<vmem>>) offsets(%dma_start3A_147 : memref<512xi32, #tpu.memory_space<vmem>>) semaphore(%arg9 : memref<!tpu.dma_semaphore, #tpu.memory_space<semaphore_mem>>)
      %dma_wait3A_155 = arith.constant 1 : i32
      %dma_wait3A_156 = arith.constant 1 : i32
      %dma_wait3A_157 = arith.constant 0 : i32
      %dma_wait3A_158 = arith.constant 0 : i32
      %dma_wait3A_159 = tpu.memref_slice %arg7[%dma_wait3A_156, %dma_wait3A_157, %dma_wait3A_158] : memref<3x512x16xf32, #tpu.memory_space<vmem>> -> memref<1x512x16xf32, #tpu.memory_space<vmem>>
      %dma_wait3A_160 = tpu.memref_squeeze %dma_wait3A_159 : memref<1x512x16xf32, #tpu.memory_space<vmem>> -> memref<512x16xf32, #tpu.memory_space<vmem>>
      %dma_wait3A_161 = arith.constant 0 : i32
      %dma_wait3A_162 = tpu.memref_slice %arg5[%dma_wait3A_155, %dma_wait3A_161] : memref<4x512xi32, #tpu.memory_space<vmem>> -> memref<1x512xi32, #tpu.memory_space<vmem>>
      %dma_wait3A_163 = tpu.memref_squeeze %dma_wait3A_162 : memref<1x512xi32, #tpu.memory_space<vmem>> -> memref<512xi32, #tpu.memory_space<vmem>>
      %dma_wait3A_164 = arith.constant 0 : i32
      %dma_wait3A_165 = arith.constant 0 : i32
      %dma_wait3A_166 = tpu.memref_slice %arg2[%add3A_3, %dma_wait3A_164, %dma_wait3A_165] : memref<4x100352x16xf32, #tpu.memory_space<hbm>> -> memref<1x100352x16xf32, #tpu.memory_space<hbm>>
      %dma_wait3A_167 = tpu.memref_squeeze %dma_wait3A_166 : memref<1x100352x16xf32, #tpu.memory_space<hbm>> -> memref<100352x16xf32, #tpu.memory_space<hbm>>
      %dma_wait3A_168 = arith.constant 0 : i32
      %dma_wait3A_169 = arith.constant 0 : i32
      %dma_wait3A_170 = tpu.memref_slice %dma_wait3A_167[%dma_wait3A_168, %dma_wait3A_169] : memref<100352x16xf32, #tpu.memory_space<hbm>> -> memref<100352x16xf32, #tpu.memory_space<hbm>>
      tpu.wait_indirect_dma semaphore(%arg9 : memref<!tpu.dma_semaphore, #tpu.memory_space<semaphore_mem>>) src(%dma_wait3A_170 : memref<100352x16xf32, #tpu.memory_space<hbm>>) dst(%dma_wait3A_160 : memref<512x16xf32, #tpu.memory_space<vmem>>)
      %dma_start3A_171 = arith.constant 1 : i32
      %dma_start3A_172 = arith.constant 1 : i32
      %dma_start3A_173 = arith.constant 0 : i32
      %dma_start3A_174 = arith.constant 0 : i32
      %dma_start3A_175 = tpu.memref_slice %arg7[%dma_start3A_171, %dma_start3A_173, %dma_start3A_174] : memref<3x512x16xf32, #tpu.memory_space<vmem>> -> memref<1x512x16xf32, #tpu.memory_space<vmem>>
      %dma_start3A_176 = tpu.memref_squeeze %dma_start3A_175 : memref<1x512x16xf32, #tpu.memory_space<vmem>> -> memref<512x16xf32, #tpu.memory_space<vmem>>
      %dma_start3A_177 = arith.constant 0 : i32
      %dma_start3A_178 = tpu.memref_slice %arg6[%dma_start3A_172, %dma_start3A_177] : memref<4x512xi32, #tpu.memory_space<vmem>> -> memref<1x512xi32, #tpu.memory_space<vmem>>
      %dma_start3A_179 = tpu.memref_squeeze %dma_start3A_178 : memref<1x512xi32, #tpu.memory_space<vmem>> -> memref<512xi32, #tpu.memory_space<vmem>>
      %dma_start3A_180 = arith.constant 0 : i32
      %dma_start3A_181 = arith.constant 0 : i32
      %dma_start3A_182 = tpu.memref_slice %arg8[%dma_start3A_180, %dma_start3A_181] : memref<100352x16xf32, #tpu.memory_space<vmem_shared>> -> memref<100352x16xf32, #tpu.memory_space<vmem_shared>>
      tpu.enqueue_indirect_dma source(%dma_start3A_176 : memref<512x16xf32, #tpu.memory_space<vmem>>) target(%dma_start3A_182 : memref<100352x16xf32, #tpu.memory_space<vmem_shared>>) offsets(%dma_start3A_179 : memref<512xi32, #tpu.memory_space<vmem>>) semaphore(%arg10 : memref<!tpu.dma_semaphore, #tpu.memory_space<semaphore_mem>>) {add = true}
      %dma_wait3A_183 = arith.constant 0 : i32
      %dma_wait3A_184 = arith.constant 0 : i32
      %dma_wait3A_185 = arith.constant 0 : i32
      %dma_wait3A_186 = arith.constant 0 : i32
      %dma_wait3A_187 = tpu.memref_slice %arg7[%dma_wait3A_183, %dma_wait3A_185, %dma_wait3A_186] : memref<3x512x16xf32, #tpu.memory_space<vmem>> -> memref<1x512x16xf32, #tpu.memory_space<vmem>>
      %dma_wait3A_188 = tpu.memref_squeeze %dma_wait3A_187 : memref<1x512x16xf32, #tpu.memory_space<vmem>> -> memref<512x16xf32, #tpu.memory_space<vmem>>
      %dma_wait3A_189 = arith.constant 0 : i32
      %dma_wait3A_190 = tpu.memref_slice %arg6[%dma_wait3A_184, %dma_wait3A_189] : memref<4x512xi32, #tpu.memory_space<vmem>> -> memref<1x512xi32, #tpu.memory_space<vmem>>
      %dma_wait3A_191 = tpu.memref_squeeze %dma_wait3A_190 : memref<1x512xi32, #tpu.memory_space<vmem>> -> memref<512xi32, #tpu.memory_space<vmem>>
      %dma_wait3A_192 = arith.constant 0 : i32
      %dma_wait3A_193 = arith.constant 0 : i32
      %dma_wait3A_194 = tpu.memref_slice %arg8[%dma_wait3A_192, %dma_wait3A_193] : memref<100352x16xf32, #tpu.memory_space<vmem_shared>> -> memref<100352x16xf32, #tpu.memory_space<vmem_shared>>
      tpu.wait_indirect_dma semaphore(%arg10 : memref<!tpu.dma_semaphore, #tpu.memory_space<semaphore_mem>>) src(%dma_wait3A_188 : memref<512x16xf32, #tpu.memory_space<vmem>>) dst(%dma_wait3A_194 : memref<100352x16xf32, #tpu.memory_space<vmem_shared>>)
      %dma_start3A_195 = arith.constant 3 : i32
      %dma_start3A_196 = arith.constant 0 : i32
      %dma_start3A_197 = arith.constant 0 : i32
      %dma_start3A_198 = arith.constant 0 : i32
      %dma_start3A_199 = tpu.memref_slice %arg7[%dma_start3A_196, %dma_start3A_197, %dma_start3A_198] : memref<3x512x16xf32, #tpu.memory_space<vmem>> -> memref<1x512x16xf32, #tpu.memory_space<vmem>>
      %dma_start3A_200 = tpu.memref_squeeze %dma_start3A_199 : memref<1x512x16xf32, #tpu.memory_space<vmem>> -> memref<512x16xf32, #tpu.memory_space<vmem>>
      %dma_start3A_201 = arith.constant 0 : i32
      %dma_start3A_202 = tpu.memref_slice %arg5[%dma_start3A_195, %dma_start3A_201] : memref<4x512xi32, #tpu.memory_space<vmem>> -> memref<1x512xi32, #tpu.memory_space<vmem>>
      %dma_start3A_203 = tpu.memref_squeeze %dma_start3A_202 : memref<1x512xi32, #tpu.memory_space<vmem>> -> memref<512xi32, #tpu.memory_space<vmem>>
      %dma_start3A_204 = arith.constant 0 : i32
      %dma_start3A_205 = arith.constant 0 : i32
      %dma_start3A_206 = tpu.memref_slice %arg2[%add3A_3, %dma_start3A_204, %dma_start3A_205] : memref<4x100352x16xf32, #tpu.memory_space<hbm>> -> memref<1x100352x16xf32, #tpu.memory_space<hbm>>
      %dma_start3A_207 = tpu.memref_squeeze %dma_start3A_206 : memref<1x100352x16xf32, #tpu.memory_space<hbm>> -> memref<100352x16xf32, #tpu.memory_space<hbm>>
      %dma_start3A_208 = arith.constant 0 : i32
      %dma_start3A_209 = arith.constant 0 : i32
      %dma_start3A_210 = tpu.memref_slice %dma_start3A_207[%dma_start3A_208, %dma_start3A_209] : memref<100352x16xf32, #tpu.memory_space<hbm>> -> memref<100352x16xf32, #tpu.memory_space<hbm>>
      tpu.enqueue_indirect_dma source(%dma_start3A_210 : memref<100352x16xf32, #tpu.memory_space<hbm>>) target(%dma_start3A_200 : memref<512x16xf32, #tpu.memory_space<vmem>>) offsets(%dma_start3A_203 : memref<512xi32, #tpu.memory_space<vmem>>) semaphore(%arg9 : memref<!tpu.dma_semaphore, #tpu.memory_space<semaphore_mem>>)
      %dma_wait3A_211 = arith.constant 2 : i32
      %dma_wait3A_212 = arith.constant 2 : i32
      %dma_wait3A_213 = arith.constant 0 : i32
      %dma_wait3A_214 = arith.constant 0 : i32
      %dma_wait3A_215 = tpu.memref_slice %arg7[%dma_wait3A_212, %dma_wait3A_213, %dma_wait3A_214] : memref<3x512x16xf32, #tpu.memory_space<vmem>> -> memref<1x512x16xf32, #tpu.memory_space<vmem>>
      %dma_wait3A_216 = tpu.memref_squeeze %dma_wait3A_215 : memref<1x512x16xf32, #tpu.memory_space<vmem>> -> memref<512x16xf32, #tpu.memory_space<vmem>>
      %dma_wait3A_217 = arith.constant 0 : i32
      %dma_wait3A_218 = tpu.memref_slice %arg5[%dma_wait3A_211, %dma_wait3A_217] : memref<4x512xi32, #tpu.memory_space<vmem>> -> memref<1x512xi32, #tpu.memory_space<vmem>>
      %dma_wait3A_219 = tpu.memref_squeeze %dma_wait3A_218 : memref<1x512xi32, #tpu.memory_space<vmem>> -> memref<512xi32, #tpu.memory_space<vmem>>
      %dma_wait3A_220 = arith.constant 0 : i32
      %dma_wait3A_221 = arith.constant 0 : i32
      %dma_wait3A_222 = tpu.memref_slice %arg2[%add3A_3, %dma_wait3A_220, %dma_wait3A_221] : memref<4x100352x16xf32, #tpu.memory_space<hbm>> -> memref<1x100352x16xf32, #tpu.memory_space<hbm>>
      %dma_wait3A_223 = tpu.memref_squeeze %dma_wait3A_222 : memref<1x100352x16xf32, #tpu.memory_space<hbm>> -> memref<100352x16xf32, #tpu.memory_space<hbm>>
      %dma_wait3A_224 = arith.constant 0 : i32
      %dma_wait3A_225 = arith.constant 0 : i32
      %dma_wait3A_226 = tpu.memref_slice %dma_wait3A_223[%dma_wait3A_224, %dma_wait3A_225] : memref<100352x16xf32, #tpu.memory_space<hbm>> -> memref<100352x16xf32, #tpu.memory_space<hbm>>
      tpu.wait_indirect_dma semaphore(%arg9 : memref<!tpu.dma_semaphore, #tpu.memory_space<semaphore_mem>>) src(%dma_wait3A_226 : memref<100352x16xf32, #tpu.memory_space<hbm>>) dst(%dma_wait3A_216 : memref<512x16xf32, #tpu.memory_space<vmem>>)
      %dma_start3A_227 = arith.constant 2 : i32
      %dma_start3A_228 = arith.constant 2 : i32
      %dma_start3A_229 = arith.constant 0 : i32
      %dma_start3A_230 = arith.constant 0 : i32
      %dma_start3A_231 = tpu.memref_slice %arg7[%dma_start3A_227, %dma_start3A_229, %dma_start3A_230] : memref<3x512x16xf32, #tpu.memory_space<vmem>> -> memref<1x512x16xf32, #tpu.memory_space<vmem>>
      %dma_start3A_232 = tpu.memref_squeeze %dma_start3A_231 : memref<1x512x16xf32, #tpu.memory_space<vmem>> -> memref<512x16xf32, #tpu.memory_space<vmem>>
      %dma_start3A_233 = arith.constant 0 : i32
      %dma_start3A_234 = tpu.memref_slice %arg6[%dma_start3A_228, %dma_start3A_233] : memref<4x512xi32, #tpu.memory_space<vmem>> -> memref<1x512xi32, #tpu.memory_space<vmem>>
      %dma_start3A_235 = tpu.memref_squeeze %dma_start3A_234 : memref<1x512xi32, #tpu.memory_space<vmem>> -> memref<512xi32, #tpu.memory_space<vmem>>
      %dma_start3A_236 = arith.constant 0 : i32
      %dma_start3A_237 = arith.constant 0 : i32
      %dma_start3A_238 = tpu.memref_slice %arg8[%dma_start3A_236, %dma_start3A_237] : memref<100352x16xf32, #tpu.memory_space<vmem_shared>> -> memref<100352x16xf32, #tpu.memory_space<vmem_shared>>
      tpu.enqueue_indirect_dma source(%dma_start3A_232 : memref<512x16xf32, #tpu.memory_space<vmem>>) target(%dma_start3A_238 : memref<100352x16xf32, #tpu.memory_space<vmem_shared>>) offsets(%dma_start3A_235 : memref<512xi32, #tpu.memory_space<vmem>>) semaphore(%arg10 : memref<!tpu.dma_semaphore, #tpu.memory_space<semaphore_mem>>) {add = true}
      %dma_wait3A_239 = arith.constant 3 : i32
      %dma_wait3A_240 = arith.constant 0 : i32
      %dma_wait3A_241 = arith.constant 0 : i32
      %dma_wait3A_242 = arith.constant 0 : i32
      %dma_wait3A_243 = tpu.memref_slice %arg7[%dma_wait3A_240, %dma_wait3A_241, %dma_wait3A_242] : memref<3x512x16xf32, #tpu.memory_space<vmem>> -> memref<1x512x16xf32, #tpu.memory_space<vmem>>
      %dma_wait3A_244 = tpu.memref_squeeze %dma_wait3A_243 : memref<1x512x16xf32, #tpu.memory_space<vmem>> -> memref<512x16xf32, #tpu.memory_space<vmem>>
      %dma_wait3A_245 = arith.constant 0 : i32
      %dma_wait3A_246 = tpu.memref_slice %arg5[%dma_wait3A_239, %dma_wait3A_245] : memref<4x512xi32, #tpu.memory_space<vmem>> -> memref<1x512xi32, #tpu.memory_space<vmem>>
      %dma_wait3A_247 = tpu.memref_squeeze %dma_wait3A_246 : memref<1x512xi32, #tpu.memory_space<vmem>> -> memref<512xi32, #tpu.memory_space<vmem>>
      %dma_wait3A_248 = arith.constant 0 : i32
      %dma_wait3A_249 = arith.constant 0 : i32
      %dma_wait3A_250 = tpu.memref_slice %arg2[%add3A_3, %dma_wait3A_248, %dma_wait3A_249] : memref<4x100352x16xf32, #tpu.memory_space<hbm>> -> memref<1x100352x16xf32, #tpu.memory_space<hbm>>
      %dma_wait3A_251 = tpu.memref_squeeze %dma_wait3A_250 : memref<1x100352x16xf32, #tpu.memory_space<hbm>> -> memref<100352x16xf32, #tpu.memory_space<hbm>>
      %dma_wait3A_252 = arith.constant 0 : i32
      %dma_wait3A_253 = arith.constant 0 : i32
      %dma_wait3A_254 = tpu.memref_slice %dma_wait3A_251[%dma_wait3A_252, %dma_wait3A_253] : memref<100352x16xf32, #tpu.memory_space<hbm>> -> memref<100352x16xf32, #tpu.memory_space<hbm>>
      tpu.wait_indirect_dma semaphore(%arg9 : memref<!tpu.dma_semaphore, #tpu.memory_space<semaphore_mem>>) src(%dma_wait3A_254 : memref<100352x16xf32, #tpu.memory_space<hbm>>) dst(%dma_wait3A_244 : memref<512x16xf32, #tpu.memory_space<vmem>>)
      %dma_start3A_255 = arith.constant 0 : i32
      %dma_start3A_256 = arith.constant 3 : i32
      %dma_start3A_257 = arith.constant 0 : i32
      %dma_start3A_258 = arith.constant 0 : i32
      %dma_start3A_259 = tpu.memref_slice %arg7[%dma_start3A_255, %dma_start3A_257, %dma_start3A_258] : memref<3x512x16xf32, #tpu.memory_space<vmem>> -> memref<1x512x16xf32, #tpu.memory_space<vmem>>
      %dma_start3A_260 = tpu.memref_squeeze %dma_start3A_259 : memref<1x512x16xf32, #tpu.memory_space<vmem>> -> memref<512x16xf32, #tpu.memory_space<vmem>>
      %dma_start3A_261 = arith.constant 0 : i32
      %dma_start3A_262 = tpu.memref_slice %arg6[%dma_start3A_256, %dma_start3A_261] : memref<4x512xi32, #tpu.memory_space<vmem>> -> memref<1x512xi32, #tpu.memory_space<vmem>>
      %dma_start3A_263 = tpu.memref_squeeze %dma_start3A_262 : memref<1x512xi32, #tpu.memory_space<vmem>> -> memref<512xi32, #tpu.memory_space<vmem>>
      %dma_start3A_264 = arith.constant 0 : i32
      %dma_start3A_265 = arith.constant 0 : i32
      %dma_start3A_266 = tpu.memref_slice %arg8[%dma_start3A_264, %dma_start3A_265] : memref<100352x16xf32, #tpu.memory_space<vmem_shared>> -> memref<100352x16xf32, #tpu.memory_space<vmem_shared>>
      tpu.enqueue_indirect_dma source(%dma_start3A_260 : memref<512x16xf32, #tpu.memory_space<vmem>>) target(%dma_start3A_266 : memref<100352x16xf32, #tpu.memory_space<vmem_shared>>) offsets(%dma_start3A_263 : memref<512xi32, #tpu.memory_space<vmem>>) semaphore(%arg10 : memref<!tpu.dma_semaphore, #tpu.memory_space<semaphore_mem>>) {add = true}
      %dma_wait3A_267 = arith.constant 1 : i32
      %dma_wait3A_268 = arith.constant 1 : i32
      %dma_wait3A_269 = arith.constant 0 : i32
      %dma_wait3A_270 = arith.constant 0 : i32
      %dma_wait3A_271 = tpu.memref_slice %arg7[%dma_wait3A_267, %dma_wait3A_269, %dma_wait3A_270] : memref<3x512x16xf32, #tpu.memory_space<vmem>> -> memref<1x512x16xf32, #tpu.memory_space<vmem>>
      %dma_wait3A_272 = tpu.memref_squeeze %dma_wait3A_271 : memref<1x512x16xf32, #tpu.memory_space<vmem>> -> memref<512x16xf32, #tpu.memory_space<vmem>>
      %dma_wait3A_273 = arith.constant 0 : i32
      %dma_wait3A_274 = tpu.memref_slice %arg6[%dma_wait3A_268, %dma_wait3A_273] : memref<4x512xi32, #tpu.memory_space<vmem>> -> memref<1x512xi32, #tpu.memory_space<vmem>>
      %dma_wait3A_275 = tpu.memref_squeeze %dma_wait3A_274 : memref<1x512xi32, #tpu.memory_space<vmem>> -> memref<512xi32, #tpu.memory_space<vmem>>
      %dma_wait3A_276 = arith.constant 0 : i32
      %dma_wait3A_277 = arith.constant 0 : i32
      %dma_wait3A_278 = tpu.memref_slice %arg8[%dma_wait3A_276, %dma_wait3A_277] : memref<100352x16xf32, #tpu.memory_space<vmem_shared>> -> memref<100352x16xf32, #tpu.memory_space<vmem_shared>>
      tpu.wait_indirect_dma semaphore(%arg10 : memref<!tpu.dma_semaphore, #tpu.memory_space<semaphore_mem>>) src(%dma_wait3A_272 : memref<512x16xf32, #tpu.memory_space<vmem>>) dst(%dma_wait3A_278 : memref<100352x16xf32, #tpu.memory_space<vmem_shared>>)
      %dma_wait3A_279 = arith.constant 2 : i32
      %dma_wait3A_280 = arith.constant 2 : i32
      %dma_wait3A_281 = arith.constant 0 : i32
      %dma_wait3A_282 = arith.constant 0 : i32
      %dma_wait3A_283 = tpu.memref_slice %arg7[%dma_wait3A_279, %dma_wait3A_281, %dma_wait3A_282] : memref<3x512x16xf32, #tpu.memory_space<vmem>> -> memref<1x512x16xf32, #tpu.memory_space<vmem>>
      %dma_wait3A_284 = tpu.memref_squeeze %dma_wait3A_283 : memref<1x512x16xf32, #tpu.memory_space<vmem>> -> memref<512x16xf32, #tpu.memory_space<vmem>>
      %dma_wait3A_285 = arith.constant 0 : i32
      %dma_wait3A_286 = tpu.memref_slice %arg6[%dma_wait3A_280, %dma_wait3A_285] : memref<4x512xi32, #tpu.memory_space<vmem>> -> memref<1x512xi32, #tpu.memory_space<vmem>>
      %dma_wait3A_287 = tpu.memref_squeeze %dma_wait3A_286 : memref<1x512xi32, #tpu.memory_space<vmem>> -> memref<512xi32, #tpu.memory_space<vmem>>
      %dma_wait3A_288 = arith.constant 0 : i32
      %dma_wait3A_289 = arith.constant 0 : i32
      %dma_wait3A_290 = tpu.memref_slice %arg8[%dma_wait3A_288, %dma_wait3A_289] : memref<100352x16xf32, #tpu.memory_space<vmem_shared>> -> memref<100352x16xf32, #tpu.memory_space<vmem_shared>>
      tpu.wait_indirect_dma semaphore(%arg10 : memref<!tpu.dma_semaphore, #tpu.memory_space<semaphore_mem>>) src(%dma_wait3A_284 : memref<512x16xf32, #tpu.memory_space<vmem>>) dst(%dma_wait3A_290 : memref<100352x16xf32, #tpu.memory_space<vmem_shared>>)
      %dma_wait3A_291 = arith.constant 0 : i32
      %dma_wait3A_292 = arith.constant 3 : i32
      %dma_wait3A_293 = arith.constant 0 : i32
      %dma_wait3A_294 = arith.constant 0 : i32
      %dma_wait3A_295 = tpu.memref_slice %arg7[%dma_wait3A_291, %dma_wait3A_293, %dma_wait3A_294] : memref<3x512x16xf32, #tpu.memory_space<vmem>> -> memref<1x512x16xf32, #tpu.memory_space<vmem>>
      %dma_wait3A_296 = tpu.memref_squeeze %dma_wait3A_295 : memref<1x512x16xf32, #tpu.memory_space<vmem>> -> memref<512x16xf32, #tpu.memory_space<vmem>>
      %dma_wait3A_297 = arith.constant 0 : i32
      %dma_wait3A_298 = tpu.memref_slice %arg6[%dma_wait3A_292, %dma_wait3A_297] : memref<4x512xi32, #tpu.memory_space<vmem>> -> memref<1x512xi32, #tpu.memory_space<vmem>>
      %dma_wait3A_299 = tpu.memref_squeeze %dma_wait3A_298 : memref<1x512xi32, #tpu.memory_space<vmem>> -> memref<512xi32, #tpu.memory_space<vmem>>
      %dma_wait3A_300 = arith.constant 0 : i32
      %dma_wait3A_301 = arith.constant 0 : i32
      %dma_wait3A_302 = tpu.memref_slice %arg8[%dma_wait3A_300, %dma_wait3A_301] : memref<100352x16xf32, #tpu.memory_space<vmem_shared>> -> memref<100352x16xf32, #tpu.memory_space<vmem_shared>>
      tpu.wait_indirect_dma semaphore(%arg10 : memref<!tpu.dma_semaphore, #tpu.memory_space<semaphore_mem>>) src(%dma_wait3A_296 : memref<512x16xf32, #tpu.memory_space<vmem>>) dst(%dma_wait3A_302 : memref<100352x16xf32, #tpu.memory_space<vmem_shared>>)
    }
    %scan3A_9 = arith.constant 49 : i32
    %barrier3A_10 = arith.constant 0 : index
    tpu.barrier barrier_id(%barrier3A_10)
    "tpu.region"() ({
      %run_scoped3A = tpu.sem_alloc : memref<!tpu.dma_semaphore, #tpu.memory_space<semaphore_mem>>
      %dma_start3A = arith.constant 0 : i32
      %dma_start3A_25 = arith.constant 0 : i32
      %dma_start3A_26 = tpu.memref_slice %arg4[%add3A_3, %dma_start3A, %dma_start3A_25] : memref<4x100352x16xf32, #tpu.memory_space<hbm>> -> memref<1x100352x16xf32, #tpu.memory_space<hbm>>
      %dma_start3A_27 = tpu.memref_squeeze %dma_start3A_26 : memref<1x100352x16xf32, #tpu.memory_space<hbm>> -> memref<100352x16xf32, #tpu.memory_space<hbm>>
      %dma_start3A_28 = arith.constant 0 : i32
      %dma_start3A_29 = tpu.memref_slice %dma_start3A_27[%mul3A_0, %dma_start3A_28] : memref<100352x16xf32, #tpu.memory_space<hbm>> -> memref<6272x16xf32, #tpu.memory_space<hbm>>
      %dma_start3A_30 = arith.constant 0 : i32
      %dma_start3A_31 = tpu.memref_slice %arg8[%mul3A_0, %dma_start3A_30] : memref<100352x16xf32, #tpu.memory_space<vmem_shared>> -> memref<6272x16xf32, #tpu.memory_space<vmem_shared>>
      tpu.enqueue_dma source(%dma_start3A_31 : memref<6272x16xf32, #tpu.memory_space<vmem_shared>>) target(%dma_start3A_29 : memref<6272x16xf32, #tpu.memory_space<hbm>>) target_semaphore(%run_scoped3A : memref<!tpu.dma_semaphore, #tpu.memory_space<semaphore_mem>>)
      %dma_wait3A = arith.constant 0 : i32
      %dma_wait3A_32 = arith.constant 0 : i32
      %dma_wait3A_33 = tpu.memref_slice %arg4[%add3A_3, %dma_wait3A, %dma_wait3A_32] : memref<4x100352x16xf32, #tpu.memory_space<hbm>> -> memref<1x100352x16xf32, #tpu.memory_space<hbm>>
      %dma_wait3A_34 = tpu.memref_squeeze %dma_wait3A_33 : memref<1x100352x16xf32, #tpu.memory_space<hbm>> -> memref<100352x16xf32, #tpu.memory_space<hbm>>
      %dma_wait3A_35 = arith.constant 0 : i32
      %dma_wait3A_36 = tpu.memref_slice %dma_wait3A_34[%mul3A_0, %dma_wait3A_35] : memref<100352x16xf32, #tpu.memory_space<hbm>> -> memref<6272x16xf32, #tpu.memory_space<hbm>>
      %dma_wait3A_37 = arith.constant 0 : i32
      %dma_wait3A_38 = tpu.memref_slice %arg8[%mul3A_0, %dma_wait3A_37] : memref<100352x16xf32, #tpu.memory_space<vmem_shared>> -> memref<6272x16xf32, #tpu.memory_space<vmem_shared>>
      tpu.wait_dma2 semaphore(%run_scoped3A : memref<!tpu.dma_semaphore, #tpu.memory_space<semaphore_mem>>) src(%dma_wait3A_38 : memref<6272x16xf32, #tpu.memory_space<vmem_shared>>) dst(%dma_wait3A_36 : memref<6272x16xf32, #tpu.memory_space<hbm>>)
      tpu.yield
    }) : () -> ()
    %barrier3A_11 = arith.constant 0 : index
    tpu.barrier barrier_id(%barrier3A_11)
    %mul3A_12 = arith.constant 2 : i32
    %mul3A_13 = arith.muli %arg0, %mul3A_12 : i32
    %add3A_14 = arith.constant 1 : i32
    %add3A_15 = arith.addi %mul3A_13, %add3A_14 : i32
    "tpu.region"() ({
      %run_scoped3A = tpu.sem_alloc : memref<!tpu.dma_semaphore, #tpu.memory_space<semaphore_mem>>
      %dma_start3A = arith.constant 0 : i32
      %dma_start3A_25 = tpu.memref_slice %arg8[%mul3A_0, %dma_start3A] : memref<100352x16xf32, #tpu.memory_space<vmem_shared>> -> memref<6272x16xf32, #tpu.memory_space<vmem_shared>>
      %dma_start3A_26 = arith.constant 0 : i32
      %dma_start3A_27 = arith.constant 0 : i32
      %dma_start3A_28 = tpu.memref_slice %arg2[%add3A_15, %dma_start3A_26, %dma_start3A_27] : memref<4x100352x16xf32, #tpu.memory_space<hbm>> -> memref<1x100352x16xf32, #tpu.memory_space<hbm>>
      %dma_start3A_29 = tpu.memref_squeeze %dma_start3A_28 : memref<1x100352x16xf32, #tpu.memory_space<hbm>> -> memref<100352x16xf32, #tpu.memory_space<hbm>>
      %dma_start3A_30 = arith.constant 0 : i32
      %dma_start3A_31 = tpu.memref_slice %dma_start3A_29[%mul3A_0, %dma_start3A_30] : memref<100352x16xf32, #tpu.memory_space<hbm>> -> memref<6272x16xf32, #tpu.memory_space<hbm>>
      tpu.enqueue_dma source(%dma_start3A_31 : memref<6272x16xf32, #tpu.memory_space<hbm>>) target(%dma_start3A_25 : memref<6272x16xf32, #tpu.memory_space<vmem_shared>>) target_semaphore(%run_scoped3A : memref<!tpu.dma_semaphore, #tpu.memory_space<semaphore_mem>>)
      %dma_wait3A = arith.constant 0 : i32
      %dma_wait3A_32 = tpu.memref_slice %arg8[%mul3A_0, %dma_wait3A] : memref<100352x16xf32, #tpu.memory_space<vmem_shared>> -> memref<6272x16xf32, #tpu.memory_space<vmem_shared>>
      %dma_wait3A_33 = arith.constant 0 : i32
      %dma_wait3A_34 = arith.constant 0 : i32
      %dma_wait3A_35 = tpu.memref_slice %arg2[%add3A_15, %dma_wait3A_33, %dma_wait3A_34] : memref<4x100352x16xf32, #tpu.memory_space<hbm>> -> memref<1x100352x16xf32, #tpu.memory_space<hbm>>
      %dma_wait3A_36 = tpu.memref_squeeze %dma_wait3A_35 : memref<1x100352x16xf32, #tpu.memory_space<hbm>> -> memref<100352x16xf32, #tpu.memory_space<hbm>>
      %dma_wait3A_37 = arith.constant 0 : i32
      %dma_wait3A_38 = tpu.memref_slice %dma_wait3A_36[%mul3A_0, %dma_wait3A_37] : memref<100352x16xf32, #tpu.memory_space<hbm>> -> memref<6272x16xf32, #tpu.memory_space<hbm>>
      tpu.wait_dma2 semaphore(%run_scoped3A : memref<!tpu.dma_semaphore, #tpu.memory_space<semaphore_mem>>) src(%dma_wait3A_38 : memref<6272x16xf32, #tpu.memory_space<hbm>>) dst(%dma_wait3A_32 : memref<6272x16xf32, #tpu.memory_space<vmem_shared>>)
      tpu.yield
    }) : () -> ()
    %barrier3A_16 = arith.constant 0 : index
    tpu.barrier barrier_id(%barrier3A_16)
    %mul3A_17 = arith.constant 196 : i32
    %mul3A_18 = arith.muli %arg1, %mul3A_17 : i32
    %scan3A_19 = arith.constant 0 : i32
    %scan3A_20 = arith.constant 49 : i32
    %scan3A_21 = arith.addi %scan3A_19, %scan3A_20 : i32
    %scan3A_22 = arith.constant 1 : i32
    scf.for %scan3A_25 = %scan3A_19 to %scan3A_21 step %scan3A_22  : i32 {
      %mul3A_26 = arith.constant 4 : i32
      %mul3A_27 = arith.muli %scan3A_25, %mul3A_26 : i32
      %add3A_28 = arith.addi %mul3A_18, %mul3A_27 : i32
      %dma_start3A = arith.constant 0 : i32
      %dma_start3A_29 = arith.constant 0 : i32
      %dma_start3A_30 = arith.constant 0 : i32
      %dma_start3A_31 = tpu.memref_slice %arg3[%dma_start3A, %dma_start3A_29, %dma_start3A_30] : memref<2x3136x512xi32, #tpu.memory_space<hbm>> -> memref<1x3136x512xi32, #tpu.memory_space<hbm>>
      %dma_start3A_32 = tpu.memref_squeeze %dma_start3A_31 : memref<1x3136x512xi32, #tpu.memory_space<hbm>> -> memref<3136x512xi32, #tpu.memory_space<hbm>>
      %dma_start3A_33 = arith.constant 0 : i32
      %dma_start3A_34 = tpu.memref_slice %dma_start3A_32[%add3A_28, %dma_start3A_33] : memref<3136x512xi32, #tpu.memory_space<hbm>> -> memref<4x512xi32, #tpu.memory_space<hbm>>
      %dma_start3A_35 = arith.constant 0 : i32
      %dma_start3A_36 = arith.constant 0 : i32
      %dma_start3A_37 = tpu.memref_slice %arg3[%dma_start3A, %dma_start3A_35, %dma_start3A_36] : memref<2x3136x512xi32, #tpu.memory_space<hbm>> -> memref<1x3136x512xi32, #tpu.memory_space<hbm>>
      %dma_start3A_38 = tpu.memref_squeeze %dma_start3A_37 : memref<1x3136x512xi32, #tpu.memory_space<hbm>> -> memref<3136x512xi32, #tpu.memory_space<hbm>>
      %dma_start3A_39 = arith.constant 0 : i32
      %dma_start3A_40 = tpu.memref_slice %dma_start3A_38[%add3A_28, %dma_start3A_39] : memref<3136x512xi32, #tpu.memory_space<hbm>> -> memref<4x512xi32, #tpu.memory_space<hbm>>
      tpu.enqueue_dma source(%dma_start3A_40 : memref<4x512xi32, #tpu.memory_space<hbm>>) target(%arg5 : memref<4x512xi32, #tpu.memory_space<vmem>>) target_semaphore(%arg9 : memref<!tpu.dma_semaphore, #tpu.memory_space<semaphore_mem>>)
      %dma_start3A_41 = arith.constant 1 : i32
      %dma_start3A_42 = arith.constant 0 : i32
      %dma_start3A_43 = arith.constant 0 : i32
      %dma_start3A_44 = tpu.memref_slice %arg3[%dma_start3A_41, %dma_start3A_42, %dma_start3A_43] : memref<2x3136x512xi32, #tpu.memory_space<hbm>> -> memref<1x3136x512xi32, #tpu.memory_space<hbm>>
      %dma_start3A_45 = tpu.memref_squeeze %dma_start3A_44 : memref<1x3136x512xi32, #tpu.memory_space<hbm>> -> memref<3136x512xi32, #tpu.memory_space<hbm>>
      %dma_start3A_46 = arith.constant 0 : i32
      %dma_start3A_47 = tpu.memref_slice %dma_start3A_45[%add3A_28, %dma_start3A_46] : memref<3136x512xi32, #tpu.memory_space<hbm>> -> memref<4x512xi32, #tpu.memory_space<hbm>>
      %dma_start3A_48 = arith.constant 0 : i32
      %dma_start3A_49 = arith.constant 0 : i32
      %dma_start3A_50 = tpu.memref_slice %arg3[%dma_start3A_41, %dma_start3A_48, %dma_start3A_49] : memref<2x3136x512xi32, #tpu.memory_space<hbm>> -> memref<1x3136x512xi32, #tpu.memory_space<hbm>>
      %dma_start3A_51 = tpu.memref_squeeze %dma_start3A_50 : memref<1x3136x512xi32, #tpu.memory_space<hbm>> -> memref<3136x512xi32, #tpu.memory_space<hbm>>
      %dma_start3A_52 = arith.constant 0 : i32
      %dma_start3A_53 = tpu.memref_slice %dma_start3A_51[%add3A_28, %dma_start3A_52] : memref<3136x512xi32, #tpu.memory_space<hbm>> -> memref<4x512xi32, #tpu.memory_space<hbm>>
      tpu.enqueue_dma source(%dma_start3A_53 : memref<4x512xi32, #tpu.memory_space<hbm>>) target(%arg6 : memref<4x512xi32, #tpu.memory_space<vmem>>) target_semaphore(%arg9 : memref<!tpu.dma_semaphore, #tpu.memory_space<semaphore_mem>>)
      %dma_wait3A = arith.constant 0 : i32
      %dma_wait3A_54 = arith.constant 0 : i32
      %dma_wait3A_55 = arith.constant 0 : i32
      %dma_wait3A_56 = tpu.memref_slice %arg3[%dma_wait3A, %dma_wait3A_54, %dma_wait3A_55] : memref<2x3136x512xi32, #tpu.memory_space<hbm>> -> memref<1x3136x512xi32, #tpu.memory_space<hbm>>
      %dma_wait3A_57 = tpu.memref_squeeze %dma_wait3A_56 : memref<1x3136x512xi32, #tpu.memory_space<hbm>> -> memref<3136x512xi32, #tpu.memory_space<hbm>>
      %dma_wait3A_58 = arith.constant 0 : i32
      %dma_wait3A_59 = tpu.memref_slice %dma_wait3A_57[%add3A_28, %dma_wait3A_58] : memref<3136x512xi32, #tpu.memory_space<hbm>> -> memref<4x512xi32, #tpu.memory_space<hbm>>
      %dma_wait3A_60 = arith.constant 0 : i32
      %dma_wait3A_61 = arith.constant 0 : i32
      %dma_wait3A_62 = tpu.memref_slice %arg3[%dma_wait3A, %dma_wait3A_60, %dma_wait3A_61] : memref<2x3136x512xi32, #tpu.memory_space<hbm>> -> memref<1x3136x512xi32, #tpu.memory_space<hbm>>
      %dma_wait3A_63 = tpu.memref_squeeze %dma_wait3A_62 : memref<1x3136x512xi32, #tpu.memory_space<hbm>> -> memref<3136x512xi32, #tpu.memory_space<hbm>>
      %dma_wait3A_64 = arith.constant 0 : i32
      %dma_wait3A_65 = tpu.memref_slice %dma_wait3A_63[%add3A_28, %dma_wait3A_64] : memref<3136x512xi32, #tpu.memory_space<hbm>> -> memref<4x512xi32, #tpu.memory_space<hbm>>
      tpu.wait_dma2 semaphore(%arg9 : memref<!tpu.dma_semaphore, #tpu.memory_space<semaphore_mem>>) src(%dma_wait3A_65 : memref<4x512xi32, #tpu.memory_space<hbm>>) dst(%arg5 : memref<4x512xi32, #tpu.memory_space<vmem>>)
      %dma_wait3A_66 = arith.constant 1 : i32
      %dma_wait3A_67 = arith.constant 0 : i32
      %dma_wait3A_68 = arith.constant 0 : i32
      %dma_wait3A_69 = tpu.memref_slice %arg3[%dma_wait3A_66, %dma_wait3A_67, %dma_wait3A_68] : memref<2x3136x512xi32, #tpu.memory_space<hbm>> -> memref<1x3136x512xi32, #tpu.memory_space<hbm>>
      %dma_wait3A_70 = tpu.memref_squeeze %dma_wait3A_69 : memref<1x3136x512xi32, #tpu.memory_space<hbm>> -> memref<3136x512xi32, #tpu.memory_space<hbm>>
      %dma_wait3A_71 = arith.constant 0 : i32
      %dma_wait3A_72 = tpu.memref_slice %dma_wait3A_70[%add3A_28, %dma_wait3A_71] : memref<3136x512xi32, #tpu.memory_space<hbm>> -> memref<4x512xi32, #tpu.memory_space<hbm>>
      %dma_wait3A_73 = arith.constant 0 : i32
      %dma_wait3A_74 = arith.constant 0 : i32
      %dma_wait3A_75 = tpu.memref_slice %arg3[%dma_wait3A_66, %dma_wait3A_73, %dma_wait3A_74] : memref<2x3136x512xi32, #tpu.memory_space<hbm>> -> memref<1x3136x512xi32, #tpu.memory_space<hbm>>
      %dma_wait3A_76 = tpu.memref_squeeze %dma_wait3A_75 : memref<1x3136x512xi32, #tpu.memory_space<hbm>> -> memref<3136x512xi32, #tpu.memory_space<hbm>>
      %dma_wait3A_77 = arith.constant 0 : i32
      %dma_wait3A_78 = tpu.memref_slice %dma_wait3A_76[%add3A_28, %dma_wait3A_77] : memref<3136x512xi32, #tpu.memory_space<hbm>> -> memref<4x512xi32, #tpu.memory_space<hbm>>
      tpu.wait_dma2 semaphore(%arg9 : memref<!tpu.dma_semaphore, #tpu.memory_space<semaphore_mem>>) src(%dma_wait3A_78 : memref<4x512xi32, #tpu.memory_space<hbm>>) dst(%arg6 : memref<4x512xi32, #tpu.memory_space<vmem>>)
      %dma_start3A_79 = arith.constant 0 : i32
      %dma_start3A_80 = arith.constant 0 : i32
      %dma_start3A_81 = arith.constant 0 : i32
      %dma_start3A_82 = arith.constant 0 : i32
      %dma_start3A_83 = tpu.memref_slice %arg7[%dma_start3A_80, %dma_start3A_81, %dma_start3A_82] : memref<3x512x16xf32, #tpu.memory_space<vmem>> -> memref<1x512x16xf32, #tpu.memory_space<vmem>>
      %dma_start3A_84 = tpu.memref_squeeze %dma_start3A_83 : memref<1x512x16xf32, #tpu.memory_space<vmem>> -> memref<512x16xf32, #tpu.memory_space<vmem>>
      %dma_start3A_85 = arith.constant 0 : i32
      %dma_start3A_86 = tpu.memref_slice %arg5[%dma_start3A_79, %dma_start3A_85] : memref<4x512xi32, #tpu.memory_space<vmem>> -> memref<1x512xi32, #tpu.memory_space<vmem>>
      %dma_start3A_87 = tpu.memref_squeeze %dma_start3A_86 : memref<1x512xi32, #tpu.memory_space<vmem>> -> memref<512xi32, #tpu.memory_space<vmem>>
      %dma_start3A_88 = arith.constant 0 : i32
      %dma_start3A_89 = arith.constant 0 : i32
      %dma_start3A_90 = tpu.memref_slice %arg2[%add3A_15, %dma_start3A_88, %dma_start3A_89] : memref<4x100352x16xf32, #tpu.memory_space<hbm>> -> memref<1x100352x16xf32, #tpu.memory_space<hbm>>
      %dma_start3A_91 = tpu.memref_squeeze %dma_start3A_90 : memref<1x100352x16xf32, #tpu.memory_space<hbm>> -> memref<100352x16xf32, #tpu.memory_space<hbm>>
      %dma_start3A_92 = arith.constant 0 : i32
      %dma_start3A_93 = arith.constant 0 : i32
      %dma_start3A_94 = tpu.memref_slice %dma_start3A_91[%dma_start3A_92, %dma_start3A_93] : memref<100352x16xf32, #tpu.memory_space<hbm>> -> memref<100352x16xf32, #tpu.memory_space<hbm>>
      tpu.enqueue_indirect_dma source(%dma_start3A_94 : memref<100352x16xf32, #tpu.memory_space<hbm>>) target(%dma_start3A_84 : memref<512x16xf32, #tpu.memory_space<vmem>>) offsets(%dma_start3A_87 : memref<512xi32, #tpu.memory_space<vmem>>) semaphore(%arg9 : memref<!tpu.dma_semaphore, #tpu.memory_space<semaphore_mem>>)
      %dma_start3A_95 = arith.constant 1 : i32
      %dma_start3A_96 = arith.constant 1 : i32
      %dma_start3A_97 = arith.constant 0 : i32
      %dma_start3A_98 = arith.constant 0 : i32
      %dma_start3A_99 = tpu.memref_slice %arg7[%dma_start3A_96, %dma_start3A_97, %dma_start3A_98] : memref<3x512x16xf32, #tpu.memory_space<vmem>> -> memref<1x512x16xf32, #tpu.memory_space<vmem>>
      %dma_start3A_100 = tpu.memref_squeeze %dma_start3A_99 : memref<1x512x16xf32, #tpu.memory_space<vmem>> -> memref<512x16xf32, #tpu.memory_space<vmem>>
      %dma_start3A_101 = arith.constant 0 : i32
      %dma_start3A_102 = tpu.memref_slice %arg5[%dma_start3A_95, %dma_start3A_101] : memref<4x512xi32, #tpu.memory_space<vmem>> -> memref<1x512xi32, #tpu.memory_space<vmem>>
      %dma_start3A_103 = tpu.memref_squeeze %dma_start3A_102 : memref<1x512xi32, #tpu.memory_space<vmem>> -> memref<512xi32, #tpu.memory_space<vmem>>
      %dma_start3A_104 = arith.constant 0 : i32
      %dma_start3A_105 = arith.constant 0 : i32
      %dma_start3A_106 = tpu.memref_slice %arg2[%add3A_15, %dma_start3A_104, %dma_start3A_105] : memref<4x100352x16xf32, #tpu.memory_space<hbm>> -> memref<1x100352x16xf32, #tpu.memory_space<hbm>>
      %dma_start3A_107 = tpu.memref_squeeze %dma_start3A_106 : memref<1x100352x16xf32, #tpu.memory_space<hbm>> -> memref<100352x16xf32, #tpu.memory_space<hbm>>
      %dma_start3A_108 = arith.constant 0 : i32
      %dma_start3A_109 = arith.constant 0 : i32
      %dma_start3A_110 = tpu.memref_slice %dma_start3A_107[%dma_start3A_108, %dma_start3A_109] : memref<100352x16xf32, #tpu.memory_space<hbm>> -> memref<100352x16xf32, #tpu.memory_space<hbm>>
      tpu.enqueue_indirect_dma source(%dma_start3A_110 : memref<100352x16xf32, #tpu.memory_space<hbm>>) target(%dma_start3A_100 : memref<512x16xf32, #tpu.memory_space<vmem>>) offsets(%dma_start3A_103 : memref<512xi32, #tpu.memory_space<vmem>>) semaphore(%arg9 : memref<!tpu.dma_semaphore, #tpu.memory_space<semaphore_mem>>)
      %dma_wait3A_111 = arith.constant 0 : i32
      %dma_wait3A_112 = arith.constant 0 : i32
      %dma_wait3A_113 = arith.constant 0 : i32
      %dma_wait3A_114 = arith.constant 0 : i32
      %dma_wait3A_115 = tpu.memref_slice %arg7[%dma_wait3A_112, %dma_wait3A_113, %dma_wait3A_114] : memref<3x512x16xf32, #tpu.memory_space<vmem>> -> memref<1x512x16xf32, #tpu.memory_space<vmem>>
      %dma_wait3A_116 = tpu.memref_squeeze %dma_wait3A_115 : memref<1x512x16xf32, #tpu.memory_space<vmem>> -> memref<512x16xf32, #tpu.memory_space<vmem>>
      %dma_wait3A_117 = arith.constant 0 : i32
      %dma_wait3A_118 = tpu.memref_slice %arg5[%dma_wait3A_111, %dma_wait3A_117] : memref<4x512xi32, #tpu.memory_space<vmem>> -> memref<1x512xi32, #tpu.memory_space<vmem>>
      %dma_wait3A_119 = tpu.memref_squeeze %dma_wait3A_118 : memref<1x512xi32, #tpu.memory_space<vmem>> -> memref<512xi32, #tpu.memory_space<vmem>>
      %dma_wait3A_120 = arith.constant 0 : i32
      %dma_wait3A_121 = arith.constant 0 : i32
      %dma_wait3A_122 = tpu.memref_slice %arg2[%add3A_15, %dma_wait3A_120, %dma_wait3A_121] : memref<4x100352x16xf32, #tpu.memory_space<hbm>> -> memref<1x100352x16xf32, #tpu.memory_space<hbm>>
      %dma_wait3A_123 = tpu.memref_squeeze %dma_wait3A_122 : memref<1x100352x16xf32, #tpu.memory_space<hbm>> -> memref<100352x16xf32, #tpu.memory_space<hbm>>
      %dma_wait3A_124 = arith.constant 0 : i32
      %dma_wait3A_125 = arith.constant 0 : i32
      %dma_wait3A_126 = tpu.memref_slice %dma_wait3A_123[%dma_wait3A_124, %dma_wait3A_125] : memref<100352x16xf32, #tpu.memory_space<hbm>> -> memref<100352x16xf32, #tpu.memory_space<hbm>>
      tpu.wait_indirect_dma semaphore(%arg9 : memref<!tpu.dma_semaphore, #tpu.memory_space<semaphore_mem>>) src(%dma_wait3A_126 : memref<100352x16xf32, #tpu.memory_space<hbm>>) dst(%dma_wait3A_116 : memref<512x16xf32, #tpu.memory_space<vmem>>)
      %dma_start3A_127 = arith.constant 0 : i32
      %dma_start3A_128 = arith.constant 0 : i32
      %dma_start3A_129 = arith.constant 0 : i32
      %dma_start3A_130 = arith.constant 0 : i32
      %dma_start3A_131 = tpu.memref_slice %arg7[%dma_start3A_127, %dma_start3A_129, %dma_start3A_130] : memref<3x512x16xf32, #tpu.memory_space<vmem>> -> memref<1x512x16xf32, #tpu.memory_space<vmem>>
      %dma_start3A_132 = tpu.memref_squeeze %dma_start3A_131 : memref<1x512x16xf32, #tpu.memory_space<vmem>> -> memref<512x16xf32, #tpu.memory_space<vmem>>
      %dma_start3A_133 = arith.constant 0 : i32
      %dma_start3A_134 = tpu.memref_slice %arg6[%dma_start3A_128, %dma_start3A_133] : memref<4x512xi32, #tpu.memory_space<vmem>> -> memref<1x512xi32, #tpu.memory_space<vmem>>
      %dma_start3A_135 = tpu.memref_squeeze %dma_start3A_134 : memref<1x512xi32, #tpu.memory_space<vmem>> -> memref<512xi32, #tpu.memory_space<vmem>>
      %dma_start3A_136 = arith.constant 0 : i32
      %dma_start3A_137 = arith.constant 0 : i32
      %dma_start3A_138 = tpu.memref_slice %arg8[%dma_start3A_136, %dma_start3A_137] : memref<100352x16xf32, #tpu.memory_space<vmem_shared>> -> memref<100352x16xf32, #tpu.memory_space<vmem_shared>>
      tpu.enqueue_indirect_dma source(%dma_start3A_132 : memref<512x16xf32, #tpu.memory_space<vmem>>) target(%dma_start3A_138 : memref<100352x16xf32, #tpu.memory_space<vmem_shared>>) offsets(%dma_start3A_135 : memref<512xi32, #tpu.memory_space<vmem>>) semaphore(%arg10 : memref<!tpu.dma_semaphore, #tpu.memory_space<semaphore_mem>>) {add = true}
      %dma_start3A_139 = arith.constant 2 : i32
      %dma_start3A_140 = arith.constant 2 : i32
      %dma_start3A_141 = arith.constant 0 : i32
      %dma_start3A_142 = arith.constant 0 : i32
      %dma_start3A_143 = tpu.memref_slice %arg7[%dma_start3A_140, %dma_start3A_141, %dma_start3A_142] : memref<3x512x16xf32, #tpu.memory_space<vmem>> -> memref<1x512x16xf32, #tpu.memory_space<vmem>>
      %dma_start3A_144 = tpu.memref_squeeze %dma_start3A_143 : memref<1x512x16xf32, #tpu.memory_space<vmem>> -> memref<512x16xf32, #tpu.memory_space<vmem>>
      %dma_start3A_145 = arith.constant 0 : i32
      %dma_start3A_146 = tpu.memref_slice %arg5[%dma_start3A_139, %dma_start3A_145] : memref<4x512xi32, #tpu.memory_space<vmem>> -> memref<1x512xi32, #tpu.memory_space<vmem>>
      %dma_start3A_147 = tpu.memref_squeeze %dma_start3A_146 : memref<1x512xi32, #tpu.memory_space<vmem>> -> memref<512xi32, #tpu.memory_space<vmem>>
      %dma_start3A_148 = arith.constant 0 : i32
      %dma_start3A_149 = arith.constant 0 : i32
      %dma_start3A_150 = tpu.memref_slice %arg2[%add3A_15, %dma_start3A_148, %dma_start3A_149] : memref<4x100352x16xf32, #tpu.memory_space<hbm>> -> memref<1x100352x16xf32, #tpu.memory_space<hbm>>
      %dma_start3A_151 = tpu.memref_squeeze %dma_start3A_150 : memref<1x100352x16xf32, #tpu.memory_space<hbm>> -> memref<100352x16xf32, #tpu.memory_space<hbm>>
      %dma_start3A_152 = arith.constant 0 : i32
      %dma_start3A_153 = arith.constant 0 : i32
      %dma_start3A_154 = tpu.memref_slice %dma_start3A_151[%dma_start3A_152, %dma_start3A_153] : memref<100352x16xf32, #tpu.memory_space<hbm>> -> memref<100352x16xf32, #tpu.memory_space<hbm>>
      tpu.enqueue_indirect_dma source(%dma_start3A_154 : memref<100352x16xf32, #tpu.memory_space<hbm>>) target(%dma_start3A_144 : memref<512x16xf32, #tpu.memory_space<vmem>>) offsets(%dma_start3A_147 : memref<512xi32, #tpu.memory_space<vmem>>) semaphore(%arg9 : memref<!tpu.dma_semaphore, #tpu.memory_space<semaphore_mem>>)
      %dma_wait3A_155 = arith.constant 1 : i32
      %dma_wait3A_156 = arith.constant 1 : i32
      %dma_wait3A_157 = arith.constant 0 : i32
      %dma_wait3A_158 = arith.constant 0 : i32
      %dma_wait3A_159 = tpu.memref_slice %arg7[%dma_wait3A_156, %dma_wait3A_157, %dma_wait3A_158] : memref<3x512x16xf32, #tpu.memory_space<vmem>> -> memref<1x512x16xf32, #tpu.memory_space<vmem>>
      %dma_wait3A_160 = tpu.memref_squeeze %dma_wait3A_159 : memref<1x512x16xf32, #tpu.memory_space<vmem>> -> memref<512x16xf32, #tpu.memory_space<vmem>>
      %dma_wait3A_161 = arith.constant 0 : i32
      %dma_wait3A_162 = tpu.memref_slice %arg5[%dma_wait3A_155, %dma_wait3A_161] : memref<4x512xi32, #tpu.memory_space<vmem>> -> memref<1x512xi32, #tpu.memory_space<vmem>>
      %dma_wait3A_163 = tpu.memref_squeeze %dma_wait3A_162 : memref<1x512xi32, #tpu.memory_space<vmem>> -> memref<512xi32, #tpu.memory_space<vmem>>
      %dma_wait3A_164 = arith.constant 0 : i32
      %dma_wait3A_165 = arith.constant 0 : i32
      %dma_wait3A_166 = tpu.memref_slice %arg2[%add3A_15, %dma_wait3A_164, %dma_wait3A_165] : memref<4x100352x16xf32, #tpu.memory_space<hbm>> -> memref<1x100352x16xf32, #tpu.memory_space<hbm>>
      %dma_wait3A_167 = tpu.memref_squeeze %dma_wait3A_166 : memref<1x100352x16xf32, #tpu.memory_space<hbm>> -> memref<100352x16xf32, #tpu.memory_space<hbm>>
      %dma_wait3A_168 = arith.constant 0 : i32
      %dma_wait3A_169 = arith.constant 0 : i32
      %dma_wait3A_170 = tpu.memref_slice %dma_wait3A_167[%dma_wait3A_168, %dma_wait3A_169] : memref<100352x16xf32, #tpu.memory_space<hbm>> -> memref<100352x16xf32, #tpu.memory_space<hbm>>
      tpu.wait_indirect_dma semaphore(%arg9 : memref<!tpu.dma_semaphore, #tpu.memory_space<semaphore_mem>>) src(%dma_wait3A_170 : memref<100352x16xf32, #tpu.memory_space<hbm>>) dst(%dma_wait3A_160 : memref<512x16xf32, #tpu.memory_space<vmem>>)
      %dma_start3A_171 = arith.constant 1 : i32
      %dma_start3A_172 = arith.constant 1 : i32
      %dma_start3A_173 = arith.constant 0 : i32
      %dma_start3A_174 = arith.constant 0 : i32
      %dma_start3A_175 = tpu.memref_slice %arg7[%dma_start3A_171, %dma_start3A_173, %dma_start3A_174] : memref<3x512x16xf32, #tpu.memory_space<vmem>> -> memref<1x512x16xf32, #tpu.memory_space<vmem>>
      %dma_start3A_176 = tpu.memref_squeeze %dma_start3A_175 : memref<1x512x16xf32, #tpu.memory_space<vmem>> -> memref<512x16xf32, #tpu.memory_space<vmem>>
      %dma_start3A_177 = arith.constant 0 : i32
      %dma_start3A_178 = tpu.memref_slice %arg6[%dma_start3A_172, %dma_start3A_177] : memref<4x512xi32, #tpu.memory_space<vmem>> -> memref<1x512xi32, #tpu.memory_space<vmem>>
      %dma_start3A_179 = tpu.memref_squeeze %dma_start3A_178 : memref<1x512xi32, #tpu.memory_space<vmem>> -> memref<512xi32, #tpu.memory_space<vmem>>
      %dma_start3A_180 = arith.constant 0 : i32
      %dma_start3A_181 = arith.constant 0 : i32
      %dma_start3A_182 = tpu.memref_slice %arg8[%dma_start3A_180, %dma_start3A_181] : memref<100352x16xf32, #tpu.memory_space<vmem_shared>> -> memref<100352x16xf32, #tpu.memory_space<vmem_shared>>
      tpu.enqueue_indirect_dma source(%dma_start3A_176 : memref<512x16xf32, #tpu.memory_space<vmem>>) target(%dma_start3A_182 : memref<100352x16xf32, #tpu.memory_space<vmem_shared>>) offsets(%dma_start3A_179 : memref<512xi32, #tpu.memory_space<vmem>>) semaphore(%arg10 : memref<!tpu.dma_semaphore, #tpu.memory_space<semaphore_mem>>) {add = true}
      %dma_wait3A_183 = arith.constant 0 : i32
      %dma_wait3A_184 = arith.constant 0 : i32
      %dma_wait3A_185 = arith.constant 0 : i32
      %dma_wait3A_186 = arith.constant 0 : i32
      %dma_wait3A_187 = tpu.memref_slice %arg7[%dma_wait3A_183, %dma_wait3A_185, %dma_wait3A_186] : memref<3x512x16xf32, #tpu.memory_space<vmem>> -> memref<1x512x16xf32, #tpu.memory_space<vmem>>
      %dma_wait3A_188 = tpu.memref_squeeze %dma_wait3A_187 : memref<1x512x16xf32, #tpu.memory_space<vmem>> -> memref<512x16xf32, #tpu.memory_space<vmem>>
      %dma_wait3A_189 = arith.constant 0 : i32
      %dma_wait3A_190 = tpu.memref_slice %arg6[%dma_wait3A_184, %dma_wait3A_189] : memref<4x512xi32, #tpu.memory_space<vmem>> -> memref<1x512xi32, #tpu.memory_space<vmem>>
      %dma_wait3A_191 = tpu.memref_squeeze %dma_wait3A_190 : memref<1x512xi32, #tpu.memory_space<vmem>> -> memref<512xi32, #tpu.memory_space<vmem>>
      %dma_wait3A_192 = arith.constant 0 : i32
      %dma_wait3A_193 = arith.constant 0 : i32
      %dma_wait3A_194 = tpu.memref_slice %arg8[%dma_wait3A_192, %dma_wait3A_193] : memref<100352x16xf32, #tpu.memory_space<vmem_shared>> -> memref<100352x16xf32, #tpu.memory_space<vmem_shared>>
      tpu.wait_indirect_dma semaphore(%arg10 : memref<!tpu.dma_semaphore, #tpu.memory_space<semaphore_mem>>) src(%dma_wait3A_188 : memref<512x16xf32, #tpu.memory_space<vmem>>) dst(%dma_wait3A_194 : memref<100352x16xf32, #tpu.memory_space<vmem_shared>>)
      %dma_start3A_195 = arith.constant 3 : i32
      %dma_start3A_196 = arith.constant 0 : i32
      %dma_start3A_197 = arith.constant 0 : i32
      %dma_start3A_198 = arith.constant 0 : i32
      %dma_start3A_199 = tpu.memref_slice %arg7[%dma_start3A_196, %dma_start3A_197, %dma_start3A_198] : memref<3x512x16xf32, #tpu.memory_space<vmem>> -> memref<1x512x16xf32, #tpu.memory_space<vmem>>
      %dma_start3A_200 = tpu.memref_squeeze %dma_start3A_199 : memref<1x512x16xf32, #tpu.memory_space<vmem>> -> memref<512x16xf32, #tpu.memory_space<vmem>>
      %dma_start3A_201 = arith.constant 0 : i32
      %dma_start3A_202 = tpu.memref_slice %arg5[%dma_start3A_195, %dma_start3A_201] : memref<4x512xi32, #tpu.memory_space<vmem>> -> memref<1x512xi32, #tpu.memory_space<vmem>>
      %dma_start3A_203 = tpu.memref_squeeze %dma_start3A_202 : memref<1x512xi32, #tpu.memory_space<vmem>> -> memref<512xi32, #tpu.memory_space<vmem>>
      %dma_start3A_204 = arith.constant 0 : i32
      %dma_start3A_205 = arith.constant 0 : i32
      %dma_start3A_206 = tpu.memref_slice %arg2[%add3A_15, %dma_start3A_204, %dma_start3A_205] : memref<4x100352x16xf32, #tpu.memory_space<hbm>> -> memref<1x100352x16xf32, #tpu.memory_space<hbm>>
      %dma_start3A_207 = tpu.memref_squeeze %dma_start3A_206 : memref<1x100352x16xf32, #tpu.memory_space<hbm>> -> memref<100352x16xf32, #tpu.memory_space<hbm>>
      %dma_start3A_208 = arith.constant 0 : i32
      %dma_start3A_209 = arith.constant 0 : i32
      %dma_start3A_210 = tpu.memref_slice %dma_start3A_207[%dma_start3A_208, %dma_start3A_209] : memref<100352x16xf32, #tpu.memory_space<hbm>> -> memref<100352x16xf32, #tpu.memory_space<hbm>>
      tpu.enqueue_indirect_dma source(%dma_start3A_210 : memref<100352x16xf32, #tpu.memory_space<hbm>>) target(%dma_start3A_200 : memref<512x16xf32, #tpu.memory_space<vmem>>) offsets(%dma_start3A_203 : memref<512xi32, #tpu.memory_space<vmem>>) semaphore(%arg9 : memref<!tpu.dma_semaphore, #tpu.memory_space<semaphore_mem>>)
      %dma_wait3A_211 = arith.constant 2 : i32
      %dma_wait3A_212 = arith.constant 2 : i32
      %dma_wait3A_213 = arith.constant 0 : i32
      %dma_wait3A_214 = arith.constant 0 : i32
      %dma_wait3A_215 = tpu.memref_slice %arg7[%dma_wait3A_212, %dma_wait3A_213, %dma_wait3A_214] : memref<3x512x16xf32, #tpu.memory_space<vmem>> -> memref<1x512x16xf32, #tpu.memory_space<vmem>>
      %dma_wait3A_216 = tpu.memref_squeeze %dma_wait3A_215 : memref<1x512x16xf32, #tpu.memory_space<vmem>> -> memref<512x16xf32, #tpu.memory_space<vmem>>
      %dma_wait3A_217 = arith.constant 0 : i32
      %dma_wait3A_218 = tpu.memref_slice %arg5[%dma_wait3A_211, %dma_wait3A_217] : memref<4x512xi32, #tpu.memory_space<vmem>> -> memref<1x512xi32, #tpu.memory_space<vmem>>
      %dma_wait3A_219 = tpu.memref_squeeze %dma_wait3A_218 : memref<1x512xi32, #tpu.memory_space<vmem>> -> memref<512xi32, #tpu.memory_space<vmem>>
      %dma_wait3A_220 = arith.constant 0 : i32
      %dma_wait3A_221 = arith.constant 0 : i32
      %dma_wait3A_222 = tpu.memref_slice %arg2[%add3A_15, %dma_wait3A_220, %dma_wait3A_221] : memref<4x100352x16xf32, #tpu.memory_space<hbm>> -> memref<1x100352x16xf32, #tpu.memory_space<hbm>>
      %dma_wait3A_223 = tpu.memref_squeeze %dma_wait3A_222 : memref<1x100352x16xf32, #tpu.memory_space<hbm>> -> memref<100352x16xf32, #tpu.memory_space<hbm>>
      %dma_wait3A_224 = arith.constant 0 : i32
      %dma_wait3A_225 = arith.constant 0 : i32
      %dma_wait3A_226 = tpu.memref_slice %dma_wait3A_223[%dma_wait3A_224, %dma_wait3A_225] : memref<100352x16xf32, #tpu.memory_space<hbm>> -> memref<100352x16xf32, #tpu.memory_space<hbm>>
      tpu.wait_indirect_dma semaphore(%arg9 : memref<!tpu.dma_semaphore, #tpu.memory_space<semaphore_mem>>) src(%dma_wait3A_226 : memref<100352x16xf32, #tpu.memory_space<hbm>>) dst(%dma_wait3A_216 : memref<512x16xf32, #tpu.memory_space<vmem>>)
      %dma_start3A_227 = arith.constant 2 : i32
      %dma_start3A_228 = arith.constant 2 : i32
      %dma_start3A_229 = arith.constant 0 : i32
      %dma_start3A_230 = arith.constant 0 : i32
      %dma_start3A_231 = tpu.memref_slice %arg7[%dma_start3A_227, %dma_start3A_229, %dma_start3A_230] : memref<3x512x16xf32, #tpu.memory_space<vmem>> -> memref<1x512x16xf32, #tpu.memory_space<vmem>>
      %dma_start3A_232 = tpu.memref_squeeze %dma_start3A_231 : memref<1x512x16xf32, #tpu.memory_space<vmem>> -> memref<512x16xf32, #tpu.memory_space<vmem>>
      %dma_start3A_233 = arith.constant 0 : i32
      %dma_start3A_234 = tpu.memref_slice %arg6[%dma_start3A_228, %dma_start3A_233] : memref<4x512xi32, #tpu.memory_space<vmem>> -> memref<1x512xi32, #tpu.memory_space<vmem>>
      %dma_start3A_235 = tpu.memref_squeeze %dma_start3A_234 : memref<1x512xi32, #tpu.memory_space<vmem>> -> memref<512xi32, #tpu.memory_space<vmem>>
      %dma_start3A_236 = arith.constant 0 : i32
      %dma_start3A_237 = arith.constant 0 : i32
      %dma_start3A_238 = tpu.memref_slice %arg8[%dma_start3A_236, %dma_start3A_237] : memref<100352x16xf32, #tpu.memory_space<vmem_shared>> -> memref<100352x16xf32, #tpu.memory_space<vmem_shared>>
      tpu.enqueue_indirect_dma source(%dma_start3A_232 : memref<512x16xf32, #tpu.memory_space<vmem>>) target(%dma_start3A_238 : memref<100352x16xf32, #tpu.memory_space<vmem_shared>>) offsets(%dma_start3A_235 : memref<512xi32, #tpu.memory_space<vmem>>) semaphore(%arg10 : memref<!tpu.dma_semaphore, #tpu.memory_space<semaphore_mem>>) {add = true}
      %dma_wait3A_239 = arith.constant 3 : i32
      %dma_wait3A_240 = arith.constant 0 : i32
      %dma_wait3A_241 = arith.constant 0 : i32
      %dma_wait3A_242 = arith.constant 0 : i32
      %dma_wait3A_243 = tpu.memref_slice %arg7[%dma_wait3A_240, %dma_wait3A_241, %dma_wait3A_242] : memref<3x512x16xf32, #tpu.memory_space<vmem>> -> memref<1x512x16xf32, #tpu.memory_space<vmem>>
      %dma_wait3A_244 = tpu.memref_squeeze %dma_wait3A_243 : memref<1x512x16xf32, #tpu.memory_space<vmem>> -> memref<512x16xf32, #tpu.memory_space<vmem>>
      %dma_wait3A_245 = arith.constant 0 : i32
      %dma_wait3A_246 = tpu.memref_slice %arg5[%dma_wait3A_239, %dma_wait3A_245] : memref<4x512xi32, #tpu.memory_space<vmem>> -> memref<1x512xi32, #tpu.memory_space<vmem>>
      %dma_wait3A_247 = tpu.memref_squeeze %dma_wait3A_246 : memref<1x512xi32, #tpu.memory_space<vmem>> -> memref<512xi32, #tpu.memory_space<vmem>>
      %dma_wait3A_248 = arith.constant 0 : i32
      %dma_wait3A_249 = arith.constant 0 : i32
      %dma_wait3A_250 = tpu.memref_slice %arg2[%add3A_15, %dma_wait3A_248, %dma_wait3A_249] : memref<4x100352x16xf32, #tpu.memory_space<hbm>> -> memref<1x100352x16xf32, #tpu.memory_space<hbm>>
      %dma_wait3A_251 = tpu.memref_squeeze %dma_wait3A_250 : memref<1x100352x16xf32, #tpu.memory_space<hbm>> -> memref<100352x16xf32, #tpu.memory_space<hbm>>
      %dma_wait3A_252 = arith.constant 0 : i32
      %dma_wait3A_253 = arith.constant 0 : i32
      %dma_wait3A_254 = tpu.memref_slice %dma_wait3A_251[%dma_wait3A_252, %dma_wait3A_253] : memref<100352x16xf32, #tpu.memory_space<hbm>> -> memref<100352x16xf32, #tpu.memory_space<hbm>>
      tpu.wait_indirect_dma semaphore(%arg9 : memref<!tpu.dma_semaphore, #tpu.memory_space<semaphore_mem>>) src(%dma_wait3A_254 : memref<100352x16xf32, #tpu.memory_space<hbm>>) dst(%dma_wait3A_244 : memref<512x16xf32, #tpu.memory_space<vmem>>)
      %dma_start3A_255 = arith.constant 0 : i32
      %dma_start3A_256 = arith.constant 3 : i32
      %dma_start3A_257 = arith.constant 0 : i32
      %dma_start3A_258 = arith.constant 0 : i32
      %dma_start3A_259 = tpu.memref_slice %arg7[%dma_start3A_255, %dma_start3A_257, %dma_start3A_258] : memref<3x512x16xf32, #tpu.memory_space<vmem>> -> memref<1x512x16xf32, #tpu.memory_space<vmem>>
      %dma_start3A_260 = tpu.memref_squeeze %dma_start3A_259 : memref<1x512x16xf32, #tpu.memory_space<vmem>> -> memref<512x16xf32, #tpu.memory_space<vmem>>
      %dma_start3A_261 = arith.constant 0 : i32
      %dma_start3A_262 = tpu.memref_slice %arg6[%dma_start3A_256, %dma_start3A_261] : memref<4x512xi32, #tpu.memory_space<vmem>> -> memref<1x512xi32, #tpu.memory_space<vmem>>
      %dma_start3A_263 = tpu.memref_squeeze %dma_start3A_262 : memref<1x512xi32, #tpu.memory_space<vmem>> -> memref<512xi32, #tpu.memory_space<vmem>>
      %dma_start3A_264 = arith.constant 0 : i32
      %dma_start3A_265 = arith.constant 0 : i32
      %dma_start3A_266 = tpu.memref_slice %arg8[%dma_start3A_264, %dma_start3A_265] : memref<100352x16xf32, #tpu.memory_space<vmem_shared>> -> memref<100352x16xf32, #tpu.memory_space<vmem_shared>>
      tpu.enqueue_indirect_dma source(%dma_start3A_260 : memref<512x16xf32, #tpu.memory_space<vmem>>) target(%dma_start3A_266 : memref<100352x16xf32, #tpu.memory_space<vmem_shared>>) offsets(%dma_start3A_263 : memref<512xi32, #tpu.memory_space<vmem>>) semaphore(%arg10 : memref<!tpu.dma_semaphore, #tpu.memory_space<semaphore_mem>>) {add = true}
      %dma_wait3A_267 = arith.constant 1 : i32
      %dma_wait3A_268 = arith.constant 1 : i32
      %dma_wait3A_269 = arith.constant 0 : i32
      %dma_wait3A_270 = arith.constant 0 : i32
      %dma_wait3A_271 = tpu.memref_slice %arg7[%dma_wait3A_267, %dma_wait3A_269, %dma_wait3A_270] : memref<3x512x16xf32, #tpu.memory_space<vmem>> -> memref<1x512x16xf32, #tpu.memory_space<vmem>>
      %dma_wait3A_272 = tpu.memref_squeeze %dma_wait3A_271 : memref<1x512x16xf32, #tpu.memory_space<vmem>> -> memref<512x16xf32, #tpu.memory_space<vmem>>
      %dma_wait3A_273 = arith.constant 0 : i32
      %dma_wait3A_274 = tpu.memref_slice %arg6[%dma_wait3A_268, %dma_wait3A_273] : memref<4x512xi32, #tpu.memory_space<vmem>> -> memref<1x512xi32, #tpu.memory_space<vmem>>
      %dma_wait3A_275 = tpu.memref_squeeze %dma_wait3A_274 : memref<1x512xi32, #tpu.memory_space<vmem>> -> memref<512xi32, #tpu.memory_space<vmem>>
      %dma_wait3A_276 = arith.constant 0 : i32
      %dma_wait3A_277 = arith.constant 0 : i32
      %dma_wait3A_278 = tpu.memref_slice %arg8[%dma_wait3A_276, %dma_wait3A_277] : memref<100352x16xf32, #tpu.memory_space<vmem_shared>> -> memref<100352x16xf32, #tpu.memory_space<vmem_shared>>
      tpu.wait_indirect_dma semaphore(%arg10 : memref<!tpu.dma_semaphore, #tpu.memory_space<semaphore_mem>>) src(%dma_wait3A_272 : memref<512x16xf32, #tpu.memory_space<vmem>>) dst(%dma_wait3A_278 : memref<100352x16xf32, #tpu.memory_space<vmem_shared>>)
      %dma_wait3A_279 = arith.constant 2 : i32
      %dma_wait3A_280 = arith.constant 2 : i32
      %dma_wait3A_281 = arith.constant 0 : i32
      %dma_wait3A_282 = arith.constant 0 : i32
      %dma_wait3A_283 = tpu.memref_slice %arg7[%dma_wait3A_279, %dma_wait3A_281, %dma_wait3A_282] : memref<3x512x16xf32, #tpu.memory_space<vmem>> -> memref<1x512x16xf32, #tpu.memory_space<vmem>>
      %dma_wait3A_284 = tpu.memref_squeeze %dma_wait3A_283 : memref<1x512x16xf32, #tpu.memory_space<vmem>> -> memref<512x16xf32, #tpu.memory_space<vmem>>
      %dma_wait3A_285 = arith.constant 0 : i32
      %dma_wait3A_286 = tpu.memref_slice %arg6[%dma_wait3A_280, %dma_wait3A_285] : memref<4x512xi32, #tpu.memory_space<vmem>> -> memref<1x512xi32, #tpu.memory_space<vmem>>
      %dma_wait3A_287 = tpu.memref_squeeze %dma_wait3A_286 : memref<1x512xi32, #tpu.memory_space<vmem>> -> memref<512xi32, #tpu.memory_space<vmem>>
      %dma_wait3A_288 = arith.constant 0 : i32
      %dma_wait3A_289 = arith.constant 0 : i32
      %dma_wait3A_290 = tpu.memref_slice %arg8[%dma_wait3A_288, %dma_wait3A_289] : memref<100352x16xf32, #tpu.memory_space<vmem_shared>> -> memref<100352x16xf32, #tpu.memory_space<vmem_shared>>
      tpu.wait_indirect_dma semaphore(%arg10 : memref<!tpu.dma_semaphore, #tpu.memory_space<semaphore_mem>>) src(%dma_wait3A_284 : memref<512x16xf32, #tpu.memory_space<vmem>>) dst(%dma_wait3A_290 : memref<100352x16xf32, #tpu.memory_space<vmem_shared>>)
      %dma_wait3A_291 = arith.constant 0 : i32
      %dma_wait3A_292 = arith.constant 3 : i32
      %dma_wait3A_293 = arith.constant 0 : i32
      %dma_wait3A_294 = arith.constant 0 : i32
      %dma_wait3A_295 = tpu.memref_slice %arg7[%dma_wait3A_291, %dma_wait3A_293, %dma_wait3A_294] : memref<3x512x16xf32, #tpu.memory_space<vmem>> -> memref<1x512x16xf32, #tpu.memory_space<vmem>>
      %dma_wait3A_296 = tpu.memref_squeeze %dma_wait3A_295 : memref<1x512x16xf32, #tpu.memory_space<vmem>> -> memref<512x16xf32, #tpu.memory_space<vmem>>
      %dma_wait3A_297 = arith.constant 0 : i32
      %dma_wait3A_298 = tpu.memref_slice %arg6[%dma_wait3A_292, %dma_wait3A_297] : memref<4x512xi32, #tpu.memory_space<vmem>> -> memref<1x512xi32, #tpu.memory_space<vmem>>
      %dma_wait3A_299 = tpu.memref_squeeze %dma_wait3A_298 : memref<1x512xi32, #tpu.memory_space<vmem>> -> memref<512xi32, #tpu.memory_space<vmem>>
      %dma_wait3A_300 = arith.constant 0 : i32
      %dma_wait3A_301 = arith.constant 0 : i32
      %dma_wait3A_302 = tpu.memref_slice %arg8[%dma_wait3A_300, %dma_wait3A_301] : memref<100352x16xf32, #tpu.memory_space<vmem_shared>> -> memref<100352x16xf32, #tpu.memory_space<vmem_shared>>
      tpu.wait_indirect_dma semaphore(%arg10 : memref<!tpu.dma_semaphore, #tpu.memory_space<semaphore_mem>>) src(%dma_wait3A_296 : memref<512x16xf32, #tpu.memory_space<vmem>>) dst(%dma_wait3A_302 : memref<100352x16xf32, #tpu.memory_space<vmem_shared>>)
    }
    %scan3A_23 = arith.constant 49 : i32
    %barrier3A_24 = arith.constant 0 : index
    tpu.barrier barrier_id(%barrier3A_24)
    "tpu.region"() ({
      %run_scoped3A = tpu.sem_alloc : memref<!tpu.dma_semaphore, #tpu.memory_space<semaphore_mem>>
      %dma_start3A = arith.constant 0 : i32
      %dma_start3A_25 = arith.constant 0 : i32
      %dma_start3A_26 = tpu.memref_slice %arg4[%add3A_15, %dma_start3A, %dma_start3A_25] : memref<4x100352x16xf32, #tpu.memory_space<hbm>> -> memref<1x100352x16xf32, #tpu.memory_space<hbm>>
      %dma_start3A_27 = tpu.memref_squeeze %dma_start3A_26 : memref<1x100352x16xf32, #tpu.memory_space<hbm>> -> memref<100352x16xf32, #tpu.memory_space<hbm>>
      %dma_start3A_28 = arith.constant 0 : i32
      %dma_start3A_29 = tpu.memref_slice %dma_start3A_27[%mul3A_0, %dma_start3A_28] : memref<100352x16xf32, #tpu.memory_space<hbm>> -> memref<6272x16xf32, #tpu.memory_space<hbm>>
      %dma_start3A_30 = arith.constant 0 : i32
      %dma_start3A_31 = tpu.memref_slice %arg8[%mul3A_0, %dma_start3A_30] : memref<100352x16xf32, #tpu.memory_space<vmem_shared>> -> memref<6272x16xf32, #tpu.memory_space<vmem_shared>>
      tpu.enqueue_dma source(%dma_start3A_31 : memref<6272x16xf32, #tpu.memory_space<vmem_shared>>) target(%dma_start3A_29 : memref<6272x16xf32, #tpu.memory_space<hbm>>) target_semaphore(%run_scoped3A : memref<!tpu.dma_semaphore, #tpu.memory_space<semaphore_mem>>)
      %dma_wait3A = arith.constant 0 : i32
      %dma_wait3A_32 = arith.constant 0 : i32
      %dma_wait3A_33 = tpu.memref_slice %arg4[%add3A_15, %dma_wait3A, %dma_wait3A_32] : memref<4x100352x16xf32, #tpu.memory_space<hbm>> -> memref<1x100352x16xf32, #tpu.memory_space<hbm>>
      %dma_wait3A_34 = tpu.memref_squeeze %dma_wait3A_33 : memref<1x100352x16xf32, #tpu.memory_space<hbm>> -> memref<100352x16xf32, #tpu.memory_space<hbm>>
      %dma_wait3A_35 = arith.constant 0 : i32
      %dma_wait3A_36 = tpu.memref_slice %dma_wait3A_34[%mul3A_0, %dma_wait3A_35] : memref<100352x16xf32, #tpu.memory_space<hbm>> -> memref<6272x16xf32, #tpu.memory_space<hbm>>
      %dma_wait3A_37 = arith.constant 0 : i32
      %dma_wait3A_38 = tpu.memref_slice %arg8[%mul3A_0, %dma_wait3A_37] : memref<100352x16xf32, #tpu.memory_space<vmem_shared>> -> memref<6272x16xf32, #tpu.memory_space<vmem_shared>>
      tpu.wait_dma2 semaphore(%run_scoped3A : memref<!tpu.dma_semaphore, #tpu.memory_space<semaphore_mem>>) src(%dma_wait3A_38 : memref<6272x16xf32, #tpu.memory_space<vmem_shared>>) dst(%dma_wait3A_36 : memref<6272x16xf32, #tpu.memory_space<hbm>>)
      tpu.yield
    }) : () -> ()
    return
  }
}

#map = affine_map<(d0, d1) -> (0, 0, 0)>
module attributes {stable_mosaic.version = 14 : i64} {
  func.func @_prop23_body(%arg0: i32, %arg1: i32, %arg2: memref<4x100352x16xf32, #tpu.memory_space<hbm>>, %arg3: memref<2x3136x512xi32, #tpu.memory_space<hbm>>, %arg4: memref<4x100352x16xf32, #tpu.memory_space<hbm>>, %arg5: memref<4x512xi32, #tpu.memory_space<vmem>>, %arg6: memref<4x512xi32, #tpu.memory_space<vmem>>, %arg7: memref<3x512x16xf32, #tpu.memory_space<vmem>>, %arg8: memref<100352x16xf32, #tpu.memory_space<vmem_shared>>, %arg9: memref<!tpu.dma_semaphore, #tpu.memory_space<semaphore_mem>>, %arg10: memref<!tpu.dma_semaphore, #tpu.memory_space<semaphore_mem>>) attributes {dimension_semantics = [#tpu.dimension_semantics<core_parallel>, #tpu.dimension_semantics<subcore_parallel>], iteration_bounds = array<i64: 2, 16>, scalar_prefetch = 0 : i64, scratch_operands = 6 : i64, tpu.core_type = #tpu.core_type<sc_vector_subcore>, window_params = [{transform_indices = #map}, {transform_indices = #map}, {transform_indices = #map}]} {
    %mul3A = arith.constant 6272 : i32
    %mul3A_0 = arith.muli %arg1, %mul3A : i32
    %mul3A_1 = arith.constant 2 : i32
    %mul3A_2 = arith.muli %arg0, %mul3A_1 : i32
    %add3A = arith.constant 0 : i32
    %add3A_3 = arith.addi %mul3A_2, %add3A : i32
    "tpu.region"() ({
      %run_scoped3A = tpu.sem_alloc : memref<!tpu.dma_semaphore, #tpu.memory_space<semaphore_mem>>
      %dma_start3A = arith.constant 0 : i32
      %dma_start3A_25 = tpu.memref_slice %arg8[%mul3A_0, %dma_start3A] : memref<100352x16xf32, #tpu.memory_space<vmem_shared>> -> memref<6272x16xf32, #tpu.memory_space<vmem_shared>>
      %dma_start3A_26 = arith.constant 0 : i32
      %dma_start3A_27 = arith.constant 0 : i32
      %dma_start3A_28 = tpu.memref_slice %arg2[%add3A_3, %dma_start3A_26, %dma_start3A_27] : memref<4x100352x16xf32, #tpu.memory_space<hbm>> -> memref<1x100352x16xf32, #tpu.memory_space<hbm>>
      %dma_start3A_29 = tpu.memref_squeeze %dma_start3A_28 : memref<1x100352x16xf32, #tpu.memory_space<hbm>> -> memref<100352x16xf32, #tpu.memory_space<hbm>>
      %dma_start3A_30 = arith.constant 0 : i32
      %dma_start3A_31 = tpu.memref_slice %dma_start3A_29[%mul3A_0, %dma_start3A_30] : memref<100352x16xf32, #tpu.memory_space<hbm>> -> memref<6272x16xf32, #tpu.memory_space<hbm>>
      tpu.enqueue_dma source(%dma_start3A_31 : memref<6272x16xf32, #tpu.memory_space<hbm>>) target(%dma_start3A_25 : memref<6272x16xf32, #tpu.memory_space<vmem_shared>>) target_semaphore(%run_scoped3A : memref<!tpu.dma_semaphore, #tpu.memory_space<semaphore_mem>>)
      %dma_wait3A = arith.constant 0 : i32
      %dma_wait3A_32 = tpu.memref_slice %arg8[%mul3A_0, %dma_wait3A] : memref<100352x16xf32, #tpu.memory_space<vmem_shared>> -> memref<6272x16xf32, #tpu.memory_space<vmem_shared>>
      %dma_wait3A_33 = arith.constant 0 : i32
      %dma_wait3A_34 = arith.constant 0 : i32
      %dma_wait3A_35 = tpu.memref_slice %arg2[%add3A_3, %dma_wait3A_33, %dma_wait3A_34] : memref<4x100352x16xf32, #tpu.memory_space<hbm>> -> memref<1x100352x16xf32, #tpu.memory_space<hbm>>
      %dma_wait3A_36 = tpu.memref_squeeze %dma_wait3A_35 : memref<1x100352x16xf32, #tpu.memory_space<hbm>> -> memref<100352x16xf32, #tpu.memory_space<hbm>>
      %dma_wait3A_37 = arith.constant 0 : i32
      %dma_wait3A_38 = tpu.memref_slice %dma_wait3A_36[%mul3A_0, %dma_wait3A_37] : memref<100352x16xf32, #tpu.memory_space<hbm>> -> memref<6272x16xf32, #tpu.memory_space<hbm>>
      tpu.wait_dma2 semaphore(%run_scoped3A : memref<!tpu.dma_semaphore, #tpu.memory_space<semaphore_mem>>) src(%dma_wait3A_38 : memref<6272x16xf32, #tpu.memory_space<hbm>>) dst(%dma_wait3A_32 : memref<6272x16xf32, #tpu.memory_space<vmem_shared>>)
      tpu.yield
    }) : () -> ()
    %barrier3A = arith.constant 0 : index
    tpu.barrier barrier_id(%barrier3A)
    %mul3A_4 = arith.constant 196 : i32
    %mul3A_5 = arith.muli %arg1, %mul3A_4 : i32
    %scan3A = arith.constant 0 : i32
    %scan3A_6 = arith.constant 49 : i32
    %scan3A_7 = arith.addi %scan3A, %scan3A_6 : i32
    %scan3A_8 = arith.constant 1 : i32
    scf.for %scan3A_25 = %scan3A to %scan3A_7 step %scan3A_8  : i32 {
      %mul3A_26 = arith.constant 4 : i32
      %mul3A_27 = arith.muli %scan3A_25, %mul3A_26 : i32
      %add3A_28 = arith.addi %mul3A_5, %mul3A_27 : i32
      %dma_start3A = arith.constant 0 : i32
      %dma_start3A_29 = arith.constant 0 : i32
      %dma_start3A_30 = arith.constant 0 : i32
      %dma_start3A_31 = tpu.memref_slice %arg3[%dma_start3A, %dma_start3A_29, %dma_start3A_30] : memref<2x3136x512xi32, #tpu.memory_space<hbm>> -> memref<1x3136x512xi32, #tpu.memory_space<hbm>>
      %dma_start3A_32 = tpu.memref_squeeze %dma_start3A_31 : memref<1x3136x512xi32, #tpu.memory_space<hbm>> -> memref<3136x512xi32, #tpu.memory_space<hbm>>
      %dma_start3A_33 = arith.constant 0 : i32
      %dma_start3A_34 = tpu.memref_slice %dma_start3A_32[%add3A_28, %dma_start3A_33] : memref<3136x512xi32, #tpu.memory_space<hbm>> -> memref<4x512xi32, #tpu.memory_space<hbm>>
      %dma_start3A_35 = arith.constant 0 : i32
      %dma_start3A_36 = arith.constant 0 : i32
      %dma_start3A_37 = tpu.memref_slice %arg3[%dma_start3A, %dma_start3A_35, %dma_start3A_36] : memref<2x3136x512xi32, #tpu.memory_space<hbm>> -> memref<1x3136x512xi32, #tpu.memory_space<hbm>>
      %dma_start3A_38 = tpu.memref_squeeze %dma_start3A_37 : memref<1x3136x512xi32, #tpu.memory_space<hbm>> -> memref<3136x512xi32, #tpu.memory_space<hbm>>
      %dma_start3A_39 = arith.constant 0 : i32
      %dma_start3A_40 = tpu.memref_slice %dma_start3A_38[%add3A_28, %dma_start3A_39] : memref<3136x512xi32, #tpu.memory_space<hbm>> -> memref<4x512xi32, #tpu.memory_space<hbm>>
      tpu.enqueue_dma source(%dma_start3A_40 : memref<4x512xi32, #tpu.memory_space<hbm>>) target(%arg5 : memref<4x512xi32, #tpu.memory_space<vmem>>) target_semaphore(%arg9 : memref<!tpu.dma_semaphore, #tpu.memory_space<semaphore_mem>>)
      %dma_start3A_41 = arith.constant 1 : i32
      %dma_start3A_42 = arith.constant 0 : i32
      %dma_start3A_43 = arith.constant 0 : i32
      %dma_start3A_44 = tpu.memref_slice %arg3[%dma_start3A_41, %dma_start3A_42, %dma_start3A_43] : memref<2x3136x512xi32, #tpu.memory_space<hbm>> -> memref<1x3136x512xi32, #tpu.memory_space<hbm>>
      %dma_start3A_45 = tpu.memref_squeeze %dma_start3A_44 : memref<1x3136x512xi32, #tpu.memory_space<hbm>> -> memref<3136x512xi32, #tpu.memory_space<hbm>>
      %dma_start3A_46 = arith.constant 0 : i32
      %dma_start3A_47 = tpu.memref_slice %dma_start3A_45[%add3A_28, %dma_start3A_46] : memref<3136x512xi32, #tpu.memory_space<hbm>> -> memref<4x512xi32, #tpu.memory_space<hbm>>
      %dma_start3A_48 = arith.constant 0 : i32
      %dma_start3A_49 = arith.constant 0 : i32
      %dma_start3A_50 = tpu.memref_slice %arg3[%dma_start3A_41, %dma_start3A_48, %dma_start3A_49] : memref<2x3136x512xi32, #tpu.memory_space<hbm>> -> memref<1x3136x512xi32, #tpu.memory_space<hbm>>
      %dma_start3A_51 = tpu.memref_squeeze %dma_start3A_50 : memref<1x3136x512xi32, #tpu.memory_space<hbm>> -> memref<3136x512xi32, #tpu.memory_space<hbm>>
      %dma_start3A_52 = arith.constant 0 : i32
      %dma_start3A_53 = tpu.memref_slice %dma_start3A_51[%add3A_28, %dma_start3A_52] : memref<3136x512xi32, #tpu.memory_space<hbm>> -> memref<4x512xi32, #tpu.memory_space<hbm>>
      tpu.enqueue_dma source(%dma_start3A_53 : memref<4x512xi32, #tpu.memory_space<hbm>>) target(%arg6 : memref<4x512xi32, #tpu.memory_space<vmem>>) target_semaphore(%arg9 : memref<!tpu.dma_semaphore, #tpu.memory_space<semaphore_mem>>)
      %dma_wait3A = arith.constant 0 : i32
      %dma_wait3A_54 = arith.constant 0 : i32
      %dma_wait3A_55 = arith.constant 0 : i32
      %dma_wait3A_56 = tpu.memref_slice %arg3[%dma_wait3A, %dma_wait3A_54, %dma_wait3A_55] : memref<2x3136x512xi32, #tpu.memory_space<hbm>> -> memref<1x3136x512xi32, #tpu.memory_space<hbm>>
      %dma_wait3A_57 = tpu.memref_squeeze %dma_wait3A_56 : memref<1x3136x512xi32, #tpu.memory_space<hbm>> -> memref<3136x512xi32, #tpu.memory_space<hbm>>
      %dma_wait3A_58 = arith.constant 0 : i32
      %dma_wait3A_59 = tpu.memref_slice %dma_wait3A_57[%add3A_28, %dma_wait3A_58] : memref<3136x512xi32, #tpu.memory_space<hbm>> -> memref<4x512xi32, #tpu.memory_space<hbm>>
      %dma_wait3A_60 = arith.constant 0 : i32
      %dma_wait3A_61 = arith.constant 0 : i32
      %dma_wait3A_62 = tpu.memref_slice %arg3[%dma_wait3A, %dma_wait3A_60, %dma_wait3A_61] : memref<2x3136x512xi32, #tpu.memory_space<hbm>> -> memref<1x3136x512xi32, #tpu.memory_space<hbm>>
      %dma_wait3A_63 = tpu.memref_squeeze %dma_wait3A_62 : memref<1x3136x512xi32, #tpu.memory_space<hbm>> -> memref<3136x512xi32, #tpu.memory_space<hbm>>
      %dma_wait3A_64 = arith.constant 0 : i32
      %dma_wait3A_65 = tpu.memref_slice %dma_wait3A_63[%add3A_28, %dma_wait3A_64] : memref<3136x512xi32, #tpu.memory_space<hbm>> -> memref<4x512xi32, #tpu.memory_space<hbm>>
      tpu.wait_dma2 semaphore(%arg9 : memref<!tpu.dma_semaphore, #tpu.memory_space<semaphore_mem>>) src(%dma_wait3A_65 : memref<4x512xi32, #tpu.memory_space<hbm>>) dst(%arg5 : memref<4x512xi32, #tpu.memory_space<vmem>>)
      %dma_wait3A_66 = arith.constant 1 : i32
      %dma_wait3A_67 = arith.constant 0 : i32
      %dma_wait3A_68 = arith.constant 0 : i32
      %dma_wait3A_69 = tpu.memref_slice %arg3[%dma_wait3A_66, %dma_wait3A_67, %dma_wait3A_68] : memref<2x3136x512xi32, #tpu.memory_space<hbm>> -> memref<1x3136x512xi32, #tpu.memory_space<hbm>>
      %dma_wait3A_70 = tpu.memref_squeeze %dma_wait3A_69 : memref<1x3136x512xi32, #tpu.memory_space<hbm>> -> memref<3136x512xi32, #tpu.memory_space<hbm>>
      %dma_wait3A_71 = arith.constant 0 : i32
      %dma_wait3A_72 = tpu.memref_slice %dma_wait3A_70[%add3A_28, %dma_wait3A_71] : memref<3136x512xi32, #tpu.memory_space<hbm>> -> memref<4x512xi32, #tpu.memory_space<hbm>>
      %dma_wait3A_73 = arith.constant 0 : i32
      %dma_wait3A_74 = arith.constant 0 : i32
      %dma_wait3A_75 = tpu.memref_slice %arg3[%dma_wait3A_66, %dma_wait3A_73, %dma_wait3A_74] : memref<2x3136x512xi32, #tpu.memory_space<hbm>> -> memref<1x3136x512xi32, #tpu.memory_space<hbm>>
      %dma_wait3A_76 = tpu.memref_squeeze %dma_wait3A_75 : memref<1x3136x512xi32, #tpu.memory_space<hbm>> -> memref<3136x512xi32, #tpu.memory_space<hbm>>
      %dma_wait3A_77 = arith.constant 0 : i32
      %dma_wait3A_78 = tpu.memref_slice %dma_wait3A_76[%add3A_28, %dma_wait3A_77] : memref<3136x512xi32, #tpu.memory_space<hbm>> -> memref<4x512xi32, #tpu.memory_space<hbm>>
      tpu.wait_dma2 semaphore(%arg9 : memref<!tpu.dma_semaphore, #tpu.memory_space<semaphore_mem>>) src(%dma_wait3A_78 : memref<4x512xi32, #tpu.memory_space<hbm>>) dst(%arg6 : memref<4x512xi32, #tpu.memory_space<vmem>>)
      %dma_start3A_79 = arith.constant 0 : i32
      %dma_start3A_80 = arith.constant 0 : i32
      %dma_start3A_81 = arith.constant 0 : i32
      %dma_start3A_82 = arith.constant 0 : i32
      %dma_start3A_83 = tpu.memref_slice %arg7[%dma_start3A_80, %dma_start3A_81, %dma_start3A_82] : memref<3x512x16xf32, #tpu.memory_space<vmem>> -> memref<1x512x16xf32, #tpu.memory_space<vmem>>
      %dma_start3A_84 = tpu.memref_squeeze %dma_start3A_83 : memref<1x512x16xf32, #tpu.memory_space<vmem>> -> memref<512x16xf32, #tpu.memory_space<vmem>>
      %dma_start3A_85 = arith.constant 0 : i32
      %dma_start3A_86 = tpu.memref_slice %arg5[%dma_start3A_79, %dma_start3A_85] : memref<4x512xi32, #tpu.memory_space<vmem>> -> memref<1x512xi32, #tpu.memory_space<vmem>>
      %dma_start3A_87 = tpu.memref_squeeze %dma_start3A_86 : memref<1x512xi32, #tpu.memory_space<vmem>> -> memref<512xi32, #tpu.memory_space<vmem>>
      %dma_start3A_88 = arith.constant 0 : i32
      %dma_start3A_89 = arith.constant 0 : i32
      %dma_start3A_90 = tpu.memref_slice %arg2[%add3A_3, %dma_start3A_88, %dma_start3A_89] : memref<4x100352x16xf32, #tpu.memory_space<hbm>> -> memref<1x100352x16xf32, #tpu.memory_space<hbm>>
      %dma_start3A_91 = tpu.memref_squeeze %dma_start3A_90 : memref<1x100352x16xf32, #tpu.memory_space<hbm>> -> memref<100352x16xf32, #tpu.memory_space<hbm>>
      %dma_start3A_92 = arith.constant 0 : i32
      %dma_start3A_93 = arith.constant 0 : i32
      %dma_start3A_94 = tpu.memref_slice %dma_start3A_91[%dma_start3A_92, %dma_start3A_93] : memref<100352x16xf32, #tpu.memory_space<hbm>> -> memref<100352x16xf32, #tpu.memory_space<hbm>>
      tpu.enqueue_indirect_dma source(%dma_start3A_94 : memref<100352x16xf32, #tpu.memory_space<hbm>>) target(%dma_start3A_84 : memref<512x16xf32, #tpu.memory_space<vmem>>) offsets(%dma_start3A_87 : memref<512xi32, #tpu.memory_space<vmem>>) semaphore(%arg9 : memref<!tpu.dma_semaphore, #tpu.memory_space<semaphore_mem>>)
      %dma_start3A_95 = arith.constant 1 : i32
      %dma_start3A_96 = arith.constant 1 : i32
      %dma_start3A_97 = arith.constant 0 : i32
      %dma_start3A_98 = arith.constant 0 : i32
      %dma_start3A_99 = tpu.memref_slice %arg7[%dma_start3A_96, %dma_start3A_97, %dma_start3A_98] : memref<3x512x16xf32, #tpu.memory_space<vmem>> -> memref<1x512x16xf32, #tpu.memory_space<vmem>>
      %dma_start3A_100 = tpu.memref_squeeze %dma_start3A_99 : memref<1x512x16xf32, #tpu.memory_space<vmem>> -> memref<512x16xf32, #tpu.memory_space<vmem>>
      %dma_start3A_101 = arith.constant 0 : i32
      %dma_start3A_102 = tpu.memref_slice %arg5[%dma_start3A_95, %dma_start3A_101] : memref<4x512xi32, #tpu.memory_space<vmem>> -> memref<1x512xi32, #tpu.memory_space<vmem>>
      %dma_start3A_103 = tpu.memref_squeeze %dma_start3A_102 : memref<1x512xi32, #tpu.memory_space<vmem>> -> memref<512xi32, #tpu.memory_space<vmem>>
      %dma_start3A_104 = arith.constant 0 : i32
      %dma_start3A_105 = arith.constant 0 : i32
      %dma_start3A_106 = tpu.memref_slice %arg2[%add3A_3, %dma_start3A_104, %dma_start3A_105] : memref<4x100352x16xf32, #tpu.memory_space<hbm>> -> memref<1x100352x16xf32, #tpu.memory_space<hbm>>
      %dma_start3A_107 = tpu.memref_squeeze %dma_start3A_106 : memref<1x100352x16xf32, #tpu.memory_space<hbm>> -> memref<100352x16xf32, #tpu.memory_space<hbm>>
      %dma_start3A_108 = arith.constant 0 : i32
      %dma_start3A_109 = arith.constant 0 : i32
      %dma_start3A_110 = tpu.memref_slice %dma_start3A_107[%dma_start3A_108, %dma_start3A_109] : memref<100352x16xf32, #tpu.memory_space<hbm>> -> memref<100352x16xf32, #tpu.memory_space<hbm>>
      tpu.enqueue_indirect_dma source(%dma_start3A_110 : memref<100352x16xf32, #tpu.memory_space<hbm>>) target(%dma_start3A_100 : memref<512x16xf32, #tpu.memory_space<vmem>>) offsets(%dma_start3A_103 : memref<512xi32, #tpu.memory_space<vmem>>) semaphore(%arg9 : memref<!tpu.dma_semaphore, #tpu.memory_space<semaphore_mem>>)
      %dma_wait3A_111 = arith.constant 0 : i32
      %dma_wait3A_112 = arith.constant 0 : i32
      %dma_wait3A_113 = arith.constant 0 : i32
      %dma_wait3A_114 = arith.constant 0 : i32
      %dma_wait3A_115 = tpu.memref_slice %arg7[%dma_wait3A_112, %dma_wait3A_113, %dma_wait3A_114] : memref<3x512x16xf32, #tpu.memory_space<vmem>> -> memref<1x512x16xf32, #tpu.memory_space<vmem>>
      %dma_wait3A_116 = tpu.memref_squeeze %dma_wait3A_115 : memref<1x512x16xf32, #tpu.memory_space<vmem>> -> memref<512x16xf32, #tpu.memory_space<vmem>>
      %dma_wait3A_117 = arith.constant 0 : i32
      %dma_wait3A_118 = tpu.memref_slice %arg5[%dma_wait3A_111, %dma_wait3A_117] : memref<4x512xi32, #tpu.memory_space<vmem>> -> memref<1x512xi32, #tpu.memory_space<vmem>>
      %dma_wait3A_119 = tpu.memref_squeeze %dma_wait3A_118 : memref<1x512xi32, #tpu.memory_space<vmem>> -> memref<512xi32, #tpu.memory_space<vmem>>
      %dma_wait3A_120 = arith.constant 0 : i32
      %dma_wait3A_121 = arith.constant 0 : i32
      %dma_wait3A_122 = tpu.memref_slice %arg2[%add3A_3, %dma_wait3A_120, %dma_wait3A_121] : memref<4x100352x16xf32, #tpu.memory_space<hbm>> -> memref<1x100352x16xf32, #tpu.memory_space<hbm>>
      %dma_wait3A_123 = tpu.memref_squeeze %dma_wait3A_122 : memref<1x100352x16xf32, #tpu.memory_space<hbm>> -> memref<100352x16xf32, #tpu.memory_space<hbm>>
      %dma_wait3A_124 = arith.constant 0 : i32
      %dma_wait3A_125 = arith.constant 0 : i32
      %dma_wait3A_126 = tpu.memref_slice %dma_wait3A_123[%dma_wait3A_124, %dma_wait3A_125] : memref<100352x16xf32, #tpu.memory_space<hbm>> -> memref<100352x16xf32, #tpu.memory_space<hbm>>
      tpu.wait_indirect_dma semaphore(%arg9 : memref<!tpu.dma_semaphore, #tpu.memory_space<semaphore_mem>>) src(%dma_wait3A_126 : memref<100352x16xf32, #tpu.memory_space<hbm>>) dst(%dma_wait3A_116 : memref<512x16xf32, #tpu.memory_space<vmem>>)
      %dma_start3A_127 = arith.constant 0 : i32
      %dma_start3A_128 = arith.constant 0 : i32
      %dma_start3A_129 = arith.constant 0 : i32
      %dma_start3A_130 = arith.constant 0 : i32
      %dma_start3A_131 = tpu.memref_slice %arg7[%dma_start3A_127, %dma_start3A_129, %dma_start3A_130] : memref<3x512x16xf32, #tpu.memory_space<vmem>> -> memref<1x512x16xf32, #tpu.memory_space<vmem>>
      %dma_start3A_132 = tpu.memref_squeeze %dma_start3A_131 : memref<1x512x16xf32, #tpu.memory_space<vmem>> -> memref<512x16xf32, #tpu.memory_space<vmem>>
      %dma_start3A_133 = arith.constant 0 : i32
      %dma_start3A_134 = tpu.memref_slice %arg6[%dma_start3A_128, %dma_start3A_133] : memref<4x512xi32, #tpu.memory_space<vmem>> -> memref<1x512xi32, #tpu.memory_space<vmem>>
      %dma_start3A_135 = tpu.memref_squeeze %dma_start3A_134 : memref<1x512xi32, #tpu.memory_space<vmem>> -> memref<512xi32, #tpu.memory_space<vmem>>
      %dma_start3A_136 = arith.constant 0 : i32
      %dma_start3A_137 = arith.constant 0 : i32
      %dma_start3A_138 = tpu.memref_slice %arg8[%dma_start3A_136, %dma_start3A_137] : memref<100352x16xf32, #tpu.memory_space<vmem_shared>> -> memref<100352x16xf32, #tpu.memory_space<vmem_shared>>
      tpu.enqueue_indirect_dma source(%dma_start3A_132 : memref<512x16xf32, #tpu.memory_space<vmem>>) target(%dma_start3A_138 : memref<100352x16xf32, #tpu.memory_space<vmem_shared>>) offsets(%dma_start3A_135 : memref<512xi32, #tpu.memory_space<vmem>>) semaphore(%arg10 : memref<!tpu.dma_semaphore, #tpu.memory_space<semaphore_mem>>) {add = true}
      %dma_start3A_139 = arith.constant 2 : i32
      %dma_start3A_140 = arith.constant 2 : i32
      %dma_start3A_141 = arith.constant 0 : i32
      %dma_start3A_142 = arith.constant 0 : i32
      %dma_start3A_143 = tpu.memref_slice %arg7[%dma_start3A_140, %dma_start3A_141, %dma_start3A_142] : memref<3x512x16xf32, #tpu.memory_space<vmem>> -> memref<1x512x16xf32, #tpu.memory_space<vmem>>
      %dma_start3A_144 = tpu.memref_squeeze %dma_start3A_143 : memref<1x512x16xf32, #tpu.memory_space<vmem>> -> memref<512x16xf32, #tpu.memory_space<vmem>>
      %dma_start3A_145 = arith.constant 0 : i32
      %dma_start3A_146 = tpu.memref_slice %arg5[%dma_start3A_139, %dma_start3A_145] : memref<4x512xi32, #tpu.memory_space<vmem>> -> memref<1x512xi32, #tpu.memory_space<vmem>>
      %dma_start3A_147 = tpu.memref_squeeze %dma_start3A_146 : memref<1x512xi32, #tpu.memory_space<vmem>> -> memref<512xi32, #tpu.memory_space<vmem>>
      %dma_start3A_148 = arith.constant 0 : i32
      %dma_start3A_149 = arith.constant 0 : i32
      %dma_start3A_150 = tpu.memref_slice %arg2[%add3A_3, %dma_start3A_148, %dma_start3A_149] : memref<4x100352x16xf32, #tpu.memory_space<hbm>> -> memref<1x100352x16xf32, #tpu.memory_space<hbm>>
      %dma_start3A_151 = tpu.memref_squeeze %dma_start3A_150 : memref<1x100352x16xf32, #tpu.memory_space<hbm>> -> memref<100352x16xf32, #tpu.memory_space<hbm>>
      %dma_start3A_152 = arith.constant 0 : i32
      %dma_start3A_153 = arith.constant 0 : i32
      %dma_start3A_154 = tpu.memref_slice %dma_start3A_151[%dma_start3A_152, %dma_start3A_153] : memref<100352x16xf32, #tpu.memory_space<hbm>> -> memref<100352x16xf32, #tpu.memory_space<hbm>>
      tpu.enqueue_indirect_dma source(%dma_start3A_154 : memref<100352x16xf32, #tpu.memory_space<hbm>>) target(%dma_start3A_144 : memref<512x16xf32, #tpu.memory_space<vmem>>) offsets(%dma_start3A_147 : memref<512xi32, #tpu.memory_space<vmem>>) semaphore(%arg9 : memref<!tpu.dma_semaphore, #tpu.memory_space<semaphore_mem>>)
      %dma_wait3A_155 = arith.constant 1 : i32
      %dma_wait3A_156 = arith.constant 1 : i32
      %dma_wait3A_157 = arith.constant 0 : i32
      %dma_wait3A_158 = arith.constant 0 : i32
      %dma_wait3A_159 = tpu.memref_slice %arg7[%dma_wait3A_156, %dma_wait3A_157, %dma_wait3A_158] : memref<3x512x16xf32, #tpu.memory_space<vmem>> -> memref<1x512x16xf32, #tpu.memory_space<vmem>>
      %dma_wait3A_160 = tpu.memref_squeeze %dma_wait3A_159 : memref<1x512x16xf32, #tpu.memory_space<vmem>> -> memref<512x16xf32, #tpu.memory_space<vmem>>
      %dma_wait3A_161 = arith.constant 0 : i32
      %dma_wait3A_162 = tpu.memref_slice %arg5[%dma_wait3A_155, %dma_wait3A_161] : memref<4x512xi32, #tpu.memory_space<vmem>> -> memref<1x512xi32, #tpu.memory_space<vmem>>
      %dma_wait3A_163 = tpu.memref_squeeze %dma_wait3A_162 : memref<1x512xi32, #tpu.memory_space<vmem>> -> memref<512xi32, #tpu.memory_space<vmem>>
      %dma_wait3A_164 = arith.constant 0 : i32
      %dma_wait3A_165 = arith.constant 0 : i32
      %dma_wait3A_166 = tpu.memref_slice %arg2[%add3A_3, %dma_wait3A_164, %dma_wait3A_165] : memref<4x100352x16xf32, #tpu.memory_space<hbm>> -> memref<1x100352x16xf32, #tpu.memory_space<hbm>>
      %dma_wait3A_167 = tpu.memref_squeeze %dma_wait3A_166 : memref<1x100352x16xf32, #tpu.memory_space<hbm>> -> memref<100352x16xf32, #tpu.memory_space<hbm>>
      %dma_wait3A_168 = arith.constant 0 : i32
      %dma_wait3A_169 = arith.constant 0 : i32
      %dma_wait3A_170 = tpu.memref_slice %dma_wait3A_167[%dma_wait3A_168, %dma_wait3A_169] : memref<100352x16xf32, #tpu.memory_space<hbm>> -> memref<100352x16xf32, #tpu.memory_space<hbm>>
      tpu.wait_indirect_dma semaphore(%arg9 : memref<!tpu.dma_semaphore, #tpu.memory_space<semaphore_mem>>) src(%dma_wait3A_170 : memref<100352x16xf32, #tpu.memory_space<hbm>>) dst(%dma_wait3A_160 : memref<512x16xf32, #tpu.memory_space<vmem>>)
      %dma_start3A_171 = arith.constant 1 : i32
      %dma_start3A_172 = arith.constant 1 : i32
      %dma_start3A_173 = arith.constant 0 : i32
      %dma_start3A_174 = arith.constant 0 : i32
      %dma_start3A_175 = tpu.memref_slice %arg7[%dma_start3A_171, %dma_start3A_173, %dma_start3A_174] : memref<3x512x16xf32, #tpu.memory_space<vmem>> -> memref<1x512x16xf32, #tpu.memory_space<vmem>>
      %dma_start3A_176 = tpu.memref_squeeze %dma_start3A_175 : memref<1x512x16xf32, #tpu.memory_space<vmem>> -> memref<512x16xf32, #tpu.memory_space<vmem>>
      %dma_start3A_177 = arith.constant 0 : i32
      %dma_start3A_178 = tpu.memref_slice %arg6[%dma_start3A_172, %dma_start3A_177] : memref<4x512xi32, #tpu.memory_space<vmem>> -> memref<1x512xi32, #tpu.memory_space<vmem>>
      %dma_start3A_179 = tpu.memref_squeeze %dma_start3A_178 : memref<1x512xi32, #tpu.memory_space<vmem>> -> memref<512xi32, #tpu.memory_space<vmem>>
      %dma_start3A_180 = arith.constant 0 : i32
      %dma_start3A_181 = arith.constant 0 : i32
      %dma_start3A_182 = tpu.memref_slice %arg8[%dma_start3A_180, %dma_start3A_181] : memref<100352x16xf32, #tpu.memory_space<vmem_shared>> -> memref<100352x16xf32, #tpu.memory_space<vmem_shared>>
      tpu.enqueue_indirect_dma source(%dma_start3A_176 : memref<512x16xf32, #tpu.memory_space<vmem>>) target(%dma_start3A_182 : memref<100352x16xf32, #tpu.memory_space<vmem_shared>>) offsets(%dma_start3A_179 : memref<512xi32, #tpu.memory_space<vmem>>) semaphore(%arg10 : memref<!tpu.dma_semaphore, #tpu.memory_space<semaphore_mem>>) {add = true}
      %dma_wait3A_183 = arith.constant 0 : i32
      %dma_wait3A_184 = arith.constant 0 : i32
      %dma_wait3A_185 = arith.constant 0 : i32
      %dma_wait3A_186 = arith.constant 0 : i32
      %dma_wait3A_187 = tpu.memref_slice %arg7[%dma_wait3A_183, %dma_wait3A_185, %dma_wait3A_186] : memref<3x512x16xf32, #tpu.memory_space<vmem>> -> memref<1x512x16xf32, #tpu.memory_space<vmem>>
      %dma_wait3A_188 = tpu.memref_squeeze %dma_wait3A_187 : memref<1x512x16xf32, #tpu.memory_space<vmem>> -> memref<512x16xf32, #tpu.memory_space<vmem>>
      %dma_wait3A_189 = arith.constant 0 : i32
      %dma_wait3A_190 = tpu.memref_slice %arg6[%dma_wait3A_184, %dma_wait3A_189] : memref<4x512xi32, #tpu.memory_space<vmem>> -> memref<1x512xi32, #tpu.memory_space<vmem>>
      %dma_wait3A_191 = tpu.memref_squeeze %dma_wait3A_190 : memref<1x512xi32, #tpu.memory_space<vmem>> -> memref<512xi32, #tpu.memory_space<vmem>>
      %dma_wait3A_192 = arith.constant 0 : i32
      %dma_wait3A_193 = arith.constant 0 : i32
      %dma_wait3A_194 = tpu.memref_slice %arg8[%dma_wait3A_192, %dma_wait3A_193] : memref<100352x16xf32, #tpu.memory_space<vmem_shared>> -> memref<100352x16xf32, #tpu.memory_space<vmem_shared>>
      tpu.wait_indirect_dma semaphore(%arg10 : memref<!tpu.dma_semaphore, #tpu.memory_space<semaphore_mem>>) src(%dma_wait3A_188 : memref<512x16xf32, #tpu.memory_space<vmem>>) dst(%dma_wait3A_194 : memref<100352x16xf32, #tpu.memory_space<vmem_shared>>)
      %dma_start3A_195 = arith.constant 3 : i32
      %dma_start3A_196 = arith.constant 0 : i32
      %dma_start3A_197 = arith.constant 0 : i32
      %dma_start3A_198 = arith.constant 0 : i32
      %dma_start3A_199 = tpu.memref_slice %arg7[%dma_start3A_196, %dma_start3A_197, %dma_start3A_198] : memref<3x512x16xf32, #tpu.memory_space<vmem>> -> memref<1x512x16xf32, #tpu.memory_space<vmem>>
      %dma_start3A_200 = tpu.memref_squeeze %dma_start3A_199 : memref<1x512x16xf32, #tpu.memory_space<vmem>> -> memref<512x16xf32, #tpu.memory_space<vmem>>
      %dma_start3A_201 = arith.constant 0 : i32
      %dma_start3A_202 = tpu.memref_slice %arg5[%dma_start3A_195, %dma_start3A_201] : memref<4x512xi32, #tpu.memory_space<vmem>> -> memref<1x512xi32, #tpu.memory_space<vmem>>
      %dma_start3A_203 = tpu.memref_squeeze %dma_start3A_202 : memref<1x512xi32, #tpu.memory_space<vmem>> -> memref<512xi32, #tpu.memory_space<vmem>>
      %dma_start3A_204 = arith.constant 0 : i32
      %dma_start3A_205 = arith.constant 0 : i32
      %dma_start3A_206 = tpu.memref_slice %arg2[%add3A_3, %dma_start3A_204, %dma_start3A_205] : memref<4x100352x16xf32, #tpu.memory_space<hbm>> -> memref<1x100352x16xf32, #tpu.memory_space<hbm>>
      %dma_start3A_207 = tpu.memref_squeeze %dma_start3A_206 : memref<1x100352x16xf32, #tpu.memory_space<hbm>> -> memref<100352x16xf32, #tpu.memory_space<hbm>>
      %dma_start3A_208 = arith.constant 0 : i32
      %dma_start3A_209 = arith.constant 0 : i32
      %dma_start3A_210 = tpu.memref_slice %dma_start3A_207[%dma_start3A_208, %dma_start3A_209] : memref<100352x16xf32, #tpu.memory_space<hbm>> -> memref<100352x16xf32, #tpu.memory_space<hbm>>
      tpu.enqueue_indirect_dma source(%dma_start3A_210 : memref<100352x16xf32, #tpu.memory_space<hbm>>) target(%dma_start3A_200 : memref<512x16xf32, #tpu.memory_space<vmem>>) offsets(%dma_start3A_203 : memref<512xi32, #tpu.memory_space<vmem>>) semaphore(%arg9 : memref<!tpu.dma_semaphore, #tpu.memory_space<semaphore_mem>>)
      %dma_wait3A_211 = arith.constant 2 : i32
      %dma_wait3A_212 = arith.constant 2 : i32
      %dma_wait3A_213 = arith.constant 0 : i32
      %dma_wait3A_214 = arith.constant 0 : i32
      %dma_wait3A_215 = tpu.memref_slice %arg7[%dma_wait3A_212, %dma_wait3A_213, %dma_wait3A_214] : memref<3x512x16xf32, #tpu.memory_space<vmem>> -> memref<1x512x16xf32, #tpu.memory_space<vmem>>
      %dma_wait3A_216 = tpu.memref_squeeze %dma_wait3A_215 : memref<1x512x16xf32, #tpu.memory_space<vmem>> -> memref<512x16xf32, #tpu.memory_space<vmem>>
      %dma_wait3A_217 = arith.constant 0 : i32
      %dma_wait3A_218 = tpu.memref_slice %arg5[%dma_wait3A_211, %dma_wait3A_217] : memref<4x512xi32, #tpu.memory_space<vmem>> -> memref<1x512xi32, #tpu.memory_space<vmem>>
      %dma_wait3A_219 = tpu.memref_squeeze %dma_wait3A_218 : memref<1x512xi32, #tpu.memory_space<vmem>> -> memref<512xi32, #tpu.memory_space<vmem>>
      %dma_wait3A_220 = arith.constant 0 : i32
      %dma_wait3A_221 = arith.constant 0 : i32
      %dma_wait3A_222 = tpu.memref_slice %arg2[%add3A_3, %dma_wait3A_220, %dma_wait3A_221] : memref<4x100352x16xf32, #tpu.memory_space<hbm>> -> memref<1x100352x16xf32, #tpu.memory_space<hbm>>
      %dma_wait3A_223 = tpu.memref_squeeze %dma_wait3A_222 : memref<1x100352x16xf32, #tpu.memory_space<hbm>> -> memref<100352x16xf32, #tpu.memory_space<hbm>>
      %dma_wait3A_224 = arith.constant 0 : i32
      %dma_wait3A_225 = arith.constant 0 : i32
      %dma_wait3A_226 = tpu.memref_slice %dma_wait3A_223[%dma_wait3A_224, %dma_wait3A_225] : memref<100352x16xf32, #tpu.memory_space<hbm>> -> memref<100352x16xf32, #tpu.memory_space<hbm>>
      tpu.wait_indirect_dma semaphore(%arg9 : memref<!tpu.dma_semaphore, #tpu.memory_space<semaphore_mem>>) src(%dma_wait3A_226 : memref<100352x16xf32, #tpu.memory_space<hbm>>) dst(%dma_wait3A_216 : memref<512x16xf32, #tpu.memory_space<vmem>>)
      %dma_start3A_227 = arith.constant 2 : i32
      %dma_start3A_228 = arith.constant 2 : i32
      %dma_start3A_229 = arith.constant 0 : i32
      %dma_start3A_230 = arith.constant 0 : i32
      %dma_start3A_231 = tpu.memref_slice %arg7[%dma_start3A_227, %dma_start3A_229, %dma_start3A_230] : memref<3x512x16xf32, #tpu.memory_space<vmem>> -> memref<1x512x16xf32, #tpu.memory_space<vmem>>
      %dma_start3A_232 = tpu.memref_squeeze %dma_start3A_231 : memref<1x512x16xf32, #tpu.memory_space<vmem>> -> memref<512x16xf32, #tpu.memory_space<vmem>>
      %dma_start3A_233 = arith.constant 0 : i32
      %dma_start3A_234 = tpu.memref_slice %arg6[%dma_start3A_228, %dma_start3A_233] : memref<4x512xi32, #tpu.memory_space<vmem>> -> memref<1x512xi32, #tpu.memory_space<vmem>>
      %dma_start3A_235 = tpu.memref_squeeze %dma_start3A_234 : memref<1x512xi32, #tpu.memory_space<vmem>> -> memref<512xi32, #tpu.memory_space<vmem>>
      %dma_start3A_236 = arith.constant 0 : i32
      %dma_start3A_237 = arith.constant 0 : i32
      %dma_start3A_238 = tpu.memref_slice %arg8[%dma_start3A_236, %dma_start3A_237] : memref<100352x16xf32, #tpu.memory_space<vmem_shared>> -> memref<100352x16xf32, #tpu.memory_space<vmem_shared>>
      tpu.enqueue_indirect_dma source(%dma_start3A_232 : memref<512x16xf32, #tpu.memory_space<vmem>>) target(%dma_start3A_238 : memref<100352x16xf32, #tpu.memory_space<vmem_shared>>) offsets(%dma_start3A_235 : memref<512xi32, #tpu.memory_space<vmem>>) semaphore(%arg10 : memref<!tpu.dma_semaphore, #tpu.memory_space<semaphore_mem>>) {add = true}
      %dma_wait3A_239 = arith.constant 3 : i32
      %dma_wait3A_240 = arith.constant 0 : i32
      %dma_wait3A_241 = arith.constant 0 : i32
      %dma_wait3A_242 = arith.constant 0 : i32
      %dma_wait3A_243 = tpu.memref_slice %arg7[%dma_wait3A_240, %dma_wait3A_241, %dma_wait3A_242] : memref<3x512x16xf32, #tpu.memory_space<vmem>> -> memref<1x512x16xf32, #tpu.memory_space<vmem>>
      %dma_wait3A_244 = tpu.memref_squeeze %dma_wait3A_243 : memref<1x512x16xf32, #tpu.memory_space<vmem>> -> memref<512x16xf32, #tpu.memory_space<vmem>>
      %dma_wait3A_245 = arith.constant 0 : i32
      %dma_wait3A_246 = tpu.memref_slice %arg5[%dma_wait3A_239, %dma_wait3A_245] : memref<4x512xi32, #tpu.memory_space<vmem>> -> memref<1x512xi32, #tpu.memory_space<vmem>>
      %dma_wait3A_247 = tpu.memref_squeeze %dma_wait3A_246 : memref<1x512xi32, #tpu.memory_space<vmem>> -> memref<512xi32, #tpu.memory_space<vmem>>
      %dma_wait3A_248 = arith.constant 0 : i32
      %dma_wait3A_249 = arith.constant 0 : i32
      %dma_wait3A_250 = tpu.memref_slice %arg2[%add3A_3, %dma_wait3A_248, %dma_wait3A_249] : memref<4x100352x16xf32, #tpu.memory_space<hbm>> -> memref<1x100352x16xf32, #tpu.memory_space<hbm>>
      %dma_wait3A_251 = tpu.memref_squeeze %dma_wait3A_250 : memref<1x100352x16xf32, #tpu.memory_space<hbm>> -> memref<100352x16xf32, #tpu.memory_space<hbm>>
      %dma_wait3A_252 = arith.constant 0 : i32
      %dma_wait3A_253 = arith.constant 0 : i32
      %dma_wait3A_254 = tpu.memref_slice %dma_wait3A_251[%dma_wait3A_252, %dma_wait3A_253] : memref<100352x16xf32, #tpu.memory_space<hbm>> -> memref<100352x16xf32, #tpu.memory_space<hbm>>
      tpu.wait_indirect_dma semaphore(%arg9 : memref<!tpu.dma_semaphore, #tpu.memory_space<semaphore_mem>>) src(%dma_wait3A_254 : memref<100352x16xf32, #tpu.memory_space<hbm>>) dst(%dma_wait3A_244 : memref<512x16xf32, #tpu.memory_space<vmem>>)
      %dma_start3A_255 = arith.constant 0 : i32
      %dma_start3A_256 = arith.constant 3 : i32
      %dma_start3A_257 = arith.constant 0 : i32
      %dma_start3A_258 = arith.constant 0 : i32
      %dma_start3A_259 = tpu.memref_slice %arg7[%dma_start3A_255, %dma_start3A_257, %dma_start3A_258] : memref<3x512x16xf32, #tpu.memory_space<vmem>> -> memref<1x512x16xf32, #tpu.memory_space<vmem>>
      %dma_start3A_260 = tpu.memref_squeeze %dma_start3A_259 : memref<1x512x16xf32, #tpu.memory_space<vmem>> -> memref<512x16xf32, #tpu.memory_space<vmem>>
      %dma_start3A_261 = arith.constant 0 : i32
      %dma_start3A_262 = tpu.memref_slice %arg6[%dma_start3A_256, %dma_start3A_261] : memref<4x512xi32, #tpu.memory_space<vmem>> -> memref<1x512xi32, #tpu.memory_space<vmem>>
      %dma_start3A_263 = tpu.memref_squeeze %dma_start3A_262 : memref<1x512xi32, #tpu.memory_space<vmem>> -> memref<512xi32, #tpu.memory_space<vmem>>
      %dma_start3A_264 = arith.constant 0 : i32
      %dma_start3A_265 = arith.constant 0 : i32
      %dma_start3A_266 = tpu.memref_slice %arg8[%dma_start3A_264, %dma_start3A_265] : memref<100352x16xf32, #tpu.memory_space<vmem_shared>> -> memref<100352x16xf32, #tpu.memory_space<vmem_shared>>
      tpu.enqueue_indirect_dma source(%dma_start3A_260 : memref<512x16xf32, #tpu.memory_space<vmem>>) target(%dma_start3A_266 : memref<100352x16xf32, #tpu.memory_space<vmem_shared>>) offsets(%dma_start3A_263 : memref<512xi32, #tpu.memory_space<vmem>>) semaphore(%arg10 : memref<!tpu.dma_semaphore, #tpu.memory_space<semaphore_mem>>) {add = true}
      %dma_wait3A_267 = arith.constant 1 : i32
      %dma_wait3A_268 = arith.constant 1 : i32
      %dma_wait3A_269 = arith.constant 0 : i32
      %dma_wait3A_270 = arith.constant 0 : i32
      %dma_wait3A_271 = tpu.memref_slice %arg7[%dma_wait3A_267, %dma_wait3A_269, %dma_wait3A_270] : memref<3x512x16xf32, #tpu.memory_space<vmem>> -> memref<1x512x16xf32, #tpu.memory_space<vmem>>
      %dma_wait3A_272 = tpu.memref_squeeze %dma_wait3A_271 : memref<1x512x16xf32, #tpu.memory_space<vmem>> -> memref<512x16xf32, #tpu.memory_space<vmem>>
      %dma_wait3A_273 = arith.constant 0 : i32
      %dma_wait3A_274 = tpu.memref_slice %arg6[%dma_wait3A_268, %dma_wait3A_273] : memref<4x512xi32, #tpu.memory_space<vmem>> -> memref<1x512xi32, #tpu.memory_space<vmem>>
      %dma_wait3A_275 = tpu.memref_squeeze %dma_wait3A_274 : memref<1x512xi32, #tpu.memory_space<vmem>> -> memref<512xi32, #tpu.memory_space<vmem>>
      %dma_wait3A_276 = arith.constant 0 : i32
      %dma_wait3A_277 = arith.constant 0 : i32
      %dma_wait3A_278 = tpu.memref_slice %arg8[%dma_wait3A_276, %dma_wait3A_277] : memref<100352x16xf32, #tpu.memory_space<vmem_shared>> -> memref<100352x16xf32, #tpu.memory_space<vmem_shared>>
      tpu.wait_indirect_dma semaphore(%arg10 : memref<!tpu.dma_semaphore, #tpu.memory_space<semaphore_mem>>) src(%dma_wait3A_272 : memref<512x16xf32, #tpu.memory_space<vmem>>) dst(%dma_wait3A_278 : memref<100352x16xf32, #tpu.memory_space<vmem_shared>>)
      %dma_wait3A_279 = arith.constant 2 : i32
      %dma_wait3A_280 = arith.constant 2 : i32
      %dma_wait3A_281 = arith.constant 0 : i32
      %dma_wait3A_282 = arith.constant 0 : i32
      %dma_wait3A_283 = tpu.memref_slice %arg7[%dma_wait3A_279, %dma_wait3A_281, %dma_wait3A_282] : memref<3x512x16xf32, #tpu.memory_space<vmem>> -> memref<1x512x16xf32, #tpu.memory_space<vmem>>
      %dma_wait3A_284 = tpu.memref_squeeze %dma_wait3A_283 : memref<1x512x16xf32, #tpu.memory_space<vmem>> -> memref<512x16xf32, #tpu.memory_space<vmem>>
      %dma_wait3A_285 = arith.constant 0 : i32
      %dma_wait3A_286 = tpu.memref_slice %arg6[%dma_wait3A_280, %dma_wait3A_285] : memref<4x512xi32, #tpu.memory_space<vmem>> -> memref<1x512xi32, #tpu.memory_space<vmem>>
      %dma_wait3A_287 = tpu.memref_squeeze %dma_wait3A_286 : memref<1x512xi32, #tpu.memory_space<vmem>> -> memref<512xi32, #tpu.memory_space<vmem>>
      %dma_wait3A_288 = arith.constant 0 : i32
      %dma_wait3A_289 = arith.constant 0 : i32
      %dma_wait3A_290 = tpu.memref_slice %arg8[%dma_wait3A_288, %dma_wait3A_289] : memref<100352x16xf32, #tpu.memory_space<vmem_shared>> -> memref<100352x16xf32, #tpu.memory_space<vmem_shared>>
      tpu.wait_indirect_dma semaphore(%arg10 : memref<!tpu.dma_semaphore, #tpu.memory_space<semaphore_mem>>) src(%dma_wait3A_284 : memref<512x16xf32, #tpu.memory_space<vmem>>) dst(%dma_wait3A_290 : memref<100352x16xf32, #tpu.memory_space<vmem_shared>>)
      %dma_wait3A_291 = arith.constant 0 : i32
      %dma_wait3A_292 = arith.constant 3 : i32
      %dma_wait3A_293 = arith.constant 0 : i32
      %dma_wait3A_294 = arith.constant 0 : i32
      %dma_wait3A_295 = tpu.memref_slice %arg7[%dma_wait3A_291, %dma_wait3A_293, %dma_wait3A_294] : memref<3x512x16xf32, #tpu.memory_space<vmem>> -> memref<1x512x16xf32, #tpu.memory_space<vmem>>
      %dma_wait3A_296 = tpu.memref_squeeze %dma_wait3A_295 : memref<1x512x16xf32, #tpu.memory_space<vmem>> -> memref<512x16xf32, #tpu.memory_space<vmem>>
      %dma_wait3A_297 = arith.constant 0 : i32
      %dma_wait3A_298 = tpu.memref_slice %arg6[%dma_wait3A_292, %dma_wait3A_297] : memref<4x512xi32, #tpu.memory_space<vmem>> -> memref<1x512xi32, #tpu.memory_space<vmem>>
      %dma_wait3A_299 = tpu.memref_squeeze %dma_wait3A_298 : memref<1x512xi32, #tpu.memory_space<vmem>> -> memref<512xi32, #tpu.memory_space<vmem>>
      %dma_wait3A_300 = arith.constant 0 : i32
      %dma_wait3A_301 = arith.constant 0 : i32
      %dma_wait3A_302 = tpu.memref_slice %arg8[%dma_wait3A_300, %dma_wait3A_301] : memref<100352x16xf32, #tpu.memory_space<vmem_shared>> -> memref<100352x16xf32, #tpu.memory_space<vmem_shared>>
      tpu.wait_indirect_dma semaphore(%arg10 : memref<!tpu.dma_semaphore, #tpu.memory_space<semaphore_mem>>) src(%dma_wait3A_296 : memref<512x16xf32, #tpu.memory_space<vmem>>) dst(%dma_wait3A_302 : memref<100352x16xf32, #tpu.memory_space<vmem_shared>>)
    }
    %scan3A_9 = arith.constant 49 : i32
    %barrier3A_10 = arith.constant 0 : index
    tpu.barrier barrier_id(%barrier3A_10)
    "tpu.region"() ({
      %run_scoped3A = tpu.sem_alloc : memref<!tpu.dma_semaphore, #tpu.memory_space<semaphore_mem>>
      %dma_start3A = arith.constant 0 : i32
      %dma_start3A_25 = arith.constant 0 : i32
      %dma_start3A_26 = tpu.memref_slice %arg4[%add3A_3, %dma_start3A, %dma_start3A_25] : memref<4x100352x16xf32, #tpu.memory_space<hbm>> -> memref<1x100352x16xf32, #tpu.memory_space<hbm>>
      %dma_start3A_27 = tpu.memref_squeeze %dma_start3A_26 : memref<1x100352x16xf32, #tpu.memory_space<hbm>> -> memref<100352x16xf32, #tpu.memory_space<hbm>>
      %dma_start3A_28 = arith.constant 0 : i32
      %dma_start3A_29 = tpu.memref_slice %dma_start3A_27[%mul3A_0, %dma_start3A_28] : memref<100352x16xf32, #tpu.memory_space<hbm>> -> memref<6272x16xf32, #tpu.memory_space<hbm>>
      %dma_start3A_30 = arith.constant 0 : i32
      %dma_start3A_31 = tpu.memref_slice %arg8[%mul3A_0, %dma_start3A_30] : memref<100352x16xf32, #tpu.memory_space<vmem_shared>> -> memref<6272x16xf32, #tpu.memory_space<vmem_shared>>
      tpu.enqueue_dma source(%dma_start3A_31 : memref<6272x16xf32, #tpu.memory_space<vmem_shared>>) target(%dma_start3A_29 : memref<6272x16xf32, #tpu.memory_space<hbm>>) target_semaphore(%run_scoped3A : memref<!tpu.dma_semaphore, #tpu.memory_space<semaphore_mem>>)
      %dma_wait3A = arith.constant 0 : i32
      %dma_wait3A_32 = arith.constant 0 : i32
      %dma_wait3A_33 = tpu.memref_slice %arg4[%add3A_3, %dma_wait3A, %dma_wait3A_32] : memref<4x100352x16xf32, #tpu.memory_space<hbm>> -> memref<1x100352x16xf32, #tpu.memory_space<hbm>>
      %dma_wait3A_34 = tpu.memref_squeeze %dma_wait3A_33 : memref<1x100352x16xf32, #tpu.memory_space<hbm>> -> memref<100352x16xf32, #tpu.memory_space<hbm>>
      %dma_wait3A_35 = arith.constant 0 : i32
      %dma_wait3A_36 = tpu.memref_slice %dma_wait3A_34[%mul3A_0, %dma_wait3A_35] : memref<100352x16xf32, #tpu.memory_space<hbm>> -> memref<6272x16xf32, #tpu.memory_space<hbm>>
      %dma_wait3A_37 = arith.constant 0 : i32
      %dma_wait3A_38 = tpu.memref_slice %arg8[%mul3A_0, %dma_wait3A_37] : memref<100352x16xf32, #tpu.memory_space<vmem_shared>> -> memref<6272x16xf32, #tpu.memory_space<vmem_shared>>
      tpu.wait_dma2 semaphore(%run_scoped3A : memref<!tpu.dma_semaphore, #tpu.memory_space<semaphore_mem>>) src(%dma_wait3A_38 : memref<6272x16xf32, #tpu.memory_space<vmem_shared>>) dst(%dma_wait3A_36 : memref<6272x16xf32, #tpu.memory_space<hbm>>)
      tpu.yield
    }) : () -> ()
    %barrier3A_11 = arith.constant 0 : index
    tpu.barrier barrier_id(%barrier3A_11)
    %mul3A_12 = arith.constant 2 : i32
    %mul3A_13 = arith.muli %arg0, %mul3A_12 : i32
    %add3A_14 = arith.constant 1 : i32
    %add3A_15 = arith.addi %mul3A_13, %add3A_14 : i32
    "tpu.region"() ({
      %run_scoped3A = tpu.sem_alloc : memref<!tpu.dma_semaphore, #tpu.memory_space<semaphore_mem>>
      %dma_start3A = arith.constant 0 : i32
      %dma_start3A_25 = tpu.memref_slice %arg8[%mul3A_0, %dma_start3A] : memref<100352x16xf32, #tpu.memory_space<vmem_shared>> -> memref<6272x16xf32, #tpu.memory_space<vmem_shared>>
      %dma_start3A_26 = arith.constant 0 : i32
      %dma_start3A_27 = arith.constant 0 : i32
      %dma_start3A_28 = tpu.memref_slice %arg2[%add3A_15, %dma_start3A_26, %dma_start3A_27] : memref<4x100352x16xf32, #tpu.memory_space<hbm>> -> memref<1x100352x16xf32, #tpu.memory_space<hbm>>
      %dma_start3A_29 = tpu.memref_squeeze %dma_start3A_28 : memref<1x100352x16xf32, #tpu.memory_space<hbm>> -> memref<100352x16xf32, #tpu.memory_space<hbm>>
      %dma_start3A_30 = arith.constant 0 : i32
      %dma_start3A_31 = tpu.memref_slice %dma_start3A_29[%mul3A_0, %dma_start3A_30] : memref<100352x16xf32, #tpu.memory_space<hbm>> -> memref<6272x16xf32, #tpu.memory_space<hbm>>
      tpu.enqueue_dma source(%dma_start3A_31 : memref<6272x16xf32, #tpu.memory_space<hbm>>) target(%dma_start3A_25 : memref<6272x16xf32, #tpu.memory_space<vmem_shared>>) target_semaphore(%run_scoped3A : memref<!tpu.dma_semaphore, #tpu.memory_space<semaphore_mem>>)
      %dma_wait3A = arith.constant 0 : i32
      %dma_wait3A_32 = tpu.memref_slice %arg8[%mul3A_0, %dma_wait3A] : memref<100352x16xf32, #tpu.memory_space<vmem_shared>> -> memref<6272x16xf32, #tpu.memory_space<vmem_shared>>
      %dma_wait3A_33 = arith.constant 0 : i32
      %dma_wait3A_34 = arith.constant 0 : i32
      %dma_wait3A_35 = tpu.memref_slice %arg2[%add3A_15, %dma_wait3A_33, %dma_wait3A_34] : memref<4x100352x16xf32, #tpu.memory_space<hbm>> -> memref<1x100352x16xf32, #tpu.memory_space<hbm>>
      %dma_wait3A_36 = tpu.memref_squeeze %dma_wait3A_35 : memref<1x100352x16xf32, #tpu.memory_space<hbm>> -> memref<100352x16xf32, #tpu.memory_space<hbm>>
      %dma_wait3A_37 = arith.constant 0 : i32
      %dma_wait3A_38 = tpu.memref_slice %dma_wait3A_36[%mul3A_0, %dma_wait3A_37] : memref<100352x16xf32, #tpu.memory_space<hbm>> -> memref<6272x16xf32, #tpu.memory_space<hbm>>
      tpu.wait_dma2 semaphore(%run_scoped3A : memref<!tpu.dma_semaphore, #tpu.memory_space<semaphore_mem>>) src(%dma_wait3A_38 : memref<6272x16xf32, #tpu.memory_space<hbm>>) dst(%dma_wait3A_32 : memref<6272x16xf32, #tpu.memory_space<vmem_shared>>)
      tpu.yield
    }) : () -> ()
    %barrier3A_16 = arith.constant 0 : index
    tpu.barrier barrier_id(%barrier3A_16)
    %mul3A_17 = arith.constant 196 : i32
    %mul3A_18 = arith.muli %arg1, %mul3A_17 : i32
    %scan3A_19 = arith.constant 0 : i32
    %scan3A_20 = arith.constant 49 : i32
    %scan3A_21 = arith.addi %scan3A_19, %scan3A_20 : i32
    %scan3A_22 = arith.constant 1 : i32
    scf.for %scan3A_25 = %scan3A_19 to %scan3A_21 step %scan3A_22  : i32 {
      %mul3A_26 = arith.constant 4 : i32
      %mul3A_27 = arith.muli %scan3A_25, %mul3A_26 : i32
      %add3A_28 = arith.addi %mul3A_18, %mul3A_27 : i32
      %dma_start3A = arith.constant 0 : i32
      %dma_start3A_29 = arith.constant 0 : i32
      %dma_start3A_30 = arith.constant 0 : i32
      %dma_start3A_31 = tpu.memref_slice %arg3[%dma_start3A, %dma_start3A_29, %dma_start3A_30] : memref<2x3136x512xi32, #tpu.memory_space<hbm>> -> memref<1x3136x512xi32, #tpu.memory_space<hbm>>
      %dma_start3A_32 = tpu.memref_squeeze %dma_start3A_31 : memref<1x3136x512xi32, #tpu.memory_space<hbm>> -> memref<3136x512xi32, #tpu.memory_space<hbm>>
      %dma_start3A_33 = arith.constant 0 : i32
      %dma_start3A_34 = tpu.memref_slice %dma_start3A_32[%add3A_28, %dma_start3A_33] : memref<3136x512xi32, #tpu.memory_space<hbm>> -> memref<4x512xi32, #tpu.memory_space<hbm>>
      %dma_start3A_35 = arith.constant 0 : i32
      %dma_start3A_36 = arith.constant 0 : i32
      %dma_start3A_37 = tpu.memref_slice %arg3[%dma_start3A, %dma_start3A_35, %dma_start3A_36] : memref<2x3136x512xi32, #tpu.memory_space<hbm>> -> memref<1x3136x512xi32, #tpu.memory_space<hbm>>
      %dma_start3A_38 = tpu.memref_squeeze %dma_start3A_37 : memref<1x3136x512xi32, #tpu.memory_space<hbm>> -> memref<3136x512xi32, #tpu.memory_space<hbm>>
      %dma_start3A_39 = arith.constant 0 : i32
      %dma_start3A_40 = tpu.memref_slice %dma_start3A_38[%add3A_28, %dma_start3A_39] : memref<3136x512xi32, #tpu.memory_space<hbm>> -> memref<4x512xi32, #tpu.memory_space<hbm>>
      tpu.enqueue_dma source(%dma_start3A_40 : memref<4x512xi32, #tpu.memory_space<hbm>>) target(%arg5 : memref<4x512xi32, #tpu.memory_space<vmem>>) target_semaphore(%arg9 : memref<!tpu.dma_semaphore, #tpu.memory_space<semaphore_mem>>)
      %dma_start3A_41 = arith.constant 1 : i32
      %dma_start3A_42 = arith.constant 0 : i32
      %dma_start3A_43 = arith.constant 0 : i32
      %dma_start3A_44 = tpu.memref_slice %arg3[%dma_start3A_41, %dma_start3A_42, %dma_start3A_43] : memref<2x3136x512xi32, #tpu.memory_space<hbm>> -> memref<1x3136x512xi32, #tpu.memory_space<hbm>>
      %dma_start3A_45 = tpu.memref_squeeze %dma_start3A_44 : memref<1x3136x512xi32, #tpu.memory_space<hbm>> -> memref<3136x512xi32, #tpu.memory_space<hbm>>
      %dma_start3A_46 = arith.constant 0 : i32
      %dma_start3A_47 = tpu.memref_slice %dma_start3A_45[%add3A_28, %dma_start3A_46] : memref<3136x512xi32, #tpu.memory_space<hbm>> -> memref<4x512xi32, #tpu.memory_space<hbm>>
      %dma_start3A_48 = arith.constant 0 : i32
      %dma_start3A_49 = arith.constant 0 : i32
      %dma_start3A_50 = tpu.memref_slice %arg3[%dma_start3A_41, %dma_start3A_48, %dma_start3A_49] : memref<2x3136x512xi32, #tpu.memory_space<hbm>> -> memref<1x3136x512xi32, #tpu.memory_space<hbm>>
      %dma_start3A_51 = tpu.memref_squeeze %dma_start3A_50 : memref<1x3136x512xi32, #tpu.memory_space<hbm>> -> memref<3136x512xi32, #tpu.memory_space<hbm>>
      %dma_start3A_52 = arith.constant 0 : i32
      %dma_start3A_53 = tpu.memref_slice %dma_start3A_51[%add3A_28, %dma_start3A_52] : memref<3136x512xi32, #tpu.memory_space<hbm>> -> memref<4x512xi32, #tpu.memory_space<hbm>>
      tpu.enqueue_dma source(%dma_start3A_53 : memref<4x512xi32, #tpu.memory_space<hbm>>) target(%arg6 : memref<4x512xi32, #tpu.memory_space<vmem>>) target_semaphore(%arg9 : memref<!tpu.dma_semaphore, #tpu.memory_space<semaphore_mem>>)
      %dma_wait3A = arith.constant 0 : i32
      %dma_wait3A_54 = arith.constant 0 : i32
      %dma_wait3A_55 = arith.constant 0 : i32
      %dma_wait3A_56 = tpu.memref_slice %arg3[%dma_wait3A, %dma_wait3A_54, %dma_wait3A_55] : memref<2x3136x512xi32, #tpu.memory_space<hbm>> -> memref<1x3136x512xi32, #tpu.memory_space<hbm>>
      %dma_wait3A_57 = tpu.memref_squeeze %dma_wait3A_56 : memref<1x3136x512xi32, #tpu.memory_space<hbm>> -> memref<3136x512xi32, #tpu.memory_space<hbm>>
      %dma_wait3A_58 = arith.constant 0 : i32
      %dma_wait3A_59 = tpu.memref_slice %dma_wait3A_57[%add3A_28, %dma_wait3A_58] : memref<3136x512xi32, #tpu.memory_space<hbm>> -> memref<4x512xi32, #tpu.memory_space<hbm>>
      %dma_wait3A_60 = arith.constant 0 : i32
      %dma_wait3A_61 = arith.constant 0 : i32
      %dma_wait3A_62 = tpu.memref_slice %arg3[%dma_wait3A, %dma_wait3A_60, %dma_wait3A_61] : memref<2x3136x512xi32, #tpu.memory_space<hbm>> -> memref<1x3136x512xi32, #tpu.memory_space<hbm>>
      %dma_wait3A_63 = tpu.memref_squeeze %dma_wait3A_62 : memref<1x3136x512xi32, #tpu.memory_space<hbm>> -> memref<3136x512xi32, #tpu.memory_space<hbm>>
      %dma_wait3A_64 = arith.constant 0 : i32
      %dma_wait3A_65 = tpu.memref_slice %dma_wait3A_63[%add3A_28, %dma_wait3A_64] : memref<3136x512xi32, #tpu.memory_space<hbm>> -> memref<4x512xi32, #tpu.memory_space<hbm>>
      tpu.wait_dma2 semaphore(%arg9 : memref<!tpu.dma_semaphore, #tpu.memory_space<semaphore_mem>>) src(%dma_wait3A_65 : memref<4x512xi32, #tpu.memory_space<hbm>>) dst(%arg5 : memref<4x512xi32, #tpu.memory_space<vmem>>)
      %dma_wait3A_66 = arith.constant 1 : i32
      %dma_wait3A_67 = arith.constant 0 : i32
      %dma_wait3A_68 = arith.constant 0 : i32
      %dma_wait3A_69 = tpu.memref_slice %arg3[%dma_wait3A_66, %dma_wait3A_67, %dma_wait3A_68] : memref<2x3136x512xi32, #tpu.memory_space<hbm>> -> memref<1x3136x512xi32, #tpu.memory_space<hbm>>
      %dma_wait3A_70 = tpu.memref_squeeze %dma_wait3A_69 : memref<1x3136x512xi32, #tpu.memory_space<hbm>> -> memref<3136x512xi32, #tpu.memory_space<hbm>>
      %dma_wait3A_71 = arith.constant 0 : i32
      %dma_wait3A_72 = tpu.memref_slice %dma_wait3A_70[%add3A_28, %dma_wait3A_71] : memref<3136x512xi32, #tpu.memory_space<hbm>> -> memref<4x512xi32, #tpu.memory_space<hbm>>
      %dma_wait3A_73 = arith.constant 0 : i32
      %dma_wait3A_74 = arith.constant 0 : i32
      %dma_wait3A_75 = tpu.memref_slice %arg3[%dma_wait3A_66, %dma_wait3A_73, %dma_wait3A_74] : memref<2x3136x512xi32, #tpu.memory_space<hbm>> -> memref<1x3136x512xi32, #tpu.memory_space<hbm>>
      %dma_wait3A_76 = tpu.memref_squeeze %dma_wait3A_75 : memref<1x3136x512xi32, #tpu.memory_space<hbm>> -> memref<3136x512xi32, #tpu.memory_space<hbm>>
      %dma_wait3A_77 = arith.constant 0 : i32
      %dma_wait3A_78 = tpu.memref_slice %dma_wait3A_76[%add3A_28, %dma_wait3A_77] : memref<3136x512xi32, #tpu.memory_space<hbm>> -> memref<4x512xi32, #tpu.memory_space<hbm>>
      tpu.wait_dma2 semaphore(%arg9 : memref<!tpu.dma_semaphore, #tpu.memory_space<semaphore_mem>>) src(%dma_wait3A_78 : memref<4x512xi32, #tpu.memory_space<hbm>>) dst(%arg6 : memref<4x512xi32, #tpu.memory_space<vmem>>)
      %dma_start3A_79 = arith.constant 0 : i32
      %dma_start3A_80 = arith.constant 0 : i32
      %dma_start3A_81 = arith.constant 0 : i32
      %dma_start3A_82 = arith.constant 0 : i32
      %dma_start3A_83 = tpu.memref_slice %arg7[%dma_start3A_80, %dma_start3A_81, %dma_start3A_82] : memref<3x512x16xf32, #tpu.memory_space<vmem>> -> memref<1x512x16xf32, #tpu.memory_space<vmem>>
      %dma_start3A_84 = tpu.memref_squeeze %dma_start3A_83 : memref<1x512x16xf32, #tpu.memory_space<vmem>> -> memref<512x16xf32, #tpu.memory_space<vmem>>
      %dma_start3A_85 = arith.constant 0 : i32
      %dma_start3A_86 = tpu.memref_slice %arg5[%dma_start3A_79, %dma_start3A_85] : memref<4x512xi32, #tpu.memory_space<vmem>> -> memref<1x512xi32, #tpu.memory_space<vmem>>
      %dma_start3A_87 = tpu.memref_squeeze %dma_start3A_86 : memref<1x512xi32, #tpu.memory_space<vmem>> -> memref<512xi32, #tpu.memory_space<vmem>>
      %dma_start3A_88 = arith.constant 0 : i32
      %dma_start3A_89 = arith.constant 0 : i32
      %dma_start3A_90 = tpu.memref_slice %arg2[%add3A_15, %dma_start3A_88, %dma_start3A_89] : memref<4x100352x16xf32, #tpu.memory_space<hbm>> -> memref<1x100352x16xf32, #tpu.memory_space<hbm>>
      %dma_start3A_91 = tpu.memref_squeeze %dma_start3A_90 : memref<1x100352x16xf32, #tpu.memory_space<hbm>> -> memref<100352x16xf32, #tpu.memory_space<hbm>>
      %dma_start3A_92 = arith.constant 0 : i32
      %dma_start3A_93 = arith.constant 0 : i32
      %dma_start3A_94 = tpu.memref_slice %dma_start3A_91[%dma_start3A_92, %dma_start3A_93] : memref<100352x16xf32, #tpu.memory_space<hbm>> -> memref<100352x16xf32, #tpu.memory_space<hbm>>
      tpu.enqueue_indirect_dma source(%dma_start3A_94 : memref<100352x16xf32, #tpu.memory_space<hbm>>) target(%dma_start3A_84 : memref<512x16xf32, #tpu.memory_space<vmem>>) offsets(%dma_start3A_87 : memref<512xi32, #tpu.memory_space<vmem>>) semaphore(%arg9 : memref<!tpu.dma_semaphore, #tpu.memory_space<semaphore_mem>>)
      %dma_start3A_95 = arith.constant 1 : i32
      %dma_start3A_96 = arith.constant 1 : i32
      %dma_start3A_97 = arith.constant 0 : i32
      %dma_start3A_98 = arith.constant 0 : i32
      %dma_start3A_99 = tpu.memref_slice %arg7[%dma_start3A_96, %dma_start3A_97, %dma_start3A_98] : memref<3x512x16xf32, #tpu.memory_space<vmem>> -> memref<1x512x16xf32, #tpu.memory_space<vmem>>
      %dma_start3A_100 = tpu.memref_squeeze %dma_start3A_99 : memref<1x512x16xf32, #tpu.memory_space<vmem>> -> memref<512x16xf32, #tpu.memory_space<vmem>>
      %dma_start3A_101 = arith.constant 0 : i32
      %dma_start3A_102 = tpu.memref_slice %arg5[%dma_start3A_95, %dma_start3A_101] : memref<4x512xi32, #tpu.memory_space<vmem>> -> memref<1x512xi32, #tpu.memory_space<vmem>>
      %dma_start3A_103 = tpu.memref_squeeze %dma_start3A_102 : memref<1x512xi32, #tpu.memory_space<vmem>> -> memref<512xi32, #tpu.memory_space<vmem>>
      %dma_start3A_104 = arith.constant 0 : i32
      %dma_start3A_105 = arith.constant 0 : i32
      %dma_start3A_106 = tpu.memref_slice %arg2[%add3A_15, %dma_start3A_104, %dma_start3A_105] : memref<4x100352x16xf32, #tpu.memory_space<hbm>> -> memref<1x100352x16xf32, #tpu.memory_space<hbm>>
      %dma_start3A_107 = tpu.memref_squeeze %dma_start3A_106 : memref<1x100352x16xf32, #tpu.memory_space<hbm>> -> memref<100352x16xf32, #tpu.memory_space<hbm>>
      %dma_start3A_108 = arith.constant 0 : i32
      %dma_start3A_109 = arith.constant 0 : i32
      %dma_start3A_110 = tpu.memref_slice %dma_start3A_107[%dma_start3A_108, %dma_start3A_109] : memref<100352x16xf32, #tpu.memory_space<hbm>> -> memref<100352x16xf32, #tpu.memory_space<hbm>>
      tpu.enqueue_indirect_dma source(%dma_start3A_110 : memref<100352x16xf32, #tpu.memory_space<hbm>>) target(%dma_start3A_100 : memref<512x16xf32, #tpu.memory_space<vmem>>) offsets(%dma_start3A_103 : memref<512xi32, #tpu.memory_space<vmem>>) semaphore(%arg9 : memref<!tpu.dma_semaphore, #tpu.memory_space<semaphore_mem>>)
      %dma_wait3A_111 = arith.constant 0 : i32
      %dma_wait3A_112 = arith.constant 0 : i32
      %dma_wait3A_113 = arith.constant 0 : i32
      %dma_wait3A_114 = arith.constant 0 : i32
      %dma_wait3A_115 = tpu.memref_slice %arg7[%dma_wait3A_112, %dma_wait3A_113, %dma_wait3A_114] : memref<3x512x16xf32, #tpu.memory_space<vmem>> -> memref<1x512x16xf32, #tpu.memory_space<vmem>>
      %dma_wait3A_116 = tpu.memref_squeeze %dma_wait3A_115 : memref<1x512x16xf32, #tpu.memory_space<vmem>> -> memref<512x16xf32, #tpu.memory_space<vmem>>
      %dma_wait3A_117 = arith.constant 0 : i32
      %dma_wait3A_118 = tpu.memref_slice %arg5[%dma_wait3A_111, %dma_wait3A_117] : memref<4x512xi32, #tpu.memory_space<vmem>> -> memref<1x512xi32, #tpu.memory_space<vmem>>
      %dma_wait3A_119 = tpu.memref_squeeze %dma_wait3A_118 : memref<1x512xi32, #tpu.memory_space<vmem>> -> memref<512xi32, #tpu.memory_space<vmem>>
      %dma_wait3A_120 = arith.constant 0 : i32
      %dma_wait3A_121 = arith.constant 0 : i32
      %dma_wait3A_122 = tpu.memref_slice %arg2[%add3A_15, %dma_wait3A_120, %dma_wait3A_121] : memref<4x100352x16xf32, #tpu.memory_space<hbm>> -> memref<1x100352x16xf32, #tpu.memory_space<hbm>>
      %dma_wait3A_123 = tpu.memref_squeeze %dma_wait3A_122 : memref<1x100352x16xf32, #tpu.memory_space<hbm>> -> memref<100352x16xf32, #tpu.memory_space<hbm>>
      %dma_wait3A_124 = arith.constant 0 : i32
      %dma_wait3A_125 = arith.constant 0 : i32
      %dma_wait3A_126 = tpu.memref_slice %dma_wait3A_123[%dma_wait3A_124, %dma_wait3A_125] : memref<100352x16xf32, #tpu.memory_space<hbm>> -> memref<100352x16xf32, #tpu.memory_space<hbm>>
      tpu.wait_indirect_dma semaphore(%arg9 : memref<!tpu.dma_semaphore, #tpu.memory_space<semaphore_mem>>) src(%dma_wait3A_126 : memref<100352x16xf32, #tpu.memory_space<hbm>>) dst(%dma_wait3A_116 : memref<512x16xf32, #tpu.memory_space<vmem>>)
      %dma_start3A_127 = arith.constant 0 : i32
      %dma_start3A_128 = arith.constant 0 : i32
      %dma_start3A_129 = arith.constant 0 : i32
      %dma_start3A_130 = arith.constant 0 : i32
      %dma_start3A_131 = tpu.memref_slice %arg7[%dma_start3A_127, %dma_start3A_129, %dma_start3A_130] : memref<3x512x16xf32, #tpu.memory_space<vmem>> -> memref<1x512x16xf32, #tpu.memory_space<vmem>>
      %dma_start3A_132 = tpu.memref_squeeze %dma_start3A_131 : memref<1x512x16xf32, #tpu.memory_space<vmem>> -> memref<512x16xf32, #tpu.memory_space<vmem>>
      %dma_start3A_133 = arith.constant 0 : i32
      %dma_start3A_134 = tpu.memref_slice %arg6[%dma_start3A_128, %dma_start3A_133] : memref<4x512xi32, #tpu.memory_space<vmem>> -> memref<1x512xi32, #tpu.memory_space<vmem>>
      %dma_start3A_135 = tpu.memref_squeeze %dma_start3A_134 : memref<1x512xi32, #tpu.memory_space<vmem>> -> memref<512xi32, #tpu.memory_space<vmem>>
      %dma_start3A_136 = arith.constant 0 : i32
      %dma_start3A_137 = arith.constant 0 : i32
      %dma_start3A_138 = tpu.memref_slice %arg8[%dma_start3A_136, %dma_start3A_137] : memref<100352x16xf32, #tpu.memory_space<vmem_shared>> -> memref<100352x16xf32, #tpu.memory_space<vmem_shared>>
      tpu.enqueue_indirect_dma source(%dma_start3A_132 : memref<512x16xf32, #tpu.memory_space<vmem>>) target(%dma_start3A_138 : memref<100352x16xf32, #tpu.memory_space<vmem_shared>>) offsets(%dma_start3A_135 : memref<512xi32, #tpu.memory_space<vmem>>) semaphore(%arg10 : memref<!tpu.dma_semaphore, #tpu.memory_space<semaphore_mem>>) {add = true}
      %dma_start3A_139 = arith.constant 2 : i32
      %dma_start3A_140 = arith.constant 2 : i32
      %dma_start3A_141 = arith.constant 0 : i32
      %dma_start3A_142 = arith.constant 0 : i32
      %dma_start3A_143 = tpu.memref_slice %arg7[%dma_start3A_140, %dma_start3A_141, %dma_start3A_142] : memref<3x512x16xf32, #tpu.memory_space<vmem>> -> memref<1x512x16xf32, #tpu.memory_space<vmem>>
      %dma_start3A_144 = tpu.memref_squeeze %dma_start3A_143 : memref<1x512x16xf32, #tpu.memory_space<vmem>> -> memref<512x16xf32, #tpu.memory_space<vmem>>
      %dma_start3A_145 = arith.constant 0 : i32
      %dma_start3A_146 = tpu.memref_slice %arg5[%dma_start3A_139, %dma_start3A_145] : memref<4x512xi32, #tpu.memory_space<vmem>> -> memref<1x512xi32, #tpu.memory_space<vmem>>
      %dma_start3A_147 = tpu.memref_squeeze %dma_start3A_146 : memref<1x512xi32, #tpu.memory_space<vmem>> -> memref<512xi32, #tpu.memory_space<vmem>>
      %dma_start3A_148 = arith.constant 0 : i32
      %dma_start3A_149 = arith.constant 0 : i32
      %dma_start3A_150 = tpu.memref_slice %arg2[%add3A_15, %dma_start3A_148, %dma_start3A_149] : memref<4x100352x16xf32, #tpu.memory_space<hbm>> -> memref<1x100352x16xf32, #tpu.memory_space<hbm>>
      %dma_start3A_151 = tpu.memref_squeeze %dma_start3A_150 : memref<1x100352x16xf32, #tpu.memory_space<hbm>> -> memref<100352x16xf32, #tpu.memory_space<hbm>>
      %dma_start3A_152 = arith.constant 0 : i32
      %dma_start3A_153 = arith.constant 0 : i32
      %dma_start3A_154 = tpu.memref_slice %dma_start3A_151[%dma_start3A_152, %dma_start3A_153] : memref<100352x16xf32, #tpu.memory_space<hbm>> -> memref<100352x16xf32, #tpu.memory_space<hbm>>
      tpu.enqueue_indirect_dma source(%dma_start3A_154 : memref<100352x16xf32, #tpu.memory_space<hbm>>) target(%dma_start3A_144 : memref<512x16xf32, #tpu.memory_space<vmem>>) offsets(%dma_start3A_147 : memref<512xi32, #tpu.memory_space<vmem>>) semaphore(%arg9 : memref<!tpu.dma_semaphore, #tpu.memory_space<semaphore_mem>>)
      %dma_wait3A_155 = arith.constant 1 : i32
      %dma_wait3A_156 = arith.constant 1 : i32
      %dma_wait3A_157 = arith.constant 0 : i32
      %dma_wait3A_158 = arith.constant 0 : i32
      %dma_wait3A_159 = tpu.memref_slice %arg7[%dma_wait3A_156, %dma_wait3A_157, %dma_wait3A_158] : memref<3x512x16xf32, #tpu.memory_space<vmem>> -> memref<1x512x16xf32, #tpu.memory_space<vmem>>
      %dma_wait3A_160 = tpu.memref_squeeze %dma_wait3A_159 : memref<1x512x16xf32, #tpu.memory_space<vmem>> -> memref<512x16xf32, #tpu.memory_space<vmem>>
      %dma_wait3A_161 = arith.constant 0 : i32
      %dma_wait3A_162 = tpu.memref_slice %arg5[%dma_wait3A_155, %dma_wait3A_161] : memref<4x512xi32, #tpu.memory_space<vmem>> -> memref<1x512xi32, #tpu.memory_space<vmem>>
      %dma_wait3A_163 = tpu.memref_squeeze %dma_wait3A_162 : memref<1x512xi32, #tpu.memory_space<vmem>> -> memref<512xi32, #tpu.memory_space<vmem>>
      %dma_wait3A_164 = arith.constant 0 : i32
      %dma_wait3A_165 = arith.constant 0 : i32
      %dma_wait3A_166 = tpu.memref_slice %arg2[%add3A_15, %dma_wait3A_164, %dma_wait3A_165] : memref<4x100352x16xf32, #tpu.memory_space<hbm>> -> memref<1x100352x16xf32, #tpu.memory_space<hbm>>
      %dma_wait3A_167 = tpu.memref_squeeze %dma_wait3A_166 : memref<1x100352x16xf32, #tpu.memory_space<hbm>> -> memref<100352x16xf32, #tpu.memory_space<hbm>>
      %dma_wait3A_168 = arith.constant 0 : i32
      %dma_wait3A_169 = arith.constant 0 : i32
      %dma_wait3A_170 = tpu.memref_slice %dma_wait3A_167[%dma_wait3A_168, %dma_wait3A_169] : memref<100352x16xf32, #tpu.memory_space<hbm>> -> memref<100352x16xf32, #tpu.memory_space<hbm>>
      tpu.wait_indirect_dma semaphore(%arg9 : memref<!tpu.dma_semaphore, #tpu.memory_space<semaphore_mem>>) src(%dma_wait3A_170 : memref<100352x16xf32, #tpu.memory_space<hbm>>) dst(%dma_wait3A_160 : memref<512x16xf32, #tpu.memory_space<vmem>>)
      %dma_start3A_171 = arith.constant 1 : i32
      %dma_start3A_172 = arith.constant 1 : i32
      %dma_start3A_173 = arith.constant 0 : i32
      %dma_start3A_174 = arith.constant 0 : i32
      %dma_start3A_175 = tpu.memref_slice %arg7[%dma_start3A_171, %dma_start3A_173, %dma_start3A_174] : memref<3x512x16xf32, #tpu.memory_space<vmem>> -> memref<1x512x16xf32, #tpu.memory_space<vmem>>
      %dma_start3A_176 = tpu.memref_squeeze %dma_start3A_175 : memref<1x512x16xf32, #tpu.memory_space<vmem>> -> memref<512x16xf32, #tpu.memory_space<vmem>>
      %dma_start3A_177 = arith.constant 0 : i32
      %dma_start3A_178 = tpu.memref_slice %arg6[%dma_start3A_172, %dma_start3A_177] : memref<4x512xi32, #tpu.memory_space<vmem>> -> memref<1x512xi32, #tpu.memory_space<vmem>>
      %dma_start3A_179 = tpu.memref_squeeze %dma_start3A_178 : memref<1x512xi32, #tpu.memory_space<vmem>> -> memref<512xi32, #tpu.memory_space<vmem>>
      %dma_start3A_180 = arith.constant 0 : i32
      %dma_start3A_181 = arith.constant 0 : i32
      %dma_start3A_182 = tpu.memref_slice %arg8[%dma_start3A_180, %dma_start3A_181] : memref<100352x16xf32, #tpu.memory_space<vmem_shared>> -> memref<100352x16xf32, #tpu.memory_space<vmem_shared>>
      tpu.enqueue_indirect_dma source(%dma_start3A_176 : memref<512x16xf32, #tpu.memory_space<vmem>>) target(%dma_start3A_182 : memref<100352x16xf32, #tpu.memory_space<vmem_shared>>) offsets(%dma_start3A_179 : memref<512xi32, #tpu.memory_space<vmem>>) semaphore(%arg10 : memref<!tpu.dma_semaphore, #tpu.memory_space<semaphore_mem>>) {add = true}
      %dma_wait3A_183 = arith.constant 0 : i32
      %dma_wait3A_184 = arith.constant 0 : i32
      %dma_wait3A_185 = arith.constant 0 : i32
      %dma_wait3A_186 = arith.constant 0 : i32
      %dma_wait3A_187 = tpu.memref_slice %arg7[%dma_wait3A_183, %dma_wait3A_185, %dma_wait3A_186] : memref<3x512x16xf32, #tpu.memory_space<vmem>> -> memref<1x512x16xf32, #tpu.memory_space<vmem>>
      %dma_wait3A_188 = tpu.memref_squeeze %dma_wait3A_187 : memref<1x512x16xf32, #tpu.memory_space<vmem>> -> memref<512x16xf32, #tpu.memory_space<vmem>>
      %dma_wait3A_189 = arith.constant 0 : i32
      %dma_wait3A_190 = tpu.memref_slice %arg6[%dma_wait3A_184, %dma_wait3A_189] : memref<4x512xi32, #tpu.memory_space<vmem>> -> memref<1x512xi32, #tpu.memory_space<vmem>>
      %dma_wait3A_191 = tpu.memref_squeeze %dma_wait3A_190 : memref<1x512xi32, #tpu.memory_space<vmem>> -> memref<512xi32, #tpu.memory_space<vmem>>
      %dma_wait3A_192 = arith.constant 0 : i32
      %dma_wait3A_193 = arith.constant 0 : i32
      %dma_wait3A_194 = tpu.memref_slice %arg8[%dma_wait3A_192, %dma_wait3A_193] : memref<100352x16xf32, #tpu.memory_space<vmem_shared>> -> memref<100352x16xf32, #tpu.memory_space<vmem_shared>>
      tpu.wait_indirect_dma semaphore(%arg10 : memref<!tpu.dma_semaphore, #tpu.memory_space<semaphore_mem>>) src(%dma_wait3A_188 : memref<512x16xf32, #tpu.memory_space<vmem>>) dst(%dma_wait3A_194 : memref<100352x16xf32, #tpu.memory_space<vmem_shared>>)
      %dma_start3A_195 = arith.constant 3 : i32
      %dma_start3A_196 = arith.constant 0 : i32
      %dma_start3A_197 = arith.constant 0 : i32
      %dma_start3A_198 = arith.constant 0 : i32
      %dma_start3A_199 = tpu.memref_slice %arg7[%dma_start3A_196, %dma_start3A_197, %dma_start3A_198] : memref<3x512x16xf32, #tpu.memory_space<vmem>> -> memref<1x512x16xf32, #tpu.memory_space<vmem>>
      %dma_start3A_200 = tpu.memref_squeeze %dma_start3A_199 : memref<1x512x16xf32, #tpu.memory_space<vmem>> -> memref<512x16xf32, #tpu.memory_space<vmem>>
      %dma_start3A_201 = arith.constant 0 : i32
      %dma_start3A_202 = tpu.memref_slice %arg5[%dma_start3A_195, %dma_start3A_201] : memref<4x512xi32, #tpu.memory_space<vmem>> -> memref<1x512xi32, #tpu.memory_space<vmem>>
      %dma_start3A_203 = tpu.memref_squeeze %dma_start3A_202 : memref<1x512xi32, #tpu.memory_space<vmem>> -> memref<512xi32, #tpu.memory_space<vmem>>
      %dma_start3A_204 = arith.constant 0 : i32
      %dma_start3A_205 = arith.constant 0 : i32
      %dma_start3A_206 = tpu.memref_slice %arg2[%add3A_15, %dma_start3A_204, %dma_start3A_205] : memref<4x100352x16xf32, #tpu.memory_space<hbm>> -> memref<1x100352x16xf32, #tpu.memory_space<hbm>>
      %dma_start3A_207 = tpu.memref_squeeze %dma_start3A_206 : memref<1x100352x16xf32, #tpu.memory_space<hbm>> -> memref<100352x16xf32, #tpu.memory_space<hbm>>
      %dma_start3A_208 = arith.constant 0 : i32
      %dma_start3A_209 = arith.constant 0 : i32
      %dma_start3A_210 = tpu.memref_slice %dma_start3A_207[%dma_start3A_208, %dma_start3A_209] : memref<100352x16xf32, #tpu.memory_space<hbm>> -> memref<100352x16xf32, #tpu.memory_space<hbm>>
      tpu.enqueue_indirect_dma source(%dma_start3A_210 : memref<100352x16xf32, #tpu.memory_space<hbm>>) target(%dma_start3A_200 : memref<512x16xf32, #tpu.memory_space<vmem>>) offsets(%dma_start3A_203 : memref<512xi32, #tpu.memory_space<vmem>>) semaphore(%arg9 : memref<!tpu.dma_semaphore, #tpu.memory_space<semaphore_mem>>)
      %dma_wait3A_211 = arith.constant 2 : i32
      %dma_wait3A_212 = arith.constant 2 : i32
      %dma_wait3A_213 = arith.constant 0 : i32
      %dma_wait3A_214 = arith.constant 0 : i32
      %dma_wait3A_215 = tpu.memref_slice %arg7[%dma_wait3A_212, %dma_wait3A_213, %dma_wait3A_214] : memref<3x512x16xf32, #tpu.memory_space<vmem>> -> memref<1x512x16xf32, #tpu.memory_space<vmem>>
      %dma_wait3A_216 = tpu.memref_squeeze %dma_wait3A_215 : memref<1x512x16xf32, #tpu.memory_space<vmem>> -> memref<512x16xf32, #tpu.memory_space<vmem>>
      %dma_wait3A_217 = arith.constant 0 : i32
      %dma_wait3A_218 = tpu.memref_slice %arg5[%dma_wait3A_211, %dma_wait3A_217] : memref<4x512xi32, #tpu.memory_space<vmem>> -> memref<1x512xi32, #tpu.memory_space<vmem>>
      %dma_wait3A_219 = tpu.memref_squeeze %dma_wait3A_218 : memref<1x512xi32, #tpu.memory_space<vmem>> -> memref<512xi32, #tpu.memory_space<vmem>>
      %dma_wait3A_220 = arith.constant 0 : i32
      %dma_wait3A_221 = arith.constant 0 : i32
      %dma_wait3A_222 = tpu.memref_slice %arg2[%add3A_15, %dma_wait3A_220, %dma_wait3A_221] : memref<4x100352x16xf32, #tpu.memory_space<hbm>> -> memref<1x100352x16xf32, #tpu.memory_space<hbm>>
      %dma_wait3A_223 = tpu.memref_squeeze %dma_wait3A_222 : memref<1x100352x16xf32, #tpu.memory_space<hbm>> -> memref<100352x16xf32, #tpu.memory_space<hbm>>
      %dma_wait3A_224 = arith.constant 0 : i32
      %dma_wait3A_225 = arith.constant 0 : i32
      %dma_wait3A_226 = tpu.memref_slice %dma_wait3A_223[%dma_wait3A_224, %dma_wait3A_225] : memref<100352x16xf32, #tpu.memory_space<hbm>> -> memref<100352x16xf32, #tpu.memory_space<hbm>>
      tpu.wait_indirect_dma semaphore(%arg9 : memref<!tpu.dma_semaphore, #tpu.memory_space<semaphore_mem>>) src(%dma_wait3A_226 : memref<100352x16xf32, #tpu.memory_space<hbm>>) dst(%dma_wait3A_216 : memref<512x16xf32, #tpu.memory_space<vmem>>)
      %dma_start3A_227 = arith.constant 2 : i32
      %dma_start3A_228 = arith.constant 2 : i32
      %dma_start3A_229 = arith.constant 0 : i32
      %dma_start3A_230 = arith.constant 0 : i32
      %dma_start3A_231 = tpu.memref_slice %arg7[%dma_start3A_227, %dma_start3A_229, %dma_start3A_230] : memref<3x512x16xf32, #tpu.memory_space<vmem>> -> memref<1x512x16xf32, #tpu.memory_space<vmem>>
      %dma_start3A_232 = tpu.memref_squeeze %dma_start3A_231 : memref<1x512x16xf32, #tpu.memory_space<vmem>> -> memref<512x16xf32, #tpu.memory_space<vmem>>
      %dma_start3A_233 = arith.constant 0 : i32
      %dma_start3A_234 = tpu.memref_slice %arg6[%dma_start3A_228, %dma_start3A_233] : memref<4x512xi32, #tpu.memory_space<vmem>> -> memref<1x512xi32, #tpu.memory_space<vmem>>
      %dma_start3A_235 = tpu.memref_squeeze %dma_start3A_234 : memref<1x512xi32, #tpu.memory_space<vmem>> -> memref<512xi32, #tpu.memory_space<vmem>>
      %dma_start3A_236 = arith.constant 0 : i32
      %dma_start3A_237 = arith.constant 0 : i32
      %dma_start3A_238 = tpu.memref_slice %arg8[%dma_start3A_236, %dma_start3A_237] : memref<100352x16xf32, #tpu.memory_space<vmem_shared>> -> memref<100352x16xf32, #tpu.memory_space<vmem_shared>>
      tpu.enqueue_indirect_dma source(%dma_start3A_232 : memref<512x16xf32, #tpu.memory_space<vmem>>) target(%dma_start3A_238 : memref<100352x16xf32, #tpu.memory_space<vmem_shared>>) offsets(%dma_start3A_235 : memref<512xi32, #tpu.memory_space<vmem>>) semaphore(%arg10 : memref<!tpu.dma_semaphore, #tpu.memory_space<semaphore_mem>>) {add = true}
      %dma_wait3A_239 = arith.constant 3 : i32
      %dma_wait3A_240 = arith.constant 0 : i32
      %dma_wait3A_241 = arith.constant 0 : i32
      %dma_wait3A_242 = arith.constant 0 : i32
      %dma_wait3A_243 = tpu.memref_slice %arg7[%dma_wait3A_240, %dma_wait3A_241, %dma_wait3A_242] : memref<3x512x16xf32, #tpu.memory_space<vmem>> -> memref<1x512x16xf32, #tpu.memory_space<vmem>>
      %dma_wait3A_244 = tpu.memref_squeeze %dma_wait3A_243 : memref<1x512x16xf32, #tpu.memory_space<vmem>> -> memref<512x16xf32, #tpu.memory_space<vmem>>
      %dma_wait3A_245 = arith.constant 0 : i32
      %dma_wait3A_246 = tpu.memref_slice %arg5[%dma_wait3A_239, %dma_wait3A_245] : memref<4x512xi32, #tpu.memory_space<vmem>> -> memref<1x512xi32, #tpu.memory_space<vmem>>
      %dma_wait3A_247 = tpu.memref_squeeze %dma_wait3A_246 : memref<1x512xi32, #tpu.memory_space<vmem>> -> memref<512xi32, #tpu.memory_space<vmem>>
      %dma_wait3A_248 = arith.constant 0 : i32
      %dma_wait3A_249 = arith.constant 0 : i32
      %dma_wait3A_250 = tpu.memref_slice %arg2[%add3A_15, %dma_wait3A_248, %dma_wait3A_249] : memref<4x100352x16xf32, #tpu.memory_space<hbm>> -> memref<1x100352x16xf32, #tpu.memory_space<hbm>>
      %dma_wait3A_251 = tpu.memref_squeeze %dma_wait3A_250 : memref<1x100352x16xf32, #tpu.memory_space<hbm>> -> memref<100352x16xf32, #tpu.memory_space<hbm>>
      %dma_wait3A_252 = arith.constant 0 : i32
      %dma_wait3A_253 = arith.constant 0 : i32
      %dma_wait3A_254 = tpu.memref_slice %dma_wait3A_251[%dma_wait3A_252, %dma_wait3A_253] : memref<100352x16xf32, #tpu.memory_space<hbm>> -> memref<100352x16xf32, #tpu.memory_space<hbm>>
      tpu.wait_indirect_dma semaphore(%arg9 : memref<!tpu.dma_semaphore, #tpu.memory_space<semaphore_mem>>) src(%dma_wait3A_254 : memref<100352x16xf32, #tpu.memory_space<hbm>>) dst(%dma_wait3A_244 : memref<512x16xf32, #tpu.memory_space<vmem>>)
      %dma_start3A_255 = arith.constant 0 : i32
      %dma_start3A_256 = arith.constant 3 : i32
      %dma_start3A_257 = arith.constant 0 : i32
      %dma_start3A_258 = arith.constant 0 : i32
      %dma_start3A_259 = tpu.memref_slice %arg7[%dma_start3A_255, %dma_start3A_257, %dma_start3A_258] : memref<3x512x16xf32, #tpu.memory_space<vmem>> -> memref<1x512x16xf32, #tpu.memory_space<vmem>>
      %dma_start3A_260 = tpu.memref_squeeze %dma_start3A_259 : memref<1x512x16xf32, #tpu.memory_space<vmem>> -> memref<512x16xf32, #tpu.memory_space<vmem>>
      %dma_start3A_261 = arith.constant 0 : i32
      %dma_start3A_262 = tpu.memref_slice %arg6[%dma_start3A_256, %dma_start3A_261] : memref<4x512xi32, #tpu.memory_space<vmem>> -> memref<1x512xi32, #tpu.memory_space<vmem>>
      %dma_start3A_263 = tpu.memref_squeeze %dma_start3A_262 : memref<1x512xi32, #tpu.memory_space<vmem>> -> memref<512xi32, #tpu.memory_space<vmem>>
      %dma_start3A_264 = arith.constant 0 : i32
      %dma_start3A_265 = arith.constant 0 : i32
      %dma_start3A_266 = tpu.memref_slice %arg8[%dma_start3A_264, %dma_start3A_265] : memref<100352x16xf32, #tpu.memory_space<vmem_shared>> -> memref<100352x16xf32, #tpu.memory_space<vmem_shared>>
      tpu.enqueue_indirect_dma source(%dma_start3A_260 : memref<512x16xf32, #tpu.memory_space<vmem>>) target(%dma_start3A_266 : memref<100352x16xf32, #tpu.memory_space<vmem_shared>>) offsets(%dma_start3A_263 : memref<512xi32, #tpu.memory_space<vmem>>) semaphore(%arg10 : memref<!tpu.dma_semaphore, #tpu.memory_space<semaphore_mem>>) {add = true}
      %dma_wait3A_267 = arith.constant 1 : i32
      %dma_wait3A_268 = arith.constant 1 : i32
      %dma_wait3A_269 = arith.constant 0 : i32
      %dma_wait3A_270 = arith.constant 0 : i32
      %dma_wait3A_271 = tpu.memref_slice %arg7[%dma_wait3A_267, %dma_wait3A_269, %dma_wait3A_270] : memref<3x512x16xf32, #tpu.memory_space<vmem>> -> memref<1x512x16xf32, #tpu.memory_space<vmem>>
      %dma_wait3A_272 = tpu.memref_squeeze %dma_wait3A_271 : memref<1x512x16xf32, #tpu.memory_space<vmem>> -> memref<512x16xf32, #tpu.memory_space<vmem>>
      %dma_wait3A_273 = arith.constant 0 : i32
      %dma_wait3A_274 = tpu.memref_slice %arg6[%dma_wait3A_268, %dma_wait3A_273] : memref<4x512xi32, #tpu.memory_space<vmem>> -> memref<1x512xi32, #tpu.memory_space<vmem>>
      %dma_wait3A_275 = tpu.memref_squeeze %dma_wait3A_274 : memref<1x512xi32, #tpu.memory_space<vmem>> -> memref<512xi32, #tpu.memory_space<vmem>>
      %dma_wait3A_276 = arith.constant 0 : i32
      %dma_wait3A_277 = arith.constant 0 : i32
      %dma_wait3A_278 = tpu.memref_slice %arg8[%dma_wait3A_276, %dma_wait3A_277] : memref<100352x16xf32, #tpu.memory_space<vmem_shared>> -> memref<100352x16xf32, #tpu.memory_space<vmem_shared>>
      tpu.wait_indirect_dma semaphore(%arg10 : memref<!tpu.dma_semaphore, #tpu.memory_space<semaphore_mem>>) src(%dma_wait3A_272 : memref<512x16xf32, #tpu.memory_space<vmem>>) dst(%dma_wait3A_278 : memref<100352x16xf32, #tpu.memory_space<vmem_shared>>)
      %dma_wait3A_279 = arith.constant 2 : i32
      %dma_wait3A_280 = arith.constant 2 : i32
      %dma_wait3A_281 = arith.constant 0 : i32
      %dma_wait3A_282 = arith.constant 0 : i32
      %dma_wait3A_283 = tpu.memref_slice %arg7[%dma_wait3A_279, %dma_wait3A_281, %dma_wait3A_282] : memref<3x512x16xf32, #tpu.memory_space<vmem>> -> memref<1x512x16xf32, #tpu.memory_space<vmem>>
      %dma_wait3A_284 = tpu.memref_squeeze %dma_wait3A_283 : memref<1x512x16xf32, #tpu.memory_space<vmem>> -> memref<512x16xf32, #tpu.memory_space<vmem>>
      %dma_wait3A_285 = arith.constant 0 : i32
      %dma_wait3A_286 = tpu.memref_slice %arg6[%dma_wait3A_280, %dma_wait3A_285] : memref<4x512xi32, #tpu.memory_space<vmem>> -> memref<1x512xi32, #tpu.memory_space<vmem>>
      %dma_wait3A_287 = tpu.memref_squeeze %dma_wait3A_286 : memref<1x512xi32, #tpu.memory_space<vmem>> -> memref<512xi32, #tpu.memory_space<vmem>>
      %dma_wait3A_288 = arith.constant 0 : i32
      %dma_wait3A_289 = arith.constant 0 : i32
      %dma_wait3A_290 = tpu.memref_slice %arg8[%dma_wait3A_288, %dma_wait3A_289] : memref<100352x16xf32, #tpu.memory_space<vmem_shared>> -> memref<100352x16xf32, #tpu.memory_space<vmem_shared>>
      tpu.wait_indirect_dma semaphore(%arg10 : memref<!tpu.dma_semaphore, #tpu.memory_space<semaphore_mem>>) src(%dma_wait3A_284 : memref<512x16xf32, #tpu.memory_space<vmem>>) dst(%dma_wait3A_290 : memref<100352x16xf32, #tpu.memory_space<vmem_shared>>)
      %dma_wait3A_291 = arith.constant 0 : i32
      %dma_wait3A_292 = arith.constant 3 : i32
      %dma_wait3A_293 = arith.constant 0 : i32
      %dma_wait3A_294 = arith.constant 0 : i32
      %dma_wait3A_295 = tpu.memref_slice %arg7[%dma_wait3A_291, %dma_wait3A_293, %dma_wait3A_294] : memref<3x512x16xf32, #tpu.memory_space<vmem>> -> memref<1x512x16xf32, #tpu.memory_space<vmem>>
      %dma_wait3A_296 = tpu.memref_squeeze %dma_wait3A_295 : memref<1x512x16xf32, #tpu.memory_space<vmem>> -> memref<512x16xf32, #tpu.memory_space<vmem>>
      %dma_wait3A_297 = arith.constant 0 : i32
      %dma_wait3A_298 = tpu.memref_slice %arg6[%dma_wait3A_292, %dma_wait3A_297] : memref<4x512xi32, #tpu.memory_space<vmem>> -> memref<1x512xi32, #tpu.memory_space<vmem>>
      %dma_wait3A_299 = tpu.memref_squeeze %dma_wait3A_298 : memref<1x512xi32, #tpu.memory_space<vmem>> -> memref<512xi32, #tpu.memory_space<vmem>>
      %dma_wait3A_300 = arith.constant 0 : i32
      %dma_wait3A_301 = arith.constant 0 : i32
      %dma_wait3A_302 = tpu.memref_slice %arg8[%dma_wait3A_300, %dma_wait3A_301] : memref<100352x16xf32, #tpu.memory_space<vmem_shared>> -> memref<100352x16xf32, #tpu.memory_space<vmem_shared>>
      tpu.wait_indirect_dma semaphore(%arg10 : memref<!tpu.dma_semaphore, #tpu.memory_space<semaphore_mem>>) src(%dma_wait3A_296 : memref<512x16xf32, #tpu.memory_space<vmem>>) dst(%dma_wait3A_302 : memref<100352x16xf32, #tpu.memory_space<vmem_shared>>)
    }
    %scan3A_23 = arith.constant 49 : i32
    %barrier3A_24 = arith.constant 0 : index
    tpu.barrier barrier_id(%barrier3A_24)
    "tpu.region"() ({
      %run_scoped3A = tpu.sem_alloc : memref<!tpu.dma_semaphore, #tpu.memory_space<semaphore_mem>>
      %dma_start3A = arith.constant 0 : i32
      %dma_start3A_25 = arith.constant 0 : i32
      %dma_start3A_26 = tpu.memref_slice %arg4[%add3A_15, %dma_start3A, %dma_start3A_25] : memref<4x100352x16xf32, #tpu.memory_space<hbm>> -> memref<1x100352x16xf32, #tpu.memory_space<hbm>>
      %dma_start3A_27 = tpu.memref_squeeze %dma_start3A_26 : memref<1x100352x16xf32, #tpu.memory_space<hbm>> -> memref<100352x16xf32, #tpu.memory_space<hbm>>
      %dma_start3A_28 = arith.constant 0 : i32
      %dma_start3A_29 = tpu.memref_slice %dma_start3A_27[%mul3A_0, %dma_start3A_28] : memref<100352x16xf32, #tpu.memory_space<hbm>> -> memref<6272x16xf32, #tpu.memory_space<hbm>>
      %dma_start3A_30 = arith.constant 0 : i32
      %dma_start3A_31 = tpu.memref_slice %arg8[%mul3A_0, %dma_start3A_30] : memref<100352x16xf32, #tpu.memory_space<vmem_shared>> -> memref<6272x16xf32, #tpu.memory_space<vmem_shared>>
      tpu.enqueue_dma source(%dma_start3A_31 : memref<6272x16xf32, #tpu.memory_space<vmem_shared>>) target(%dma_start3A_29 : memref<6272x16xf32, #tpu.memory_space<hbm>>) target_semaphore(%run_scoped3A : memref<!tpu.dma_semaphore, #tpu.memory_space<semaphore_mem>>)
      %dma_wait3A = arith.constant 0 : i32
      %dma_wait3A_32 = arith.constant 0 : i32
      %dma_wait3A_33 = tpu.memref_slice %arg4[%add3A_15, %dma_wait3A, %dma_wait3A_32] : memref<4x100352x16xf32, #tpu.memory_space<hbm>> -> memref<1x100352x16xf32, #tpu.memory_space<hbm>>
      %dma_wait3A_34 = tpu.memref_squeeze %dma_wait3A_33 : memref<1x100352x16xf32, #tpu.memory_space<hbm>> -> memref<100352x16xf32, #tpu.memory_space<hbm>>
      %dma_wait3A_35 = arith.constant 0 : i32
      %dma_wait3A_36 = tpu.memref_slice %dma_wait3A_34[%mul3A_0, %dma_wait3A_35] : memref<100352x16xf32, #tpu.memory_space<hbm>> -> memref<6272x16xf32, #tpu.memory_space<hbm>>
      %dma_wait3A_37 = arith.constant 0 : i32
      %dma_wait3A_38 = tpu.memref_slice %arg8[%mul3A_0, %dma_wait3A_37] : memref<100352x16xf32, #tpu.memory_space<vmem_shared>> -> memref<6272x16xf32, #tpu.memory_space<vmem_shared>>
      tpu.wait_dma2 semaphore(%run_scoped3A : memref<!tpu.dma_semaphore, #tpu.memory_space<semaphore_mem>>) src(%dma_wait3A_38 : memref<6272x16xf32, #tpu.memory_space<vmem_shared>>) dst(%dma_wait3A_36 : memref<6272x16xf32, #tpu.memory_space<hbm>>)
      tpu.yield
    }) : () -> ()
    return
  }
}

#map = affine_map<(d0, d1) -> (0, 0, 0)>
#map1 = affine_map<(d0, d1) -> (0, 0)>
module attributes {stable_mosaic.version = 14 : i64} {
  func.func @_sheet_body(%arg0: i32, %arg1: i32, %arg2: memref<4x100352x16xf32, #tpu.memory_space<hbm>>, %arg3: memref<64x512xi32, #tpu.memory_space<hbm>>, %arg4: memref<64x512xi32, #tpu.memory_space<hbm>>, %arg5: memref<4x256x16xf32, #tpu.memory_space<hbm>>, %arg6: memref<2x512xi32, #tpu.memory_space<vmem>>, %arg7: memref<2x512xi32, #tpu.memory_space<vmem>>, %arg8: memref<2x512x16xf32, #tpu.memory_space<vmem>>, %arg9: memref<8x16xf32, #tpu.memory_space<vmem>>, %arg10: memref<4x128x16xf32, #tpu.memory_space<vmem_shared>>, %arg11: memref<!tpu.dma_semaphore, #tpu.memory_space<semaphore_mem>>, %arg12: memref<!tpu.dma_semaphore, #tpu.memory_space<semaphore_mem>>) attributes {dimension_semantics = [#tpu.dimension_semantics<core_parallel>, #tpu.dimension_semantics<subcore_parallel>], iteration_bounds = array<i64: 2, 16>, scalar_prefetch = 0 : i64, scratch_operands = 7 : i64, tpu.core_type = #tpu.core_type<sc_vector_subcore>, window_params = [{transform_indices = #map}, {transform_indices = #map1}, {transform_indices = #map1}, {transform_indices = #map}]} {
    %broadcast_in_dim3A = arith.constant 0.000000e+00 : f32
    %broadcast_in_dim3A_0 = vector.broadcast %broadcast_in_dim3A : f32 to vector<16xf32>
    %swap3A = arith.constant 0 : i32
    %swap3A_1 = arith.index_cast %swap3A : i32 to index
    %swap3A_2 = arith.constant 0 : index
    %swap3A_3 = tpu.vector_load %arg9[%swap3A_1, %swap3A_2] {strides = array<i32>} : memref<8x16xf32, #tpu.memory_space<vmem>>, vector<1x16xf32>,
    %swap3A_4 = vector.shape_cast %swap3A_3 : vector<1x16xf32> to vector<16xf32>
    %swap3A_5 = vector.shape_cast %broadcast_in_dim3A_0 : vector<16xf32> to vector<1x16xf32>
    tpu.vector_store %arg9[%swap3A_1, %swap3A_2], %swap3A_5 {strides = array<i32>} : memref<8x16xf32, #tpu.memory_space<vmem>>, vector<1x16xf32>,
    %broadcast_in_dim3A_6 = arith.constant 0.000000e+00 : f32
    %broadcast_in_dim3A_7 = vector.broadcast %broadcast_in_dim3A_6 : f32 to vector<16xf32>
    %swap3A_8 = arith.constant 1 : i32
    %swap3A_9 = arith.index_cast %swap3A_8 : i32 to index
    %swap3A_10 = arith.constant 0 : index
    %swap3A_11 = tpu.vector_load %arg9[%swap3A_9, %swap3A_10] {strides = array<i32>} : memref<8x16xf32, #tpu.memory_space<vmem>>, vector<1x16xf32>,
    %swap3A_12 = vector.shape_cast %swap3A_11 : vector<1x16xf32> to vector<16xf32>
    %swap3A_13 = vector.shape_cast %broadcast_in_dim3A_7 : vector<16xf32> to vector<1x16xf32>
    tpu.vector_store %arg9[%swap3A_9, %swap3A_10], %swap3A_13 {strides = array<i32>} : memref<8x16xf32, #tpu.memory_space<vmem>>, vector<1x16xf32>,
    %broadcast_in_dim3A_14 = arith.constant 0.000000e+00 : f32
    %broadcast_in_dim3A_15 = vector.broadcast %broadcast_in_dim3A_14 : f32 to vector<16xf32>
    %swap3A_16 = arith.constant 2 : i32
    %swap3A_17 = arith.index_cast %swap3A_16 : i32 to index
    %swap3A_18 = arith.constant 0 : index
    %swap3A_19 = tpu.vector_load %arg9[%swap3A_17, %swap3A_18] {strides = array<i32>} : memref<8x16xf32, #tpu.memory_space<vmem>>, vector<1x16xf32>,
    %swap3A_20 = vector.shape_cast %swap3A_19 : vector<1x16xf32> to vector<16xf32>
    %swap3A_21 = vector.shape_cast %broadcast_in_dim3A_15 : vector<16xf32> to vector<1x16xf32>
    tpu.vector_store %arg9[%swap3A_17, %swap3A_18], %swap3A_21 {strides = array<i32>} : memref<8x16xf32, #tpu.memory_space<vmem>>, vector<1x16xf32>,
    %broadcast_in_dim3A_22 = arith.constant 0.000000e+00 : f32
    %broadcast_in_dim3A_23 = vector.broadcast %broadcast_in_dim3A_22 : f32 to vector<16xf32>
    %swap3A_24 = arith.constant 3 : i32
    %swap3A_25 = arith.index_cast %swap3A_24 : i32 to index
    %swap3A_26 = arith.constant 0 : index
    %swap3A_27 = tpu.vector_load %arg9[%swap3A_25, %swap3A_26] {strides = array<i32>} : memref<8x16xf32, #tpu.memory_space<vmem>>, vector<1x16xf32>,
    %swap3A_28 = vector.shape_cast %swap3A_27 : vector<1x16xf32> to vector<16xf32>
    %swap3A_29 = vector.shape_cast %broadcast_in_dim3A_23 : vector<16xf32> to vector<1x16xf32>
    tpu.vector_store %arg9[%swap3A_25, %swap3A_26], %swap3A_29 {strides = array<i32>} : memref<8x16xf32, #tpu.memory_space<vmem>>, vector<1x16xf32>,
    %broadcast_in_dim3A_30 = arith.constant 0.000000e+00 : f32
    %broadcast_in_dim3A_31 = vector.broadcast %broadcast_in_dim3A_30 : f32 to vector<16xf32>
    %swap3A_32 = arith.constant 4 : i32
    %swap3A_33 = arith.index_cast %swap3A_32 : i32 to index
    %swap3A_34 = arith.constant 0 : index
    %swap3A_35 = tpu.vector_load %arg9[%swap3A_33, %swap3A_34] {strides = array<i32>} : memref<8x16xf32, #tpu.memory_space<vmem>>, vector<1x16xf32>,
    %swap3A_36 = vector.shape_cast %swap3A_35 : vector<1x16xf32> to vector<16xf32>
    %swap3A_37 = vector.shape_cast %broadcast_in_dim3A_31 : vector<16xf32> to vector<1x16xf32>
    tpu.vector_store %arg9[%swap3A_33, %swap3A_34], %swap3A_37 {strides = array<i32>} : memref<8x16xf32, #tpu.memory_space<vmem>>, vector<1x16xf32>,
    %broadcast_in_dim3A_38 = arith.constant 0.000000e+00 : f32
    %broadcast_in_dim3A_39 = vector.broadcast %broadcast_in_dim3A_38 : f32 to vector<16xf32>
    %swap3A_40 = arith.constant 5 : i32
    %swap3A_41 = arith.index_cast %swap3A_40 : i32 to index
    %swap3A_42 = arith.constant 0 : index
    %swap3A_43 = tpu.vector_load %arg9[%swap3A_41, %swap3A_42] {strides = array<i32>} : memref<8x16xf32, #tpu.memory_space<vmem>>, vector<1x16xf32>,
    %swap3A_44 = vector.shape_cast %swap3A_43 : vector<1x16xf32> to vector<16xf32>
    %swap3A_45 = vector.shape_cast %broadcast_in_dim3A_39 : vector<16xf32> to vector<1x16xf32>
    tpu.vector_store %arg9[%swap3A_41, %swap3A_42], %swap3A_45 {strides = array<i32>} : memref<8x16xf32, #tpu.memory_space<vmem>>, vector<1x16xf32>,
    %broadcast_in_dim3A_46 = arith.constant 0.000000e+00 : f32
    %broadcast_in_dim3A_47 = vector.broadcast %broadcast_in_dim3A_46 : f32 to vector<16xf32>
    %swap3A_48 = arith.constant 6 : i32
    %swap3A_49 = arith.index_cast %swap3A_48 : i32 to index
    %swap3A_50 = arith.constant 0 : index
    %swap3A_51 = tpu.vector_load %arg9[%swap3A_49, %swap3A_50] {strides = array<i32>} : memref<8x16xf32, #tpu.memory_space<vmem>>, vector<1x16xf32>,
    %swap3A_52 = vector.shape_cast %swap3A_51 : vector<1x16xf32> to vector<16xf32>
    %swap3A_53 = vector.shape_cast %broadcast_in_dim3A_47 : vector<16xf32> to vector<1x16xf32>
    tpu.vector_store %arg9[%swap3A_49, %swap3A_50], %swap3A_53 {strides = array<i32>} : memref<8x16xf32, #tpu.memory_space<vmem>>, vector<1x16xf32>,
    %broadcast_in_dim3A_54 = arith.constant 0.000000e+00 : f32
    %broadcast_in_dim3A_55 = vector.broadcast %broadcast_in_dim3A_54 : f32 to vector<16xf32>
    %swap3A_56 = arith.constant 7 : i32
    %swap3A_57 = arith.index_cast %swap3A_56 : i32 to index
    %swap3A_58 = arith.constant 0 : index
    %swap3A_59 = tpu.vector_load %arg9[%swap3A_57, %swap3A_58] {strides = array<i32>} : memref<8x16xf32, #tpu.memory_space<vmem>>, vector<1x16xf32>,
    %swap3A_60 = vector.shape_cast %swap3A_59 : vector<1x16xf32> to vector<16xf32>
    %swap3A_61 = vector.shape_cast %broadcast_in_dim3A_55 : vector<16xf32> to vector<1x16xf32>
    tpu.vector_store %arg9[%swap3A_57, %swap3A_58], %swap3A_61 {strides = array<i32>} : memref<8x16xf32, #tpu.memory_space<vmem>>, vector<1x16xf32>,
    %mul3A = arith.constant 8 : i32
    %mul3A_62 = arith.muli %arg1, %mul3A : i32
    %run_scoped3A = arith.constant 0 : i32
    "tpu.region"() ({
      %run_scoped3A_640 = tpu.sem_alloc : memref<!tpu.dma_semaphore, #tpu.memory_space<semaphore_mem>>
      %dma_start3A_641 = arith.constant 0 : i32
      %dma_start3A_642 = arith.constant 0 : i32
      %dma_start3A_643 = tpu.memref_slice %arg10[%run_scoped3A, %dma_start3A_641, %dma_start3A_642] : memref<4x128x16xf32, #tpu.memory_space<vmem_shared>> -> memref<1x128x16xf32, #tpu.memory_space<vmem_shared>>
      %dma_start3A_644 = tpu.memref_squeeze %dma_start3A_643 : memref<1x128x16xf32, #tpu.memory_space<vmem_shared>> -> memref<128x16xf32, #tpu.memory_space<vmem_shared>>
      %dma_start3A_645 = arith.constant 0 : i32
      %dma_start3A_646 = tpu.memref_slice %dma_start3A_644[%mul3A_62, %dma_start3A_645] : memref<128x16xf32, #tpu.memory_space<vmem_shared>> -> memref<8x16xf32, #tpu.memory_space<vmem_shared>>
      %dma_start3A_647 = arith.constant 0 : i32
      %dma_start3A_648 = arith.constant 0 : i32
      %dma_start3A_649 = tpu.memref_slice %arg10[%run_scoped3A, %dma_start3A_647, %dma_start3A_648] : memref<4x128x16xf32, #tpu.memory_space<vmem_shared>> -> memref<1x128x16xf32, #tpu.memory_space<vmem_shared>>
      %dma_start3A_650 = tpu.memref_squeeze %dma_start3A_649 : memref<1x128x16xf32, #tpu.memory_space<vmem_shared>> -> memref<128x16xf32, #tpu.memory_space<vmem_shared>>
      %dma_start3A_651 = arith.constant 0 : i32
      %dma_start3A_652 = tpu.memref_slice %dma_start3A_650[%mul3A_62, %dma_start3A_651] : memref<128x16xf32, #tpu.memory_space<vmem_shared>> -> memref<8x16xf32, #tpu.memory_space<vmem_shared>>
      tpu.enqueue_dma source(%arg9 : memref<8x16xf32, #tpu.memory_space<vmem>>) target(%dma_start3A_652 : memref<8x16xf32, #tpu.memory_space<vmem_shared>>) target_semaphore(%run_scoped3A_640 : memref<!tpu.dma_semaphore, #tpu.memory_space<semaphore_mem>>)
      %dma_wait3A_653 = arith.constant 0 : i32
      %dma_wait3A_654 = arith.constant 0 : i32
      %dma_wait3A_655 = tpu.memref_slice %arg10[%run_scoped3A, %dma_wait3A_653, %dma_wait3A_654] : memref<4x128x16xf32, #tpu.memory_space<vmem_shared>> -> memref<1x128x16xf32, #tpu.memory_space<vmem_shared>>
      %dma_wait3A_656 = tpu.memref_squeeze %dma_wait3A_655 : memref<1x128x16xf32, #tpu.memory_space<vmem_shared>> -> memref<128x16xf32, #tpu.memory_space<vmem_shared>>
      %dma_wait3A_657 = arith.constant 0 : i32
      %dma_wait3A_658 = tpu.memref_slice %dma_wait3A_656[%mul3A_62, %dma_wait3A_657] : memref<128x16xf32, #tpu.memory_space<vmem_shared>> -> memref<8x16xf32, #tpu.memory_space<vmem_shared>>
      %dma_wait3A_659 = arith.constant 0 : i32
      %dma_wait3A_660 = arith.constant 0 : i32
      %dma_wait3A_661 = tpu.memref_slice %arg10[%run_scoped3A, %dma_wait3A_659, %dma_wait3A_660] : memref<4x128x16xf32, #tpu.memory_space<vmem_shared>> -> memref<1x128x16xf32, #tpu.memory_space<vmem_shared>>
      %dma_wait3A_662 = tpu.memref_squeeze %dma_wait3A_661 : memref<1x128x16xf32, #tpu.memory_space<vmem_shared>> -> memref<128x16xf32, #tpu.memory_space<vmem_shared>>
      %dma_wait3A_663 = arith.constant 0 : i32
      %dma_wait3A_664 = tpu.memref_slice %dma_wait3A_662[%mul3A_62, %dma_wait3A_663] : memref<128x16xf32, #tpu.memory_space<vmem_shared>> -> memref<8x16xf32, #tpu.memory_space<vmem_shared>>
      tpu.wait_dma2 semaphore(%run_scoped3A_640 : memref<!tpu.dma_semaphore, #tpu.memory_space<semaphore_mem>>) src(%arg9 : memref<8x16xf32, #tpu.memory_space<vmem>>) dst(%dma_wait3A_664 : memref<8x16xf32, #tpu.memory_space<vmem_shared>>)
      tpu.yield
    }) : () -> ()
    %mul3A_63 = arith.constant 8 : i32
    %mul3A_64 = arith.muli %arg1, %mul3A_63 : i32
    %run_scoped3A_65 = arith.constant 1 : i32
    "tpu.region"() ({
      %run_scoped3A_640 = tpu.sem_alloc : memref<!tpu.dma_semaphore, #tpu.memory_space<semaphore_mem>>
      %dma_start3A_641 = arith.constant 0 : i32
      %dma_start3A_642 = arith.constant 0 : i32
      %dma_start3A_643 = tpu.memref_slice %arg10[%run_scoped3A_65, %dma_start3A_641, %dma_start3A_642] : memref<4x128x16xf32, #tpu.memory_space<vmem_shared>> -> memref<1x128x16xf32, #tpu.memory_space<vmem_shared>>
      %dma_start3A_644 = tpu.memref_squeeze %dma_start3A_643 : memref<1x128x16xf32, #tpu.memory_space<vmem_shared>> -> memref<128x16xf32, #tpu.memory_space<vmem_shared>>
      %dma_start3A_645 = arith.constant 0 : i32
      %dma_start3A_646 = tpu.memref_slice %dma_start3A_644[%mul3A_64, %dma_start3A_645] : memref<128x16xf32, #tpu.memory_space<vmem_shared>> -> memref<8x16xf32, #tpu.memory_space<vmem_shared>>
      %dma_start3A_647 = arith.constant 0 : i32
      %dma_start3A_648 = arith.constant 0 : i32
      %dma_start3A_649 = tpu.memref_slice %arg10[%run_scoped3A_65, %dma_start3A_647, %dma_start3A_648] : memref<4x128x16xf32, #tpu.memory_space<vmem_shared>> -> memref<1x128x16xf32, #tpu.memory_space<vmem_shared>>
      %dma_start3A_650 = tpu.memref_squeeze %dma_start3A_649 : memref<1x128x16xf32, #tpu.memory_space<vmem_shared>> -> memref<128x16xf32, #tpu.memory_space<vmem_shared>>
      %dma_start3A_651 = arith.constant 0 : i32
      %dma_start3A_652 = tpu.memref_slice %dma_start3A_650[%mul3A_64, %dma_start3A_651] : memref<128x16xf32, #tpu.memory_space<vmem_shared>> -> memref<8x16xf32, #tpu.memory_space<vmem_shared>>
      tpu.enqueue_dma source(%arg9 : memref<8x16xf32, #tpu.memory_space<vmem>>) target(%dma_start3A_652 : memref<8x16xf32, #tpu.memory_space<vmem_shared>>) target_semaphore(%run_scoped3A_640 : memref<!tpu.dma_semaphore, #tpu.memory_space<semaphore_mem>>)
      %dma_wait3A_653 = arith.constant 0 : i32
      %dma_wait3A_654 = arith.constant 0 : i32
      %dma_wait3A_655 = tpu.memref_slice %arg10[%run_scoped3A_65, %dma_wait3A_653, %dma_wait3A_654] : memref<4x128x16xf32, #tpu.memory_space<vmem_shared>> -> memref<1x128x16xf32, #tpu.memory_space<vmem_shared>>
      %dma_wait3A_656 = tpu.memref_squeeze %dma_wait3A_655 : memref<1x128x16xf32, #tpu.memory_space<vmem_shared>> -> memref<128x16xf32, #tpu.memory_space<vmem_shared>>
      %dma_wait3A_657 = arith.constant 0 : i32
      %dma_wait3A_658 = tpu.memref_slice %dma_wait3A_656[%mul3A_64, %dma_wait3A_657] : memref<128x16xf32, #tpu.memory_space<vmem_shared>> -> memref<8x16xf32, #tpu.memory_space<vmem_shared>>
      %dma_wait3A_659 = arith.constant 0 : i32
      %dma_wait3A_660 = arith.constant 0 : i32
      %dma_wait3A_661 = tpu.memref_slice %arg10[%run_scoped3A_65, %dma_wait3A_659, %dma_wait3A_660] : memref<4x128x16xf32, #tpu.memory_space<vmem_shared>> -> memref<1x128x16xf32, #tpu.memory_space<vmem_shared>>
      %dma_wait3A_662 = tpu.memref_squeeze %dma_wait3A_661 : memref<1x128x16xf32, #tpu.memory_space<vmem_shared>> -> memref<128x16xf32, #tpu.memory_space<vmem_shared>>
      %dma_wait3A_663 = arith.constant 0 : i32
      %dma_wait3A_664 = tpu.memref_slice %dma_wait3A_662[%mul3A_64, %dma_wait3A_663] : memref<128x16xf32, #tpu.memory_space<vmem_shared>> -> memref<8x16xf32, #tpu.memory_space<vmem_shared>>
      tpu.wait_dma2 semaphore(%run_scoped3A_640 : memref<!tpu.dma_semaphore, #tpu.memory_space<semaphore_mem>>) src(%arg9 : memref<8x16xf32, #tpu.memory_space<vmem>>) dst(%dma_wait3A_664 : memref<8x16xf32, #tpu.memory_space<vmem_shared>>)
      tpu.yield
    }) : () -> ()
    %mul3A_66 = arith.constant 8 : i32
    %mul3A_67 = arith.muli %arg1, %mul3A_66 : i32
    %run_scoped3A_68 = arith.constant 2 : i32
    "tpu.region"() ({
      %run_scoped3A_640 = tpu.sem_alloc : memref<!tpu.dma_semaphore, #tpu.memory_space<semaphore_mem>>
      %dma_start3A_641 = arith.constant 0 : i32
      %dma_start3A_642 = arith.constant 0 : i32
      %dma_start3A_643 = tpu.memref_slice %arg10[%run_scoped3A_68, %dma_start3A_641, %dma_start3A_642] : memref<4x128x16xf32, #tpu.memory_space<vmem_shared>> -> memref<1x128x16xf32, #tpu.memory_space<vmem_shared>>
      %dma_start3A_644 = tpu.memref_squeeze %dma_start3A_643 : memref<1x128x16xf32, #tpu.memory_space<vmem_shared>> -> memref<128x16xf32, #tpu.memory_space<vmem_shared>>
      %dma_start3A_645 = arith.constant 0 : i32
      %dma_start3A_646 = tpu.memref_slice %dma_start3A_644[%mul3A_67, %dma_start3A_645] : memref<128x16xf32, #tpu.memory_space<vmem_shared>> -> memref<8x16xf32, #tpu.memory_space<vmem_shared>>
      %dma_start3A_647 = arith.constant 0 : i32
      %dma_start3A_648 = arith.constant 0 : i32
      %dma_start3A_649 = tpu.memref_slice %arg10[%run_scoped3A_68, %dma_start3A_647, %dma_start3A_648] : memref<4x128x16xf32, #tpu.memory_space<vmem_shared>> -> memref<1x128x16xf32, #tpu.memory_space<vmem_shared>>
      %dma_start3A_650 = tpu.memref_squeeze %dma_start3A_649 : memref<1x128x16xf32, #tpu.memory_space<vmem_shared>> -> memref<128x16xf32, #tpu.memory_space<vmem_shared>>
      %dma_start3A_651 = arith.constant 0 : i32
      %dma_start3A_652 = tpu.memref_slice %dma_start3A_650[%mul3A_67, %dma_start3A_651] : memref<128x16xf32, #tpu.memory_space<vmem_shared>> -> memref<8x16xf32, #tpu.memory_space<vmem_shared>>
      tpu.enqueue_dma source(%arg9 : memref<8x16xf32, #tpu.memory_space<vmem>>) target(%dma_start3A_652 : memref<8x16xf32, #tpu.memory_space<vmem_shared>>) target_semaphore(%run_scoped3A_640 : memref<!tpu.dma_semaphore, #tpu.memory_space<semaphore_mem>>)
      %dma_wait3A_653 = arith.constant 0 : i32
      %dma_wait3A_654 = arith.constant 0 : i32
      %dma_wait3A_655 = tpu.memref_slice %arg10[%run_scoped3A_68, %dma_wait3A_653, %dma_wait3A_654] : memref<4x128x16xf32, #tpu.memory_space<vmem_shared>> -> memref<1x128x16xf32, #tpu.memory_space<vmem_shared>>
      %dma_wait3A_656 = tpu.memref_squeeze %dma_wait3A_655 : memref<1x128x16xf32, #tpu.memory_space<vmem_shared>> -> memref<128x16xf32, #tpu.memory_space<vmem_shared>>
      %dma_wait3A_657 = arith.constant 0 : i32
      %dma_wait3A_658 = tpu.memref_slice %dma_wait3A_656[%mul3A_67, %dma_wait3A_657] : memref<128x16xf32, #tpu.memory_space<vmem_shared>> -> memref<8x16xf32, #tpu.memory_space<vmem_shared>>
      %dma_wait3A_659 = arith.constant 0 : i32
      %dma_wait3A_660 = arith.constant 0 : i32
      %dma_wait3A_661 = tpu.memref_slice %arg10[%run_scoped3A_68, %dma_wait3A_659, %dma_wait3A_660] : memref<4x128x16xf32, #tpu.memory_space<vmem_shared>> -> memref<1x128x16xf32, #tpu.memory_space<vmem_shared>>
      %dma_wait3A_662 = tpu.memref_squeeze %dma_wait3A_661 : memref<1x128x16xf32, #tpu.memory_space<vmem_shared>> -> memref<128x16xf32, #tpu.memory_space<vmem_shared>>
      %dma_wait3A_663 = arith.constant 0 : i32
      %dma_wait3A_664 = tpu.memref_slice %dma_wait3A_662[%mul3A_67, %dma_wait3A_663] : memref<128x16xf32, #tpu.memory_space<vmem_shared>> -> memref<8x16xf32, #tpu.memory_space<vmem_shared>>
      tpu.wait_dma2 semaphore(%run_scoped3A_640 : memref<!tpu.dma_semaphore, #tpu.memory_space<semaphore_mem>>) src(%arg9 : memref<8x16xf32, #tpu.memory_space<vmem>>) dst(%dma_wait3A_664 : memref<8x16xf32, #tpu.memory_space<vmem_shared>>)
      tpu.yield
    }) : () -> ()
    %mul3A_69 = arith.constant 8 : i32
    %mul3A_70 = arith.muli %arg1, %mul3A_69 : i32
    %run_scoped3A_71 = arith.constant 3 : i32
    "tpu.region"() ({
      %run_scoped3A_640 = tpu.sem_alloc : memref<!tpu.dma_semaphore, #tpu.memory_space<semaphore_mem>>
      %dma_start3A_641 = arith.constant 0 : i32
      %dma_start3A_642 = arith.constant 0 : i32
      %dma_start3A_643 = tpu.memref_slice %arg10[%run_scoped3A_71, %dma_start3A_641, %dma_start3A_642] : memref<4x128x16xf32, #tpu.memory_space<vmem_shared>> -> memref<1x128x16xf32, #tpu.memory_space<vmem_shared>>
      %dma_start3A_644 = tpu.memref_squeeze %dma_start3A_643 : memref<1x128x16xf32, #tpu.memory_space<vmem_shared>> -> memref<128x16xf32, #tpu.memory_space<vmem_shared>>
      %dma_start3A_645 = arith.constant 0 : i32
      %dma_start3A_646 = tpu.memref_slice %dma_start3A_644[%mul3A_70, %dma_start3A_645] : memref<128x16xf32, #tpu.memory_space<vmem_shared>> -> memref<8x16xf32, #tpu.memory_space<vmem_shared>>
      %dma_start3A_647 = arith.constant 0 : i32
      %dma_start3A_648 = arith.constant 0 : i32
      %dma_start3A_649 = tpu.memref_slice %arg10[%run_scoped3A_71, %dma_start3A_647, %dma_start3A_648] : memref<4x128x16xf32, #tpu.memory_space<vmem_shared>> -> memref<1x128x16xf32, #tpu.memory_space<vmem_shared>>
      %dma_start3A_650 = tpu.memref_squeeze %dma_start3A_649 : memref<1x128x16xf32, #tpu.memory_space<vmem_shared>> -> memref<128x16xf32, #tpu.memory_space<vmem_shared>>
      %dma_start3A_651 = arith.constant 0 : i32
      %dma_start3A_652 = tpu.memref_slice %dma_start3A_650[%mul3A_70, %dma_start3A_651] : memref<128x16xf32, #tpu.memory_space<vmem_shared>> -> memref<8x16xf32, #tpu.memory_space<vmem_shared>>
      tpu.enqueue_dma source(%arg9 : memref<8x16xf32, #tpu.memory_space<vmem>>) target(%dma_start3A_652 : memref<8x16xf32, #tpu.memory_space<vmem_shared>>) target_semaphore(%run_scoped3A_640 : memref<!tpu.dma_semaphore, #tpu.memory_space<semaphore_mem>>)
      %dma_wait3A_653 = arith.constant 0 : i32
      %dma_wait3A_654 = arith.constant 0 : i32
      %dma_wait3A_655 = tpu.memref_slice %arg10[%run_scoped3A_71, %dma_wait3A_653, %dma_wait3A_654] : memref<4x128x16xf32, #tpu.memory_space<vmem_shared>> -> memref<1x128x16xf32, #tpu.memory_space<vmem_shared>>
      %dma_wait3A_656 = tpu.memref_squeeze %dma_wait3A_655 : memref<1x128x16xf32, #tpu.memory_space<vmem_shared>> -> memref<128x16xf32, #tpu.memory_space<vmem_shared>>
      %dma_wait3A_657 = arith.constant 0 : i32
      %dma_wait3A_658 = tpu.memref_slice %dma_wait3A_656[%mul3A_70, %dma_wait3A_657] : memref<128x16xf32, #tpu.memory_space<vmem_shared>> -> memref<8x16xf32, #tpu.memory_space<vmem_shared>>
      %dma_wait3A_659 = arith.constant 0 : i32
      %dma_wait3A_660 = arith.constant 0 : i32
      %dma_wait3A_661 = tpu.memref_slice %arg10[%run_scoped3A_71, %dma_wait3A_659, %dma_wait3A_660] : memref<4x128x16xf32, #tpu.memory_space<vmem_shared>> -> memref<1x128x16xf32, #tpu.memory_space<vmem_shared>>
      %dma_wait3A_662 = tpu.memref_squeeze %dma_wait3A_661 : memref<1x128x16xf32, #tpu.memory_space<vmem_shared>> -> memref<128x16xf32, #tpu.memory_space<vmem_shared>>
      %dma_wait3A_663 = arith.constant 0 : i32
      %dma_wait3A_664 = tpu.memref_slice %dma_wait3A_662[%mul3A_70, %dma_wait3A_663] : memref<128x16xf32, #tpu.memory_space<vmem_shared>> -> memref<8x16xf32, #tpu.memory_space<vmem_shared>>
      tpu.wait_dma2 semaphore(%run_scoped3A_640 : memref<!tpu.dma_semaphore, #tpu.memory_space<semaphore_mem>>) src(%arg9 : memref<8x16xf32, #tpu.memory_space<vmem>>) dst(%dma_wait3A_664 : memref<8x16xf32, #tpu.memory_space<vmem_shared>>)
      tpu.yield
    }) : () -> ()
    %barrier3A = arith.constant 0 : index
    tpu.barrier barrier_id(%barrier3A)
    %mul3A_72 = arith.constant 32 : i32
    %mul3A_73 = arith.muli %arg0, %mul3A_72 : i32
    %mul3A_74 = arith.constant 2 : i32
    %mul3A_75 = arith.muli %arg1, %mul3A_74 : i32
    %add3A = arith.addi %mul3A_73, %mul3A_75 : i32
    "tpu.region"() ({
      %run_scoped3A_640 = tpu.sem_alloc : memref<!tpu.dma_semaphore, #tpu.memory_space<semaphore_mem>>
      %dma_start3A_641 = arith.constant 0 : i32
      %dma_start3A_642 = tpu.memref_slice %arg3[%add3A, %dma_start3A_641] : memref<64x512xi32, #tpu.memory_space<hbm>> -> memref<2x512xi32, #tpu.memory_space<hbm>>
      %dma_start3A_643 = arith.constant 0 : i32
      %dma_start3A_644 = tpu.memref_slice %arg3[%add3A, %dma_start3A_643] : memref<64x512xi32, #tpu.memory_space<hbm>> -> memref<2x512xi32, #tpu.memory_space<hbm>>
      tpu.enqueue_dma source(%dma_start3A_644 : memref<2x512xi32, #tpu.memory_space<hbm>>) target(%arg6 : memref<2x512xi32, #tpu.memory_space<vmem>>) target_semaphore(%run_scoped3A_640 : memref<!tpu.dma_semaphore, #tpu.memory_space<semaphore_mem>>)
      %dma_wait3A_645 = arith.constant 0 : i32
      %dma_wait3A_646 = tpu.memref_slice %arg3[%add3A, %dma_wait3A_645] : memref<64x512xi32, #tpu.memory_space<hbm>> -> memref<2x512xi32, #tpu.memory_space<hbm>>
      %dma_wait3A_647 = arith.constant 0 : i32
      %dma_wait3A_648 = tpu.memref_slice %arg3[%add3A, %dma_wait3A_647] : memref<64x512xi32, #tpu.memory_space<hbm>> -> memref<2x512xi32, #tpu.memory_space<hbm>>
      tpu.wait_dma2 semaphore(%run_scoped3A_640 : memref<!tpu.dma_semaphore, #tpu.memory_space<semaphore_mem>>) src(%dma_wait3A_648 : memref<2x512xi32, #tpu.memory_space<hbm>>) dst(%arg6 : memref<2x512xi32, #tpu.memory_space<vmem>>)
      tpu.yield
    }) : () -> ()
    "tpu.region"() ({
      %run_scoped3A_640 = tpu.sem_alloc : memref<!tpu.dma_semaphore, #tpu.memory_space<semaphore_mem>>
      %dma_start3A_641 = arith.constant 0 : i32
      %dma_start3A_642 = tpu.memref_slice %arg4[%add3A, %dma_start3A_641] : memref<64x512xi32, #tpu.memory_space<hbm>> -> memref<2x512xi32, #tpu.memory_space<hbm>>
      %dma_start3A_643 = arith.constant 0 : i32
      %dma_start3A_644 = tpu.memref_slice %arg4[%add3A, %dma_start3A_643] : memref<64x512xi32, #tpu.memory_space<hbm>> -> memref<2x512xi32, #tpu.memory_space<hbm>>
      tpu.enqueue_dma source(%dma_start3A_644 : memref<2x512xi32, #tpu.memory_space<hbm>>) target(%arg7 : memref<2x512xi32, #tpu.memory_space<vmem>>) target_semaphore(%run_scoped3A_640 : memref<!tpu.dma_semaphore, #tpu.memory_space<semaphore_mem>>)
      %dma_wait3A_645 = arith.constant 0 : i32
      %dma_wait3A_646 = tpu.memref_slice %arg4[%add3A, %dma_wait3A_645] : memref<64x512xi32, #tpu.memory_space<hbm>> -> memref<2x512xi32, #tpu.memory_space<hbm>>
      %dma_wait3A_647 = arith.constant 0 : i32
      %dma_wait3A_648 = tpu.memref_slice %arg4[%add3A, %dma_wait3A_647] : memref<64x512xi32, #tpu.memory_space<hbm>> -> memref<2x512xi32, #tpu.memory_space<hbm>>
      tpu.wait_dma2 semaphore(%run_scoped3A_640 : memref<!tpu.dma_semaphore, #tpu.memory_space<semaphore_mem>>) src(%dma_wait3A_648 : memref<2x512xi32, #tpu.memory_space<hbm>>) dst(%arg7 : memref<2x512xi32, #tpu.memory_space<vmem>>)
      tpu.yield
    }) : () -> ()
    %dma_start3A = arith.constant 0 : i32
    %dma_start3A_76 = arith.constant 0 : i32
    %dma_start3A_77 = arith.constant 0 : i32
    %dma_start3A_78 = arith.constant 0 : i32
    %dma_start3A_79 = arith.constant 0 : i32
    %dma_start3A_80 = tpu.memref_slice %arg8[%dma_start3A_77, %dma_start3A_78, %dma_start3A_79] : memref<2x512x16xf32, #tpu.memory_space<vmem>> -> memref<1x512x16xf32, #tpu.memory_space<vmem>>
    %dma_start3A_81 = tpu.memref_squeeze %dma_start3A_80 : memref<1x512x16xf32, #tpu.memory_space<vmem>> -> memref<512x16xf32, #tpu.memory_space<vmem>>
    %dma_start3A_82 = arith.constant 0 : i32
    %dma_start3A_83 = tpu.memref_slice %arg6[%dma_start3A_76, %dma_start3A_82] : memref<2x512xi32, #tpu.memory_space<vmem>> -> memref<1x512xi32, #tpu.memory_space<vmem>>
    %dma_start3A_84 = tpu.memref_squeeze %dma_start3A_83 : memref<1x512xi32, #tpu.memory_space<vmem>> -> memref<512xi32, #tpu.memory_space<vmem>>
    %dma_start3A_85 = arith.constant 0 : i32
    %dma_start3A_86 = arith.constant 0 : i32
    %dma_start3A_87 = tpu.memref_slice %arg2[%dma_start3A, %dma_start3A_85, %dma_start3A_86] : memref<4x100352x16xf32, #tpu.memory_space<hbm>> -> memref<1x100352x16xf32, #tpu.memory_space<hbm>>
    %dma_start3A_88 = tpu.memref_squeeze %dma_start3A_87 : memref<1x100352x16xf32, #tpu.memory_space<hbm>> -> memref<100352x16xf32, #tpu.memory_space<hbm>>
    %dma_start3A_89 = arith.constant 0 : i32
    %dma_start3A_90 = arith.constant 0 : i32
    %dma_start3A_91 = tpu.memref_slice %dma_start3A_88[%dma_start3A_89, %dma_start3A_90] : memref<100352x16xf32, #tpu.memory_space<hbm>> -> memref<100352x16xf32, #tpu.memory_space<hbm>>
    tpu.enqueue_indirect_dma source(%dma_start3A_91 : memref<100352x16xf32, #tpu.memory_space<hbm>>) target(%dma_start3A_81 : memref<512x16xf32, #tpu.memory_space<vmem>>) offsets(%dma_start3A_84 : memref<512xi32, #tpu.memory_space<vmem>>) semaphore(%arg11 : memref<!tpu.dma_semaphore, #tpu.memory_space<semaphore_mem>>)
    %dma_start3A_92 = arith.constant 0 : i32
    %dma_start3A_93 = arith.constant 1 : i32
    %dma_start3A_94 = arith.constant 1 : i32
    %dma_start3A_95 = arith.constant 0 : i32
    %dma_start3A_96 = arith.constant 0 : i32
    %dma_start3A_97 = tpu.memref_slice %arg8[%dma_start3A_94, %dma_start3A_95, %dma_start3A_96] : memref<2x512x16xf32, #tpu.memory_space<vmem>> -> memref<1x512x16xf32, #tpu.memory_space<vmem>>
    %dma_start3A_98 = tpu.memref_squeeze %dma_start3A_97 : memref<1x512x16xf32, #tpu.memory_space<vmem>> -> memref<512x16xf32, #tpu.memory_space<vmem>>
    %dma_start3A_99 = arith.constant 0 : i32
    %dma_start3A_100 = tpu.memref_slice %arg6[%dma_start3A_93, %dma_start3A_99] : memref<2x512xi32, #tpu.memory_space<vmem>> -> memref<1x512xi32, #tpu.memory_space<vmem>>
    %dma_start3A_101 = tpu.memref_squeeze %dma_start3A_100 : memref<1x512xi32, #tpu.memory_space<vmem>> -> memref<512xi32, #tpu.memory_space<vmem>>
    %dma_start3A_102 = arith.constant 0 : i32
    %dma_start3A_103 = arith.constant 0 : i32
    %dma_start3A_104 = tpu.memref_slice %arg2[%dma_start3A_92, %dma_start3A_102, %dma_start3A_103] : memref<4x100352x16xf32, #tpu.memory_space<hbm>> -> memref<1x100352x16xf32, #tpu.memory_space<hbm>>
    %dma_start3A_105 = tpu.memref_squeeze %dma_start3A_104 : memref<1x100352x16xf32, #tpu.memory_space<hbm>> -> memref<100352x16xf32, #tpu.memory_space<hbm>>
    %dma_start3A_106 = arith.constant 0 : i32
    %dma_start3A_107 = arith.constant 0 : i32
    %dma_start3A_108 = tpu.memref_slice %dma_start3A_105[%dma_start3A_106, %dma_start3A_107] : memref<100352x16xf32, #tpu.memory_space<hbm>> -> memref<100352x16xf32, #tpu.memory_space<hbm>>
    tpu.enqueue_indirect_dma source(%dma_start3A_108 : memref<100352x16xf32, #tpu.memory_space<hbm>>) target(%dma_start3A_98 : memref<512x16xf32, #tpu.memory_space<vmem>>) offsets(%dma_start3A_101 : memref<512xi32, #tpu.memory_space<vmem>>) semaphore(%arg11 : memref<!tpu.dma_semaphore, #tpu.memory_space<semaphore_mem>>)
    %dma_wait3A = arith.constant 0 : i32
    %dma_wait3A_109 = arith.constant 0 : i32
    %dma_wait3A_110 = arith.constant 0 : i32
    %dma_wait3A_111 = arith.constant 0 : i32
    %dma_wait3A_112 = arith.constant 0 : i32
    %dma_wait3A_113 = tpu.memref_slice %arg8[%dma_wait3A_110, %dma_wait3A_111, %dma_wait3A_112] : memref<2x512x16xf32, #tpu.memory_space<vmem>> -> memref<1x512x16xf32, #tpu.memory_space<vmem>>
    %dma_wait3A_114 = tpu.memref_squeeze %dma_wait3A_113 : memref<1x512x16xf32, #tpu.memory_space<vmem>> -> memref<512x16xf32, #tpu.memory_space<vmem>>
    %dma_wait3A_115 = arith.constant 0 : i32
    %dma_wait3A_116 = tpu.memref_slice %arg6[%dma_wait3A_109, %dma_wait3A_115] : memref<2x512xi32, #tpu.memory_space<vmem>> -> memref<1x512xi32, #tpu.memory_space<vmem>>
    %dma_wait3A_117 = tpu.memref_squeeze %dma_wait3A_116 : memref<1x512xi32, #tpu.memory_space<vmem>> -> memref<512xi32, #tpu.memory_space<vmem>>
    %dma_wait3A_118 = arith.constant 0 : i32
    %dma_wait3A_119 = arith.constant 0 : i32
    %dma_wait3A_120 = tpu.memref_slice %arg2[%dma_wait3A, %dma_wait3A_118, %dma_wait3A_119] : memref<4x100352x16xf32, #tpu.memory_space<hbm>> -> memref<1x100352x16xf32, #tpu.memory_space<hbm>>
    %dma_wait3A_121 = tpu.memref_squeeze %dma_wait3A_120 : memref<1x100352x16xf32, #tpu.memory_space<hbm>> -> memref<100352x16xf32, #tpu.memory_space<hbm>>
    %dma_wait3A_122 = arith.constant 0 : i32
    %dma_wait3A_123 = arith.constant 0 : i32
    %dma_wait3A_124 = tpu.memref_slice %dma_wait3A_121[%dma_wait3A_122, %dma_wait3A_123] : memref<100352x16xf32, #tpu.memory_space<hbm>> -> memref<100352x16xf32, #tpu.memory_space<hbm>>
    tpu.wait_indirect_dma semaphore(%arg11 : memref<!tpu.dma_semaphore, #tpu.memory_space<semaphore_mem>>) src(%dma_wait3A_124 : memref<100352x16xf32, #tpu.memory_space<hbm>>) dst(%dma_wait3A_114 : memref<512x16xf32, #tpu.memory_space<vmem>>)
    %dma_start3A_125 = arith.constant 0 : i32
    %dma_start3A_126 = arith.constant 0 : i32
    %dma_start3A_127 = arith.constant 0 : i32
    %dma_start3A_128 = arith.constant 0 : i32
    %dma_start3A_129 = arith.constant 0 : i32
    %dma_start3A_130 = tpu.memref_slice %arg8[%dma_start3A_125, %dma_start3A_128, %dma_start3A_129] : memref<2x512x16xf32, #tpu.memory_space<vmem>> -> memref<1x512x16xf32, #tpu.memory_space<vmem>>
    %dma_start3A_131 = tpu.memref_squeeze %dma_start3A_130 : memref<1x512x16xf32, #tpu.memory_space<vmem>> -> memref<512x16xf32, #tpu.memory_space<vmem>>
    %dma_start3A_132 = arith.constant 0 : i32
    %dma_start3A_133 = tpu.memref_slice %arg7[%dma_start3A_127, %dma_start3A_132] : memref<2x512xi32, #tpu.memory_space<vmem>> -> memref<1x512xi32, #tpu.memory_space<vmem>>
    %dma_start3A_134 = tpu.memref_squeeze %dma_start3A_133 : memref<1x512xi32, #tpu.memory_space<vmem>> -> memref<512xi32, #tpu.memory_space<vmem>>
    %dma_start3A_135 = arith.constant 0 : i32
    %dma_start3A_136 = arith.constant 0 : i32
    %dma_start3A_137 = tpu.memref_slice %arg10[%dma_start3A_126, %dma_start3A_135, %dma_start3A_136] : memref<4x128x16xf32, #tpu.memory_space<vmem_shared>> -> memref<1x128x16xf32, #tpu.memory_space<vmem_shared>>
    %dma_start3A_138 = tpu.memref_squeeze %dma_start3A_137 : memref<1x128x16xf32, #tpu.memory_space<vmem_shared>> -> memref<128x16xf32, #tpu.memory_space<vmem_shared>>
    %dma_start3A_139 = arith.constant 0 : i32
    %dma_start3A_140 = arith.constant 0 : i32
    %dma_start3A_141 = tpu.memref_slice %dma_start3A_138[%dma_start3A_139, %dma_start3A_140] : memref<128x16xf32, #tpu.memory_space<vmem_shared>> -> memref<128x16xf32, #tpu.memory_space<vmem_shared>>
    tpu.enqueue_indirect_dma source(%dma_start3A_131 : memref<512x16xf32, #tpu.memory_space<vmem>>) target(%dma_start3A_141 : memref<128x16xf32, #tpu.memory_space<vmem_shared>>) offsets(%dma_start3A_134 : memref<512xi32, #tpu.memory_space<vmem>>) semaphore(%arg12 : memref<!tpu.dma_semaphore, #tpu.memory_space<semaphore_mem>>) {add = true}
    %dma_wait3A_142 = arith.constant 0 : i32
    %dma_wait3A_143 = arith.constant 1 : i32
    %dma_wait3A_144 = arith.constant 1 : i32
    %dma_wait3A_145 = arith.constant 0 : i32
    %dma_wait3A_146 = arith.constant 0 : i32
    %dma_wait3A_147 = tpu.memref_slice %arg8[%dma_wait3A_144, %dma_wait3A_145, %dma_wait3A_146] : memref<2x512x16xf32, #tpu.memory_space<vmem>> -> memref<1x512x16xf32, #tpu.memory_space<vmem>>
    %dma_wait3A_148 = tpu.memref_squeeze %dma_wait3A_147 : memref<1x512x16xf32, #tpu.memory_space<vmem>> -> memref<512x16xf32, #tpu.memory_space<vmem>>
    %dma_wait3A_149 = arith.constant 0 : i32
    %dma_wait3A_150 = tpu.memref_slice %arg6[%dma_wait3A_143, %dma_wait3A_149] : memref<2x512xi32, #tpu.memory_space<vmem>> -> memref<1x512xi32, #tpu.memory_space<vmem>>
    %dma_wait3A_151 = tpu.memref_squeeze %dma_wait3A_150 : memref<1x512xi32, #tpu.memory_space<vmem>> -> memref<512xi32, #tpu.memory_space<vmem>>
    %dma_wait3A_152 = arith.constant 0 : i32
    %dma_wait3A_153 = arith.constant 0 : i32
    %dma_wait3A_154 = tpu.memref_slice %arg2[%dma_wait3A_142, %dma_wait3A_152, %dma_wait3A_153] : memref<4x100352x16xf32, #tpu.memory_space<hbm>> -> memref<1x100352x16xf32, #tpu.memory_space<hbm>>
    %dma_wait3A_155 = tpu.memref_squeeze %dma_wait3A_154 : memref<1x100352x16xf32, #tpu.memory_space<hbm>> -> memref<100352x16xf32, #tpu.memory_space<hbm>>
    %dma_wait3A_156 = arith.constant 0 : i32
    %dma_wait3A_157 = arith.constant 0 : i32
    %dma_wait3A_158 = tpu.memref_slice %dma_wait3A_155[%dma_wait3A_156, %dma_wait3A_157] : memref<100352x16xf32, #tpu.memory_space<hbm>> -> memref<100352x16xf32, #tpu.memory_space<hbm>>
    tpu.wait_indirect_dma semaphore(%arg11 : memref<!tpu.dma_semaphore, #tpu.memory_space<semaphore_mem>>) src(%dma_wait3A_158 : memref<100352x16xf32, #tpu.memory_space<hbm>>) dst(%dma_wait3A_148 : memref<512x16xf32, #tpu.memory_space<vmem>>)
    %dma_start3A_159 = arith.constant 1 : i32
    %dma_start3A_160 = arith.constant 0 : i32
    %dma_start3A_161 = arith.constant 1 : i32
    %dma_start3A_162 = arith.constant 0 : i32
    %dma_start3A_163 = arith.constant 0 : i32
    %dma_start3A_164 = tpu.memref_slice %arg8[%dma_start3A_159, %dma_start3A_162, %dma_start3A_163] : memref<2x512x16xf32, #tpu.memory_space<vmem>> -> memref<1x512x16xf32, #tpu.memory_space<vmem>>
    %dma_start3A_165 = tpu.memref_squeeze %dma_start3A_164 : memref<1x512x16xf32, #tpu.memory_space<vmem>> -> memref<512x16xf32, #tpu.memory_space<vmem>>
    %dma_start3A_166 = arith.constant 0 : i32
    %dma_start3A_167 = tpu.memref_slice %arg7[%dma_start3A_161, %dma_start3A_166] : memref<2x512xi32, #tpu.memory_space<vmem>> -> memref<1x512xi32, #tpu.memory_space<vmem>>
    %dma_start3A_168 = tpu.memref_squeeze %dma_start3A_167 : memref<1x512xi32, #tpu.memory_space<vmem>> -> memref<512xi32, #tpu.memory_space<vmem>>
    %dma_start3A_169 = arith.constant 0 : i32
    %dma_start3A_170 = arith.constant 0 : i32
    %dma_start3A_171 = tpu.memref_slice %arg10[%dma_start3A_160, %dma_start3A_169, %dma_start3A_170] : memref<4x128x16xf32, #tpu.memory_space<vmem_shared>> -> memref<1x128x16xf32, #tpu.memory_space<vmem_shared>>
    %dma_start3A_172 = tpu.memref_squeeze %dma_start3A_171 : memref<1x128x16xf32, #tpu.memory_space<vmem_shared>> -> memref<128x16xf32, #tpu.memory_space<vmem_shared>>
    %dma_start3A_173 = arith.constant 0 : i32
    %dma_start3A_174 = arith.constant 0 : i32
    %dma_start3A_175 = tpu.memref_slice %dma_start3A_172[%dma_start3A_173, %dma_start3A_174] : memref<128x16xf32, #tpu.memory_space<vmem_shared>> -> memref<128x16xf32, #tpu.memory_space<vmem_shared>>
    tpu.enqueue_indirect_dma source(%dma_start3A_165 : memref<512x16xf32, #tpu.memory_space<vmem>>) target(%dma_start3A_175 : memref<128x16xf32, #tpu.memory_space<vmem_shared>>) offsets(%dma_start3A_168 : memref<512xi32, #tpu.memory_space<vmem>>) semaphore(%arg12 : memref<!tpu.dma_semaphore, #tpu.memory_space<semaphore_mem>>) {add = true}
    %dma_wait3A_176 = arith.constant 0 : i32
    %dma_wait3A_177 = arith.constant 0 : i32
    %dma_wait3A_178 = arith.constant 0 : i32
    %dma_wait3A_179 = arith.constant 0 : i32
    %dma_wait3A_180 = arith.constant 0 : i32
    %dma_wait3A_181 = tpu.memref_slice %arg8[%dma_wait3A_176, %dma_wait3A_179, %dma_wait3A_180] : memref<2x512x16xf32, #tpu.memory_space<vmem>> -> memref<1x512x16xf32, #tpu.memory_space<vmem>>
    %dma_wait3A_182 = tpu.memref_squeeze %dma_wait3A_181 : memref<1x512x16xf32, #tpu.memory_space<vmem>> -> memref<512x16xf32, #tpu.memory_space<vmem>>
    %dma_wait3A_183 = arith.constant 0 : i32
    %dma_wait3A_184 = tpu.memref_slice %arg7[%dma_wait3A_178, %dma_wait3A_183] : memref<2x512xi32, #tpu.memory_space<vmem>> -> memref<1x512xi32, #tpu.memory_space<vmem>>
    %dma_wait3A_185 = tpu.memref_squeeze %dma_wait3A_184 : memref<1x512xi32, #tpu.memory_space<vmem>> -> memref<512xi32, #tpu.memory_space<vmem>>
    %dma_wait3A_186 = arith.constant 0 : i32
    %dma_wait3A_187 = arith.constant 0 : i32
    %dma_wait3A_188 = tpu.memref_slice %arg10[%dma_wait3A_177, %dma_wait3A_186, %dma_wait3A_187] : memref<4x128x16xf32, #tpu.memory_space<vmem_shared>> -> memref<1x128x16xf32, #tpu.memory_space<vmem_shared>>
    %dma_wait3A_189 = tpu.memref_squeeze %dma_wait3A_188 : memref<1x128x16xf32, #tpu.memory_space<vmem_shared>> -> memref<128x16xf32, #tpu.memory_space<vmem_shared>>
    %dma_wait3A_190 = arith.constant 0 : i32
    %dma_wait3A_191 = arith.constant 0 : i32
    %dma_wait3A_192 = tpu.memref_slice %dma_wait3A_189[%dma_wait3A_190, %dma_wait3A_191] : memref<128x16xf32, #tpu.memory_space<vmem_shared>> -> memref<128x16xf32, #tpu.memory_space<vmem_shared>>
    tpu.wait_indirect_dma semaphore(%arg12 : memref<!tpu.dma_semaphore, #tpu.memory_space<semaphore_mem>>) src(%dma_wait3A_182 : memref<512x16xf32, #tpu.memory_space<vmem>>) dst(%dma_wait3A_192 : memref<128x16xf32, #tpu.memory_space<vmem_shared>>)
    %dma_wait3A_193 = arith.constant 1 : i32
    %dma_wait3A_194 = arith.constant 0 : i32
    %dma_wait3A_195 = arith.constant 1 : i32
    %dma_wait3A_196 = arith.constant 0 : i32
    %dma_wait3A_197 = arith.constant 0 : i32
    %dma_wait3A_198 = tpu.memref_slice %arg8[%dma_wait3A_193, %dma_wait3A_196, %dma_wait3A_197] : memref<2x512x16xf32, #tpu.memory_space<vmem>> -> memref<1x512x16xf32, #tpu.memory_space<vmem>>
    %dma_wait3A_199 = tpu.memref_squeeze %dma_wait3A_198 : memref<1x512x16xf32, #tpu.memory_space<vmem>> -> memref<512x16xf32, #tpu.memory_space<vmem>>
    %dma_wait3A_200 = arith.constant 0 : i32
    %dma_wait3A_201 = tpu.memref_slice %arg7[%dma_wait3A_195, %dma_wait3A_200] : memref<2x512xi32, #tpu.memory_space<vmem>> -> memref<1x512xi32, #tpu.memory_space<vmem>>
    %dma_wait3A_202 = tpu.memref_squeeze %dma_wait3A_201 : memref<1x512xi32, #tpu.memory_space<vmem>> -> memref<512xi32, #tpu.memory_space<vmem>>
    %dma_wait3A_203 = arith.constant 0 : i32
    %dma_wait3A_204 = arith.constant 0 : i32
    %dma_wait3A_205 = tpu.memref_slice %arg10[%dma_wait3A_194, %dma_wait3A_203, %dma_wait3A_204] : memref<4x128x16xf32, #tpu.memory_space<vmem_shared>> -> memref<1x128x16xf32, #tpu.memory_space<vmem_shared>>
    %dma_wait3A_206 = tpu.memref_squeeze %dma_wait3A_205 : memref<1x128x16xf32, #tpu.memory_space<vmem_shared>> -> memref<128x16xf32, #tpu.memory_space<vmem_shared>>
    %dma_wait3A_207 = arith.constant 0 : i32
    %dma_wait3A_208 = arith.constant 0 : i32
    %dma_wait3A_209 = tpu.memref_slice %dma_wait3A_206[%dma_wait3A_207, %dma_wait3A_208] : memref<128x16xf32, #tpu.memory_space<vmem_shared>> -> memref<128x16xf32, #tpu.memory_space<vmem_shared>>
    tpu.wait_indirect_dma semaphore(%arg12 : memref<!tpu.dma_semaphore, #tpu.memory_space<semaphore_mem>>) src(%dma_wait3A_199 : memref<512x16xf32, #tpu.memory_space<vmem>>) dst(%dma_wait3A_209 : memref<128x16xf32, #tpu.memory_space<vmem_shared>>)
    %dma_start3A_210 = arith.constant 1 : i32
    %dma_start3A_211 = arith.constant 0 : i32
    %dma_start3A_212 = arith.constant 0 : i32
    %dma_start3A_213 = arith.constant 0 : i32
    %dma_start3A_214 = arith.constant 0 : i32
    %dma_start3A_215 = tpu.memref_slice %arg8[%dma_start3A_212, %dma_start3A_213, %dma_start3A_214] : memref<2x512x16xf32, #tpu.memory_space<vmem>> -> memref<1x512x16xf32, #tpu.memory_space<vmem>>
    %dma_start3A_216 = tpu.memref_squeeze %dma_start3A_215 : memref<1x512x16xf32, #tpu.memory_space<vmem>> -> memref<512x16xf32, #tpu.memory_space<vmem>>
    %dma_start3A_217 = arith.constant 0 : i32
    %dma_start3A_218 = tpu.memref_slice %arg6[%dma_start3A_211, %dma_start3A_217] : memref<2x512xi32, #tpu.memory_space<vmem>> -> memref<1x512xi32, #tpu.memory_space<vmem>>
    %dma_start3A_219 = tpu.memref_squeeze %dma_start3A_218 : memref<1x512xi32, #tpu.memory_space<vmem>> -> memref<512xi32, #tpu.memory_space<vmem>>
    %dma_start3A_220 = arith.constant 0 : i32
    %dma_start3A_221 = arith.constant 0 : i32
    %dma_start3A_222 = tpu.memref_slice %arg2[%dma_start3A_210, %dma_start3A_220, %dma_start3A_221] : memref<4x100352x16xf32, #tpu.memory_space<hbm>> -> memref<1x100352x16xf32, #tpu.memory_space<hbm>>
    %dma_start3A_223 = tpu.memref_squeeze %dma_start3A_222 : memref<1x100352x16xf32, #tpu.memory_space<hbm>> -> memref<100352x16xf32, #tpu.memory_space<hbm>>
    %dma_start3A_224 = arith.constant 0 : i32
    %dma_start3A_225 = arith.constant 0 : i32
    %dma_start3A_226 = tpu.memref_slice %dma_start3A_223[%dma_start3A_224, %dma_start3A_225] : memref<100352x16xf32, #tpu.memory_space<hbm>> -> memref<100352x16xf32, #tpu.memory_space<hbm>>
    tpu.enqueue_indirect_dma source(%dma_start3A_226 : memref<100352x16xf32, #tpu.memory_space<hbm>>) target(%dma_start3A_216 : memref<512x16xf32, #tpu.memory_space<vmem>>) offsets(%dma_start3A_219 : memref<512xi32, #tpu.memory_space<vmem>>) semaphore(%arg11 : memref<!tpu.dma_semaphore, #tpu.memory_space<semaphore_mem>>)
    %dma_start3A_227 = arith.constant 1 : i32
    %dma_start3A_228 = arith.constant 1 : i32
    %dma_start3A_229 = arith.constant 1 : i32
    %dma_start3A_230 = arith.constant 0 : i32
    %dma_start3A_231 = arith.constant 0 : i32
    %dma_start3A_232 = tpu.memref_slice %arg8[%dma_start3A_229, %dma_start3A_230, %dma_start3A_231] : memref<2x512x16xf32, #tpu.memory_space<vmem>> -> memref<1x512x16xf32, #tpu.memory_space<vmem>>
    %dma_start3A_233 = tpu.memref_squeeze %dma_start3A_232 : memref<1x512x16xf32, #tpu.memory_space<vmem>> -> memref<512x16xf32, #tpu.memory_space<vmem>>
    %dma_start3A_234 = arith.constant 0 : i32
    %dma_start3A_235 = tpu.memref_slice %arg6[%dma_start3A_228, %dma_start3A_234] : memref<2x512xi32, #tpu.memory_space<vmem>> -> memref<1x512xi32, #tpu.memory_space<vmem>>
    %dma_start3A_236 = tpu.memref_squeeze %dma_start3A_235 : memref<1x512xi32, #tpu.memory_space<vmem>> -> memref<512xi32, #tpu.memory_space<vmem>>
    %dma_start3A_237 = arith.constant 0 : i32
    %dma_start3A_238 = arith.constant 0 : i32
    %dma_start3A_239 = tpu.memref_slice %arg2[%dma_start3A_227, %dma_start3A_237, %dma_start3A_238] : memref<4x100352x16xf32, #tpu.memory_space<hbm>> -> memref<1x100352x16xf32, #tpu.memory_space<hbm>>
    %dma_start3A_240 = tpu.memref_squeeze %dma_start3A_239 : memref<1x100352x16xf32, #tpu.memory_space<hbm>> -> memref<100352x16xf32, #tpu.memory_space<hbm>>
    %dma_start3A_241 = arith.constant 0 : i32
    %dma_start3A_242 = arith.constant 0 : i32
    %dma_start3A_243 = tpu.memref_slice %dma_start3A_240[%dma_start3A_241, %dma_start3A_242] : memref<100352x16xf32, #tpu.memory_space<hbm>> -> memref<100352x16xf32, #tpu.memory_space<hbm>>
    tpu.enqueue_indirect_dma source(%dma_start3A_243 : memref<100352x16xf32, #tpu.memory_space<hbm>>) target(%dma_start3A_233 : memref<512x16xf32, #tpu.memory_space<vmem>>) offsets(%dma_start3A_236 : memref<512xi32, #tpu.memory_space<vmem>>) semaphore(%arg11 : memref<!tpu.dma_semaphore, #tpu.memory_space<semaphore_mem>>)
    %dma_wait3A_244 = arith.constant 1 : i32
    %dma_wait3A_245 = arith.constant 0 : i32
    %dma_wait3A_246 = arith.constant 0 : i32
    %dma_wait3A_247 = arith.constant 0 : i32
    %dma_wait3A_248 = arith.constant 0 : i32
    %dma_wait3A_249 = tpu.memref_slice %arg8[%dma_wait3A_246, %dma_wait3A_247, %dma_wait3A_248] : memref<2x512x16xf32, #tpu.memory_space<vmem>> -> memref<1x512x16xf32, #tpu.memory_space<vmem>>
    %dma_wait3A_250 = tpu.memref_squeeze %dma_wait3A_249 : memref<1x512x16xf32, #tpu.memory_space<vmem>> -> memref<512x16xf32, #tpu.memory_space<vmem>>
    %dma_wait3A_251 = arith.constant 0 : i32
    %dma_wait3A_252 = tpu.memref_slice %arg6[%dma_wait3A_245, %dma_wait3A_251] : memref<2x512xi32, #tpu.memory_space<vmem>> -> memref<1x512xi32, #tpu.memory_space<vmem>>
    %dma_wait3A_253 = tpu.memref_squeeze %dma_wait3A_252 : memref<1x512xi32, #tpu.memory_space<vmem>> -> memref<512xi32, #tpu.memory_space<vmem>>
    %dma_wait3A_254 = arith.constant 0 : i32
    %dma_wait3A_255 = arith.constant 0 : i32
    %dma_wait3A_256 = tpu.memref_slice %arg2[%dma_wait3A_244, %dma_wait3A_254, %dma_wait3A_255] : memref<4x100352x16xf32, #tpu.memory_space<hbm>> -> memref<1x100352x16xf32, #tpu.memory_space<hbm>>
    %dma_wait3A_257 = tpu.memref_squeeze %dma_wait3A_256 : memref<1x100352x16xf32, #tpu.memory_space<hbm>> -> memref<100352x16xf32, #tpu.memory_space<hbm>>
    %dma_wait3A_258 = arith.constant 0 : i32
    %dma_wait3A_259 = arith.constant 0 : i32
    %dma_wait3A_260 = tpu.memref_slice %dma_wait3A_257[%dma_wait3A_258, %dma_wait3A_259] : memref<100352x16xf32, #tpu.memory_space<hbm>> -> memref<100352x16xf32, #tpu.memory_space<hbm>>
    tpu.wait_indirect_dma semaphore(%arg11 : memref<!tpu.dma_semaphore, #tpu.memory_space<semaphore_mem>>) src(%dma_wait3A_260 : memref<100352x16xf32, #tpu.memory_space<hbm>>) dst(%dma_wait3A_250 : memref<512x16xf32, #tpu.memory_space<vmem>>)
    %dma_start3A_261 = arith.constant 0 : i32
    %dma_start3A_262 = arith.constant 1 : i32
    %dma_start3A_263 = arith.constant 0 : i32
    %dma_start3A_264 = arith.constant 0 : i32
    %dma_start3A_265 = arith.constant 0 : i32
    %dma_start3A_266 = tpu.memref_slice %arg8[%dma_start3A_261, %dma_start3A_264, %dma_start3A_265] : memref<2x512x16xf32, #tpu.memory_space<vmem>> -> memref<1x512x16xf32, #tpu.memory_space<vmem>>
    %dma_start3A_267 = tpu.memref_squeeze %dma_start3A_266 : memref<1x512x16xf32, #tpu.memory_space<vmem>> -> memref<512x16xf32, #tpu.memory_space<vmem>>
    %dma_start3A_268 = arith.constant 0 : i32
    %dma_start3A_269 = tpu.memref_slice %arg7[%dma_start3A_263, %dma_start3A_268] : memref<2x512xi32, #tpu.memory_space<vmem>> -> memref<1x512xi32, #tpu.memory_space<vmem>>
    %dma_start3A_270 = tpu.memref_squeeze %dma_start3A_269 : memref<1x512xi32, #tpu.memory_space<vmem>> -> memref<512xi32, #tpu.memory_space<vmem>>
    %dma_start3A_271 = arith.constant 0 : i32
    %dma_start3A_272 = arith.constant 0 : i32
    %dma_start3A_273 = tpu.memref_slice %arg10[%dma_start3A_262, %dma_start3A_271, %dma_start3A_272] : memref<4x128x16xf32, #tpu.memory_space<vmem_shared>> -> memref<1x128x16xf32, #tpu.memory_space<vmem_shared>>
    %dma_start3A_274 = tpu.memref_squeeze %dma_start3A_273 : memref<1x128x16xf32, #tpu.memory_space<vmem_shared>> -> memref<128x16xf32, #tpu.memory_space<vmem_shared>>
    %dma_start3A_275 = arith.constant 0 : i32
    %dma_start3A_276 = arith.constant 0 : i32
    %dma_start3A_277 = tpu.memref_slice %dma_start3A_274[%dma_start3A_275, %dma_start3A_276] : memref<128x16xf32, #tpu.memory_space<vmem_shared>> -> memref<128x16xf32, #tpu.memory_space<vmem_shared>>
    tpu.enqueue_indirect_dma source(%dma_start3A_267 : memref<512x16xf32, #tpu.memory_space<vmem>>) target(%dma_start3A_277 : memref<128x16xf32, #tpu.memory_space<vmem_shared>>) offsets(%dma_start3A_270 : memref<512xi32, #tpu.memory_space<vmem>>) semaphore(%arg12 : memref<!tpu.dma_semaphore, #tpu.memory_space<semaphore_mem>>) {add = true}
    %dma_wait3A_278 = arith.constant 1 : i32
    %dma_wait3A_279 = arith.constant 1 : i32
    %dma_wait3A_280 = arith.constant 1 : i32
    %dma_wait3A_281 = arith.constant 0 : i32
    %dma_wait3A_282 = arith.constant 0 : i32
    %dma_wait3A_283 = tpu.memref_slice %arg8[%dma_wait3A_280, %dma_wait3A_281, %dma_wait3A_282] : memref<2x512x16xf32, #tpu.memory_space<vmem>> -> memref<1x512x16xf32, #tpu.memory_space<vmem>>
    %dma_wait3A_284 = tpu.memref_squeeze %dma_wait3A_283 : memref<1x512x16xf32, #tpu.memory_space<vmem>> -> memref<512x16xf32, #tpu.memory_space<vmem>>
    %dma_wait3A_285 = arith.constant 0 : i32
    %dma_wait3A_286 = tpu.memref_slice %arg6[%dma_wait3A_279, %dma_wait3A_285] : memref<2x512xi32, #tpu.memory_space<vmem>> -> memref<1x512xi32, #tpu.memory_space<vmem>>
    %dma_wait3A_287 = tpu.memref_squeeze %dma_wait3A_286 : memref<1x512xi32, #tpu.memory_space<vmem>> -> memref<512xi32, #tpu.memory_space<vmem>>
    %dma_wait3A_288 = arith.constant 0 : i32
    %dma_wait3A_289 = arith.constant 0 : i32
    %dma_wait3A_290 = tpu.memref_slice %arg2[%dma_wait3A_278, %dma_wait3A_288, %dma_wait3A_289] : memref<4x100352x16xf32, #tpu.memory_space<hbm>> -> memref<1x100352x16xf32, #tpu.memory_space<hbm>>
    %dma_wait3A_291 = tpu.memref_squeeze %dma_wait3A_290 : memref<1x100352x16xf32, #tpu.memory_space<hbm>> -> memref<100352x16xf32, #tpu.memory_space<hbm>>
    %dma_wait3A_292 = arith.constant 0 : i32
    %dma_wait3A_293 = arith.constant 0 : i32
    %dma_wait3A_294 = tpu.memref_slice %dma_wait3A_291[%dma_wait3A_292, %dma_wait3A_293] : memref<100352x16xf32, #tpu.memory_space<hbm>> -> memref<100352x16xf32, #tpu.memory_space<hbm>>
    tpu.wait_indirect_dma semaphore(%arg11 : memref<!tpu.dma_semaphore, #tpu.memory_space<semaphore_mem>>) src(%dma_wait3A_294 : memref<100352x16xf32, #tpu.memory_space<hbm>>) dst(%dma_wait3A_284 : memref<512x16xf32, #tpu.memory_space<vmem>>)
    %dma_start3A_295 = arith.constant 1 : i32
    %dma_start3A_296 = arith.constant 1 : i32
    %dma_start3A_297 = arith.constant 1 : i32
    %dma_start3A_298 = arith.constant 0 : i32
    %dma_start3A_299 = arith.constant 0 : i32
    %dma_start3A_300 = tpu.memref_slice %arg8[%dma_start3A_295, %dma_start3A_298, %dma_start3A_299] : memref<2x512x16xf32, #tpu.memory_space<vmem>> -> memref<1x512x16xf32, #tpu.memory_space<vmem>>
    %dma_start3A_301 = tpu.memref_squeeze %dma_start3A_300 : memref<1x512x16xf32, #tpu.memory_space<vmem>> -> memref<512x16xf32, #tpu.memory_space<vmem>>
    %dma_start3A_302 = arith.constant 0 : i32
    %dma_start3A_303 = tpu.memref_slice %arg7[%dma_start3A_297, %dma_start3A_302] : memref<2x512xi32, #tpu.memory_space<vmem>> -> memref<1x512xi32, #tpu.memory_space<vmem>>
    %dma_start3A_304 = tpu.memref_squeeze %dma_start3A_303 : memref<1x512xi32, #tpu.memory_space<vmem>> -> memref<512xi32, #tpu.memory_space<vmem>>
    %dma_start3A_305 = arith.constant 0 : i32
    %dma_start3A_306 = arith.constant 0 : i32
    %dma_start3A_307 = tpu.memref_slice %arg10[%dma_start3A_296, %dma_start3A_305, %dma_start3A_306] : memref<4x128x16xf32, #tpu.memory_space<vmem_shared>> -> memref<1x128x16xf32, #tpu.memory_space<vmem_shared>>
    %dma_start3A_308 = tpu.memref_squeeze %dma_start3A_307 : memref<1x128x16xf32, #tpu.memory_space<vmem_shared>> -> memref<128x16xf32, #tpu.memory_space<vmem_shared>>
    %dma_start3A_309 = arith.constant 0 : i32
    %dma_start3A_310 = arith.constant 0 : i32
    %dma_start3A_311 = tpu.memref_slice %dma_start3A_308[%dma_start3A_309, %dma_start3A_310] : memref<128x16xf32, #tpu.memory_space<vmem_shared>> -> memref<128x16xf32, #tpu.memory_space<vmem_shared>>
    tpu.enqueue_indirect_dma source(%dma_start3A_301 : memref<512x16xf32, #tpu.memory_space<vmem>>) target(%dma_start3A_311 : memref<128x16xf32, #tpu.memory_space<vmem_shared>>) offsets(%dma_start3A_304 : memref<512xi32, #tpu.memory_space<vmem>>) semaphore(%arg12 : memref<!tpu.dma_semaphore, #tpu.memory_space<semaphore_mem>>) {add = true}
    %dma_wait3A_312 = arith.constant 0 : i32
    %dma_wait3A_313 = arith.constant 1 : i32
    %dma_wait3A_314 = arith.constant 0 : i32
    %dma_wait3A_315 = arith.constant 0 : i32
    %dma_wait3A_316 = arith.constant 0 : i32
    %dma_wait3A_317 = tpu.memref_slice %arg8[%dma_wait3A_312, %dma_wait3A_315, %dma_wait3A_316] : memref<2x512x16xf32, #tpu.memory_space<vmem>> -> memref<1x512x16xf32, #tpu.memory_space<vmem>>
    %dma_wait3A_318 = tpu.memref_squeeze %dma_wait3A_317 : memref<1x512x16xf32, #tpu.memory_space<vmem>> -> memref<512x16xf32, #tpu.memory_space<vmem>>
    %dma_wait3A_319 = arith.constant 0 : i32
    %dma_wait3A_320 = tpu.memref_slice %arg7[%dma_wait3A_314, %dma_wait3A_319] : memref<2x512xi32, #tpu.memory_space<vmem>> -> memref<1x512xi32, #tpu.memory_space<vmem>>
    %dma_wait3A_321 = tpu.memref_squeeze %dma_wait3A_320 : memref<1x512xi32, #tpu.memory_space<vmem>> -> memref<512xi32, #tpu.memory_space<vmem>>
    %dma_wait3A_322 = arith.constant 0 : i32
    %dma_wait3A_323 = arith.constant 0 : i32
    %dma_wait3A_324 = tpu.memref_slice %arg10[%dma_wait3A_313, %dma_wait3A_322, %dma_wait3A_323] : memref<4x128x16xf32, #tpu.memory_space<vmem_shared>> -> memref<1x128x16xf32, #tpu.memory_space<vmem_shared>>
    %dma_wait3A_325 = tpu.memref_squeeze %dma_wait3A_324 : memref<1x128x16xf32, #tpu.memory_space<vmem_shared>> -> memref<128x16xf32, #tpu.memory_space<vmem_shared>>
    %dma_wait3A_326 = arith.constant 0 : i32
    %dma_wait3A_327 = arith.constant 0 : i32
    %dma_wait3A_328 = tpu.memref_slice %dma_wait3A_325[%dma_wait3A_326, %dma_wait3A_327] : memref<128x16xf32, #tpu.memory_space<vmem_shared>> -> memref<128x16xf32, #tpu.memory_space<vmem_shared>>
    tpu.wait_indirect_dma semaphore(%arg12 : memref<!tpu.dma_semaphore, #tpu.memory_space<semaphore_mem>>) src(%dma_wait3A_318 : memref<512x16xf32, #tpu.memory_space<vmem>>) dst(%dma_wait3A_328 : memref<128x16xf32, #tpu.memory_space<vmem_shared>>)
    %dma_wait3A_329 = arith.constant 1 : i32
    %dma_wait3A_330 = arith.constant 1 : i32
    %dma_wait3A_331 = arith.constant 1 : i32
    %dma_wait3A_332 = arith.constant 0 : i32
    %dma_wait3A_333 = arith.constant 0 : i32
    %dma_wait3A_334 = tpu.memref_slice %arg8[%dma_wait3A_329, %dma_wait3A_332, %dma_wait3A_333] : memref<2x512x16xf32, #tpu.memory_space<vmem>> -> memref<1x512x16xf32, #tpu.memory_space<vmem>>
    %dma_wait3A_335 = tpu.memref_squeeze %dma_wait3A_334 : memref<1x512x16xf32, #tpu.memory_space<vmem>> -> memref<512x16xf32, #tpu.memory_space<vmem>>
    %dma_wait3A_336 = arith.constant 0 : i32
    %dma_wait3A_337 = tpu.memref_slice %arg7[%dma_wait3A_331, %dma_wait3A_336] : memref<2x512xi32, #tpu.memory_space<vmem>> -> memref<1x512xi32, #tpu.memory_space<vmem>>
    %dma_wait3A_338 = tpu.memref_squeeze %dma_wait3A_337 : memref<1x512xi32, #tpu.memory_space<vmem>> -> memref<512xi32, #tpu.memory_space<vmem>>
    %dma_wait3A_339 = arith.constant 0 : i32
    %dma_wait3A_340 = arith.constant 0 : i32
    %dma_wait3A_341 = tpu.memref_slice %arg10[%dma_wait3A_330, %dma_wait3A_339, %dma_wait3A_340] : memref<4x128x16xf32, #tpu.memory_space<vmem_shared>> -> memref<1x128x16xf32, #tpu.memory_space<vmem_shared>>
    %dma_wait3A_342 = tpu.memref_squeeze %dma_wait3A_341 : memref<1x128x16xf32, #tpu.memory_space<vmem_shared>> -> memref<128x16xf32, #tpu.memory_space<vmem_shared>>
    %dma_wait3A_343 = arith.constant 0 : i32
    %dma_wait3A_344 = arith.constant 0 : i32
    %dma_wait3A_345 = tpu.memref_slice %dma_wait3A_342[%dma_wait3A_343, %dma_wait3A_344] : memref<128x16xf32, #tpu.memory_space<vmem_shared>> -> memref<128x16xf32, #tpu.memory_space<vmem_shared>>
    tpu.wait_indirect_dma semaphore(%arg12 : memref<!tpu.dma_semaphore, #tpu.memory_space<semaphore_mem>>) src(%dma_wait3A_335 : memref<512x16xf32, #tpu.memory_space<vmem>>) dst(%dma_wait3A_345 : memref<128x16xf32, #tpu.memory_space<vmem_shared>>)
    %dma_start3A_346 = arith.constant 2 : i32
    %dma_start3A_347 = arith.constant 0 : i32
    %dma_start3A_348 = arith.constant 0 : i32
    %dma_start3A_349 = arith.constant 0 : i32
    %dma_start3A_350 = arith.constant 0 : i32
    %dma_start3A_351 = tpu.memref_slice %arg8[%dma_start3A_348, %dma_start3A_349, %dma_start3A_350] : memref<2x512x16xf32, #tpu.memory_space<vmem>> -> memref<1x512x16xf32, #tpu.memory_space<vmem>>
    %dma_start3A_352 = tpu.memref_squeeze %dma_start3A_351 : memref<1x512x16xf32, #tpu.memory_space<vmem>> -> memref<512x16xf32, #tpu.memory_space<vmem>>
    %dma_start3A_353 = arith.constant 0 : i32
    %dma_start3A_354 = tpu.memref_slice %arg6[%dma_start3A_347, %dma_start3A_353] : memref<2x512xi32, #tpu.memory_space<vmem>> -> memref<1x512xi32, #tpu.memory_space<vmem>>
    %dma_start3A_355 = tpu.memref_squeeze %dma_start3A_354 : memref<1x512xi32, #tpu.memory_space<vmem>> -> memref<512xi32, #tpu.memory_space<vmem>>
    %dma_start3A_356 = arith.constant 0 : i32
    %dma_start3A_357 = arith.constant 0 : i32
    %dma_start3A_358 = tpu.memref_slice %arg2[%dma_start3A_346, %dma_start3A_356, %dma_start3A_357] : memref<4x100352x16xf32, #tpu.memory_space<hbm>> -> memref<1x100352x16xf32, #tpu.memory_space<hbm>>
    %dma_start3A_359 = tpu.memref_squeeze %dma_start3A_358 : memref<1x100352x16xf32, #tpu.memory_space<hbm>> -> memref<100352x16xf32, #tpu.memory_space<hbm>>
    %dma_start3A_360 = arith.constant 0 : i32
    %dma_start3A_361 = arith.constant 0 : i32
    %dma_start3A_362 = tpu.memref_slice %dma_start3A_359[%dma_start3A_360, %dma_start3A_361] : memref<100352x16xf32, #tpu.memory_space<hbm>> -> memref<100352x16xf32, #tpu.memory_space<hbm>>
    tpu.enqueue_indirect_dma source(%dma_start3A_362 : memref<100352x16xf32, #tpu.memory_space<hbm>>) target(%dma_start3A_352 : memref<512x16xf32, #tpu.memory_space<vmem>>) offsets(%dma_start3A_355 : memref<512xi32, #tpu.memory_space<vmem>>) semaphore(%arg11 : memref<!tpu.dma_semaphore, #tpu.memory_space<semaphore_mem>>)
    %dma_start3A_363 = arith.constant 2 : i32
    %dma_start3A_364 = arith.constant 1 : i32
    %dma_start3A_365 = arith.constant 1 : i32
    %dma_start3A_366 = arith.constant 0 : i32
    %dma_start3A_367 = arith.constant 0 : i32
    %dma_start3A_368 = tpu.memref_slice %arg8[%dma_start3A_365, %dma_start3A_366, %dma_start3A_367] : memref<2x512x16xf32, #tpu.memory_space<vmem>> -> memref<1x512x16xf32, #tpu.memory_space<vmem>>
    %dma_start3A_369 = tpu.memref_squeeze %dma_start3A_368 : memref<1x512x16xf32, #tpu.memory_space<vmem>> -> memref<512x16xf32, #tpu.memory_space<vmem>>
    %dma_start3A_370 = arith.constant 0 : i32
    %dma_start3A_371 = tpu.memref_slice %arg6[%dma_start3A_364, %dma_start3A_370] : memref<2x512xi32, #tpu.memory_space<vmem>> -> memref<1x512xi32, #tpu.memory_space<vmem>>
    %dma_start3A_372 = tpu.memref_squeeze %dma_start3A_371 : memref<1x512xi32, #tpu.memory_space<vmem>> -> memref<512xi32, #tpu.memory_space<vmem>>
    %dma_start3A_373 = arith.constant 0 : i32
    %dma_start3A_374 = arith.constant 0 : i32
    %dma_start3A_375 = tpu.memref_slice %arg2[%dma_start3A_363, %dma_start3A_373, %dma_start3A_374] : memref<4x100352x16xf32, #tpu.memory_space<hbm>> -> memref<1x100352x16xf32, #tpu.memory_space<hbm>>
    %dma_start3A_376 = tpu.memref_squeeze %dma_start3A_375 : memref<1x100352x16xf32, #tpu.memory_space<hbm>> -> memref<100352x16xf32, #tpu.memory_space<hbm>>
    %dma_start3A_377 = arith.constant 0 : i32
    %dma_start3A_378 = arith.constant 0 : i32
    %dma_start3A_379 = tpu.memref_slice %dma_start3A_376[%dma_start3A_377, %dma_start3A_378] : memref<100352x16xf32, #tpu.memory_space<hbm>> -> memref<100352x16xf32, #tpu.memory_space<hbm>>
    tpu.enqueue_indirect_dma source(%dma_start3A_379 : memref<100352x16xf32, #tpu.memory_space<hbm>>) target(%dma_start3A_369 : memref<512x16xf32, #tpu.memory_space<vmem>>) offsets(%dma_start3A_372 : memref<512xi32, #tpu.memory_space<vmem>>) semaphore(%arg11 : memref<!tpu.dma_semaphore, #tpu.memory_space<semaphore_mem>>)
    %dma_wait3A_380 = arith.constant 2 : i32
    %dma_wait3A_381 = arith.constant 0 : i32
    %dma_wait3A_382 = arith.constant 0 : i32
    %dma_wait3A_383 = arith.constant 0 : i32
    %dma_wait3A_384 = arith.constant 0 : i32
    %dma_wait3A_385 = tpu.memref_slice %arg8[%dma_wait3A_382, %dma_wait3A_383, %dma_wait3A_384] : memref<2x512x16xf32, #tpu.memory_space<vmem>> -> memref<1x512x16xf32, #tpu.memory_space<vmem>>
    %dma_wait3A_386 = tpu.memref_squeeze %dma_wait3A_385 : memref<1x512x16xf32, #tpu.memory_space<vmem>> -> memref<512x16xf32, #tpu.memory_space<vmem>>
    %dma_wait3A_387 = arith.constant 0 : i32
    %dma_wait3A_388 = tpu.memref_slice %arg6[%dma_wait3A_381, %dma_wait3A_387] : memref<2x512xi32, #tpu.memory_space<vmem>> -> memref<1x512xi32, #tpu.memory_space<vmem>>
    %dma_wait3A_389 = tpu.memref_squeeze %dma_wait3A_388 : memref<1x512xi32, #tpu.memory_space<vmem>> -> memref<512xi32, #tpu.memory_space<vmem>>
    %dma_wait3A_390 = arith.constant 0 : i32
    %dma_wait3A_391 = arith.constant 0 : i32
    %dma_wait3A_392 = tpu.memref_slice %arg2[%dma_wait3A_380, %dma_wait3A_390, %dma_wait3A_391] : memref<4x100352x16xf32, #tpu.memory_space<hbm>> -> memref<1x100352x16xf32, #tpu.memory_space<hbm>>
    %dma_wait3A_393 = tpu.memref_squeeze %dma_wait3A_392 : memref<1x100352x16xf32, #tpu.memory_space<hbm>> -> memref<100352x16xf32, #tpu.memory_space<hbm>>
    %dma_wait3A_394 = arith.constant 0 : i32
    %dma_wait3A_395 = arith.constant 0 : i32
    %dma_wait3A_396 = tpu.memref_slice %dma_wait3A_393[%dma_wait3A_394, %dma_wait3A_395] : memref<100352x16xf32, #tpu.memory_space<hbm>> -> memref<100352x16xf32, #tpu.memory_space<hbm>>
    tpu.wait_indirect_dma semaphore(%arg11 : memref<!tpu.dma_semaphore, #tpu.memory_space<semaphore_mem>>) src(%dma_wait3A_396 : memref<100352x16xf32, #tpu.memory_space<hbm>>) dst(%dma_wait3A_386 : memref<512x16xf32, #tpu.memory_space<vmem>>)
    %dma_start3A_397 = arith.constant 0 : i32
    %dma_start3A_398 = arith.constant 2 : i32
    %dma_start3A_399 = arith.constant 0 : i32
    %dma_start3A_400 = arith.constant 0 : i32
    %dma_start3A_401 = arith.constant 0 : i32
    %dma_start3A_402 = tpu.memref_slice %arg8[%dma_start3A_397, %dma_start3A_400, %dma_start3A_401] : memref<2x512x16xf32, #tpu.memory_space<vmem>> -> memref<1x512x16xf32, #tpu.memory_space<vmem>>
    %dma_start3A_403 = tpu.memref_squeeze %dma_start3A_402 : memref<1x512x16xf32, #tpu.memory_space<vmem>> -> memref<512x16xf32, #tpu.memory_space<vmem>>
    %dma_start3A_404 = arith.constant 0 : i32
    %dma_start3A_405 = tpu.memref_slice %arg7[%dma_start3A_399, %dma_start3A_404] : memref<2x512xi32, #tpu.memory_space<vmem>> -> memref<1x512xi32, #tpu.memory_space<vmem>>
    %dma_start3A_406 = tpu.memref_squeeze %dma_start3A_405 : memref<1x512xi32, #tpu.memory_space<vmem>> -> memref<512xi32, #tpu.memory_space<vmem>>
    %dma_start3A_407 = arith.constant 0 : i32
    %dma_start3A_408 = arith.constant 0 : i32
    %dma_start3A_409 = tpu.memref_slice %arg10[%dma_start3A_398, %dma_start3A_407, %dma_start3A_408] : memref<4x128x16xf32, #tpu.memory_space<vmem_shared>> -> memref<1x128x16xf32, #tpu.memory_space<vmem_shared>>
    %dma_start3A_410 = tpu.memref_squeeze %dma_start3A_409 : memref<1x128x16xf32, #tpu.memory_space<vmem_shared>> -> memref<128x16xf32, #tpu.memory_space<vmem_shared>>
    %dma_start3A_411 = arith.constant 0 : i32
    %dma_start3A_412 = arith.constant 0 : i32
    %dma_start3A_413 = tpu.memref_slice %dma_start3A_410[%dma_start3A_411, %dma_start3A_412] : memref<128x16xf32, #tpu.memory_space<vmem_shared>> -> memref<128x16xf32, #tpu.memory_space<vmem_shared>>
    tpu.enqueue_indirect_dma source(%dma_start3A_403 : memref<512x16xf32, #tpu.memory_space<vmem>>) target(%dma_start3A_413 : memref<128x16xf32, #tpu.memory_space<vmem_shared>>) offsets(%dma_start3A_406 : memref<512xi32, #tpu.memory_space<vmem>>) semaphore(%arg12 : memref<!tpu.dma_semaphore, #tpu.memory_space<semaphore_mem>>) {add = true}
    %dma_wait3A_414 = arith.constant 2 : i32
    %dma_wait3A_415 = arith.constant 1 : i32
    %dma_wait3A_416 = arith.constant 1 : i32
    %dma_wait3A_417 = arith.constant 0 : i32
    %dma_wait3A_418 = arith.constant 0 : i32
    %dma_wait3A_419 = tpu.memref_slice %arg8[%dma_wait3A_416, %dma_wait3A_417, %dma_wait3A_418] : memref<2x512x16xf32, #tpu.memory_space<vmem>> -> memref<1x512x16xf32, #tpu.memory_space<vmem>>
    %dma_wait3A_420 = tpu.memref_squeeze %dma_wait3A_419 : memref<1x512x16xf32, #tpu.memory_space<vmem>> -> memref<512x16xf32, #tpu.memory_space<vmem>>
    %dma_wait3A_421 = arith.constant 0 : i32
    %dma_wait3A_422 = tpu.memref_slice %arg6[%dma_wait3A_415, %dma_wait3A_421] : memref<2x512xi32, #tpu.memory_space<vmem>> -> memref<1x512xi32, #tpu.memory_space<vmem>>
    %dma_wait3A_423 = tpu.memref_squeeze %dma_wait3A_422 : memref<1x512xi32, #tpu.memory_space<vmem>> -> memref<512xi32, #tpu.memory_space<vmem>>
    %dma_wait3A_424 = arith.constant 0 : i32
    %dma_wait3A_425 = arith.constant 0 : i32
    %dma_wait3A_426 = tpu.memref_slice %arg2[%dma_wait3A_414, %dma_wait3A_424, %dma_wait3A_425] : memref<4x100352x16xf32, #tpu.memory_space<hbm>> -> memref<1x100352x16xf32, #tpu.memory_space<hbm>>
    %dma_wait3A_427 = tpu.memref_squeeze %dma_wait3A_426 : memref<1x100352x16xf32, #tpu.memory_space<hbm>> -> memref<100352x16xf32, #tpu.memory_space<hbm>>
    %dma_wait3A_428 = arith.constant 0 : i32
    %dma_wait3A_429 = arith.constant 0 : i32
    %dma_wait3A_430 = tpu.memref_slice %dma_wait3A_427[%dma_wait3A_428, %dma_wait3A_429] : memref<100352x16xf32, #tpu.memory_space<hbm>> -> memref<100352x16xf32, #tpu.memory_space<hbm>>
    tpu.wait_indirect_dma semaphore(%arg11 : memref<!tpu.dma_semaphore, #tpu.memory_space<semaphore_mem>>) src(%dma_wait3A_430 : memref<100352x16xf32, #tpu.memory_space<hbm>>) dst(%dma_wait3A_420 : memref<512x16xf32, #tpu.memory_space<vmem>>)
    %dma_start3A_431 = arith.constant 1 : i32
    %dma_start3A_432 = arith.constant 2 : i32
    %dma_start3A_433 = arith.constant 1 : i32
    %dma_start3A_434 = arith.constant 0 : i32
    %dma_start3A_435 = arith.constant 0 : i32
    %dma_start3A_436 = tpu.memref_slice %arg8[%dma_start3A_431, %dma_start3A_434, %dma_start3A_435] : memref<2x512x16xf32, #tpu.memory_space<vmem>> -> memref<1x512x16xf32, #tpu.memory_space<vmem>>
    %dma_start3A_437 = tpu.memref_squeeze %dma_start3A_436 : memref<1x512x16xf32, #tpu.memory_space<vmem>> -> memref<512x16xf32, #tpu.memory_space<vmem>>
    %dma_start3A_438 = arith.constant 0 : i32
    %dma_start3A_439 = tpu.memref_slice %arg7[%dma_start3A_433, %dma_start3A_438] : memref<2x512xi32, #tpu.memory_space<vmem>> -> memref<1x512xi32, #tpu.memory_space<vmem>>
    %dma_start3A_440 = tpu.memref_squeeze %dma_start3A_439 : memref<1x512xi32, #tpu.memory_space<vmem>> -> memref<512xi32, #tpu.memory_space<vmem>>
    %dma_start3A_441 = arith.constant 0 : i32
    %dma_start3A_442 = arith.constant 0 : i32
    %dma_start3A_443 = tpu.memref_slice %arg10[%dma_start3A_432, %dma_start3A_441, %dma_start3A_442] : memref<4x128x16xf32, #tpu.memory_space<vmem_shared>> -> memref<1x128x16xf32, #tpu.memory_space<vmem_shared>>
    %dma_start3A_444 = tpu.memref_squeeze %dma_start3A_443 : memref<1x128x16xf32, #tpu.memory_space<vmem_shared>> -> memref<128x16xf32, #tpu.memory_space<vmem_shared>>
    %dma_start3A_445 = arith.constant 0 : i32
    %dma_start3A_446 = arith.constant 0 : i32
    %dma_start3A_447 = tpu.memref_slice %dma_start3A_444[%dma_start3A_445, %dma_start3A_446] : memref<128x16xf32, #tpu.memory_space<vmem_shared>> -> memref<128x16xf32, #tpu.memory_space<vmem_shared>>
    tpu.enqueue_indirect_dma source(%dma_start3A_437 : memref<512x16xf32, #tpu.memory_space<vmem>>) target(%dma_start3A_447 : memref<128x16xf32, #tpu.memory_space<vmem_shared>>) offsets(%dma_start3A_440 : memref<512xi32, #tpu.memory_space<vmem>>) semaphore(%arg12 : memref<!tpu.dma_semaphore, #tpu.memory_space<semaphore_mem>>) {add = true}
    %dma_wait3A_448 = arith.constant 0 : i32
    %dma_wait3A_449 = arith.constant 2 : i32
    %dma_wait3A_450 = arith.constant 0 : i32
    %dma_wait3A_451 = arith.constant 0 : i32
    %dma_wait3A_452 = arith.constant 0 : i32
    %dma_wait3A_453 = tpu.memref_slice %arg8[%dma_wait3A_448, %dma_wait3A_451, %dma_wait3A_452] : memref<2x512x16xf32, #tpu.memory_space<vmem>> -> memref<1x512x16xf32, #tpu.memory_space<vmem>>
    %dma_wait3A_454 = tpu.memref_squeeze %dma_wait3A_453 : memref<1x512x16xf32, #tpu.memory_space<vmem>> -> memref<512x16xf32, #tpu.memory_space<vmem>>
    %dma_wait3A_455 = arith.constant 0 : i32
    %dma_wait3A_456 = tpu.memref_slice %arg7[%dma_wait3A_450, %dma_wait3A_455] : memref<2x512xi32, #tpu.memory_space<vmem>> -> memref<1x512xi32, #tpu.memory_space<vmem>>
    %dma_wait3A_457 = tpu.memref_squeeze %dma_wait3A_456 : memref<1x512xi32, #tpu.memory_space<vmem>> -> memref<512xi32, #tpu.memory_space<vmem>>
    %dma_wait3A_458 = arith.constant 0 : i32
    %dma_wait3A_459 = arith.constant 0 : i32
    %dma_wait3A_460 = tpu.memref_slice %arg10[%dma_wait3A_449, %dma_wait3A_458, %dma_wait3A_459] : memref<4x128x16xf32, #tpu.memory_space<vmem_shared>> -> memref<1x128x16xf32, #tpu.memory_space<vmem_shared>>
    %dma_wait3A_461 = tpu.memref_squeeze %dma_wait3A_460 : memref<1x128x16xf32, #tpu.memory_space<vmem_shared>> -> memref<128x16xf32, #tpu.memory_space<vmem_shared>>
    %dma_wait3A_462 = arith.constant 0 : i32
    %dma_wait3A_463 = arith.constant 0 : i32
    %dma_wait3A_464 = tpu.memref_slice %dma_wait3A_461[%dma_wait3A_462, %dma_wait3A_463] : memref<128x16xf32, #tpu.memory_space<vmem_shared>> -> memref<128x16xf32, #tpu.memory_space<vmem_shared>>
    tpu.wait_indirect_dma semaphore(%arg12 : memref<!tpu.dma_semaphore, #tpu.memory_space<semaphore_mem>>) src(%dma_wait3A_454 : memref<512x16xf32, #tpu.memory_space<vmem>>) dst(%dma_wait3A_464 : memref<128x16xf32, #tpu.memory_space<vmem_shared>>)
    %dma_wait3A_465 = arith.constant 1 : i32
    %dma_wait3A_466 = arith.constant 2 : i32
    %dma_wait3A_467 = arith.constant 1 : i32
    %dma_wait3A_468 = arith.constant 0 : i32
    %dma_wait3A_469 = arith.constant 0 : i32
    %dma_wait3A_470 = tpu.memref_slice %arg8[%dma_wait3A_465, %dma_wait3A_468, %dma_wait3A_469] : memref<2x512x16xf32, #tpu.memory_space<vmem>> -> memref<1x512x16xf32, #tpu.memory_space<vmem>>
    %dma_wait3A_471 = tpu.memref_squeeze %dma_wait3A_470 : memref<1x512x16xf32, #tpu.memory_space<vmem>> -> memref<512x16xf32, #tpu.memory_space<vmem>>
    %dma_wait3A_472 = arith.constant 0 : i32
    %dma_wait3A_473 = tpu.memref_slice %arg7[%dma_wait3A_467, %dma_wait3A_472] : memref<2x512xi32, #tpu.memory_space<vmem>> -> memref<1x512xi32, #tpu.memory_space<vmem>>
    %dma_wait3A_474 = tpu.memref_squeeze %dma_wait3A_473 : memref<1x512xi32, #tpu.memory_space<vmem>> -> memref<512xi32, #tpu.memory_space<vmem>>
    %dma_wait3A_475 = arith.constant 0 : i32
    %dma_wait3A_476 = arith.constant 0 : i32
    %dma_wait3A_477 = tpu.memref_slice %arg10[%dma_wait3A_466, %dma_wait3A_475, %dma_wait3A_476] : memref<4x128x16xf32, #tpu.memory_space<vmem_shared>> -> memref<1x128x16xf32, #tpu.memory_space<vmem_shared>>
    %dma_wait3A_478 = tpu.memref_squeeze %dma_wait3A_477 : memref<1x128x16xf32, #tpu.memory_space<vmem_shared>> -> memref<128x16xf32, #tpu.memory_space<vmem_shared>>
    %dma_wait3A_479 = arith.constant 0 : i32
    %dma_wait3A_480 = arith.constant 0 : i32
    %dma_wait3A_481 = tpu.memref_slice %dma_wait3A_478[%dma_wait3A_479, %dma_wait3A_480] : memref<128x16xf32, #tpu.memory_space<vmem_shared>> -> memref<128x16xf32, #tpu.memory_space<vmem_shared>>
    tpu.wait_indirect_dma semaphore(%arg12 : memref<!tpu.dma_semaphore, #tpu.memory_space<semaphore_mem>>) src(%dma_wait3A_471 : memref<512x16xf32, #tpu.memory_space<vmem>>) dst(%dma_wait3A_481 : memref<128x16xf32, #tpu.memory_space<vmem_shared>>)
    %dma_start3A_482 = arith.constant 3 : i32
    %dma_start3A_483 = arith.constant 0 : i32
    %dma_start3A_484 = arith.constant 0 : i32
    %dma_start3A_485 = arith.constant 0 : i32
    %dma_start3A_486 = arith.constant 0 : i32
    %dma_start3A_487 = tpu.memref_slice %arg8[%dma_start3A_484, %dma_start3A_485, %dma_start3A_486] : memref<2x512x16xf32, #tpu.memory_space<vmem>> -> memref<1x512x16xf32, #tpu.memory_space<vmem>>
    %dma_start3A_488 = tpu.memref_squeeze %dma_start3A_487 : memref<1x512x16xf32, #tpu.memory_space<vmem>> -> memref<512x16xf32, #tpu.memory_space<vmem>>
    %dma_start3A_489 = arith.constant 0 : i32
    %dma_start3A_490 = tpu.memref_slice %arg6[%dma_start3A_483, %dma_start3A_489] : memref<2x512xi32, #tpu.memory_space<vmem>> -> memref<1x512xi32, #tpu.memory_space<vmem>>
    %dma_start3A_491 = tpu.memref_squeeze %dma_start3A_490 : memref<1x512xi32, #tpu.memory_space<vmem>> -> memref<512xi32, #tpu.memory_space<vmem>>
    %dma_start3A_492 = arith.constant 0 : i32
    %dma_start3A_493 = arith.constant 0 : i32
    %dma_start3A_494 = tpu.memref_slice %arg2[%dma_start3A_482, %dma_start3A_492, %dma_start3A_493] : memref<4x100352x16xf32, #tpu.memory_space<hbm>> -> memref<1x100352x16xf32, #tpu.memory_space<hbm>>
    %dma_start3A_495 = tpu.memref_squeeze %dma_start3A_494 : memref<1x100352x16xf32, #tpu.memory_space<hbm>> -> memref<100352x16xf32, #tpu.memory_space<hbm>>
    %dma_start3A_496 = arith.constant 0 : i32
    %dma_start3A_497 = arith.constant 0 : i32
    %dma_start3A_498 = tpu.memref_slice %dma_start3A_495[%dma_start3A_496, %dma_start3A_497] : memref<100352x16xf32, #tpu.memory_space<hbm>> -> memref<100352x16xf32, #tpu.memory_space<hbm>>
    tpu.enqueue_indirect_dma source(%dma_start3A_498 : memref<100352x16xf32, #tpu.memory_space<hbm>>) target(%dma_start3A_488 : memref<512x16xf32, #tpu.memory_space<vmem>>) offsets(%dma_start3A_491 : memref<512xi32, #tpu.memory_space<vmem>>) semaphore(%arg11 : memref<!tpu.dma_semaphore, #tpu.memory_space<semaphore_mem>>)
    %dma_start3A_499 = arith.constant 3 : i32
    %dma_start3A_500 = arith.constant 1 : i32
    %dma_start3A_501 = arith.constant 1 : i32
    %dma_start3A_502 = arith.constant 0 : i32
    %dma_start3A_503 = arith.constant 0 : i32
    %dma_start3A_504 = tpu.memref_slice %arg8[%dma_start3A_501, %dma_start3A_502, %dma_start3A_503] : memref<2x512x16xf32, #tpu.memory_space<vmem>> -> memref<1x512x16xf32, #tpu.memory_space<vmem>>
    %dma_start3A_505 = tpu.memref_squeeze %dma_start3A_504 : memref<1x512x16xf32, #tpu.memory_space<vmem>> -> memref<512x16xf32, #tpu.memory_space<vmem>>
    %dma_start3A_506 = arith.constant 0 : i32
    %dma_start3A_507 = tpu.memref_slice %arg6[%dma_start3A_500, %dma_start3A_506] : memref<2x512xi32, #tpu.memory_space<vmem>> -> memref<1x512xi32, #tpu.memory_space<vmem>>
    %dma_start3A_508 = tpu.memref_squeeze %dma_start3A_507 : memref<1x512xi32, #tpu.memory_space<vmem>> -> memref<512xi32, #tpu.memory_space<vmem>>
    %dma_start3A_509 = arith.constant 0 : i32
    %dma_start3A_510 = arith.constant 0 : i32
    %dma_start3A_511 = tpu.memref_slice %arg2[%dma_start3A_499, %dma_start3A_509, %dma_start3A_510] : memref<4x100352x16xf32, #tpu.memory_space<hbm>> -> memref<1x100352x16xf32, #tpu.memory_space<hbm>>
    %dma_start3A_512 = tpu.memref_squeeze %dma_start3A_511 : memref<1x100352x16xf32, #tpu.memory_space<hbm>> -> memref<100352x16xf32, #tpu.memory_space<hbm>>
    %dma_start3A_513 = arith.constant 0 : i32
    %dma_start3A_514 = arith.constant 0 : i32
    %dma_start3A_515 = tpu.memref_slice %dma_start3A_512[%dma_start3A_513, %dma_start3A_514] : memref<100352x16xf32, #tpu.memory_space<hbm>> -> memref<100352x16xf32, #tpu.memory_space<hbm>>
    tpu.enqueue_indirect_dma source(%dma_start3A_515 : memref<100352x16xf32, #tpu.memory_space<hbm>>) target(%dma_start3A_505 : memref<512x16xf32, #tpu.memory_space<vmem>>) offsets(%dma_start3A_508 : memref<512xi32, #tpu.memory_space<vmem>>) semaphore(%arg11 : memref<!tpu.dma_semaphore, #tpu.memory_space<semaphore_mem>>)
    %dma_wait3A_516 = arith.constant 3 : i32
    %dma_wait3A_517 = arith.constant 0 : i32
    %dma_wait3A_518 = arith.constant 0 : i32
    %dma_wait3A_519 = arith.constant 0 : i32
    %dma_wait3A_520 = arith.constant 0 : i32
    %dma_wait3A_521 = tpu.memref_slice %arg8[%dma_wait3A_518, %dma_wait3A_519, %dma_wait3A_520] : memref<2x512x16xf32, #tpu.memory_space<vmem>> -> memref<1x512x16xf32, #tpu.memory_space<vmem>>
    %dma_wait3A_522 = tpu.memref_squeeze %dma_wait3A_521 : memref<1x512x16xf32, #tpu.memory_space<vmem>> -> memref<512x16xf32, #tpu.memory_space<vmem>>
    %dma_wait3A_523 = arith.constant 0 : i32
    %dma_wait3A_524 = tpu.memref_slice %arg6[%dma_wait3A_517, %dma_wait3A_523] : memref<2x512xi32, #tpu.memory_space<vmem>> -> memref<1x512xi32, #tpu.memory_space<vmem>>
    %dma_wait3A_525 = tpu.memref_squeeze %dma_wait3A_524 : memref<1x512xi32, #tpu.memory_space<vmem>> -> memref<512xi32, #tpu.memory_space<vmem>>
    %dma_wait3A_526 = arith.constant 0 : i32
    %dma_wait3A_527 = arith.constant 0 : i32
    %dma_wait3A_528 = tpu.memref_slice %arg2[%dma_wait3A_516, %dma_wait3A_526, %dma_wait3A_527] : memref<4x100352x16xf32, #tpu.memory_space<hbm>> -> memref<1x100352x16xf32, #tpu.memory_space<hbm>>
    %dma_wait3A_529 = tpu.memref_squeeze %dma_wait3A_528 : memref<1x100352x16xf32, #tpu.memory_space<hbm>> -> memref<100352x16xf32, #tpu.memory_space<hbm>>
    %dma_wait3A_530 = arith.constant 0 : i32
    %dma_wait3A_531 = arith.constant 0 : i32
    %dma_wait3A_532 = tpu.memref_slice %dma_wait3A_529[%dma_wait3A_530, %dma_wait3A_531] : memref<100352x16xf32, #tpu.memory_space<hbm>> -> memref<100352x16xf32, #tpu.memory_space<hbm>>
    tpu.wait_indirect_dma semaphore(%arg11 : memref<!tpu.dma_semaphore, #tpu.memory_space<semaphore_mem>>) src(%dma_wait3A_532 : memref<100352x16xf32, #tpu.memory_space<hbm>>) dst(%dma_wait3A_522 : memref<512x16xf32, #tpu.memory_space<vmem>>)
    %dma_start3A_533 = arith.constant 0 : i32
    %dma_start3A_534 = arith.constant 3 : i32
    %dma_start3A_535 = arith.constant 0 : i32
    %dma_start3A_536 = arith.constant 0 : i32
    %dma_start3A_537 = arith.constant 0 : i32
    %dma_start3A_538 = tpu.memref_slice %arg8[%dma_start3A_533, %dma_start3A_536, %dma_start3A_537] : memref<2x512x16xf32, #tpu.memory_space<vmem>> -> memref<1x512x16xf32, #tpu.memory_space<vmem>>
    %dma_start3A_539 = tpu.memref_squeeze %dma_start3A_538 : memref<1x512x16xf32, #tpu.memory_space<vmem>> -> memref<512x16xf32, #tpu.memory_space<vmem>>
    %dma_start3A_540 = arith.constant 0 : i32
    %dma_start3A_541 = tpu.memref_slice %arg7[%dma_start3A_535, %dma_start3A_540] : memref<2x512xi32, #tpu.memory_space<vmem>> -> memref<1x512xi32, #tpu.memory_space<vmem>>
    %dma_start3A_542 = tpu.memref_squeeze %dma_start3A_541 : memref<1x512xi32, #tpu.memory_space<vmem>> -> memref<512xi32, #tpu.memory_space<vmem>>
    %dma_start3A_543 = arith.constant 0 : i32
    %dma_start3A_544 = arith.constant 0 : i32
    %dma_start3A_545 = tpu.memref_slice %arg10[%dma_start3A_534, %dma_start3A_543, %dma_start3A_544] : memref<4x128x16xf32, #tpu.memory_space<vmem_shared>> -> memref<1x128x16xf32, #tpu.memory_space<vmem_shared>>
    %dma_start3A_546 = tpu.memref_squeeze %dma_start3A_545 : memref<1x128x16xf32, #tpu.memory_space<vmem_shared>> -> memref<128x16xf32, #tpu.memory_space<vmem_shared>>
    %dma_start3A_547 = arith.constant 0 : i32
    %dma_start3A_548 = arith.constant 0 : i32
    %dma_start3A_549 = tpu.memref_slice %dma_start3A_546[%dma_start3A_547, %dma_start3A_548] : memref<128x16xf32, #tpu.memory_space<vmem_shared>> -> memref<128x16xf32, #tpu.memory_space<vmem_shared>>
    tpu.enqueue_indirect_dma source(%dma_start3A_539 : memref<512x16xf32, #tpu.memory_space<vmem>>) target(%dma_start3A_549 : memref<128x16xf32, #tpu.memory_space<vmem_shared>>) offsets(%dma_start3A_542 : memref<512xi32, #tpu.memory_space<vmem>>) semaphore(%arg12 : memref<!tpu.dma_semaphore, #tpu.memory_space<semaphore_mem>>) {add = true}
    %dma_wait3A_550 = arith.constant 3 : i32
    %dma_wait3A_551 = arith.constant 1 : i32
    %dma_wait3A_552 = arith.constant 1 : i32
    %dma_wait3A_553 = arith.constant 0 : i32
    %dma_wait3A_554 = arith.constant 0 : i32
    %dma_wait3A_555 = tpu.memref_slice %arg8[%dma_wait3A_552, %dma_wait3A_553, %dma_wait3A_554] : memref<2x512x16xf32, #tpu.memory_space<vmem>> -> memref<1x512x16xf32, #tpu.memory_space<vmem>>
    %dma_wait3A_556 = tpu.memref_squeeze %dma_wait3A_555 : memref<1x512x16xf32, #tpu.memory_space<vmem>> -> memref<512x16xf32, #tpu.memory_space<vmem>>
    %dma_wait3A_557 = arith.constant 0 : i32
    %dma_wait3A_558 = tpu.memref_slice %arg6[%dma_wait3A_551, %dma_wait3A_557] : memref<2x512xi32, #tpu.memory_space<vmem>> -> memref<1x512xi32, #tpu.memory_space<vmem>>
    %dma_wait3A_559 = tpu.memref_squeeze %dma_wait3A_558 : memref<1x512xi32, #tpu.memory_space<vmem>> -> memref<512xi32, #tpu.memory_space<vmem>>
    %dma_wait3A_560 = arith.constant 0 : i32
    %dma_wait3A_561 = arith.constant 0 : i32
    %dma_wait3A_562 = tpu.memref_slice %arg2[%dma_wait3A_550, %dma_wait3A_560, %dma_wait3A_561] : memref<4x100352x16xf32, #tpu.memory_space<hbm>> -> memref<1x100352x16xf32, #tpu.memory_space<hbm>>
    %dma_wait3A_563 = tpu.memref_squeeze %dma_wait3A_562 : memref<1x100352x16xf32, #tpu.memory_space<hbm>> -> memref<100352x16xf32, #tpu.memory_space<hbm>>
    %dma_wait3A_564 = arith.constant 0 : i32
    %dma_wait3A_565 = arith.constant 0 : i32
    %dma_wait3A_566 = tpu.memref_slice %dma_wait3A_563[%dma_wait3A_564, %dma_wait3A_565] : memref<100352x16xf32, #tpu.memory_space<hbm>> -> memref<100352x16xf32, #tpu.memory_space<hbm>>
    tpu.wait_indirect_dma semaphore(%arg11 : memref<!tpu.dma_semaphore, #tpu.memory_space<semaphore_mem>>) src(%dma_wait3A_566 : memref<100352x16xf32, #tpu.memory_space<hbm>>) dst(%dma_wait3A_556 : memref<512x16xf32, #tpu.memory_space<vmem>>)
    %dma_start3A_567 = arith.constant 1 : i32
    %dma_start3A_568 = arith.constant 3 : i32
    %dma_start3A_569 = arith.constant 1 : i32
    %dma_start3A_570 = arith.constant 0 : i32
    %dma_start3A_571 = arith.constant 0 : i32
    %dma_start3A_572 = tpu.memref_slice %arg8[%dma_start3A_567, %dma_start3A_570, %dma_start3A_571] : memref<2x512x16xf32, #tpu.memory_space<vmem>> -> memref<1x512x16xf32, #tpu.memory_space<vmem>>
    %dma_start3A_573 = tpu.memref_squeeze %dma_start3A_572 : memref<1x512x16xf32, #tpu.memory_space<vmem>> -> memref<512x16xf32, #tpu.memory_space<vmem>>
    %dma_start3A_574 = arith.constant 0 : i32
    %dma_start3A_575 = tpu.memref_slice %arg7[%dma_start3A_569, %dma_start3A_574] : memref<2x512xi32, #tpu.memory_space<vmem>> -> memref<1x512xi32, #tpu.memory_space<vmem>>
    %dma_start3A_576 = tpu.memref_squeeze %dma_start3A_575 : memref<1x512xi32, #tpu.memory_space<vmem>> -> memref<512xi32, #tpu.memory_space<vmem>>
    %dma_start3A_577 = arith.constant 0 : i32
    %dma_start3A_578 = arith.constant 0 : i32
    %dma_start3A_579 = tpu.memref_slice %arg10[%dma_start3A_568, %dma_start3A_577, %dma_start3A_578] : memref<4x128x16xf32, #tpu.memory_space<vmem_shared>> -> memref<1x128x16xf32, #tpu.memory_space<vmem_shared>>
    %dma_start3A_580 = tpu.memref_squeeze %dma_start3A_579 : memref<1x128x16xf32, #tpu.memory_space<vmem_shared>> -> memref<128x16xf32, #tpu.memory_space<vmem_shared>>
    %dma_start3A_581 = arith.constant 0 : i32
    %dma_start3A_582 = arith.constant 0 : i32
    %dma_start3A_583 = tpu.memref_slice %dma_start3A_580[%dma_start3A_581, %dma_start3A_582] : memref<128x16xf32, #tpu.memory_space<vmem_shared>> -> memref<128x16xf32, #tpu.memory_space<vmem_shared>>
    tpu.enqueue_indirect_dma source(%dma_start3A_573 : memref<512x16xf32, #tpu.memory_space<vmem>>) target(%dma_start3A_583 : memref<128x16xf32, #tpu.memory_space<vmem_shared>>) offsets(%dma_start3A_576 : memref<512xi32, #tpu.memory_space<vmem>>) semaphore(%arg12 : memref<!tpu.dma_semaphore, #tpu.memory_space<semaphore_mem>>) {add = true}
    %dma_wait3A_584 = arith.constant 0 : i32
    %dma_wait3A_585 = arith.constant 3 : i32
    %dma_wait3A_586 = arith.constant 0 : i32
    %dma_wait3A_587 = arith.constant 0 : i32
    %dma_wait3A_588 = arith.constant 0 : i32
    %dma_wait3A_589 = tpu.memref_slice %arg8[%dma_wait3A_584, %dma_wait3A_587, %dma_wait3A_588] : memref<2x512x16xf32, #tpu.memory_space<vmem>> -> memref<1x512x16xf32, #tpu.memory_space<vmem>>
    %dma_wait3A_590 = tpu.memref_squeeze %dma_wait3A_589 : memref<1x512x16xf32, #tpu.memory_space<vmem>> -> memref<512x16xf32, #tpu.memory_space<vmem>>
    %dma_wait3A_591 = arith.constant 0 : i32
    %dma_wait3A_592 = tpu.memref_slice %arg7[%dma_wait3A_586, %dma_wait3A_591] : memref<2x512xi32, #tpu.memory_space<vmem>> -> memref<1x512xi32, #tpu.memory_space<vmem>>
    %dma_wait3A_593 = tpu.memref_squeeze %dma_wait3A_592 : memref<1x512xi32, #tpu.memory_space<vmem>> -> memref<512xi32, #tpu.memory_space<vmem>>
    %dma_wait3A_594 = arith.constant 0 : i32
    %dma_wait3A_595 = arith.constant 0 : i32
    %dma_wait3A_596 = tpu.memref_slice %arg10[%dma_wait3A_585, %dma_wait3A_594, %dma_wait3A_595] : memref<4x128x16xf32, #tpu.memory_space<vmem_shared>> -> memref<1x128x16xf32, #tpu.memory_space<vmem_shared>>
    %dma_wait3A_597 = tpu.memref_squeeze %dma_wait3A_596 : memref<1x128x16xf32, #tpu.memory_space<vmem_shared>> -> memref<128x16xf32, #tpu.memory_space<vmem_shared>>
    %dma_wait3A_598 = arith.constant 0 : i32
    %dma_wait3A_599 = arith.constant 0 : i32
    %dma_wait3A_600 = tpu.memref_slice %dma_wait3A_597[%dma_wait3A_598, %dma_wait3A_599] : memref<128x16xf32, #tpu.memory_space<vmem_shared>> -> memref<128x16xf32, #tpu.memory_space<vmem_shared>>
    tpu.wait_indirect_dma semaphore(%arg12 : memref<!tpu.dma_semaphore, #tpu.memory_space<semaphore_mem>>) src(%dma_wait3A_590 : memref<512x16xf32, #tpu.memory_space<vmem>>) dst(%dma_wait3A_600 : memref<128x16xf32, #tpu.memory_space<vmem_shared>>)
    %dma_wait3A_601 = arith.constant 1 : i32
    %dma_wait3A_602 = arith.constant 3 : i32
    %dma_wait3A_603 = arith.constant 1 : i32
    %dma_wait3A_604 = arith.constant 0 : i32
    %dma_wait3A_605 = arith.constant 0 : i32
    %dma_wait3A_606 = tpu.memref_slice %arg8[%dma_wait3A_601, %dma_wait3A_604, %dma_wait3A_605] : memref<2x512x16xf32, #tpu.memory_space<vmem>> -> memref<1x512x16xf32, #tpu.memory_space<vmem>>
    %dma_wait3A_607 = tpu.memref_squeeze %dma_wait3A_606 : memref<1x512x16xf32, #tpu.memory_space<vmem>> -> memref<512x16xf32, #tpu.memory_space<vmem>>
    %dma_wait3A_608 = arith.constant 0 : i32
    %dma_wait3A_609 = tpu.memref_slice %arg7[%dma_wait3A_603, %dma_wait3A_608] : memref<2x512xi32, #tpu.memory_space<vmem>> -> memref<1x512xi32, #tpu.memory_space<vmem>>
    %dma_wait3A_610 = tpu.memref_squeeze %dma_wait3A_609 : memref<1x512xi32, #tpu.memory_space<vmem>> -> memref<512xi32, #tpu.memory_space<vmem>>
    %dma_wait3A_611 = arith.constant 0 : i32
    %dma_wait3A_612 = arith.constant 0 : i32
    %dma_wait3A_613 = tpu.memref_slice %arg10[%dma_wait3A_602, %dma_wait3A_611, %dma_wait3A_612] : memref<4x128x16xf32, #tpu.memory_space<vmem_shared>> -> memref<1x128x16xf32, #tpu.memory_space<vmem_shared>>
    %dma_wait3A_614 = tpu.memref_squeeze %dma_wait3A_613 : memref<1x128x16xf32, #tpu.memory_space<vmem_shared>> -> memref<128x16xf32, #tpu.memory_space<vmem_shared>>
    %dma_wait3A_615 = arith.constant 0 : i32
    %dma_wait3A_616 = arith.constant 0 : i32
    %dma_wait3A_617 = tpu.memref_slice %dma_wait3A_614[%dma_wait3A_615, %dma_wait3A_616] : memref<128x16xf32, #tpu.memory_space<vmem_shared>> -> memref<128x16xf32, #tpu.memory_space<vmem_shared>>
    tpu.wait_indirect_dma semaphore(%arg12 : memref<!tpu.dma_semaphore, #tpu.memory_space<semaphore_mem>>) src(%dma_wait3A_607 : memref<512x16xf32, #tpu.memory_space<vmem>>) dst(%dma_wait3A_617 : memref<128x16xf32, #tpu.memory_space<vmem_shared>>)
    %barrier3A_618 = arith.constant 0 : index
    tpu.barrier barrier_id(%barrier3A_618)
    %mul3A_619 = arith.constant 128 : i32
    %mul3A_620 = arith.muli %arg0, %mul3A_619 : i32
    %mul3A_621 = arith.constant 8 : i32
    %mul3A_622 = arith.muli %arg1, %mul3A_621 : i32
    %add3A_623 = arith.addi %mul3A_620, %mul3A_622 : i32
    %mul3A_624 = arith.constant 8 : i32
    %mul3A_625 = arith.muli %arg1, %mul3A_624 : i32
    %run_scoped3A_626 = arith.constant 0 : i32
    %run_scoped3A_627 = arith.constant 0 : i32
    "tpu.region"() ({
      %run_scoped3A_640 = tpu.sem_alloc : memref<!tpu.dma_semaphore, #tpu.memory_space<semaphore_mem>>
      %dma_start3A_641 = arith.constant 0 : i32
      %dma_start3A_642 = arith.constant 0 : i32
      %dma_start3A_643 = tpu.memref_slice %arg5[%run_scoped3A_627, %dma_start3A_641, %dma_start3A_642] : memref<4x256x16xf32, #tpu.memory_space<hbm>> -> memref<1x256x16xf32, #tpu.memory_space<hbm>>
      %dma_start3A_644 = tpu.memref_squeeze %dma_start3A_643 : memref<1x256x16xf32, #tpu.memory_space<hbm>> -> memref<256x16xf32, #tpu.memory_space<hbm>>
      %dma_start3A_645 = arith.constant 0 : i32
      %dma_start3A_646 = tpu.memref_slice %dma_start3A_644[%add3A_623, %dma_start3A_645] : memref<256x16xf32, #tpu.memory_space<hbm>> -> memref<8x16xf32, #tpu.memory_space<hbm>>
      %dma_start3A_647 = arith.constant 0 : i32
      %dma_start3A_648 = arith.constant 0 : i32
      %dma_start3A_649 = tpu.memref_slice %arg10[%run_scoped3A_626, %dma_start3A_647, %dma_start3A_648] : memref<4x128x16xf32, #tpu.memory_space<vmem_shared>> -> memref<1x128x16xf32, #tpu.memory_space<vmem_shared>>
      %dma_start3A_650 = tpu.memref_squeeze %dma_start3A_649 : memref<1x128x16xf32, #tpu.memory_space<vmem_shared>> -> memref<128x16xf32, #tpu.memory_space<vmem_shared>>
      %dma_start3A_651 = arith.constant 0 : i32
      %dma_start3A_652 = tpu.memref_slice %dma_start3A_650[%mul3A_625, %dma_start3A_651] : memref<128x16xf32, #tpu.memory_space<vmem_shared>> -> memref<8x16xf32, #tpu.memory_space<vmem_shared>>
      tpu.enqueue_dma source(%dma_start3A_652 : memref<8x16xf32, #tpu.memory_space<vmem_shared>>) target(%dma_start3A_646 : memref<8x16xf32, #tpu.memory_space<hbm>>) target_semaphore(%run_scoped3A_640 : memref<!tpu.dma_semaphore, #tpu.memory_space<semaphore_mem>>)
      %dma_wait3A_653 = arith.constant 0 : i32
      %dma_wait3A_654 = arith.constant 0 : i32
      %dma_wait3A_655 = tpu.memref_slice %arg5[%run_scoped3A_627, %dma_wait3A_653, %dma_wait3A_654] : memref<4x256x16xf32, #tpu.memory_space<hbm>> -> memref<1x256x16xf32, #tpu.memory_space<hbm>>
      %dma_wait3A_656 = tpu.memref_squeeze %dma_wait3A_655 : memref<1x256x16xf32, #tpu.memory_space<hbm>> -> memref<256x16xf32, #tpu.memory_space<hbm>>
      %dma_wait3A_657 = arith.constant 0 : i32
      %dma_wait3A_658 = tpu.memref_slice %dma_wait3A_656[%add3A_623, %dma_wait3A_657] : memref<256x16xf32, #tpu.memory_space<hbm>> -> memref<8x16xf32, #tpu.memory_space<hbm>>
      %dma_wait3A_659 = arith.constant 0 : i32
      %dma_wait3A_660 = arith.constant 0 : i32
      %dma_wait3A_661 = tpu.memref_slice %arg10[%run_scoped3A_626, %dma_wait3A_659, %dma_wait3A_660] : memref<4x128x16xf32, #tpu.memory_space<vmem_shared>> -> memref<1x128x16xf32, #tpu.memory_space<vmem_shared>>
      %dma_wait3A_662 = tpu.memref_squeeze %dma_wait3A_661 : memref<1x128x16xf32, #tpu.memory_space<vmem_shared>> -> memref<128x16xf32, #tpu.memory_space<vmem_shared>>
      %dma_wait3A_663 = arith.constant 0 : i32
      %dma_wait3A_664 = tpu.memref_slice %dma_wait3A_662[%mul3A_625, %dma_wait3A_663] : memref<128x16xf32, #tpu.memory_space<vmem_shared>> -> memref<8x16xf32, #tpu.memory_space<vmem_shared>>
      tpu.wait_dma2 semaphore(%run_scoped3A_640 : memref<!tpu.dma_semaphore, #tpu.memory_space<semaphore_mem>>) src(%dma_wait3A_664 : memref<8x16xf32, #tpu.memory_space<vmem_shared>>) dst(%dma_wait3A_658 : memref<8x16xf32, #tpu.memory_space<hbm>>)
      tpu.yield
    }) : () -> ()
    %mul3A_628 = arith.constant 8 : i32
    %mul3A_629 = arith.muli %arg1, %mul3A_628 : i32
    %run_scoped3A_630 = arith.constant 1 : i32
    %run_scoped3A_631 = arith.constant 1 : i32
    "tpu.region"() ({
      %run_scoped3A_640 = tpu.sem_alloc : memref<!tpu.dma_semaphore, #tpu.memory_space<semaphore_mem>>
      %dma_start3A_641 = arith.constant 0 : i32
      %dma_start3A_642 = arith.constant 0 : i32
      %dma_start3A_643 = tpu.memref_slice %arg5[%run_scoped3A_631, %dma_start3A_641, %dma_start3A_642] : memref<4x256x16xf32, #tpu.memory_space<hbm>> -> memref<1x256x16xf32, #tpu.memory_space<hbm>>
      %dma_start3A_644 = tpu.memref_squeeze %dma_start3A_643 : memref<1x256x16xf32, #tpu.memory_space<hbm>> -> memref<256x16xf32, #tpu.memory_space<hbm>>
      %dma_start3A_645 = arith.constant 0 : i32
      %dma_start3A_646 = tpu.memref_slice %dma_start3A_644[%add3A_623, %dma_start3A_645] : memref<256x16xf32, #tpu.memory_space<hbm>> -> memref<8x16xf32, #tpu.memory_space<hbm>>
      %dma_start3A_647 = arith.constant 0 : i32
      %dma_start3A_648 = arith.constant 0 : i32
      %dma_start3A_649 = tpu.memref_slice %arg10[%run_scoped3A_630, %dma_start3A_647, %dma_start3A_648] : memref<4x128x16xf32, #tpu.memory_space<vmem_shared>> -> memref<1x128x16xf32, #tpu.memory_space<vmem_shared>>
      %dma_start3A_650 = tpu.memref_squeeze %dma_start3A_649 : memref<1x128x16xf32, #tpu.memory_space<vmem_shared>> -> memref<128x16xf32, #tpu.memory_space<vmem_shared>>
      %dma_start3A_651 = arith.constant 0 : i32
      %dma_start3A_652 = tpu.memref_slice %dma_start3A_650[%mul3A_629, %dma_start3A_651] : memref<128x16xf32, #tpu.memory_space<vmem_shared>> -> memref<8x16xf32, #tpu.memory_space<vmem_shared>>
      tpu.enqueue_dma source(%dma_start3A_652 : memref<8x16xf32, #tpu.memory_space<vmem_shared>>) target(%dma_start3A_646 : memref<8x16xf32, #tpu.memory_space<hbm>>) target_semaphore(%run_scoped3A_640 : memref<!tpu.dma_semaphore, #tpu.memory_space<semaphore_mem>>)
      %dma_wait3A_653 = arith.constant 0 : i32
      %dma_wait3A_654 = arith.constant 0 : i32
      %dma_wait3A_655 = tpu.memref_slice %arg5[%run_scoped3A_631, %dma_wait3A_653, %dma_wait3A_654] : memref<4x256x16xf32, #tpu.memory_space<hbm>> -> memref<1x256x16xf32, #tpu.memory_space<hbm>>
      %dma_wait3A_656 = tpu.memref_squeeze %dma_wait3A_655 : memref<1x256x16xf32, #tpu.memory_space<hbm>> -> memref<256x16xf32, #tpu.memory_space<hbm>>
      %dma_wait3A_657 = arith.constant 0 : i32
      %dma_wait3A_658 = tpu.memref_slice %dma_wait3A_656[%add3A_623, %dma_wait3A_657] : memref<256x16xf32, #tpu.memory_space<hbm>> -> memref<8x16xf32, #tpu.memory_space<hbm>>
      %dma_wait3A_659 = arith.constant 0 : i32
      %dma_wait3A_660 = arith.constant 0 : i32
      %dma_wait3A_661 = tpu.memref_slice %arg10[%run_scoped3A_630, %dma_wait3A_659, %dma_wait3A_660] : memref<4x128x16xf32, #tpu.memory_space<vmem_shared>> -> memref<1x128x16xf32, #tpu.memory_space<vmem_shared>>
      %dma_wait3A_662 = tpu.memref_squeeze %dma_wait3A_661 : memref<1x128x16xf32, #tpu.memory_space<vmem_shared>> -> memref<128x16xf32, #tpu.memory_space<vmem_shared>>
      %dma_wait3A_663 = arith.constant 0 : i32
      %dma_wait3A_664 = tpu.memref_slice %dma_wait3A_662[%mul3A_629, %dma_wait3A_663] : memref<128x16xf32, #tpu.memory_space<vmem_shared>> -> memref<8x16xf32, #tpu.memory_space<vmem_shared>>
      tpu.wait_dma2 semaphore(%run_scoped3A_640 : memref<!tpu.dma_semaphore, #tpu.memory_space<semaphore_mem>>) src(%dma_wait3A_664 : memref<8x16xf32, #tpu.memory_space<vmem_shared>>) dst(%dma_wait3A_658 : memref<8x16xf32, #tpu.memory_space<hbm>>)
      tpu.yield
    }) : () -> ()
    %mul3A_632 = arith.constant 8 : i32
    %mul3A_633 = arith.muli %arg1, %mul3A_632 : i32
    %run_scoped3A_634 = arith.constant 2 : i32
    %run_scoped3A_635 = arith.constant 2 : i32
    "tpu.region"() ({
      %run_scoped3A_640 = tpu.sem_alloc : memref<!tpu.dma_semaphore, #tpu.memory_space<semaphore_mem>>
      %dma_start3A_641 = arith.constant 0 : i32
      %dma_start3A_642 = arith.constant 0 : i32
      %dma_start3A_643 = tpu.memref_slice %arg5[%run_scoped3A_635, %dma_start3A_641, %dma_start3A_642] : memref<4x256x16xf32, #tpu.memory_space<hbm>> -> memref<1x256x16xf32, #tpu.memory_space<hbm>>
      %dma_start3A_644 = tpu.memref_squeeze %dma_start3A_643 : memref<1x256x16xf32, #tpu.memory_space<hbm>> -> memref<256x16xf32, #tpu.memory_space<hbm>>
      %dma_start3A_645 = arith.constant 0 : i32
      %dma_start3A_646 = tpu.memref_slice %dma_start3A_644[%add3A_623, %dma_start3A_645] : memref<256x16xf32, #tpu.memory_space<hbm>> -> memref<8x16xf32, #tpu.memory_space<hbm>>
      %dma_start3A_647 = arith.constant 0 : i32
      %dma_start3A_648 = arith.constant 0 : i32
      %dma_start3A_649 = tpu.memref_slice %arg10[%run_scoped3A_634, %dma_start3A_647, %dma_start3A_648] : memref<4x128x16xf32, #tpu.memory_space<vmem_shared>> -> memref<1x128x16xf32, #tpu.memory_space<vmem_shared>>
      %dma_start3A_650 = tpu.memref_squeeze %dma_start3A_649 : memref<1x128x16xf32, #tpu.memory_space<vmem_shared>> -> memref<128x16xf32, #tpu.memory_space<vmem_shared>>
      %dma_start3A_651 = arith.constant 0 : i32
      %dma_start3A_652 = tpu.memref_slice %dma_start3A_650[%mul3A_633, %dma_start3A_651] : memref<128x16xf32, #tpu.memory_space<vmem_shared>> -> memref<8x16xf32, #tpu.memory_space<vmem_shared>>
      tpu.enqueue_dma source(%dma_start3A_652 : memref<8x16xf32, #tpu.memory_space<vmem_shared>>) target(%dma_start3A_646 : memref<8x16xf32, #tpu.memory_space<hbm>>) target_semaphore(%run_scoped3A_640 : memref<!tpu.dma_semaphore, #tpu.memory_space<semaphore_mem>>)
      %dma_wait3A_653 = arith.constant 0 : i32
      %dma_wait3A_654 = arith.constant 0 : i32
      %dma_wait3A_655 = tpu.memref_slice %arg5[%run_scoped3A_635, %dma_wait3A_653, %dma_wait3A_654] : memref<4x256x16xf32, #tpu.memory_space<hbm>> -> memref<1x256x16xf32, #tpu.memory_space<hbm>>
      %dma_wait3A_656 = tpu.memref_squeeze %dma_wait3A_655 : memref<1x256x16xf32, #tpu.memory_space<hbm>> -> memref<256x16xf32, #tpu.memory_space<hbm>>
      %dma_wait3A_657 = arith.constant 0 : i32
      %dma_wait3A_658 = tpu.memref_slice %dma_wait3A_656[%add3A_623, %dma_wait3A_657] : memref<256x16xf32, #tpu.memory_space<hbm>> -> memref<8x16xf32, #tpu.memory_space<hbm>>
      %dma_wait3A_659 = arith.constant 0 : i32
      %dma_wait3A_660 = arith.constant 0 : i32
      %dma_wait3A_661 = tpu.memref_slice %arg10[%run_scoped3A_634, %dma_wait3A_659, %dma_wait3A_660] : memref<4x128x16xf32, #tpu.memory_space<vmem_shared>> -> memref<1x128x16xf32, #tpu.memory_space<vmem_shared>>
      %dma_wait3A_662 = tpu.memref_squeeze %dma_wait3A_661 : memref<1x128x16xf32, #tpu.memory_space<vmem_shared>> -> memref<128x16xf32, #tpu.memory_space<vmem_shared>>
      %dma_wait3A_663 = arith.constant 0 : i32
      %dma_wait3A_664 = tpu.memref_slice %dma_wait3A_662[%mul3A_633, %dma_wait3A_663] : memref<128x16xf32, #tpu.memory_space<vmem_shared>> -> memref<8x16xf32, #tpu.memory_space<vmem_shared>>
      tpu.wait_dma2 semaphore(%run_scoped3A_640 : memref<!tpu.dma_semaphore, #tpu.memory_space<semaphore_mem>>) src(%dma_wait3A_664 : memref<8x16xf32, #tpu.memory_space<vmem_shared>>) dst(%dma_wait3A_658 : memref<8x16xf32, #tpu.memory_space<hbm>>)
      tpu.yield
    }) : () -> ()
    %mul3A_636 = arith.constant 8 : i32
    %mul3A_637 = arith.muli %arg1, %mul3A_636 : i32
    %run_scoped3A_638 = arith.constant 3 : i32
    %run_scoped3A_639 = arith.constant 3 : i32
    "tpu.region"() ({
      %run_scoped3A_640 = tpu.sem_alloc : memref<!tpu.dma_semaphore, #tpu.memory_space<semaphore_mem>>
      %dma_start3A_641 = arith.constant 0 : i32
      %dma_start3A_642 = arith.constant 0 : i32
      %dma_start3A_643 = tpu.memref_slice %arg5[%run_scoped3A_639, %dma_start3A_641, %dma_start3A_642] : memref<4x256x16xf32, #tpu.memory_space<hbm>> -> memref<1x256x16xf32, #tpu.memory_space<hbm>>
      %dma_start3A_644 = tpu.memref_squeeze %dma_start3A_643 : memref<1x256x16xf32, #tpu.memory_space<hbm>> -> memref<256x16xf32, #tpu.memory_space<hbm>>
      %dma_start3A_645 = arith.constant 0 : i32
      %dma_start3A_646 = tpu.memref_slice %dma_start3A_644[%add3A_623, %dma_start3A_645] : memref<256x16xf32, #tpu.memory_space<hbm>> -> memref<8x16xf32, #tpu.memory_space<hbm>>
      %dma_start3A_647 = arith.constant 0 : i32
      %dma_start3A_648 = arith.constant 0 : i32
      %dma_start3A_649 = tpu.memref_slice %arg10[%run_scoped3A_638, %dma_start3A_647, %dma_start3A_648] : memref<4x128x16xf32, #tpu.memory_space<vmem_shared>> -> memref<1x128x16xf32, #tpu.memory_space<vmem_shared>>
      %dma_start3A_650 = tpu.memref_squeeze %dma_start3A_649 : memref<1x128x16xf32, #tpu.memory_space<vmem_shared>> -> memref<128x16xf32, #tpu.memory_space<vmem_shared>>
      %dma_start3A_651 = arith.constant 0 : i32
      %dma_start3A_652 = tpu.memref_slice %dma_start3A_650[%mul3A_637, %dma_start3A_651] : memref<128x16xf32, #tpu.memory_space<vmem_shared>> -> memref<8x16xf32, #tpu.memory_space<vmem_shared>>
      tpu.enqueue_dma source(%dma_start3A_652 : memref<8x16xf32, #tpu.memory_space<vmem_shared>>) target(%dma_start3A_646 : memref<8x16xf32, #tpu.memory_space<hbm>>) target_semaphore(%run_scoped3A_640 : memref<!tpu.dma_semaphore, #tpu.memory_space<semaphore_mem>>)
      %dma_wait3A_653 = arith.constant 0 : i32
      %dma_wait3A_654 = arith.constant 0 : i32
      %dma_wait3A_655 = tpu.memref_slice %arg5[%run_scoped3A_639, %dma_wait3A_653, %dma_wait3A_654] : memref<4x256x16xf32, #tpu.memory_space<hbm>> -> memref<1x256x16xf32, #tpu.memory_space<hbm>>
      %dma_wait3A_656 = tpu.memref_squeeze %dma_wait3A_655 : memref<1x256x16xf32, #tpu.memory_space<hbm>> -> memref<256x16xf32, #tpu.memory_space<hbm>>
      %dma_wait3A_657 = arith.constant 0 : i32
      %dma_wait3A_658 = tpu.memref_slice %dma_wait3A_656[%add3A_623, %dma_wait3A_657] : memref<256x16xf32, #tpu.memory_space<hbm>> -> memref<8x16xf32, #tpu.memory_space<hbm>>
      %dma_wait3A_659 = arith.constant 0 : i32
      %dma_wait3A_660 = arith.constant 0 : i32
      %dma_wait3A_661 = tpu.memref_slice %arg10[%run_scoped3A_638, %dma_wait3A_659, %dma_wait3A_660] : memref<4x128x16xf32, #tpu.memory_space<vmem_shared>> -> memref<1x128x16xf32, #tpu.memory_space<vmem_shared>>
      %dma_wait3A_662 = tpu.memref_squeeze %dma_wait3A_661 : memref<1x128x16xf32, #tpu.memory_space<vmem_shared>> -> memref<128x16xf32, #tpu.memory_space<vmem_shared>>
      %dma_wait3A_663 = arith.constant 0 : i32
      %dma_wait3A_664 = tpu.memref_slice %dma_wait3A_662[%mul3A_637, %dma_wait3A_663] : memref<128x16xf32, #tpu.memory_space<vmem_shared>> -> memref<8x16xf32, #tpu.memory_space<vmem_shared>>
      tpu.wait_dma2 semaphore(%run_scoped3A_640 : memref<!tpu.dma_semaphore, #tpu.memory_space<semaphore_mem>>) src(%dma_wait3A_664 : memref<8x16xf32, #tpu.memory_space<vmem_shared>>) dst(%dma_wait3A_658 : memref<8x16xf32, #tpu.memory_space<hbm>>)
      tpu.yield
    }) : () -> ()
    return
  }
}

module attributes {stable_mosaic.version = 14 : i64} {
  func.func @_dis_body(%arg0: memref<784x128xf32, #tpu.memory_space<vmem>>, %arg1: memref<784x128xf32, #tpu.memory_space<vmem>>, %arg2: memref<784x128xf32, #tpu.memory_space<vmem>>) attributes {dimension_semantics = [], scalar_prefetch = 0 : i64, scratch_operands = 0 : i64, tpu.core_type = #tpu.core_type<tc>} {
    %iota3A = tpu.iota {dimensions = array<i32: 0>} : vector<784x128xi32>
    %eq3A = arith.constant 0 : i32
    %eq3A_0 = vector.broadcast %eq3A : i32 to vector<784x128xi32>
    %eq3A_1 = arith.cmpi eq, %iota3A, %eq3A_0 : vector<784x128xi32>
    %iota3A_2 = tpu.iota {dimensions = array<i32: 1>} : vector<784x128xi32>
    %eq3A_3 = arith.constant 0 : i32
    %eq3A_4 = vector.broadcast %eq3A_3 : i32 to vector<784x128xi32>
    %eq3A_5 = arith.cmpi eq, %iota3A_2, %eq3A_4 : vector<784x128xi32>
    %and3A = arith.andi %eq3A_1, %eq3A_5 : vector<784x128xi1>
    %convert_element_type3A = arith.extui %and3A : vector<784x128xi1> to vector<784x128xi32>
    %convert_element_type3A_6 = arith.sitofp %convert_element_type3A : vector<784x128xi32> to vector<784x128xf32>
    %get3A = arith.constant 0 : index
    %get3A_7 = arith.constant 0 : index
    %get3A_8 = vector.load %arg0[%get3A, %get3A_7] : memref<784x128xf32, #tpu.memory_space<vmem>>, vector<784x128xf32>
    %get3A_9 = arith.constant 0 : index
    %get3A_10 = arith.constant 0 : index
    %get3A_11 = vector.load %arg1[%get3A_9, %get3A_10] : memref<784x128xf32, #tpu.memory_space<vmem>>, vector<784x128xf32>
    %add3A = arith.addf %get3A_8, %get3A_11 : vector<784x128xf32>
    %add3A_12 = arith.constant 1.000000e+00 : f32
    %add3A_13 = vector.broadcast %add3A_12 : f32 to vector<784x128xf32>
    %add3A_14 = arith.addf %add3A, %add3A_13 : vector<784x128xf32>
    %mul3A = arith.constant 5.632000e+03 : f32
    %mul3A_15 = vector.broadcast %mul3A : f32 to vector<784x128xf32>
    %mul3A_16 = arith.mulf %mul3A_15, %convert_element_type3A_6 : vector<784x128xf32>
    %sub3A = arith.subf %add3A_14, %mul3A_16 : vector<784x128xf32>
    %rsqrt3A = math.rsqrt %sub3A : vector<784x128xf32>
    %swap3A = arith.constant 0 : index
    %swap3A_17 = arith.constant 0 : index
    %swap3A_18 = vector.load %arg2[%swap3A, %swap3A_17] : memref<784x128xf32, #tpu.memory_space<vmem>>, vector<784x128xf32>
    tpu.vector_store %arg2[%swap3A, %swap3A_17], %rsqrt3A {strides = array<i32>} : memref<784x128xf32, #tpu.memory_space<vmem>>, vector<784x128xf32>,
    return
  }
}

module attributes {stable_mosaic.version = 14 : i64} {
  func.func @_vp1_body(%arg0: i32, %arg1: memref<128x128xf32, #tpu.memory_space<vmem>>, %arg2: memref<128x128xf32, #tpu.memory_space<vmem>>, %arg3: memref<128x128xf32, #tpu.memory_space<vmem>>) attributes {dimension_semantics = [#tpu.dimension_semantics<arbitrary>], iteration_bounds = array<i64: 98>, scalar_prefetch = 0 : i64, scratch_operands = 0 : i64, tpu.core_type = #tpu.core_type<tc>, window_params = [{transform_indices = @transform_0, window_bounds = array<i64: 128, 128>}, {transform_indices = @transform_1, window_bounds = array<i64: 128, 128>}, {transform_indices = @transform_2, window_bounds = array<i64: 128, 128>}]} {
    %get3A = arith.constant 0 : index
    %get3A_0 = arith.constant 0 : index
    %get3A_1 = vector.load %arg1[%get3A, %get3A_0] : memref<128x128xf32, #tpu.memory_space<vmem>>, vector<128x128xf32>
    %get3A_2 = arith.constant 0 : index
    %get3A_3 = arith.constant 0 : index
    %get3A_4 = vector.load %arg2[%get3A_2, %get3A_3] : memref<128x128xf32, #tpu.memory_space<vmem>>, vector<128x128xf32>
    %mul3A = arith.mulf %get3A_1, %get3A_4 : vector<128x128xf32>
    %swap3A = arith.constant 0 : index
    %swap3A_5 = arith.constant 0 : index
    %swap3A_6 = vector.load %arg3[%swap3A, %swap3A_5] : memref<128x128xf32, #tpu.memory_space<vmem>>, vector<128x128xf32>
    tpu.vector_store %arg3[%swap3A, %swap3A_5], %mul3A {strides = array<i32>} : memref<128x128xf32, #tpu.memory_space<vmem>>, vector<128x128xf32>,
    return
  }
  func.func @transform_0(%arg0: i32) -> (i32, i32) {
    %c0_i32 = arith.constant 0 : i32
    %c0_i32_0 = arith.constant 0 : i32
    return %arg0, %c0_i32 : i32, i32
  }
  func.func @transform_1(%arg0: i32) -> (i32, i32) {
    %c0_i32 = arith.constant 0 : i32
    %c0_i32_0 = arith.constant 0 : i32
    return %arg0, %c0_i32 : i32, i32
  }
  func.func @transform_2(%arg0: i32) -> (i32, i32) {
    %c0_i32 = arith.constant 0 : i32
    %c0_i32_0 = arith.constant 0 : i32
    return %arg0, %c0_i32 : i32, i32
  }
}

module attributes {stable_mosaic.version = 14 : i64} {
  func.func @_comb1_body(%arg0: i32, %arg1: memref<2x128x128xf32, #tpu.memory_space<vmem>>, %arg2: memref<128x128xf32, #tpu.memory_space<vmem>>, %arg3: memref<128x128xf32, #tpu.memory_space<vmem>>, %arg4: memref<128x512xf32, #tpu.memory_space<vmem>>, %arg5: memref<512x512xf32, #tpu.memory_space<vmem>>, %arg6: memref<1x512xf32, #tpu.memory_space<vmem>>, %arg7: memref<1x128xf32, #tpu.memory_space<vmem>>, %arg8: memref<4x128x128xf32, #tpu.memory_space<vmem>>) attributes {dimension_semantics = [#tpu.dimension_semantics<arbitrary>], iteration_bounds = array<i64: 98>, scalar_prefetch = 0 : i64, scratch_operands = 0 : i64, tpu.core_type = #tpu.core_type<tc>, window_params = [{transform_indices = @transform_0, window_bounds = array<i64: 2, 128, 128>}, {transform_indices = @transform_1, window_bounds = array<i64: 128, 128>}, {transform_indices = @transform_2, window_bounds = array<i64: 128, 128>}, {pipeline_mode = #tpu.pipeline_mode<synchronous>, transform_indices = @transform_3, window_bounds = array<i64: 128, 512>}, {pipeline_mode = #tpu.pipeline_mode<synchronous>, transform_indices = @transform_4, window_bounds = array<i64: 512, 512>}, {pipeline_mode = #tpu.pipeline_mode<synchronous>, transform_indices = @transform_5, window_bounds = array<i64: 1, 512>}, {pipeline_mode = #tpu.pipeline_mode<synchronous>, transform_indices = @transform_6, window_bounds = array<i64: 1, 128>}, {transform_indices = @transform_7, window_bounds = array<i64: 4, 128, 128>}]} {
    %iota3A = tpu.iota {dimensions = array<i32: 0>} : vector<128x1xi32>
    %eq3A = arith.constant 0 : i32
    %eq3A_0 = vector.broadcast %eq3A : i32 to vector<128x1xi32>
    %eq3A_1 = arith.cmpi eq, %iota3A, %eq3A_0 : vector<128x1xi32>
    %eq3A_2 = arith.constant 0 : i32
    %eq3A_3 = arith.cmpi eq, %arg0, %eq3A_2 : i32
    %and3A = vector.broadcast %eq3A_3 : i1 to vector<128x1xi1>
    %and3A_4 = arith.andi %eq3A_1, %and3A : vector<128x1xi1>
    %convert_element_type3A = arith.extui %and3A_4 : vector<128x1xi1> to vector<128x1xi32>
    %convert_element_type3A_5 = arith.sitofp %convert_element_type3A : vector<128x1xi32> to vector<128x1xf32>
    %get3A = arith.constant 0 : index
    %get3A_6 = arith.constant 0 : index
    %get3A_7 = vector.load %arg3[%get3A, %get3A_6] : memref<128x128xf32, #tpu.memory_space<vmem>>, vector<128x128xf32>
    %get3A_8 = arith.constant 0 : index
    %get3A_9 = arith.constant 0 : index
    %get3A_10 = arith.constant 0 : index
    %get3A_11 = vector.load %arg1[%get3A_8, %get3A_9, %get3A_10] : memref<2x128x128xf32, #tpu.memory_space<vmem>>, vector<1x128x128xf32>
    %get3A_12 = vector.shape_cast %get3A_11 : vector<1x128x128xf32> to vector<128x128xf32>
    %get3A_13 = arith.constant 1 : index
    %get3A_14 = arith.constant 0 : index
    %get3A_15 = arith.constant 0 : index
    %get3A_16 = vector.load %arg1[%get3A_13, %get3A_14, %get3A_15] : memref<2x128x128xf32, #tpu.memory_space<vmem>>, vector<1x128x128xf32>
    %get3A_17 = vector.shape_cast %get3A_16 : vector<1x128x128xf32> to vector<128x128xf32>
    %add3A = arith.addf %get3A_12, %get3A_17 : vector<128x128xf32>
    %get3A_18 = arith.constant 0 : index
    %get3A_19 = arith.constant 0 : index
    %get3A_20 = vector.load %arg2[%get3A_18, %get3A_19] : memref<128x128xf32, #tpu.memory_space<vmem>>, vector<128x128xf32>
    %sub3A = arith.subf %add3A, %get3A_20 : vector<128x128xf32>
    %get3A_21 = arith.constant 0 : index
    %get3A_22 = arith.constant 0 : index
    %get3A_23 = vector.load %arg7[%get3A_21, %get3A_22] : memref<1x128xf32, #tpu.memory_space<vmem>>, vector<1x128xf32>
    %mul3A = vector.broadcast %convert_element_type3A_5 : vector<128x1xf32> to vector<128x128xf32>
    %mul3A_24 = vector.broadcast %get3A_23 : vector<1x128xf32> to vector<128x128xf32>
    %mul3A_25 = arith.mulf %mul3A, %mul3A_24 : vector<128x128xf32>
    %sub3A_26 = arith.subf %sub3A, %mul3A_25 : vector<128x128xf32>
    %mul3A_27 = arith.mulf %get3A_7, %sub3A_26 : vector<128x128xf32>
    %get3A_28 = arith.constant 0 : index
    %get3A_29 = arith.constant 0 : index
    %get3A_30 = vector.load %arg4[%get3A_28, %get3A_29] : memref<128x512xf32, #tpu.memory_space<vmem>>, vector<128x512xf32>
    %dot_general3A = arith.constant dense<0.000000e+00> : vector<128x512xf32>
    %dot_general3A_31 = tpu.matmul %mul3A_27, %get3A_30, %dot_general3A {dimension_numbers = #tpu.dot_dimension_numbers<[1], [0], [0], [1], [0, 0, 1, 1], [], []>, transpose_lhs_hint = false} : vector<128x128xf32>, vector<128x512xf32>, vector<128x512xf32> -> vector<128x512xf32>
    %get3A_32 = arith.constant 0 : index
    %get3A_33 = arith.constant 0 : index
    %get3A_34 = vector.load %arg6[%get3A_32, %get3A_33] : memref<1x512xf32, #tpu.memory_space<vmem>>, vector<1x512xf32>
    %add3A_35 = vector.broadcast %get3A_34 : vector<1x512xf32> to vector<128x512xf32>
    %add3A_36 = arith.addf %dot_general3A_31, %add3A_35 : vector<128x512xf32>
    %max3A = arith.constant 0.000000e+00 : f32
    %max3A_37 = vector.broadcast %max3A : f32 to vector<128x512xf32>
    %max3A_38 = arith.maximumf %add3A_36, %max3A_37 : vector<128x512xf32>
    %get3A_39 = arith.constant 0 : index
    %get3A_40 = arith.constant 0 : index
    %get3A_41 = vector.load %arg5[%get3A_39, %get3A_40] : memref<512x512xf32, #tpu.memory_space<vmem>>, vector<512x512xf32>
    %dot_general3A_42 = arith.constant dense<0.000000e+00> : vector<128x512xf32>
    %dot_general3A_43 = tpu.matmul %max3A_38, %get3A_41, %dot_general3A_42 {dimension_numbers = #tpu.dot_dimension_numbers<[1], [0], [0], [1], [0, 0, 1, 1], [], []>, transpose_lhs_hint = false} : vector<128x512xf32>, vector<512x512xf32>, vector<128x512xf32> -> vector<128x512xf32>
    %get3A_44 = arith.constant 0 : index
    %get3A_45 = arith.constant 0 : index
    %get3A_46 = vector.load %arg3[%get3A_44, %get3A_45] : memref<128x128xf32, #tpu.memory_space<vmem>>, vector<128x128xf32>
    %slice3A = vector.extract_strided_slice %dot_general3A_43 {offsets = [0, 0], sizes = [128, 128], strides = [1, 1]} : vector<128x512xf32> to vector<128x128xf32>
    %mul3A_47 = arith.mulf %get3A_46, %slice3A : vector<128x128xf32>
    %swap3A = arith.constant 0 : index
    %swap3A_48 = arith.constant 0 : index
    %swap3A_49 = arith.constant 0 : index
    %swap3A_50 = vector.load %arg8[%swap3A, %swap3A_48, %swap3A_49] : memref<4x128x128xf32, #tpu.memory_space<vmem>>, vector<1x128x128xf32>
    %swap3A_51 = vector.shape_cast %swap3A_50 : vector<1x128x128xf32> to vector<128x128xf32>
    %swap3A_52 = vector.shape_cast %mul3A_47 : vector<128x128xf32> to vector<1x128x128xf32>
    tpu.vector_store %arg8[%swap3A, %swap3A_48, %swap3A_49], %swap3A_52 {strides = array<i32>} : memref<4x128x128xf32, #tpu.memory_space<vmem>>, vector<1x128x128xf32>,
    %get3A_53 = arith.constant 0 : index
    %get3A_54 = arith.constant 0 : index
    %get3A_55 = vector.load %arg3[%get3A_53, %get3A_54] : memref<128x128xf32, #tpu.memory_space<vmem>>, vector<128x128xf32>
    %slice3A_56 = vector.extract_strided_slice %dot_general3A_43 {offsets = [0, 128], sizes = [128, 128], strides = [1, 1]} : vector<128x512xf32> to vector<128x128xf32>
    %mul3A_57 = arith.mulf %get3A_55, %slice3A_56 : vector<128x128xf32>
    %swap3A_58 = arith.constant 1 : index
    %swap3A_59 = arith.constant 0 : index
    %swap3A_60 = arith.constant 0 : index
    %swap3A_61 = vector.load %arg8[%swap3A_58, %swap3A_59, %swap3A_60] : memref<4x128x128xf32, #tpu.memory_space<vmem>>, vector<1x128x128xf32>
    %swap3A_62 = vector.shape_cast %swap3A_61 : vector<1x128x128xf32> to vector<128x128xf32>
    %swap3A_63 = vector.shape_cast %mul3A_57 : vector<128x128xf32> to vector<1x128x128xf32>
    tpu.vector_store %arg8[%swap3A_58, %swap3A_59, %swap3A_60], %swap3A_63 {strides = array<i32>} : memref<4x128x128xf32, #tpu.memory_space<vmem>>, vector<1x128x128xf32>,
    %get3A_64 = arith.constant 0 : index
    %get3A_65 = arith.constant 0 : index
    %get3A_66 = vector.load %arg3[%get3A_64, %get3A_65] : memref<128x128xf32, #tpu.memory_space<vmem>>, vector<128x128xf32>
    %slice3A_67 = vector.extract_strided_slice %dot_general3A_43 {offsets = [0, 256], sizes = [128, 128], strides = [1, 1]} : vector<128x512xf32> to vector<128x128xf32>
    %mul3A_68 = arith.mulf %get3A_66, %slice3A_67 : vector<128x128xf32>
    %swap3A_69 = arith.constant 2 : index
    %swap3A_70 = arith.constant 0 : index
    %swap3A_71 = arith.constant 0 : index
    %swap3A_72 = vector.load %arg8[%swap3A_69, %swap3A_70, %swap3A_71] : memref<4x128x128xf32, #tpu.memory_space<vmem>>, vector<1x128x128xf32>
    %swap3A_73 = vector.shape_cast %swap3A_72 : vector<1x128x128xf32> to vector<128x128xf32>
    %swap3A_74 = vector.shape_cast %mul3A_68 : vector<128x128xf32> to vector<1x128x128xf32>
    tpu.vector_store %arg8[%swap3A_69, %swap3A_70, %swap3A_71], %swap3A_74 {strides = array<i32>} : memref<4x128x128xf32, #tpu.memory_space<vmem>>, vector<1x128x128xf32>,
    %get3A_75 = arith.constant 0 : index
    %get3A_76 = arith.constant 0 : index
    %get3A_77 = vector.load %arg3[%get3A_75, %get3A_76] : memref<128x128xf32, #tpu.memory_space<vmem>>, vector<128x128xf32>
    %slice3A_78 = vector.extract_strided_slice %dot_general3A_43 {offsets = [0, 384], sizes = [128, 128], strides = [1, 1]} : vector<128x512xf32> to vector<128x128xf32>
    %mul3A_79 = arith.mulf %get3A_77, %slice3A_78 : vector<128x128xf32>
    %swap3A_80 = arith.constant 3 : index
    %swap3A_81 = arith.constant 0 : index
    %swap3A_82 = arith.constant 0 : index
    %swap3A_83 = vector.load %arg8[%swap3A_80, %swap3A_81, %swap3A_82] : memref<4x128x128xf32, #tpu.memory_space<vmem>>, vector<1x128x128xf32>
    %swap3A_84 = vector.shape_cast %swap3A_83 : vector<1x128x128xf32> to vector<128x128xf32>
    %swap3A_85 = vector.shape_cast %mul3A_79 : vector<128x128xf32> to vector<1x128x128xf32>
    tpu.vector_store %arg8[%swap3A_80, %swap3A_81, %swap3A_82], %swap3A_85 {strides = array<i32>} : memref<4x128x128xf32, #tpu.memory_space<vmem>>, vector<1x128x128xf32>,
    return
  }
  func.func @transform_0(%arg0: i32) -> (i32, i32, i32) {
    %c0_i32 = arith.constant 0 : i32
    %c0_i32_0 = arith.constant 0 : i32
    %c0_i32_1 = arith.constant 0 : i32
    return %c0_i32, %arg0, %c0_i32_0 : i32, i32, i32
  }
  func.func @transform_1(%arg0: i32) -> (i32, i32) {
    %c0_i32 = arith.constant 0 : i32
    %c0_i32_0 = arith.constant 0 : i32
    return %arg0, %c0_i32 : i32, i32
  }
  func.func @transform_2(%arg0: i32) -> (i32, i32) {
    %c0_i32 = arith.constant 0 : i32
    %c0_i32_0 = arith.constant 0 : i32
    return %arg0, %c0_i32 : i32, i32
  }
  func.func @transform_3(%arg0: i32) -> (i32, i32) {
    %c0_i32 = arith.constant 0 : i32
    %c0_i32_0 = arith.constant 0 : i32
    %c0_i32_1 = arith.constant 0 : i32
    return %c0_i32, %c0_i32_0 : i32, i32
  }
  func.func @transform_4(%arg0: i32) -> (i32, i32) {
    %c0_i32 = arith.constant 0 : i32
    %c0_i32_0 = arith.constant 0 : i32
    %c0_i32_1 = arith.constant 0 : i32
    return %c0_i32, %c0_i32_0 : i32, i32
  }
  func.func @transform_5(%arg0: i32) -> (i32, i32) {
    %c0_i32 = arith.constant 0 : i32
    %c0_i32_0 = arith.constant 0 : i32
    %c0_i32_1 = arith.constant 0 : i32
    return %c0_i32, %c0_i32_0 : i32, i32
  }
  func.func @transform_6(%arg0: i32) -> (i32, i32) {
    %c0_i32 = arith.constant 0 : i32
    %c0_i32_0 = arith.constant 0 : i32
    %c0_i32_1 = arith.constant 0 : i32
    return %c0_i32, %c0_i32_0 : i32, i32
  }
  func.func @transform_7(%arg0: i32) -> (i32, i32, i32) {
    %c0_i32 = arith.constant 0 : i32
    %c0_i32_0 = arith.constant 0 : i32
    %c0_i32_1 = arith.constant 0 : i32
    return %c0_i32, %arg0, %c0_i32_0 : i32, i32, i32
  }
}

module attributes {stable_mosaic.version = 14 : i64} {
  func.func @_comb2_body(%arg0: i32, %arg1: memref<4x128x128xf32, #tpu.memory_space<vmem>>, %arg2: memref<128x128xf32, #tpu.memory_space<vmem>>, %arg3: memref<512x512xf32, #tpu.memory_space<vmem>>, %arg4: memref<1x512xf32, #tpu.memory_space<vmem>>, %arg5: memref<1x512xf32, #tpu.memory_space<vmem>>, %arg6: memref<4x128x128xf32, #tpu.memory_space<vmem>>) attributes {dimension_semantics = [#tpu.dimension_semantics<arbitrary>], iteration_bounds = array<i64: 98>, scalar_prefetch = 0 : i64, scratch_operands = 0 : i64, tpu.core_type = #tpu.core_type<tc>, window_params = [{transform_indices = @transform_0, window_bounds = array<i64: 4, 128, 128>}, {transform_indices = @transform_1, window_bounds = array<i64: 128, 128>}, {pipeline_mode = #tpu.pipeline_mode<synchronous>, transform_indices = @transform_2, window_bounds = array<i64: 512, 512>}, {pipeline_mode = #tpu.pipeline_mode<synchronous>, transform_indices = @transform_3, window_bounds = array<i64: 1, 512>}, {pipeline_mode = #tpu.pipeline_mode<synchronous>, transform_indices = @transform_4, window_bounds = array<i64: 1, 512>}, {transform_indices = @transform_5, window_bounds = array<i64: 4, 128, 128>}]} {
    %iota3A = tpu.iota {dimensions = array<i32: 0>} : vector<128x1xi32>
    %eq3A = arith.constant 0 : i32
    %eq3A_0 = vector.broadcast %eq3A : i32 to vector<128x1xi32>
    %eq3A_1 = arith.cmpi eq, %iota3A, %eq3A_0 : vector<128x1xi32>
    %eq3A_2 = arith.constant 0 : i32
    %eq3A_3 = arith.cmpi eq, %arg0, %eq3A_2 : i32
    %and3A = vector.broadcast %eq3A_3 : i1 to vector<128x1xi1>
    %and3A_4 = arith.andi %eq3A_1, %and3A : vector<128x1xi1>
    %convert_element_type3A = arith.extui %and3A_4 : vector<128x1xi1> to vector<128x1xi32>
    %convert_element_type3A_5 = arith.sitofp %convert_element_type3A : vector<128x1xi32> to vector<128x1xf32>
    %get3A = arith.constant 0 : index
    %get3A_6 = arith.constant 0 : index
    %get3A_7 = vector.load %arg2[%get3A, %get3A_6] : memref<128x128xf32, #tpu.memory_space<vmem>>, vector<128x128xf32>
    %get3A_8 = arith.constant 0 : index
    %get3A_9 = arith.constant 0 : index
    %get3A_10 = arith.constant 0 : index
    %get3A_11 = vector.load %arg1[%get3A_8, %get3A_9, %get3A_10] : memref<4x128x128xf32, #tpu.memory_space<vmem>>, vector<1x128x128xf32>
    %get3A_12 = vector.shape_cast %get3A_11 : vector<1x128x128xf32> to vector<128x128xf32>
    %get3A_13 = arith.constant 0 : index
    %get3A_14 = arith.constant 0 : index
    %get3A_15 = vector.load %arg5[%get3A_13, %get3A_14] : memref<1x512xf32, #tpu.memory_space<vmem>>, vector<1x128xf32>
    %mul3A = vector.broadcast %convert_element_type3A_5 : vector<128x1xf32> to vector<128x128xf32>
    %mul3A_16 = vector.broadcast %get3A_15 : vector<1x128xf32> to vector<128x128xf32>
    %mul3A_17 = arith.mulf %mul3A, %mul3A_16 : vector<128x128xf32>
    %sub3A = arith.subf %get3A_12, %mul3A_17 : vector<128x128xf32>
    %mul3A_18 = arith.mulf %get3A_7, %sub3A : vector<128x128xf32>
    %get3A_19 = arith.constant 0 : index
    %get3A_20 = arith.constant 0 : index
    %get3A_21 = vector.load %arg4[%get3A_19, %get3A_20] : memref<1x512xf32, #tpu.memory_space<vmem>>, vector<1x128xf32>
    %add3A = vector.broadcast %get3A_21 : vector<1x128xf32> to vector<128x128xf32>
    %add3A_22 = arith.addf %mul3A_18, %add3A : vector<128x128xf32>
    %max3A = arith.constant 0.000000e+00 : f32
    %max3A_23 = vector.broadcast %max3A : f32 to vector<128x128xf32>
    %max3A_24 = arith.maximumf %add3A_22, %max3A_23 : vector<128x128xf32>
    %get3A_25 = arith.constant 0 : index
    %get3A_26 = arith.constant 0 : index
    %get3A_27 = vector.load %arg2[%get3A_25, %get3A_26] : memref<128x128xf32, #tpu.memory_space<vmem>>, vector<128x128xf32>
    %get3A_28 = arith.constant 1 : index
    %get3A_29 = arith.constant 0 : index
    %get3A_30 = arith.constant 0 : index
    %get3A_31 = vector.load %arg1[%get3A_28, %get3A_29, %get3A_30] : memref<4x128x128xf32, #tpu.memory_space<vmem>>, vector<1x128x128xf32>
    %get3A_32 = vector.shape_cast %get3A_31 : vector<1x128x128xf32> to vector<128x128xf32>
    %get3A_33 = arith.constant 0 : index
    %get3A_34 = arith.constant 128 : index
    %get3A_35 = vector.load %arg5[%get3A_33, %get3A_34] : memref<1x512xf32, #tpu.memory_space<vmem>>, vector<1x128xf32>
    %mul3A_36 = vector.broadcast %convert_element_type3A_5 : vector<128x1xf32> to vector<128x128xf32>
    %mul3A_37 = vector.broadcast %get3A_35 : vector<1x128xf32> to vector<128x128xf32>
    %mul3A_38 = arith.mulf %mul3A_36, %mul3A_37 : vector<128x128xf32>
    %sub3A_39 = arith.subf %get3A_32, %mul3A_38 : vector<128x128xf32>
    %mul3A_40 = arith.mulf %get3A_27, %sub3A_39 : vector<128x128xf32>
    %get3A_41 = arith.constant 0 : index
    %get3A_42 = arith.constant 128 : index
    %get3A_43 = vector.load %arg4[%get3A_41, %get3A_42] : memref<1x512xf32, #tpu.memory_space<vmem>>, vector<1x128xf32>
    %add3A_44 = vector.broadcast %get3A_43 : vector<1x128xf32> to vector<128x128xf32>
    %add3A_45 = arith.addf %mul3A_40, %add3A_44 : vector<128x128xf32>
    %max3A_46 = arith.constant 0.000000e+00 : f32
    %max3A_47 = vector.broadcast %max3A_46 : f32 to vector<128x128xf32>
    %max3A_48 = arith.maximumf %add3A_45, %max3A_47 : vector<128x128xf32>
    %get3A_49 = arith.constant 0 : index
    %get3A_50 = arith.constant 0 : index
    %get3A_51 = vector.load %arg2[%get3A_49, %get3A_50] : memref<128x128xf32, #tpu.memory_space<vmem>>, vector<128x128xf32>
    %get3A_52 = arith.constant 2 : index
    %get3A_53 = arith.constant 0 : index
    %get3A_54 = arith.constant 0 : index
    %get3A_55 = vector.load %arg1[%get3A_52, %get3A_53, %get3A_54] : memref<4x128x128xf32, #tpu.memory_space<vmem>>, vector<1x128x128xf32>
    %get3A_56 = vector.shape_cast %get3A_55 : vector<1x128x128xf32> to vector<128x128xf32>
    %get3A_57 = arith.constant 0 : index
    %get3A_58 = arith.constant 256 : index
    %get3A_59 = vector.load %arg5[%get3A_57, %get3A_58] : memref<1x512xf32, #tpu.memory_space<vmem>>, vector<1x128xf32>
    %mul3A_60 = vector.broadcast %convert_element_type3A_5 : vector<128x1xf32> to vector<128x128xf32>
    %mul3A_61 = vector.broadcast %get3A_59 : vector<1x128xf32> to vector<128x128xf32>
    %mul3A_62 = arith.mulf %mul3A_60, %mul3A_61 : vector<128x128xf32>
    %sub3A_63 = arith.subf %get3A_56, %mul3A_62 : vector<128x128xf32>
    %mul3A_64 = arith.mulf %get3A_51, %sub3A_63 : vector<128x128xf32>
    %get3A_65 = arith.constant 0 : index
    %get3A_66 = arith.constant 256 : index
    %get3A_67 = vector.load %arg4[%get3A_65, %get3A_66] : memref<1x512xf32, #tpu.memory_space<vmem>>, vector<1x128xf32>
    %add3A_68 = vector.broadcast %get3A_67 : vector<1x128xf32> to vector<128x128xf32>
    %add3A_69 = arith.addf %mul3A_64, %add3A_68 : vector<128x128xf32>
    %max3A_70 = arith.constant 0.000000e+00 : f32
    %max3A_71 = vector.broadcast %max3A_70 : f32 to vector<128x128xf32>
    %max3A_72 = arith.maximumf %add3A_69, %max3A_71 : vector<128x128xf32>
    %get3A_73 = arith.constant 0 : index
    %get3A_74 = arith.constant 0 : index
    %get3A_75 = vector.load %arg2[%get3A_73, %get3A_74] : memref<128x128xf32, #tpu.memory_space<vmem>>, vector<128x128xf32>
    %get3A_76 = arith.constant 3 : index
    %get3A_77 = arith.constant 0 : index
    %get3A_78 = arith.constant 0 : index
    %get3A_79 = vector.load %arg1[%get3A_76, %get3A_77, %get3A_78] : memref<4x128x128xf32, #tpu.memory_space<vmem>>, vector<1x128x128xf32>
    %get3A_80 = vector.shape_cast %get3A_79 : vector<1x128x128xf32> to vector<128x128xf32>
    %get3A_81 = arith.constant 0 : index
    %get3A_82 = arith.constant 384 : index
    %get3A_83 = vector.load %arg5[%get3A_81, %get3A_82] : memref<1x512xf32, #tpu.memory_space<vmem>>, vector<1x128xf32>
    %mul3A_84 = vector.broadcast %convert_element_type3A_5 : vector<128x1xf32> to vector<128x128xf32>
    %mul3A_85 = vector.broadcast %get3A_83 : vector<1x128xf32> to vector<128x128xf32>
    %mul3A_86 = arith.mulf %mul3A_84, %mul3A_85 : vector<128x128xf32>
    %sub3A_87 = arith.subf %get3A_80, %mul3A_86 : vector<128x128xf32>
    %mul3A_88 = arith.mulf %get3A_75, %sub3A_87 : vector<128x128xf32>
    %get3A_89 = arith.constant 0 : index
    %get3A_90 = arith.constant 384 : index
    %get3A_91 = vector.load %arg4[%get3A_89, %get3A_90] : memref<1x512xf32, #tpu.memory_space<vmem>>, vector<1x128xf32>
    %add3A_92 = vector.broadcast %get3A_91 : vector<1x128xf32> to vector<128x128xf32>
    %add3A_93 = arith.addf %mul3A_88, %add3A_92 : vector<128x128xf32>
    %max3A_94 = arith.constant 0.000000e+00 : f32
    %max3A_95 = vector.broadcast %max3A_94 : f32 to vector<128x128xf32>
    %max3A_96 = arith.maximumf %add3A_93, %max3A_95 : vector<128x128xf32>
    %concatenate3A = tpu.concatenate %max3A_24, %max3A_48, %max3A_72, %max3A_96 in 1 : vector<128x128xf32>, vector<128x128xf32>, vector<128x128xf32>, vector<128x128xf32> -> vector<128x512xf32>
    %get3A_97 = arith.constant 0 : index
    %get3A_98 = arith.constant 0 : index
    %get3A_99 = vector.load %arg3[%get3A_97, %get3A_98] : memref<512x512xf32, #tpu.memory_space<vmem>>, vector<512x512xf32>
    %dot_general3A = arith.constant dense<0.000000e+00> : vector<128x512xf32>
    %dot_general3A_100 = tpu.matmul %concatenate3A, %get3A_99, %dot_general3A {dimension_numbers = #tpu.dot_dimension_numbers<[1], [0], [0], [1], [0, 0, 1, 1], [], []>, transpose_lhs_hint = false} : vector<128x512xf32>, vector<512x512xf32>, vector<128x512xf32> -> vector<128x512xf32>
    %get3A_101 = arith.constant 0 : index
    %get3A_102 = arith.constant 0 : index
    %get3A_103 = vector.load %arg2[%get3A_101, %get3A_102] : memref<128x128xf32, #tpu.memory_space<vmem>>, vector<128x128xf32>
    %slice3A = vector.extract_strided_slice %dot_general3A_100 {offsets = [0, 0], sizes = [128, 128], strides = [1, 1]} : vector<128x512xf32> to vector<128x128xf32>
    %mul3A_104 = arith.mulf %get3A_103, %slice3A : vector<128x128xf32>
    %swap3A = arith.constant 0 : index
    %swap3A_105 = arith.constant 0 : index
    %swap3A_106 = arith.constant 0 : index
    %swap3A_107 = vector.load %arg6[%swap3A, %swap3A_105, %swap3A_106] : memref<4x128x128xf32, #tpu.memory_space<vmem>>, vector<1x128x128xf32>
    %swap3A_108 = vector.shape_cast %swap3A_107 : vector<1x128x128xf32> to vector<128x128xf32>
    %swap3A_109 = vector.shape_cast %mul3A_104 : vector<128x128xf32> to vector<1x128x128xf32>
    tpu.vector_store %arg6[%swap3A, %swap3A_105, %swap3A_106], %swap3A_109 {strides = array<i32>} : memref<4x128x128xf32, #tpu.memory_space<vmem>>, vector<1x128x128xf32>,
    %get3A_110 = arith.constant 0 : index
    %get3A_111 = arith.constant 0 : index
    %get3A_112 = vector.load %arg2[%get3A_110, %get3A_111] : memref<128x128xf32, #tpu.memory_space<vmem>>, vector<128x128xf32>
    %slice3A_113 = vector.extract_strided_slice %dot_general3A_100 {offsets = [0, 128], sizes = [128, 128], strides = [1, 1]} : vector<128x512xf32> to vector<128x128xf32>
    %mul3A_114 = arith.mulf %get3A_112, %slice3A_113 : vector<128x128xf32>
    %swap3A_115 = arith.constant 1 : index
    %swap3A_116 = arith.constant 0 : index
    %swap3A_117 = arith.constant 0 : index
    %swap3A_118 = vector.load %arg6[%swap3A_115, %swap3A_116, %swap3A_117] : memref<4x128x128xf32, #tpu.memory_space<vmem>>, vector<1x128x128xf32>
    %swap3A_119 = vector.shape_cast %swap3A_118 : vector<1x128x128xf32> to vector<128x128xf32>
    %swap3A_120 = vector.shape_cast %mul3A_114 : vector<128x128xf32> to vector<1x128x128xf32>
    tpu.vector_store %arg6[%swap3A_115, %swap3A_116, %swap3A_117], %swap3A_120 {strides = array<i32>} : memref<4x128x128xf32, #tpu.memory_space<vmem>>, vector<1x128x128xf32>,
    %get3A_121 = arith.constant 0 : index
    %get3A_122 = arith.constant 0 : index
    %get3A_123 = vector.load %arg2[%get3A_121, %get3A_122] : memref<128x128xf32, #tpu.memory_space<vmem>>, vector<128x128xf32>
    %slice3A_124 = vector.extract_strided_slice %dot_general3A_100 {offsets = [0, 256], sizes = [128, 128], strides = [1, 1]} : vector<128x512xf32> to vector<128x128xf32>
    %mul3A_125 = arith.mulf %get3A_123, %slice3A_124 : vector<128x128xf32>
    %swap3A_126 = arith.constant 2 : index
    %swap3A_127 = arith.constant 0 : index
    %swap3A_128 = arith.constant 0 : index
    %swap3A_129 = vector.load %arg6[%swap3A_126, %swap3A_127, %swap3A_128] : memref<4x128x128xf32, #tpu.memory_space<vmem>>, vector<1x128x128xf32>
    %swap3A_130 = vector.shape_cast %swap3A_129 : vector<1x128x128xf32> to vector<128x128xf32>
    %swap3A_131 = vector.shape_cast %mul3A_125 : vector<128x128xf32> to vector<1x128x128xf32>
    tpu.vector_store %arg6[%swap3A_126, %swap3A_127, %swap3A_128], %swap3A_131 {strides = array<i32>} : memref<4x128x128xf32, #tpu.memory_space<vmem>>, vector<1x128x128xf32>,
    %get3A_132 = arith.constant 0 : index
    %get3A_133 = arith.constant 0 : index
    %get3A_134 = vector.load %arg2[%get3A_132, %get3A_133] : memref<128x128xf32, #tpu.memory_space<vmem>>, vector<128x128xf32>
    %slice3A_135 = vector.extract_strided_slice %dot_general3A_100 {offsets = [0, 384], sizes = [128, 128], strides = [1, 1]} : vector<128x512xf32> to vector<128x128xf32>
    %mul3A_136 = arith.mulf %get3A_134, %slice3A_135 : vector<128x128xf32>
    %swap3A_137 = arith.constant 3 : index
    %swap3A_138 = arith.constant 0 : index
    %swap3A_139 = arith.constant 0 : index
    %swap3A_140 = vector.load %arg6[%swap3A_137, %swap3A_138, %swap3A_139] : memref<4x128x128xf32, #tpu.memory_space<vmem>>, vector<1x128x128xf32>
    %swap3A_141 = vector.shape_cast %swap3A_140 : vector<1x128x128xf32> to vector<128x128xf32>
    %swap3A_142 = vector.shape_cast %mul3A_136 : vector<128x128xf32> to vector<1x128x128xf32>
    tpu.vector_store %arg6[%swap3A_137, %swap3A_138, %swap3A_139], %swap3A_142 {strides = array<i32>} : memref<4x128x128xf32, #tpu.memory_space<vmem>>, vector<1x128x128xf32>,
    return
  }
  func.func @transform_0(%arg0: i32) -> (i32, i32, i32) {
    %c0_i32 = arith.constant 0 : i32
    %c0_i32_0 = arith.constant 0 : i32
    %c0_i32_1 = arith.constant 0 : i32
    return %c0_i32, %arg0, %c0_i32_0 : i32, i32, i32
  }
  func.func @transform_1(%arg0: i32) -> (i32, i32) {
    %c0_i32 = arith.constant 0 : i32
    %c0_i32_0 = arith.constant 0 : i32
    return %arg0, %c0_i32 : i32, i32
  }
  func.func @transform_2(%arg0: i32) -> (i32, i32) {
    %c0_i32 = arith.constant 0 : i32
    %c0_i32_0 = arith.constant 0 : i32
    %c0_i32_1 = arith.constant 0 : i32
    return %c0_i32, %c0_i32_0 : i32, i32
  }
  func.func @transform_3(%arg0: i32) -> (i32, i32) {
    %c0_i32 = arith.constant 0 : i32
    %c0_i32_0 = arith.constant 0 : i32
    %c0_i32_1 = arith.constant 0 : i32
    return %c0_i32, %c0_i32_0 : i32, i32
  }
  func.func @transform_4(%arg0: i32) -> (i32, i32) {
    %c0_i32 = arith.constant 0 : i32
    %c0_i32_0 = arith.constant 0 : i32
    %c0_i32_1 = arith.constant 0 : i32
    return %c0_i32, %c0_i32_0 : i32, i32
  }
  func.func @transform_5(%arg0: i32) -> (i32, i32, i32) {
    %c0_i32 = arith.constant 0 : i32
    %c0_i32_0 = arith.constant 0 : i32
    %c0_i32_1 = arith.constant 0 : i32
    return %c0_i32, %arg0, %c0_i32_0 : i32, i32, i32
  }
}

module attributes {stable_mosaic.version = 14 : i64} {
  func.func @_comb3_body(%arg0: i32, %arg1: memref<4x128x128xf32, #tpu.memory_space<vmem>>, %arg2: memref<128x128xf32, #tpu.memory_space<vmem>>, %arg3: memref<1x512xf32, #tpu.memory_space<vmem>>, %arg4: memref<1x512xf32, #tpu.memory_space<vmem>>, %arg5: memref<4x128x128xf32, #tpu.memory_space<vmem>>, %arg6: memref<1x512xf32, #tpu.memory_space<vmem>>) attributes {dimension_semantics = [#tpu.dimension_semantics<arbitrary>], iteration_bounds = array<i64: 98>, scalar_prefetch = 0 : i64, scratch_operands = 0 : i64, tpu.core_type = #tpu.core_type<tc>, window_params = [{transform_indices = @transform_0, window_bounds = array<i64: 4, 128, 128>}, {transform_indices = @transform_1, window_bounds = array<i64: 128, 128>}, {pipeline_mode = #tpu.pipeline_mode<synchronous>, transform_indices = @transform_2, window_bounds = array<i64: 1, 512>}, {pipeline_mode = #tpu.pipeline_mode<synchronous>, transform_indices = @transform_3, window_bounds = array<i64: 1, 512>}, {transform_indices = @transform_4, window_bounds = array<i64: 4, 128, 128>}, {pipeline_mode = #tpu.pipeline_mode<synchronous>, transform_indices = @transform_5, window_bounds = array<i64: 1, 512>}]} {
    %iota3A = tpu.iota {dimensions = array<i32: 0>} : vector<128x1xi32>
    %eq3A = arith.constant 0 : i32
    %eq3A_0 = vector.broadcast %eq3A : i32 to vector<128x1xi32>
    %eq3A_1 = arith.cmpi eq, %iota3A, %eq3A_0 : vector<128x1xi32>
    %eq3A_2 = arith.constant 0 : i32
    %eq3A_3 = arith.cmpi eq, %arg0, %eq3A_2 : i32
    %and3A = vector.broadcast %eq3A_3 : i1 to vector<128x1xi1>
    %and3A_4 = arith.andi %eq3A_1, %and3A : vector<128x1xi1>
    %convert_element_type3A = arith.extui %and3A_4 : vector<128x1xi1> to vector<128x1xi32>
    %convert_element_type3A_5 = arith.sitofp %convert_element_type3A : vector<128x1xi32> to vector<128x1xf32>
    %get3A = arith.constant 0 : index
    %get3A_6 = arith.constant 0 : index
    %get3A_7 = vector.load %arg2[%get3A, %get3A_6] : memref<128x128xf32, #tpu.memory_space<vmem>>, vector<128x128xf32>
    %get3A_8 = arith.constant 0 : index
    %get3A_9 = arith.constant 0 : index
    %get3A_10 = arith.constant 0 : index
    %get3A_11 = vector.load %arg1[%get3A_8, %get3A_9, %get3A_10] : memref<4x128x128xf32, #tpu.memory_space<vmem>>, vector<1x128x128xf32>
    %get3A_12 = vector.shape_cast %get3A_11 : vector<1x128x128xf32> to vector<128x128xf32>
    %get3A_13 = arith.constant 0 : index
    %get3A_14 = arith.constant 0 : index
    %get3A_15 = vector.load %arg4[%get3A_13, %get3A_14] : memref<1x512xf32, #tpu.memory_space<vmem>>, vector<1x128xf32>
    %mul3A = vector.broadcast %convert_element_type3A_5 : vector<128x1xf32> to vector<128x128xf32>
    %mul3A_16 = vector.broadcast %get3A_15 : vector<1x128xf32> to vector<128x128xf32>
    %mul3A_17 = arith.mulf %mul3A, %mul3A_16 : vector<128x128xf32>
    %sub3A = arith.subf %get3A_12, %mul3A_17 : vector<128x128xf32>
    %mul3A_18 = arith.mulf %get3A_7, %sub3A : vector<128x128xf32>
    %get3A_19 = arith.constant 0 : index
    %get3A_20 = arith.constant 0 : index
    %get3A_21 = vector.load %arg3[%get3A_19, %get3A_20] : memref<1x512xf32, #tpu.memory_space<vmem>>, vector<1x128xf32>
    %add3A = vector.broadcast %get3A_21 : vector<1x128xf32> to vector<128x128xf32>
    %add3A_22 = arith.addf %mul3A_18, %add3A : vector<128x128xf32>
    %max3A = arith.constant 0.000000e+00 : f32
    %max3A_23 = vector.broadcast %max3A : f32 to vector<128x128xf32>
    %max3A_24 = arith.maximumf %add3A_22, %max3A_23 : vector<128x128xf32>
    %swap3A = arith.constant 0 : index
    %swap3A_25 = arith.constant 0 : index
    %swap3A_26 = arith.constant 0 : index
    %swap3A_27 = vector.load %arg5[%swap3A, %swap3A_25, %swap3A_26] : memref<4x128x128xf32, #tpu.memory_space<vmem>>, vector<1x128x128xf32>
    %swap3A_28 = vector.shape_cast %swap3A_27 : vector<1x128x128xf32> to vector<128x128xf32>
    %swap3A_29 = vector.shape_cast %max3A_24 : vector<128x128xf32> to vector<1x128x128xf32>
    tpu.vector_store %arg5[%swap3A, %swap3A_25, %swap3A_26], %swap3A_29 {strides = array<i32>} : memref<4x128x128xf32, #tpu.memory_space<vmem>>, vector<1x128x128xf32>,
    %get3A_30 = arith.constant 0 : index
    %get3A_31 = arith.constant 0 : index
    %get3A_32 = vector.load %arg2[%get3A_30, %get3A_31] : memref<128x128xf32, #tpu.memory_space<vmem>>, vector<128x128xf32>
    %get3A_33 = arith.constant 1 : index
    %get3A_34 = arith.constant 0 : index
    %get3A_35 = arith.constant 0 : index
    %get3A_36 = vector.load %arg1[%get3A_33, %get3A_34, %get3A_35] : memref<4x128x128xf32, #tpu.memory_space<vmem>>, vector<1x128x128xf32>
    %get3A_37 = vector.shape_cast %get3A_36 : vector<1x128x128xf32> to vector<128x128xf32>
    %get3A_38 = arith.constant 0 : index
    %get3A_39 = arith.constant 128 : index
    %get3A_40 = vector.load %arg4[%get3A_38, %get3A_39] : memref<1x512xf32, #tpu.memory_space<vmem>>, vector<1x128xf32>
    %mul3A_41 = vector.broadcast %convert_element_type3A_5 : vector<128x1xf32> to vector<128x128xf32>
    %mul3A_42 = vector.broadcast %get3A_40 : vector<1x128xf32> to vector<128x128xf32>
    %mul3A_43 = arith.mulf %mul3A_41, %mul3A_42 : vector<128x128xf32>
    %sub3A_44 = arith.subf %get3A_37, %mul3A_43 : vector<128x128xf32>
    %mul3A_45 = arith.mulf %get3A_32, %sub3A_44 : vector<128x128xf32>
    %get3A_46 = arith.constant 0 : index
    %get3A_47 = arith.constant 128 : index
    %get3A_48 = vector.load %arg3[%get3A_46, %get3A_47] : memref<1x512xf32, #tpu.memory_space<vmem>>, vector<1x128xf32>
    %add3A_49 = vector.broadcast %get3A_48 : vector<1x128xf32> to vector<128x128xf32>
    %add3A_50 = arith.addf %mul3A_45, %add3A_49 : vector<128x128xf32>
    %max3A_51 = arith.constant 0.000000e+00 : f32
    %max3A_52 = vector.broadcast %max3A_51 : f32 to vector<128x128xf32>
    %max3A_53 = arith.maximumf %add3A_50, %max3A_52 : vector<128x128xf32>
    %swap3A_54 = arith.constant 1 : index
    %swap3A_55 = arith.constant 0 : index
    %swap3A_56 = arith.constant 0 : index
    %swap3A_57 = vector.load %arg5[%swap3A_54, %swap3A_55, %swap3A_56] : memref<4x128x128xf32, #tpu.memory_space<vmem>>, vector<1x128x128xf32>
    %swap3A_58 = vector.shape_cast %swap3A_57 : vector<1x128x128xf32> to vector<128x128xf32>
    %swap3A_59 = vector.shape_cast %max3A_53 : vector<128x128xf32> to vector<1x128x128xf32>
    tpu.vector_store %arg5[%swap3A_54, %swap3A_55, %swap3A_56], %swap3A_59 {strides = array<i32>} : memref<4x128x128xf32, #tpu.memory_space<vmem>>, vector<1x128x128xf32>,
    %get3A_60 = arith.constant 0 : index
    %get3A_61 = arith.constant 0 : index
    %get3A_62 = vector.load %arg2[%get3A_60, %get3A_61] : memref<128x128xf32, #tpu.memory_space<vmem>>, vector<128x128xf32>
    %get3A_63 = arith.constant 2 : index
    %get3A_64 = arith.constant 0 : index
    %get3A_65 = arith.constant 0 : index
    %get3A_66 = vector.load %arg1[%get3A_63, %get3A_64, %get3A_65] : memref<4x128x128xf32, #tpu.memory_space<vmem>>, vector<1x128x128xf32>
    %get3A_67 = vector.shape_cast %get3A_66 : vector<1x128x128xf32> to vector<128x128xf32>
    %get3A_68 = arith.constant 0 : index
    %get3A_69 = arith.constant 256 : index
    %get3A_70 = vector.load %arg4[%get3A_68, %get3A_69] : memref<1x512xf32, #tpu.memory_space<vmem>>, vector<1x128xf32>
    %mul3A_71 = vector.broadcast %convert_element_type3A_5 : vector<128x1xf32> to vector<128x128xf32>
    %mul3A_72 = vector.broadcast %get3A_70 : vector<1x128xf32> to vector<128x128xf32>
    %mul3A_73 = arith.mulf %mul3A_71, %mul3A_72 : vector<128x128xf32>
    %sub3A_74 = arith.subf %get3A_67, %mul3A_73 : vector<128x128xf32>
    %mul3A_75 = arith.mulf %get3A_62, %sub3A_74 : vector<128x128xf32>
    %get3A_76 = arith.constant 0 : index
    %get3A_77 = arith.constant 256 : index
    %get3A_78 = vector.load %arg3[%get3A_76, %get3A_77] : memref<1x512xf32, #tpu.memory_space<vmem>>, vector<1x128xf32>
    %add3A_79 = vector.broadcast %get3A_78 : vector<1x128xf32> to vector<128x128xf32>
    %add3A_80 = arith.addf %mul3A_75, %add3A_79 : vector<128x128xf32>
    %max3A_81 = arith.constant 0.000000e+00 : f32
    %max3A_82 = vector.broadcast %max3A_81 : f32 to vector<128x128xf32>
    %max3A_83 = arith.maximumf %add3A_80, %max3A_82 : vector<128x128xf32>
    %swap3A_84 = arith.constant 2 : index
    %swap3A_85 = arith.constant 0 : index
    %swap3A_86 = arith.constant 0 : index
    %swap3A_87 = vector.load %arg5[%swap3A_84, %swap3A_85, %swap3A_86] : memref<4x128x128xf32, #tpu.memory_space<vmem>>, vector<1x128x128xf32>
    %swap3A_88 = vector.shape_cast %swap3A_87 : vector<1x128x128xf32> to vector<128x128xf32>
    %swap3A_89 = vector.shape_cast %max3A_83 : vector<128x128xf32> to vector<1x128x128xf32>
    tpu.vector_store %arg5[%swap3A_84, %swap3A_85, %swap3A_86], %swap3A_89 {strides = array<i32>} : memref<4x128x128xf32, #tpu.memory_space<vmem>>, vector<1x128x128xf32>,
    %get3A_90 = arith.constant 0 : index
    %get3A_91 = arith.constant 0 : index
    %get3A_92 = vector.load %arg2[%get3A_90, %get3A_91] : memref<128x128xf32, #tpu.memory_space<vmem>>, vector<128x128xf32>
    %get3A_93 = arith.constant 3 : index
    %get3A_94 = arith.constant 0 : index
    %get3A_95 = arith.constant 0 : index
    %get3A_96 = vector.load %arg1[%get3A_93, %get3A_94, %get3A_95] : memref<4x128x128xf32, #tpu.memory_space<vmem>>, vector<1x128x128xf32>
    %get3A_97 = vector.shape_cast %get3A_96 : vector<1x128x128xf32> to vector<128x128xf32>
    %get3A_98 = arith.constant 0 : index
    %get3A_99 = arith.constant 384 : index
    %get3A_100 = vector.load %arg4[%get3A_98, %get3A_99] : memref<1x512xf32, #tpu.memory_space<vmem>>, vector<1x128xf32>
    %mul3A_101 = vector.broadcast %convert_element_type3A_5 : vector<128x1xf32> to vector<128x128xf32>
    %mul3A_102 = vector.broadcast %get3A_100 : vector<1x128xf32> to vector<128x128xf32>
    %mul3A_103 = arith.mulf %mul3A_101, %mul3A_102 : vector<128x128xf32>
    %sub3A_104 = arith.subf %get3A_97, %mul3A_103 : vector<128x128xf32>
    %mul3A_105 = arith.mulf %get3A_92, %sub3A_104 : vector<128x128xf32>
    %get3A_106 = arith.constant 0 : index
    %get3A_107 = arith.constant 384 : index
    %get3A_108 = vector.load %arg3[%get3A_106, %get3A_107] : memref<1x512xf32, #tpu.memory_space<vmem>>, vector<1x128xf32>
    %add3A_109 = vector.broadcast %get3A_108 : vector<1x128xf32> to vector<128x128xf32>
    %add3A_110 = arith.addf %mul3A_105, %add3A_109 : vector<128x128xf32>
    %max3A_111 = arith.constant 0.000000e+00 : f32
    %max3A_112 = vector.broadcast %max3A_111 : f32 to vector<128x128xf32>
    %max3A_113 = arith.maximumf %add3A_110, %max3A_112 : vector<128x128xf32>
    %swap3A_114 = arith.constant 3 : index
    %swap3A_115 = arith.constant 0 : index
    %swap3A_116 = arith.constant 0 : index
    %swap3A_117 = vector.load %arg5[%swap3A_114, %swap3A_115, %swap3A_116] : memref<4x128x128xf32, #tpu.memory_space<vmem>>, vector<1x128x128xf32>
    %swap3A_118 = vector.shape_cast %swap3A_117 : vector<1x128x128xf32> to vector<128x128xf32>
    %swap3A_119 = vector.shape_cast %max3A_113 : vector<128x128xf32> to vector<1x128x128xf32>
    tpu.vector_store %arg5[%swap3A_114, %swap3A_115, %swap3A_116], %swap3A_119 {strides = array<i32>} : memref<4x128x128xf32, #tpu.memory_space<vmem>>, vector<1x128x128xf32>,
    %iota3A_120 = tpu.iota {dimensions = array<i32: 0>} : vector<128x1xi32>
    %mul3A_121 = arith.constant 128 : i32
    %mul3A_122 = arith.muli %arg0, %mul3A_121 : i32
    %sub3A_123 = arith.constant 12500 : i32
    %sub3A_124 = arith.subi %sub3A_123, %mul3A_122 : i32
    %lt3A = vector.broadcast %sub3A_124 : i32 to vector<128x1xi32>
    %lt3A_125 = arith.cmpi slt, %iota3A_120, %lt3A : vector<128x1xi32>
    %jit3A = arith.constant 0.000000e+00 : f32
    %broadcast_in_dim3A = vector.shape_cast %lt3A_125 : vector<128x1xi1> to vector<128x1xi1>
    %broadcast_in_dim3A_126 = vector.broadcast %broadcast_in_dim3A : vector<128x1xi1> to vector<128x128xi1>
    %broadcast_in_dim3A_127 = vector.broadcast %jit3A : f32 to vector<128x128xf32>
    %select_n3A = arith.select %broadcast_in_dim3A_126, %max3A_24, %broadcast_in_dim3A_127 : vector<128x128xi1>, vector<128x128xf32>
    %reduce_sum3A = arith.constant dense<0.000000e+00> : vector<128xf32>
    %reduce_sum3A_128 = vector.multi_reduction <add>, %select_n3A, %reduce_sum3A [0] : vector<128x128xf32> to vector<128xf32>
    %broadcast_in_dim3A_129 = vector.shape_cast %reduce_sum3A_128 : vector<128xf32> to vector<1x128xf32>
    %lt3A_130 = vector.broadcast %sub3A_124 : i32 to vector<128x1xi32>
    %lt3A_131 = arith.cmpi slt, %iota3A_120, %lt3A_130 : vector<128x1xi32>
    %jit3A_132 = arith.constant 0.000000e+00 : f32
    %broadcast_in_dim3A_133 = vector.shape_cast %lt3A_131 : vector<128x1xi1> to vector<128x1xi1>
    %broadcast_in_dim3A_134 = vector.broadcast %broadcast_in_dim3A_133 : vector<128x1xi1> to vector<128x128xi1>
    %broadcast_in_dim3A_135 = vector.broadcast %jit3A_132 : f32 to vector<128x128xf32>
    %select_n3A_136 = arith.select %broadcast_in_dim3A_134, %max3A_53, %broadcast_in_dim3A_135 : vector<128x128xi1>, vector<128x128xf32>
    %reduce_sum3A_137 = arith.constant dense<0.000000e+00> : vector<128xf32>
    %reduce_sum3A_138 = vector.multi_reduction <add>, %select_n3A_136, %reduce_sum3A_137 [0] : vector<128x128xf32> to vector<128xf32>
    %broadcast_in_dim3A_139 = vector.shape_cast %reduce_sum3A_138 : vector<128xf32> to vector<1x128xf32>
    %lt3A_140 = vector.broadcast %sub3A_124 : i32 to vector<128x1xi32>
    %lt3A_141 = arith.cmpi slt, %iota3A_120, %lt3A_140 : vector<128x1xi32>
    %jit3A_142 = arith.constant 0.000000e+00 : f32
    %broadcast_in_dim3A_143 = vector.shape_cast %lt3A_141 : vector<128x1xi1> to vector<128x1xi1>
    %broadcast_in_dim3A_144 = vector.broadcast %broadcast_in_dim3A_143 : vector<128x1xi1> to vector<128x128xi1>
    %broadcast_in_dim3A_145 = vector.broadcast %jit3A_142 : f32 to vector<128x128xf32>
    %select_n3A_146 = arith.select %broadcast_in_dim3A_144, %max3A_83, %broadcast_in_dim3A_145 : vector<128x128xi1>, vector<128x128xf32>
    %reduce_sum3A_147 = arith.constant dense<0.000000e+00> : vector<128xf32>
    %reduce_sum3A_148 = vector.multi_reduction <add>, %select_n3A_146, %reduce_sum3A_147 [0] : vector<128x128xf32> to vector<128xf32>
    %broadcast_in_dim3A_149 = vector.shape_cast %reduce_sum3A_148 : vector<128xf32> to vector<1x128xf32>
    %lt3A_150 = vector.broadcast %sub3A_124 : i32 to vector<128x1xi32>
    %lt3A_151 = arith.cmpi slt, %iota3A_120, %lt3A_150 : vector<128x1xi32>
    %jit3A_152 = arith.constant 0.000000e+00 : f32
    %broadcast_in_dim3A_153 = vector.shape_cast %lt3A_151 : vector<128x1xi1> to vector<128x1xi1>
    %broadcast_in_dim3A_154 = vector.broadcast %broadcast_in_dim3A_153 : vector<128x1xi1> to vector<128x128xi1>
    %broadcast_in_dim3A_155 = vector.broadcast %jit3A_152 : f32 to vector<128x128xf32>
    %select_n3A_156 = arith.select %broadcast_in_dim3A_154, %max3A_113, %broadcast_in_dim3A_155 : vector<128x128xi1>, vector<128x128xf32>
    %reduce_sum3A_157 = arith.constant dense<0.000000e+00> : vector<128xf32>
    %reduce_sum3A_158 = vector.multi_reduction <add>, %select_n3A_156, %reduce_sum3A_157 [0] : vector<128x128xf32> to vector<128xf32>
    %broadcast_in_dim3A_159 = vector.shape_cast %reduce_sum3A_158 : vector<128xf32> to vector<1x128xf32>
    %concatenate3A = tpu.concatenate %broadcast_in_dim3A_129, %broadcast_in_dim3A_139, %broadcast_in_dim3A_149, %broadcast_in_dim3A_159 in 1 : vector<1x128xf32>, vector<1x128xf32>, vector<1x128xf32>, vector<1x128xf32> -> vector<1x512xf32>
    %eq3A_160 = arith.constant 0 : i32
    %eq3A_161 = arith.cmpi eq, %arg0, %eq3A_160 : i32
    %convert_element_type3A_162 = arith.extui %eq3A_161 : i1 to i32
    %cond3A = arith.constant 0 : i32
    %cond3A_163 = arith.cmpi ne, %convert_element_type3A_162, %cond3A : i32
    scf.if %cond3A_163 {
      %broadcast_in_dim3A_171 = arith.constant 0.000000e+00 : f32
      %broadcast_in_dim3A_172 = vector.broadcast %broadcast_in_dim3A_171 : f32 to vector<1x512xf32>
      %swap3A_173 = arith.constant 0 : index
      %swap3A_174 = arith.constant 0 : index
      %swap3A_175 = vector.load %arg6[%swap3A_173, %swap3A_174] : memref<1x512xf32, #tpu.memory_space<vmem>>, vector<1x512xf32>
      tpu.vector_store %arg6[%swap3A_173, %swap3A_174], %broadcast_in_dim3A_172 {strides = array<i32>} : memref<1x512xf32, #tpu.memory_space<vmem>>, vector<1x512xf32>,
    } else {
    }
    %get3A_164 = arith.constant 0 : index
    %get3A_165 = arith.constant 0 : index
    %get3A_166 = vector.load %arg6[%get3A_164, %get3A_165] : memref<1x512xf32, #tpu.memory_space<vmem>>, vector<1x512xf32>
    %add3A_167 = arith.addf %get3A_166, %concatenate3A : vector<1x512xf32>
    %swap3A_168 = arith.constant 0 : index
    %swap3A_169 = arith.constant 0 : index
    %swap3A_170 = vector.load %arg6[%swap3A_168, %swap3A_169] : memref<1x512xf32, #tpu.memory_space<vmem>>, vector<1x512xf32>
    tpu.vector_store %arg6[%swap3A_168, %swap3A_169], %add3A_167 {strides = array<i32>} : memref<1x512xf32, #tpu.memory_space<vmem>>, vector<1x512xf32>,
    return
  }
  func.func @transform_0(%arg0: i32) -> (i32, i32, i32) {
    %c0_i32 = arith.constant 0 : i32
    %c0_i32_0 = arith.constant 0 : i32
    %c0_i32_1 = arith.constant 0 : i32
    return %c0_i32, %arg0, %c0_i32_0 : i32, i32, i32
  }
  func.func @transform_1(%arg0: i32) -> (i32, i32) {
    %c0_i32 = arith.constant 0 : i32
    %c0_i32_0 = arith.constant 0 : i32
    return %arg0, %c0_i32 : i32, i32
  }
  func.func @transform_2(%arg0: i32) -> (i32, i32) {
    %c0_i32 = arith.constant 0 : i32
    %c0_i32_0 = arith.constant 0 : i32
    %c0_i32_1 = arith.constant 0 : i32
    return %c0_i32, %c0_i32_0 : i32, i32
  }
  func.func @transform_3(%arg0: i32) -> (i32, i32) {
    %c0_i32 = arith.constant 0 : i32
    %c0_i32_0 = arith.constant 0 : i32
    %c0_i32_1 = arith.constant 0 : i32
    return %c0_i32, %c0_i32_0 : i32, i32
  }
  func.func @transform_4(%arg0: i32) -> (i32, i32, i32) {
    %c0_i32 = arith.constant 0 : i32
    %c0_i32_0 = arith.constant 0 : i32
    %c0_i32_1 = arith.constant 0 : i32
    return %c0_i32, %arg0, %c0_i32_0 : i32, i32, i32
  }
  func.func @transform_5(%arg0: i32) -> (i32, i32) {
    %c0_i32 = arith.constant 0 : i32
    %c0_i32_0 = arith.constant 0 : i32
    %c0_i32_1 = arith.constant 0 : i32
    return %c0_i32, %c0_i32_0 : i32, i32
  }
}

module attributes {stable_mosaic.version = 14 : i64} {
  func.func @_mlp_body(%arg0: memref<4x256x16xf32, #tpu.memory_space<vmem>>, %arg1: memref<1x512xf32, #tpu.memory_space<vmem>>, %arg2: memref<256x16xf32, #tpu.memory_space<vmem>>, %arg3: memref<16x64xf32, #tpu.memory_space<vmem>>, %arg4: memref<1x64xf32, #tpu.memory_space<vmem>>, %arg5: memref<64x64xf32, #tpu.memory_space<vmem>>, %arg6: memref<1x64xf32, #tpu.memory_space<vmem>>, %arg7: memref<64x64xf32, #tpu.memory_space<vmem>>, %arg8: memref<64x64xf32, #tpu.memory_space<vmem>>, %arg9: memref<1x64xf32, #tpu.memory_space<vmem>>, %arg10: memref<64x64xf32, #tpu.memory_space<vmem>>, %arg11: memref<64x64xf32, #tpu.memory_space<vmem>>, %arg12: memref<1x64xf32, #tpu.memory_space<vmem>>, %arg13: memref<64x1xf32, #tpu.memory_space<vmem>>, %arg14: memref<1x1xf32, #tpu.memory_space<vmem>>, %arg15: memref<256x1xf32, #tpu.memory_space<vmem>>) attributes {dimension_semantics = [], scalar_prefetch = 0 : i64, scratch_operands = 0 : i64, tpu.core_type = #tpu.core_type<tc>} {
    %get3A = arith.constant 0 : index
    %get3A_0 = arith.constant 0 : index
    %get3A_1 = arith.constant 0 : index
    %get3A_2 = vector.load %arg0[%get3A, %get3A_0, %get3A_1] : memref<4x256x16xf32, #tpu.memory_space<vmem>>, vector<1x256x16xf32>
    %get3A_3 = vector.shape_cast %get3A_2 : vector<1x256x16xf32> to vector<256x16xf32>
    %get3A_4 = arith.constant 1 : index
    %get3A_5 = arith.constant 0 : index
    %get3A_6 = arith.constant 0 : index
    %get3A_7 = vector.load %arg0[%get3A_4, %get3A_5, %get3A_6] : memref<4x256x16xf32, #tpu.memory_space<vmem>>, vector<1x256x16xf32>
    %get3A_8 = vector.shape_cast %get3A_7 : vector<1x256x16xf32> to vector<256x16xf32>
    %get3A_9 = arith.constant 2 : index
    %get3A_10 = arith.constant 0 : index
    %get3A_11 = arith.constant 0 : index
    %get3A_12 = vector.load %arg0[%get3A_9, %get3A_10, %get3A_11] : memref<4x256x16xf32, #tpu.memory_space<vmem>>, vector<1x256x16xf32>
    %get3A_13 = vector.shape_cast %get3A_12 : vector<1x256x16xf32> to vector<256x16xf32>
    %get3A_14 = arith.constant 3 : index
    %get3A_15 = arith.constant 0 : index
    %get3A_16 = arith.constant 0 : index
    %get3A_17 = vector.load %arg0[%get3A_14, %get3A_15, %get3A_16] : memref<4x256x16xf32, #tpu.memory_space<vmem>>, vector<1x256x16xf32>
    %get3A_18 = vector.shape_cast %get3A_17 : vector<1x256x16xf32> to vector<256x16xf32>
    %concatenate3A = tpu.concatenate %get3A_3, %get3A_8, %get3A_13, %get3A_18 in 1 : vector<256x16xf32>, vector<256x16xf32>, vector<256x16xf32>, vector<256x16xf32> -> vector<256x64xf32>
    %mul3A = arith.constant 7.812500e-03 : f32
    %mul3A_19 = vector.broadcast %mul3A : f32 to vector<256x64xf32>
    %mul3A_20 = arith.mulf %concatenate3A, %mul3A_19 : vector<256x64xf32>
    %get3A_21 = arith.constant 0 : index
    %get3A_22 = arith.constant 0 : index
    %get3A_23 = vector.load %arg1[%get3A_21, %get3A_22] : memref<1x512xf32, #tpu.memory_space<vmem>>, vector<1x16xf32>
    %get3A_24 = arith.constant 0 : index
    %get3A_25 = arith.constant 16 : index
    %get3A_26 = vector.load %arg1[%get3A_24, %get3A_25] : memref<1x512xf32, #tpu.memory_space<vmem>>, vector<1x16xf32>
    %add3A = arith.addf %get3A_23, %get3A_26 : vector<1x16xf32>
    %get3A_27 = arith.constant 0 : index
    %get3A_28 = arith.constant 32 : index
    %get3A_29 = vector.load %arg1[%get3A_27, %get3A_28] : memref<1x512xf32, #tpu.memory_space<vmem>>, vector<1x16xf32>
    %add3A_30 = arith.addf %add3A, %get3A_29 : vector<1x16xf32>
    %get3A_31 = arith.constant 0 : index
    %get3A_32 = arith.constant 48 : index
    %get3A_33 = vector.load %arg1[%get3A_31, %get3A_32] : memref<1x512xf32, #tpu.memory_space<vmem>>, vector<1x16xf32>
    %add3A_34 = arith.addf %add3A_30, %get3A_33 : vector<1x16xf32>
    %get3A_35 = arith.constant 0 : index
    %get3A_36 = arith.constant 64 : index
    %get3A_37 = vector.load %arg1[%get3A_35, %get3A_36] : memref<1x512xf32, #tpu.memory_space<vmem>>, vector<1x16xf32>
    %add3A_38 = arith.addf %add3A_34, %get3A_37 : vector<1x16xf32>
    %get3A_39 = arith.constant 0 : index
    %get3A_40 = arith.constant 80 : index
    %get3A_41 = vector.load %arg1[%get3A_39, %get3A_40] : memref<1x512xf32, #tpu.memory_space<vmem>>, vector<1x16xf32>
    %add3A_42 = arith.addf %add3A_38, %get3A_41 : vector<1x16xf32>
    %get3A_43 = arith.constant 0 : index
    %get3A_44 = arith.constant 96 : index
    %get3A_45 = vector.load %arg1[%get3A_43, %get3A_44] : memref<1x512xf32, #tpu.memory_space<vmem>>, vector<1x16xf32>
    %add3A_46 = arith.addf %add3A_42, %get3A_45 : vector<1x16xf32>
    %get3A_47 = arith.constant 0 : index
    %get3A_48 = arith.constant 112 : index
    %get3A_49 = vector.load %arg1[%get3A_47, %get3A_48] : memref<1x512xf32, #tpu.memory_space<vmem>>, vector<1x16xf32>
    %add3A_50 = arith.addf %add3A_46, %get3A_49 : vector<1x16xf32>
    %get3A_51 = arith.constant 0 : index
    %get3A_52 = arith.constant 128 : index
    %get3A_53 = vector.load %arg1[%get3A_51, %get3A_52] : memref<1x512xf32, #tpu.memory_space<vmem>>, vector<1x16xf32>
    %get3A_54 = arith.constant 0 : index
    %get3A_55 = arith.constant 144 : index
    %get3A_56 = vector.load %arg1[%get3A_54, %get3A_55] : memref<1x512xf32, #tpu.memory_space<vmem>>, vector<1x16xf32>
    %add3A_57 = arith.addf %get3A_53, %get3A_56 : vector<1x16xf32>
    %get3A_58 = arith.constant 0 : index
    %get3A_59 = arith.constant 160 : index
    %get3A_60 = vector.load %arg1[%get3A_58, %get3A_59] : memref<1x512xf32, #tpu.memory_space<vmem>>, vector<1x16xf32>
    %add3A_61 = arith.addf %add3A_57, %get3A_60 : vector<1x16xf32>
    %get3A_62 = arith.constant 0 : index
    %get3A_63 = arith.constant 176 : index
    %get3A_64 = vector.load %arg1[%get3A_62, %get3A_63] : memref<1x512xf32, #tpu.memory_space<vmem>>, vector<1x16xf32>
    %add3A_65 = arith.addf %add3A_61, %get3A_64 : vector<1x16xf32>
    %get3A_66 = arith.constant 0 : index
    %get3A_67 = arith.constant 192 : index
    %get3A_68 = vector.load %arg1[%get3A_66, %get3A_67] : memref<1x512xf32, #tpu.memory_space<vmem>>, vector<1x16xf32>
    %add3A_69 = arith.addf %add3A_65, %get3A_68 : vector<1x16xf32>
    %get3A_70 = arith.constant 0 : index
    %get3A_71 = arith.constant 208 : index
    %get3A_72 = vector.load %arg1[%get3A_70, %get3A_71] : memref<1x512xf32, #tpu.memory_space<vmem>>, vector<1x16xf32>
    %add3A_73 = arith.addf %add3A_69, %get3A_72 : vector<1x16xf32>
    %get3A_74 = arith.constant 0 : index
    %get3A_75 = arith.constant 224 : index
    %get3A_76 = vector.load %arg1[%get3A_74, %get3A_75] : memref<1x512xf32, #tpu.memory_space<vmem>>, vector<1x16xf32>
    %add3A_77 = arith.addf %add3A_73, %get3A_76 : vector<1x16xf32>
    %get3A_78 = arith.constant 0 : index
    %get3A_79 = arith.constant 240 : index
    %get3A_80 = vector.load %arg1[%get3A_78, %get3A_79] : memref<1x512xf32, #tpu.memory_space<vmem>>, vector<1x16xf32>
    %add3A_81 = arith.addf %add3A_77, %get3A_80 : vector<1x16xf32>
    %get3A_82 = arith.constant 0 : index
    %get3A_83 = arith.constant 256 : index
    %get3A_84 = vector.load %arg1[%get3A_82, %get3A_83] : memref<1x512xf32, #tpu.memory_space<vmem>>, vector<1x16xf32>
    %get3A_85 = arith.constant 0 : index
    %get3A_86 = arith.constant 272 : index
    %get3A_87 = vector.load %arg1[%get3A_85, %get3A_86] : memref<1x512xf32, #tpu.memory_space<vmem>>, vector<1x16xf32>
    %add3A_88 = arith.addf %get3A_84, %get3A_87 : vector<1x16xf32>
    %get3A_89 = arith.constant 0 : index
    %get3A_90 = arith.constant 288 : index
    %get3A_91 = vector.load %arg1[%get3A_89, %get3A_90] : memref<1x512xf32, #tpu.memory_space<vmem>>, vector<1x16xf32>
    %add3A_92 = arith.addf %add3A_88, %get3A_91 : vector<1x16xf32>
    %get3A_93 = arith.constant 0 : index
    %get3A_94 = arith.constant 304 : index
    %get3A_95 = vector.load %arg1[%get3A_93, %get3A_94] : memref<1x512xf32, #tpu.memory_space<vmem>>, vector<1x16xf32>
    %add3A_96 = arith.addf %add3A_92, %get3A_95 : vector<1x16xf32>
    %get3A_97 = arith.constant 0 : index
    %get3A_98 = arith.constant 320 : index
    %get3A_99 = vector.load %arg1[%get3A_97, %get3A_98] : memref<1x512xf32, #tpu.memory_space<vmem>>, vector<1x16xf32>
    %add3A_100 = arith.addf %add3A_96, %get3A_99 : vector<1x16xf32>
    %get3A_101 = arith.constant 0 : index
    %get3A_102 = arith.constant 336 : index
    %get3A_103 = vector.load %arg1[%get3A_101, %get3A_102] : memref<1x512xf32, #tpu.memory_space<vmem>>, vector<1x16xf32>
    %add3A_104 = arith.addf %add3A_100, %get3A_103 : vector<1x16xf32>
    %get3A_105 = arith.constant 0 : index
    %get3A_106 = arith.constant 352 : index
    %get3A_107 = vector.load %arg1[%get3A_105, %get3A_106] : memref<1x512xf32, #tpu.memory_space<vmem>>, vector<1x16xf32>
    %add3A_108 = arith.addf %add3A_104, %get3A_107 : vector<1x16xf32>
    %get3A_109 = arith.constant 0 : index
    %get3A_110 = arith.constant 368 : index
    %get3A_111 = vector.load %arg1[%get3A_109, %get3A_110] : memref<1x512xf32, #tpu.memory_space<vmem>>, vector<1x16xf32>
    %add3A_112 = arith.addf %add3A_108, %get3A_111 : vector<1x16xf32>
    %get3A_113 = arith.constant 0 : index
    %get3A_114 = arith.constant 384 : index
    %get3A_115 = vector.load %arg1[%get3A_113, %get3A_114] : memref<1x512xf32, #tpu.memory_space<vmem>>, vector<1x16xf32>
    %get3A_116 = arith.constant 0 : index
    %get3A_117 = arith.constant 400 : index
    %get3A_118 = vector.load %arg1[%get3A_116, %get3A_117] : memref<1x512xf32, #tpu.memory_space<vmem>>, vector<1x16xf32>
    %add3A_119 = arith.addf %get3A_115, %get3A_118 : vector<1x16xf32>
    %get3A_120 = arith.constant 0 : index
    %get3A_121 = arith.constant 416 : index
    %get3A_122 = vector.load %arg1[%get3A_120, %get3A_121] : memref<1x512xf32, #tpu.memory_space<vmem>>, vector<1x16xf32>
    %add3A_123 = arith.addf %add3A_119, %get3A_122 : vector<1x16xf32>
    %get3A_124 = arith.constant 0 : index
    %get3A_125 = arith.constant 432 : index
    %get3A_126 = vector.load %arg1[%get3A_124, %get3A_125] : memref<1x512xf32, #tpu.memory_space<vmem>>, vector<1x16xf32>
    %add3A_127 = arith.addf %add3A_123, %get3A_126 : vector<1x16xf32>
    %get3A_128 = arith.constant 0 : index
    %get3A_129 = arith.constant 448 : index
    %get3A_130 = vector.load %arg1[%get3A_128, %get3A_129] : memref<1x512xf32, #tpu.memory_space<vmem>>, vector<1x16xf32>
    %add3A_131 = arith.addf %add3A_127, %get3A_130 : vector<1x16xf32>
    %get3A_132 = arith.constant 0 : index
    %get3A_133 = arith.constant 464 : index
    %get3A_134 = vector.load %arg1[%get3A_132, %get3A_133] : memref<1x512xf32, #tpu.memory_space<vmem>>, vector<1x16xf32>
    %add3A_135 = arith.addf %add3A_131, %get3A_134 : vector<1x16xf32>
    %get3A_136 = arith.constant 0 : index
    %get3A_137 = arith.constant 480 : index
    %get3A_138 = vector.load %arg1[%get3A_136, %get3A_137] : memref<1x512xf32, #tpu.memory_space<vmem>>, vector<1x16xf32>
    %add3A_139 = arith.addf %add3A_135, %get3A_138 : vector<1x16xf32>
    %get3A_140 = arith.constant 0 : index
    %get3A_141 = arith.constant 496 : index
    %get3A_142 = vector.load %arg1[%get3A_140, %get3A_141] : memref<1x512xf32, #tpu.memory_space<vmem>>, vector<1x16xf32>
    %add3A_143 = arith.addf %add3A_139, %get3A_142 : vector<1x16xf32>
    %concatenate3A_144 = tpu.concatenate %add3A_50, %add3A_81, %add3A_112, %add3A_143 in 1 : vector<1x16xf32>, vector<1x16xf32>, vector<1x16xf32>, vector<1x16xf32> -> vector<1x64xf32>
    %mul3A_145 = arith.constant 9.99999974E-6 : f32
    %mul3A_146 = vector.broadcast %mul3A_145 : f32 to vector<1x64xf32>
    %mul3A_147 = arith.mulf %concatenate3A_144, %mul3A_146 : vector<1x64xf32>
    %get3A_148 = arith.constant 0 : index
    %get3A_149 = arith.constant 0 : index
    %get3A_150 = vector.load %arg2[%get3A_148, %get3A_149] : memref<256x16xf32, #tpu.memory_space<vmem>>, vector<256x16xf32>
    %get3A_151 = arith.constant 0 : index
    %get3A_152 = arith.constant 0 : index
    %get3A_153 = vector.load %arg3[%get3A_151, %get3A_152] : memref<16x64xf32, #tpu.memory_space<vmem>>, vector<16x64xf32>
    %dot_general3A = arith.constant dense<0.000000e+00> : vector<256x64xf32>
    %dot_general3A_154 = tpu.matmul %get3A_150, %get3A_153, %dot_general3A {dimension_numbers = #tpu.dot_dimension_numbers<[1], [0], [0], [1], [0, 0, 1, 1], [], []>, transpose_lhs_hint = false} : vector<256x16xf32>, vector<16x64xf32>, vector<256x64xf32> -> vector<256x64xf32>
    %get3A_155 = arith.constant 0 : index
    %get3A_156 = arith.constant 0 : index
    %get3A_157 = vector.load %arg4[%get3A_155, %get3A_156] : memref<1x64xf32, #tpu.memory_space<vmem>>, vector<1x64xf32>
    %add3A_158 = vector.broadcast %get3A_157 : vector<1x64xf32> to vector<256x64xf32>
    %add3A_159 = arith.addf %dot_general3A_154, %add3A_158 : vector<256x64xf32>
    %max3A = arith.constant 0.000000e+00 : f32
    %max3A_160 = vector.broadcast %max3A : f32 to vector<256x64xf32>
    %max3A_161 = arith.maximumf %add3A_159, %max3A_160 : vector<256x64xf32>
    %get3A_162 = arith.constant 0 : index
    %get3A_163 = arith.constant 0 : index
    %get3A_164 = vector.load %arg5[%get3A_162, %get3A_163] : memref<64x64xf32, #tpu.memory_space<vmem>>, vector<64x64xf32>
    %dot_general3A_165 = arith.constant dense<0.000000e+00> : vector<256x64xf32>
    %dot_general3A_166 = tpu.matmul %max3A_161, %get3A_164, %dot_general3A_165 {dimension_numbers = #tpu.dot_dimension_numbers<[1], [0], [0], [1], [0, 0, 1, 1], [], []>, transpose_lhs_hint = false} : vector<256x64xf32>, vector<64x64xf32>, vector<256x64xf32> -> vector<256x64xf32>
    %get3A_167 = arith.constant 0 : index
    %get3A_168 = arith.constant 0 : index
    %get3A_169 = vector.load %arg6[%get3A_167, %get3A_168] : memref<1x64xf32, #tpu.memory_space<vmem>>, vector<1x64xf32>
    %add3A_170 = vector.broadcast %get3A_169 : vector<1x64xf32> to vector<256x64xf32>
    %add3A_171 = arith.addf %dot_general3A_166, %add3A_170 : vector<256x64xf32>
    %get3A_172 = arith.constant 0 : index
    %get3A_173 = arith.constant 0 : index
    %get3A_174 = vector.load %arg7[%get3A_172, %get3A_173] : memref<64x64xf32, #tpu.memory_space<vmem>>, vector<64x64xf32>
    %dot_general3A_175 = arith.constant dense<0.000000e+00> : vector<256x64xf32>
    %dot_general3A_176 = tpu.matmul %mul3A_20, %get3A_174, %dot_general3A_175 {dimension_numbers = #tpu.dot_dimension_numbers<[1], [0], [0], [1], [0, 0, 1, 1], [], []>, transpose_lhs_hint = false} : vector<256x64xf32>, vector<64x64xf32>, vector<256x64xf32> -> vector<256x64xf32>
    %get3A_177 = arith.constant 0 : index
    %get3A_178 = arith.constant 0 : index
    %get3A_179 = vector.load %arg8[%get3A_177, %get3A_178] : memref<64x64xf32, #tpu.memory_space<vmem>>, vector<64x64xf32>
    %dot_general3A_180 = arith.constant dense<0.000000e+00> : vector<256x64xf32>
    %dot_general3A_181 = tpu.matmul %add3A_171, %get3A_179, %dot_general3A_180 {dimension_numbers = #tpu.dot_dimension_numbers<[1], [0], [0], [1], [0, 0, 1, 1], [], []>, transpose_lhs_hint = false} : vector<256x64xf32>, vector<64x64xf32>, vector<256x64xf32> -> vector<256x64xf32>
    %add3A_182 = arith.addf %dot_general3A_176, %dot_general3A_181 : vector<256x64xf32>
    %get3A_183 = arith.constant 0 : index
    %get3A_184 = arith.constant 0 : index
    %get3A_185 = vector.load %arg9[%get3A_183, %get3A_184] : memref<1x64xf32, #tpu.memory_space<vmem>>, vector<1x64xf32>
    %add3A_186 = vector.broadcast %get3A_185 : vector<1x64xf32> to vector<256x64xf32>
    %add3A_187 = arith.addf %add3A_182, %add3A_186 : vector<256x64xf32>
    %max3A_188 = arith.constant 0.000000e+00 : f32
    %max3A_189 = vector.broadcast %max3A_188 : f32 to vector<256x64xf32>
    %max3A_190 = arith.maximumf %add3A_187, %max3A_189 : vector<256x64xf32>
    %get3A_191 = arith.constant 0 : index
    %get3A_192 = arith.constant 0 : index
    %get3A_193 = vector.load %arg11[%get3A_191, %get3A_192] : memref<64x64xf32, #tpu.memory_space<vmem>>, vector<64x64xf32>
    %dot_general3A_194 = arith.constant dense<0.000000e+00> : vector<1x64xf32>
    %dot_general3A_195 = tpu.matmul %mul3A_147, %get3A_193, %dot_general3A_194 {dimension_numbers = #tpu.dot_dimension_numbers<[1], [0], [0], [1], [0, 0, 1, 1], [], []>, transpose_lhs_hint = false} : vector<1x64xf32>, vector<64x64xf32>, vector<1x64xf32> -> vector<1x64xf32>
    %get3A_196 = arith.constant 0 : index
    %get3A_197 = arith.constant 0 : index
    %get3A_198 = vector.load %arg10[%get3A_196, %get3A_197] : memref<64x64xf32, #tpu.memory_space<vmem>>, vector<64x64xf32>
    %dot_general3A_199 = arith.constant dense<0.000000e+00> : vector<256x64xf32>
    %dot_general3A_200 = tpu.matmul %max3A_190, %get3A_198, %dot_general3A_199 {dimension_numbers = #tpu.dot_dimension_numbers<[1], [0], [0], [1], [0, 0, 1, 1], [], []>, transpose_lhs_hint = false} : vector<256x64xf32>, vector<64x64xf32>, vector<256x64xf32> -> vector<256x64xf32>
    %add3A_201 = vector.broadcast %dot_general3A_195 : vector<1x64xf32> to vector<256x64xf32>
    %add3A_202 = arith.addf %dot_general3A_200, %add3A_201 : vector<256x64xf32>
    %get3A_203 = arith.constant 0 : index
    %get3A_204 = arith.constant 0 : index
    %get3A_205 = vector.load %arg12[%get3A_203, %get3A_204] : memref<1x64xf32, #tpu.memory_space<vmem>>, vector<1x64xf32>
    %add3A_206 = vector.broadcast %get3A_205 : vector<1x64xf32> to vector<256x64xf32>
    %add3A_207 = arith.addf %add3A_202, %add3A_206 : vector<256x64xf32>
    %max3A_208 = arith.constant 0.000000e+00 : f32
    %max3A_209 = vector.broadcast %max3A_208 : f32 to vector<256x64xf32>
    %max3A_210 = arith.maximumf %add3A_207, %max3A_209 : vector<256x64xf32>
    %get3A_211 = arith.constant 0 : index
    %get3A_212 = arith.constant 0 : index
    %get3A_213 = vector.load %arg13[%get3A_211, %get3A_212] : memref<64x1xf32, #tpu.memory_space<vmem>>, vector<64x1xf32>
    %dot_general3A_214 = arith.constant dense<0.000000e+00> : vector<256x1xf32>
    %dot_general3A_215 = tpu.matmul %max3A_210, %get3A_213, %dot_general3A_214 {dimension_numbers = #tpu.dot_dimension_numbers<[1], [0], [0], [1], [0, 0, 1, 1], [], []>, transpose_lhs_hint = false} : vector<256x64xf32>, vector<64x1xf32>, vector<256x1xf32> -> vector<256x1xf32>
    %get3A_216 = arith.constant 0 : index
    %get3A_217 = arith.constant 0 : index
    %get3A_218 = vector.load %arg14[%get3A_216, %get3A_217] : memref<1x1xf32, #tpu.memory_space<vmem>>, vector<1x1xf32>
    %add3A_219 = vector.broadcast %get3A_218 : vector<1x1xf32> to vector<256x1xf32>
    %add3A_220 = arith.addf %dot_general3A_215, %add3A_219 : vector<256x1xf32>
    %swap3A = arith.constant 0 : index
    %swap3A_221 = arith.constant 0 : index
    %swap3A_222 = vector.load %arg15[%swap3A, %swap3A_221] : memref<256x1xf32, #tpu.memory_space<vmem>>, vector<256x1xf32>
    tpu.vector_store %arg15[%swap3A, %swap3A_221], %add3A_220 {strides = array<i32>} : memref<256x1xf32, #tpu.memory_space<vmem>>, vector<256x1xf32>,
    return
  }
}

</mosaic_0001>

<sc_bundles>
// kernel: kernel.13.cloned.1.call-start
scs
__scs_entry_jumppad:
0x0: {  	(pc) =	sbr.rel $0x88, $3  }
0x1: {  	(tag) =	ssettag $0x0;
	lr =	simm.s32 $0x1  }
0x2: {  	[smem:$0x3F8D] =	sst lr;
	_ =	strace $0xD0000000  }
0x3: {  	_ = 	snop  }
0x4: {  	_ = 	snop  }
0x5: {  	_ = 	snop  }
0x6: {  	_ = 	snop  }
0x7: {  	_ = 	snop  }
__scs_overlays_trampoline_lowered:
0x8: {  	[smem:$0x3F9C] =	sst s0  }
0x9: {  	[smem:$0x3F9D] =	sst s1  }
0xa: {  	[smem:$0x3F9E] =	sst s2  }
0xb: {  	[smem:$0x3F9F] =	sst s3  }
0xc: {  	[smem:$0x3FA0] =	sst s4  }
0xd: {  	[smem:$0x3FA1] =	sst s5  }
0xe: {  	[smem:$0x3FA2] =	sst s6  }
0xf: {  	[smem:$0x3FA3] =	sst s7  }
0x10: {  	[smem:$0x3FA4] =	sst s8  }
0x11: {  	[smem:$0x3FA5] =	sst s9;
	s0 =	simm.s32 @!p0 $0x0  }
0x12: {  	s1 =	sld [smem:$0x3F8B];
	s0 =	simm.s32 @p0 $0x1  }
0x13: {  	[smem:$0x3FA6] =	sst s0;
	s0 =	simm.s32 @!p1 $0x0  }
0x14: {  	s2 =	sld [smem:$0x3F8A];
	s0 =	simm.s32 @p1 $0x1  }
0x15: {  	[smem:$0x3FA7] =	sst s0;
	s0 =	simm.s32 @!p2 $0x0  }
0x16: {  	s3 =	sld [smem:$0x3FDB];
	s0 =	simm.s32 @p2 $0x1  }
0x17: {  	s4 =	simm.s32 $0x1BF5;
	[smem:$0x3FA9] =	sst s0  }
0x18: {  	s0 =	sld [smem:$0x3F8C];
	_ =	swait.ge [sflag:s4], $0x0  }
0x19: {  	s7 =	sld [smem:$0x3F8D]  }
0x1a: {  	s8 =	sadd.s32 $0xFFFFE003, lr  }
0x1b: {  	s9 =	sadd.s32 $0xFFFFFEF7, lr;
	s5 =	simm.s32 $0xFFFFFFFF;
	p2 =	slt.u32 s8, $0xFFFFF086  }
0x1c: {  	p1 =	slt.u32 s9, $0xF7A;
	s5 =	simm.s32 @!p2 $0x0  }
0x1d: {  	s5 =	simm.s32 @p1 $0x1;
	p0 =	seq.s32 s7, s2  }
0x1e: {  	s7 =	smul.u32 @!p0 $0xF7A, s2;
	p2 =	seq.s32 @!p0 s5, $0x0  }
0x1f: {  	s9 =	smul.u32 $0xF7A, s1;
	s8 =	simm.s32 @!p0 $0x1BF5;
	p2 =	por !p2, p0  }
0x20: {  	[sflag:s8] =	ssyncset.s32 @!p0 $0xFFFFF086;
	s6 =	sadd.s32 @!p0 s3, s7;
	s7 =	simm.s32 @!p0 $0x108  }
0x21: {  	s3 =	sadd.s32 s3, s9;
	s6 =	sadd.s32 @!p0 $0x88, s6;
	s7 =	simm.s32 @p2 $0x1082  }
0x22: {  	[simem:s7], [sflag:s8] =	dma.local @!p0 [hbm:s6], $0xF7A  }
0x23: {  	s9 =	sor.u32 $0xD0000000, s2;
	s6 =	simm.s32 $0x108;
	_ =	swait.ge @!p0 [sflag:s8], $0x0  }
0x24: {  	s3 =	sadd.s32 $0x88, s3;
	s6 =	simm.s32 @!p1 $0x1082;
	[sflag:s4] =	ssyncset.s32 $0xFFFFF086  }
0x25: {  	[simem:s6], [sflag:s4] =	dma.local [hbm:s3], $0xF7A  }
0x26: {  	[smem:$0x3F8D] =	sst s1;
	(tag) =	ssettag s2;
	_ =	strace s9  }
0x27: {  	s1 =	sld [smem:$0x3F9D]  }
0x28: {  	s2 =	sld [smem:$0x3F9E]  }
0x29: {  	s4 =	sld [smem:$0x3FA0]  }
0x2a: {  	p0 =	seq.s32 s5, $0x0;
	s5 =	sld [smem:$0x3FA1]  }
0x2b: {  	s6 =	sld [smem:$0x3FA2]  }
0x2c: {  	s7 =	sld [smem:$0x3FA3]  }
0x2d: {  	s3 =	simm.s32 $0x108;
	s8 =	sld [smem:$0x3FA4]  }
0x2e: {  	s3 =	simm.s32 @!p0 $0x1082;
	s9 =	sld [smem:$0x3FA5]  }
0x2f: {  	lr =	sadd.s32 s0, s3;
	s0 =	sld [smem:$0x3F9C]  }
0x30: {  	s3 =	sld [smem:$0x3F9F]  }
0x31: {  	[smem:$0x3FA8] =	sst s10  }
0x32: {  	s10 =	sld [smem:$0x3FA6];
	_ =	sdelay $0x3  }
0x33: {  	p0 =	seq.s32 s10, $0x1;
	s10 =	sld [smem:$0x3FA8];
	_ =	sdelay $0x3  }
0x34: {  	[smem:$0x3FA8] =	sst s10  }
0x35: {  	s10 =	sld [smem:$0x3FA7];
	_ =	sdelay $0x3  }
0x36: {  	p1 =	seq.s32 s10, $0x1;
	s10 =	sld [smem:$0x3FA8];
	_ =	sdelay $0x3  }
0x37: {  	[smem:$0x3FA8] =	sst s10  }
0x38: {  	s10 =	sld [smem:$0x3FA9]  }
0x39: {  	_ = 	snop;
	(pc) =	sbr.ind lr, $3  }
0x3a: {  	_ = 	snop  }
0x3b: {  	_ = 	snop  }
0x3c: {  	p2 =	seq.s32 s10, $0x1;
	s10 =	sld [smem:$0x3FA8]  }
0x3d: {  	_ =	shalt  }
0x3e: {  	_ =	shalt  }
0x3f: {  	_ =	shalt  }
0x40: {  	_ =	shalt  }
0x41: {  	_ =	shalt  }
0x42: {  	_ =	shalt  }
0x43: {  	_ =	shalt  }
0x44: {  	_ =	shalt  }
0x45: {  	_ =	shalt  }
0x46: {  	_ =	shalt  }
0x47: {  	_ =	shalt  }
0x48: {  	_ =	shalt  }
0x49: {  	_ =	shalt  }
0x4a: {  	_ =	shalt  }
0x4b: {  	_ =	shalt  }
0x4c: {  	_ =	shalt  }
0x4d: {  	_ =	shalt  }
0x4e: {  	_ =	shalt  }
0x4f: {  	_ =	shalt  }
0x50: {  	_ =	shalt  }
0x51: {  	_ =	shalt  }
0x52: {  	_ =	shalt  }
0x53: {  	_ =	shalt  }
0x54: {  	_ =	shalt  }
0x55: {  	_ =	shalt  }
0x56: {  	_ =	shalt  }
0x57: {  	_ =	shalt  }
0x58: {  	_ =	shalt  }
0x59: {  	_ =	shalt  }
0x5a: {  	_ =	shalt  }
0x5b: {  	_ =	shalt  }
0x5c: {  	_ =	shalt  }
0x5d: {  	_ =	shalt  }
0x5e: {  	_ =	shalt  }
0x5f: {  	_ =	shalt  }
0x60: {  	_ =	shalt  }
0x61: {  	_ =	shalt  }
0x62: {  	_ =	shalt  }
0x63: {  	_ =	shalt  }
0x64: {  	_ =	shalt  }
0x65: {  	_ =	shalt  }
0x66: {  	_ =	shalt  }
0x67: {  	_ =	shalt  }
0x68: {  	_ =	shalt  }
0x69: {  	_ =	shalt  }
0x6a: {  	_ =	shalt  }
0x6b: {  	_ =	shalt  }
0x6c: {  	_ =	shalt  }
0x6d: {  	_ =	shalt  }
0x6e: {  	_ =	shalt  }
0x6f: {  	_ =	shalt  }
0x70: {  	_ =	shalt  }
0x71: {  	_ =	shalt  }
0x72: {  	_ =	shalt  }
0x73: {  	_ =	shalt  }
0x74: {  	_ =	shalt  }
0x75: {  	_ =	shalt  }
0x76: {  	_ =	shalt  }
0x77: {  	_ =	shalt  }
0x78: {  	_ =	shalt  }
0x79: {  	_ =	shalt  }
0x7a: {  	_ =	shalt  }
0x7b: {  	_ =	shalt  }
0x7c: {  	_ =	shalt  }
0x7d: {  	_ =	shalt  }
0x7e: {  	_ =	shalt  }
0x7f: {  	_ =	shalt  }
0x80: {  	_ =	shalt  }
0x81: {  	_ =	shalt  }
0x82: {  	_ =	shalt  }
0x83: {  	_ =	shalt  }
0x84: {  	_ =	shalt  }
0x85: {  	_ =	shalt  }
0x86: {  	_ =	shalt  }
0x87: {  	_ =	shalt  }
.Lfunc_end0:
.L_simem_size_0:
called_computation_lowered:
.L_overlay_start_0:
0x88: {  	s2 =	sld [smem:$0x3FD9]  }
0x89: {  	s3 =	sld [smem:$0x3FFE];
	_ =	sdelay $0x1  }
0x8a: {  	s1 =	srdreg.scid  }
0x8b: {  	s0 =	sand.u32 $0x1, s1  }
0x8c: {  	s16 =	sshll.u32 s0, $0xA;
	s2 =	sadd.s32 s3, s2  }
0x8d: {  	s2 =	sadd.s32 s2, s16  }
0x8e: {  	[smem:$0x3FB4] =	sst s2  }
0x8f: {  	_ = 	snop  }
0x90: {  	(tm) =	ssettm $0x1  }
0x91: {  	s17 =	sld [smem:$0x3FFB];
	_ =	sdelay $0x3  }
0x92: {  	_ =	strace s17  }
0x93: {  	s2 =	sld [smem:$0x3FFC];
	_ =	sdelay $0x3  }
0x94: {  	_ =	strace s2  }
0x95: {  	s2 =	sld [smem:$0x3FFD];
	_ =	sdelay $0x3  }
0x96: {  	_ =	strace s2  }
0x97: {  	_ =	strace $0x8FFFFFFF  }
0x98: {  	s18 =	sld [smem:$0x3FDB];
	_ =	sdelay $0x1  }
0x99: {  	s19 =	simm.s32 $_scs_section_size  }
0x9a: {  	s4 =	simm.s32 $_size__tile_overlayer_lowered;
	s5 =	simm.s32 $_tile_overlayer_lowered  }
0x9b: {  	s22 =	simm.s32 $0x1BFF;
	s21 =	sshll.u32 s5, $0x1;
	s2 =	sadd.s32 s19, s18  }
0x9c: {  	s6 =	simm.s32 $0x0;
	s20 =	sshll.u32 s4, $0x1;
	s4 =	sadd.s32 s21, s2  }
0x9d: {  	[timem:s6], [sflag:s22] =	dma.local [hbm:s4], s20  }
0x9e: {  	_ =	swait.ge [sflag:s22], s20  }
0x9f: {  	s3 =	ssub.s32 $0x0, s20;
	[sflag:s22] =	ssyncset.done $0x0  }
0xa0: {  	[sflag:s22] =	ssyncadd.s32 s3;
	_ =	sdelay $0x1  }
0xa1: {  	s23 =	simm.s32 $0x1B8B  }
0xa2: {  	_ =	swait.ge [sflag:s23], $0x1  }
0xa3: {  	[sflag:s23] =	ssyncset.done $0x0  }
0xa4: {  	s25 =	simm.s32 $0x1B8E;
	s24 =	sld [smem:$0x3FFE];
	[sflag:s23] =	ssyncadd.s32 $0xFFFFFFFF  }
0xa5: {  	s26 =	simm.s32 $execute0_lowered;
	[smem:$0x3FD2] =	sst s25  }
0xa6: {  	s4 =	sshll.u32 s26, $0x1;
	_ =	strace $0x80000046;
	[dreg:$0x1] =	wrdreg $0xFFFFFFFF  }
0xa7: {  	s28 =	simm.s32 $_size_execute0_lowered;
	s2 =	sadd.s32 s2, s4;
	[dreg:$0x0] =	wrdreg $0x0  }
0xa8: {  	s4 =	sshll.u32 s28, $0x1;
	[dreg:$0x2] =	wrdreg s2  }
0xa9: {  	[dreg:$0x3] =	wrdreg s4  }
0xaa: {  	[dreg:$0x4] =	wrdreg $0xC0  }
0xab: {  	_ =	task [dreg:s6], $0x5FFFF  }
0xac: {  	[dreg:$0x1] =	wrdreg $0xFFFFFFFF  }
0xad: {  	[dreg:$0x0] =	wrdreg $0x60  }
0xae: {  	[dreg:$0x2] =	wrdreg s24  }
0xaf: {  	[dreg:$0x3] =	wrdreg $0x26000  }
0xb0: {  	[dreg:$0x4] =	wrdreg $0x9  }
0xb1: {  	_ =	task.clear_ibuf [dreg:s6], $0x5FFFF;
	_ =	strace $0x90000046  }
0xb2: {  	s29 =	simm.s32 $0x9;
	_ =	strace $0x80000048  }
0xb3: {  	_ =	swait.ge [sflag:s29], $0x1  }
0xb4: {  	[sflag:s29] =	ssyncadd.s32 $0xFFFFFFFF  }
0xb5: {  	_ =	strace $0x90000048  }
0xb6: {  	_ =	sfence  }
0xb7: {  	s30 =	sld [smem:$0x0];
	_ =	sdelay $0x2  }
0xb8: {  	s31 =	sshll.u32 s1, $0xD;
	s1 =	sshrl.u32 s1, $0x2  }
0xb9: {  	s3 =	sand.u32 $0x4000, s31;
	s1 =	sadd.s32 s1, s30  }
0xba: {  	s0 =	sor.u32 s3, s0;
	s1 =	sshll.u32 s1, $0x11  }
0xbb: {  	s0 =	sor.u32 s1, s0  }
0xbc: {  	s0 =	sadd.s32 $0x8F2B, s0  }
0xbd: {  	[sflag:s0] =	ssyncadd.remote.s32 $0x1  }
0xbe: {  	_ =	sfence.sel $0xFFFF  }
0xbf: {  	[dreg:$0x0] =	wrdreg $0xFFFFFFFF;
	(pc) =	sbr.abs _section_cstart, $3  }
0xc0: {  	[dreg:$0x1] =	wrdreg $0xFFFFFFFF  }
0xc1: {  	_ =	task.clear_ibuf [dreg:s6], $0x2FFFF;
	_ =	strace $0x9FFFFFFF  }
0xc2: {  	(tm) =	ssettm $0x7FFFFFFF  }
0xc3: {  	_ =	shalt  }
tec
execute0_lowered:
.L_overlay_start_1:
0x0: {  	(tag) =	ssettag $0x1  }
0x1: {  	s5 =	rddreg [dreg:$0x0]  }
0x2: {  	s1 =	rddreg [dreg:$0x1]  }
0x3: {  	s2 =	srdreg.scid;
	s0 =	rddreg [dreg:$0x2];
	s3 =	simm.s32 $0x0  }
0x4: {  	s10 =	simm.s32 $0x6B000;
	s12 =	simm.s32 $0x1;
	s13 =	simm.s32 $0x0  }
0x5: {  	s4 =	sand.u32 $0x1, s2;
	[smem:$0x7FF] =	sst s3;
	s2 =	stileid.u32  }
0x6: {  	s11 =	sadd.s32 $0x36000, s5;
	s6 =	ssub.s32 $0x2, s4;
	s8 =	smul.u32 $0x18800, s4  }
0x7: {  	_ =	strace $0x80000047;
	s28 =	smul.u32 $0x1880, s2;
	s9 =	sshll.u32 s2, $0xD  }
0x8: {  	p0 =	seq.s32 s4, $0x1;
	s30 =	sshll.u32 s2, $0xA;
	s7 =	sshrl.u32 s6, $0x1  }
0x9: {  	s4 =	sadd.s32 s9, s1;
	s10 =	simm.s32 @!p0 $0x67000;
	s6 =	ssub.s32 s6, s7  }
0xa: {  	s29 =	sadd.s32 s28, s8;
	s31 =	sadd.s32 s10, s5;
	s7 =	simm.s32 $0x600  }
0xb: {  	s8 =	simm.s32 $0x2;
	s10 =	simm.s32 $0x200;
	s5 =	smax.u32 s6, $0x1  }
0xc: {  	v0 =	vimm.f32 $0.0e+00;
	v1 =	vimm.f32 $1.000000000e+00;
	s6 =	sadd.s32 s31, s30;
	s9 =	sadd.s32 s11, s29;
	s11 =	simm.s32 $0x400  }
.LBB2_1:
0xd: {  	s14 =	simm.s32 $0x40;
	s15 =	simm.s32 $0x0  }
.LBB2_2:
0xe: {  	p0 =	sne.s32 s14, $0x7FC0;
	[tilespmem:s15+$0x600] =	vst v0;
	s15 =	smov.u32 s14;
	s14 =	sadd.s32 $0x40, s14  }
.Ltmp0:
0xf: {  	(pc) =	sbr.rel @p0 .LBB2_2-.Ltmp0, $2  }
0x10: {  	_ =	sdelay $0x2  }
0x11: {  	s15 =	sshra.s32 s15, $0x2  }
0x12: {  	[tilespmem:s15+$0x600] =	vst v0  }
0x13: {  	[tilespmem:$0x400] =	vst v1  }
0x14: {  	[tilespmem:$0x410] =	vst v1  }
0x15: {  	[tilespmem:$0x420] =	vst v1  }
0x16: {  	[tilespmem:$0x430] =	vst v1  }
0x17: {  	[tilespmem:$0x440] =	vst v1  }
0x18: {  	[tilespmem:$0x450] =	vst v1  }
0x19: {  	[tilespmem:$0x460] =	vst v1  }
0x1a: {  	[tilespmem:$0x470] =	vst v1  }
0x1b: {  	[tilespmem:$0x480] =	vst v1  }
0x1c: {  	[tilespmem:$0x490] =	vst v1  }
0x1d: {  	[tilespmem:$0x4A0] =	vst v1  }
0x1e: {  	[tilespmem:$0x4B0] =	vst v1  }
0x1f: {  	[tilespmem:$0x4C0] =	vst v1  }
0x20: {  	[tilespmem:$0x4D0] =	vst v1  }
0x21: {  	[tilespmem:$0x4E0] =	vst v1  }
0x22: {  	[tilespmem:$0x4F0] =	vst v1  }
0x23: {  	[tilespmem:$0x500] =	vst v1  }
0x24: {  	[tilespmem:$0x510] =	vst v1  }
0x25: {  	[tilespmem:$0x520] =	vst v1  }
0x26: {  	[tilespmem:$0x530] =	vst v1  }
0x27: {  	[tilespmem:$0x540] =	vst v1  }
0x28: {  	[tilespmem:$0x550] =	vst v1  }
0x29: {  	[tilespmem:$0x560] =	vst v1  }
0x2a: {  	[tilespmem:$0x570] =	vst v1  }
0x2b: {  	[tilespmem:$0x580] =	vst v1  }
0x2c: {  	[tilespmem:$0x590] =	vst v1  }
0x2d: {  	[tilespmem:$0x5A0] =	vst v1  }
0x2e: {  	[tilespmem:$0x5B0] =	vst v1  }
0x2f: {  	[tilespmem:$0x5C0] =	vst v1  }
0x30: {  	[tilespmem:$0x5D0] =	vst v1  }
0x31: {  	[tilespmem:$0x5E0] =	vst v1  }
0x32: {  	[tilespmem:$0x5F0] =	vst v1  }
0x33: {  	[spmem:s4] =	stream.linear.scatter [tilespmem:s7], [sflag:$0x2], $0x2000, $0x38;
	[tilespmem:$0x4600] =	vst v63  }
0x34: {  	_ =	swait.ge [sflag:s8], $0x2000  }
0x35: {  	[sflag:s8] =	ssyncset.done $0x0  }
0x36: {  	[sflag:s8] =	ssyncadd.s32 $0xFFFFE000  }
0x37: {  	s14 =	sadd.s32 $0x0, s9;
	[bflag:$0x0] =	sbarrier.arrive $0xFFFF  }
0x38: {  	[tilespmem:s3], [sflag:$0x2] =	stream.linear.gather [hbm4b:s14+s3], $0x400, $0x38;
	[tilespmem:$0x4600] =	vst v63  }
0x39: {  	_ =	swait.ge [sflag:s8], $0x400  }
0x3a: {  	[sflag:s8] =	ssyncset.done $0x0  }
0x3b: {  	[sflag:s8] =	ssyncadd.s32 $0xFFFFFC00  }
0x3c: {  	[spmem:s1] =	stream.indirect.scatter.add.f32 [tilespmem:s11], [sflag:$0x1], $0x1, s3, s10, $0xb8;
	[tilespmem:$0x4600] =	vst v63  }
0x3d: {  	_ = 	snop  }
0x3e: {  	[spmem:s1] =	stream.indirect.scatter.add.f32 [tilespmem:s11], [sflag:$0x1], $0x1, s10, s10, $0xb8;
	[tilespmem:$0x4600] =	vst v63  }
0x3f: {  	_ =	swait.ge [sflag:s12], $0x200  }
0x40: {  	[sflag:s12] =	ssyncset.done $0x0  }
0x41: {  	[sflag:s12] =	ssyncadd.s32 $0xFFFFFE00  }
0x42: {  	_ =	swait.ge [sflag:s12], $0x200  }
0x43: {  	s15 =	simm.s32 $0x100;
	s14 =	simm.s32 $0x80;
	[sflag:s12] =	ssyncset.done $0x0  }
.LBB2_4:
0x44: {  	s16 =	sadd.s32 s14, s9  }
0x45: {  	[sflag:s12] =	ssyncadd.s32 $0xFFFFFE00;
	s14 =	smov.u32 s15;
	s17 =	sadd.s32 $0x80, s15  }
0x46: {  	[tilespmem:s3], [sflag:$0x2] =	stream.linear.gather [hbm4b:s16+s3], $0x400, $0x38;
	[tilespmem:$0x4600] =	vst v63  }
0x47: {  	p0 =	sne.s32 s15, $0x1800;
	_ =	swait.ge [sflag:s8], $0x400  }
0x48: {  	[sflag:s8] =	ssyncset.done $0x0  }
0x49: {  	[sflag:s8] =	ssyncadd.s32 $0xFFFFFC00  }
0x4a: {  	[spmem:s1] =	stream.indirect.scatter.add.f32 [tilespmem:s11], [sflag:$0x1], $0x1, s3, s10, $0xb8;
	[tilespmem:$0x4600] =	vst v63  }
0x4b: {  	_ = 	snop  }
0x4c: {  	[spmem:s1] =	stream.indirect.scatter.add.f32 [tilespmem:s11], [sflag:$0x1], $0x1, s10, s10, $0xb8;
	[tilespmem:$0x4600] =	vst v63  }
.Ltmp1:
0x4d: {  	_ =	swait.ge [sflag:s12], $0x200;
	(pc) =	sbr.rel @p0 .LBB2_4-.Ltmp1, $4  }
0x4e: {  	[sflag:s12] =	ssyncset.done $0x0  }
0x4f: {  	[sflag:s12] =	ssyncadd.s32 $0xFFFFFE00  }
0x50: {  	_ =	swait.ge [sflag:s12], $0x200  }
0x51: {  	s15 =	smov.u32 s17;
	[sflag:s12] =	ssyncset.done $0x0  }
0x52: {  	s14 =	sadd.s32 s14, s9;
	[sflag:s12] =	ssyncadd.s32 $0xFFFFFE00  }
0x53: {  	[tilespmem:s3], [sflag:$0x2] =	stream.linear.gather [hbm4b:s14+s3], $0x400, $0x38;
	[tilespmem:$0x4600] =	vst v63  }
0x54: {  	_ =	swait.ge [sflag:s8], $0x400  }
0x55: {  	[sflag:s8] =	ssyncset.done $0x0  }
0x56: {  	[sflag:s8] =	ssyncadd.s32 $0xFFFFFC00  }
0x57: {  	[spmem:s1] =	stream.indirect.scatter.add.f32 [tilespmem:s11], [sflag:$0x1], $0x1, s3, s10, $0xb8;
	[tilespmem:$0x4600] =	vst v63  }
0x58: {  	_ = 	snop  }
0x59: {  	[spmem:s1] =	stream.indirect.scatter.add.f32 [tilespmem:s11], [sflag:$0x1], $0x1, s10, s10, $0xb8;
	[tilespmem:$0x4600] =	vst v63  }
0x5a: {  	_ =	swait.ge [sflag:s12], $0x200  }
0x5b: {  	[sflag:s12] =	ssyncset.done $0x0  }
0x5c: {  	[sflag:s12] =	ssyncadd.s32 $0xFFFFFE00  }
0x5d: {  	_ =	swait.ge [sflag:s12], $0x200  }
0x5e: {  	[sflag:s12] =	ssyncset.done $0x0  }
0x5f: {  	[sflag:s12] =	ssyncadd.s32 $0xFFFFFE00  }
0x60: {  	[bflag:$0x0] =	sbarrier.arrive $0xFFFF  }
0x61: {  	[tilespmem:s7], [sflag:$0x2] =	stream.linear.gather [spmem:s4], $0x2000, $0x38;
	[tilespmem:$0x4600] =	vst v63  }
0x62: {  	s13 =	sadd.s32 $0x1, s13;
	_ =	swait.ge [sflag:s8], $0x2000  }
0x63: {  	p0 =	sne.s32 s13, s5;
	[sflag:s8] =	ssyncset.done $0x0  }
.Ltmp2:
0x64: {  	[sflag:s8] =	ssyncadd.s32 $0xFFFFE000;
	(pc) =	sbr.rel @p0 .LBB2_1-.Ltmp2, $4  }
0x65: {  	[hbm4b:s6+s3] =	stream.linear.scatter [tilespmem:s7], [sflag:$0x2], $0x2000, $0x38;
	[tilespmem:$0x4600] =	vst v63  }
0x66: {  	_ =	swait.ge [sflag:s8], $0x2000  }
0x67: {  	[sflag:s8] =	ssyncset.done $0x0  }
0x68: {  	[sflag:s8] =	ssyncadd.s32 $0xFFFFE000  }
0x69: {  	_ =	sfence.sel $0x180000  }
0x6a: {  	[bflag:$0x0] =	sbarrier.arrive $0xFFFF  }
0x6b: {  	p0 =	sne.s32 s2, $0x0;
	_ =	strace $0x90000047  }
0x6c: {  	s0 =	sadd.s32 @!p0 $0x100000, s0;
	[bflag:$0x2] =	sbarrier.arrive $0xFFFF  }
0x6d: {  	[sflag:s0] =	ssyncadd.tile.s32 @!p0 $0x1;
	_ =	shalt  }
.Lfunc_end2:
_tile_overlayer_lowered:
.L_overlay_start_2:
0x6e: {  	(tag) =	ssettag $0x2  }
0x6f: {  	s0 =	rddreg [dreg:$0x0];
	s2 =	stileid.u32  }
0x70: {  	s1 =	rddreg [dreg:$0x1];
	p0 =	sne.s32 s2, $0x0  }
0x71: {  	s3 =	rddreg [dreg:$0x2];
	[bflag:$0x3] =	sbarrier.arrive $0xFFFF;
	s2 =	simm.s32 @!p0 $0x1C02  }
0x72: {  	[timem:s3], [sflag:s2] =	dma.local @!p0 [hbm:s0], s1  }
0x73: {  	s0 =	simm.s32 @!p0 $0x2  }
0x74: {  	_ =	swait.ge @!p0 [sflag:s0], s1  }
0x75: {  	s1 =	ssub.s32 @!p0 $0x0, s1;
	[sflag:s0] =	ssyncset.done @!p0 $0x0  }
0x76: {  	[sflag:s0] =	ssyncadd.s32 @!p0 s1  }
0x77: {  	[bflag:$0x3] =	sbarrier.arrive $0xFFFF  }
0x78: {  	_ =	shalt  }

// kernel: kernel.16.cloned.1.call-start
scs
__scs_entry_jumppad:
0x0: {  	(pc) =	sbr.rel $0x88, $3  }
0x1: {  	(tag) =	ssettag $0x0;
	lr =	simm.s32 $0x1  }
0x2: {  	[smem:$0x3F8D] =	sst lr;
	_ =	strace $0xD0000000  }
0x3: {  	_ = 	snop  }
0x4: {  	_ = 	snop  }
0x5: {  	_ = 	snop  }
0x6: {  	_ = 	snop  }
0x7: {  	_ = 	snop  }
__scs_overlays_trampoline_lowered:
0x8: {  	[smem:$0x3F9C] =	sst s0  }
0x9: {  	[smem:$0x3F9D] =	sst s1  }
0xa: {  	[smem:$0x3F9E] =	sst s2  }
0xb: {  	[smem:$0x3F9F] =	sst s3  }
0xc: {  	[smem:$0x3FA0] =	sst s4  }
0xd: {  	[smem:$0x3FA1] =	sst s5  }
0xe: {  	[smem:$0x3FA2] =	sst s6  }
0xf: {  	[smem:$0x3FA3] =	sst s7  }
0x10: {  	[smem:$0x3FA4] =	sst s8  }
0x11: {  	[smem:$0x3FA5] =	sst s9;
	s0 =	simm.s32 @!p0 $0x0  }
0x12: {  	s1 =	sld [smem:$0x3F8B];
	s0 =	simm.s32 @p0 $0x1  }
0x13: {  	[smem:$0x3FA6] =	sst s0;
	s0 =	simm.s32 @!p1 $0x0  }
0x14: {  	s2 =	sld [smem:$0x3F8A];
	s0 =	simm.s32 @p1 $0x1  }
0x15: {  	[smem:$0x3FA7] =	sst s0;
	s0 =	simm.s32 @!p2 $0x0  }
0x16: {  	s3 =	sld [smem:$0x3FDB];
	s0 =	simm.s32 @p2 $0x1  }
0x17: {  	s4 =	simm.s32 $0x1BF5;
	[smem:$0x3FA9] =	sst s0  }
0x18: {  	s0 =	sld [smem:$0x3F8C];
	_ =	swait.ge [sflag:s4], $0x0  }
0x19: {  	s7 =	sld [smem:$0x3F8D]  }
0x1a: {  	s8 =	sadd.s32 $0xFFFFE003, lr  }
0x1b: {  	s9 =	sadd.s32 $0xFFFFFEF7, lr;
	s5 =	simm.s32 $0xFFFFFFFF;
	p2 =	slt.u32 s8, $0xFFFFF086  }
0x1c: {  	p1 =	slt.u32 s9, $0xF7A;
	s5 =	simm.s32 @!p2 $0x0  }
0x1d: {  	s5 =	simm.s32 @p1 $0x1;
	p0 =	seq.s32 s7, s2  }
0x1e: {  	s7 =	smul.u32 @!p0 $0xF7A, s2;
	p2 =	seq.s32 @!p0 s5, $0x0  }
0x1f: {  	s9 =	smul.u32 $0xF7A, s1;
	s8 =	simm.s32 @!p0 $0x1BF5;
	p2 =	por !p2, p0  }
0x20: {  	[sflag:s8] =	ssyncset.s32 @!p0 $0xFFFFF086;
	s6 =	sadd.s32 @!p0 s3, s7;
	s7 =	simm.s32 @!p0 $0x108  }
0x21: {  	s3 =	sadd.s32 s3, s9;
	s6 =	sadd.s32 @!p0 $0x88, s6;
	s7 =	simm.s32 @p2 $0x1082  }
0x22: {  	[simem:s7], [sflag:s8] =	dma.local @!p0 [hbm:s6], $0xF7A  }
0x23: {  	s9 =	sor.u32 $0xD0000000, s2;
	s6 =	simm.s32 $0x108;
	_ =	swait.ge @!p0 [sflag:s8], $0x0  }
0x24: {  	s3 =	sadd.s32 $0x88, s3;
	s6 =	simm.s32 @!p1 $0x1082;
	[sflag:s4] =	ssyncset.s32 $0xFFFFF086  }
0x25: {  	[simem:s6], [sflag:s4] =	dma.local [hbm:s3], $0xF7A  }
0x26: {  	[smem:$0x3F8D] =	sst s1;
	(tag) =	ssettag s2;
	_ =	strace s9  }
0x27: {  	s1 =	sld [smem:$0x3F9D]  }
0x28: {  	s2 =	sld [smem:$0x3F9E]  }
0x29: {  	s4 =	sld [smem:$0x3FA0]  }
0x2a: {  	p0 =	seq.s32 s5, $0x0;
	s5 =	sld [smem:$0x3FA1]  }
0x2b: {  	s6 =	sld [smem:$0x3FA2]  }
0x2c: {  	s7 =	sld [smem:$0x3FA3]  }
0x2d: {  	s3 =	simm.s32 $0x108;
	s8 =	sld [smem:$0x3FA4]  }
0x2e: {  	s3 =	simm.s32 @!p0 $0x1082;
	s9 =	sld [smem:$0x3FA5]  }
0x2f: {  	lr =	sadd.s32 s0, s3;
	s0 =	sld [smem:$0x3F9C]  }
0x30: {  	s3 =	sld [smem:$0x3F9F]  }
0x31: {  	[smem:$0x3FA8] =	sst s10  }
0x32: {  	s10 =	sld [smem:$0x3FA6];
	_ =	sdelay $0x3  }
0x33: {  	p0 =	seq.s32 s10, $0x1;
	s10 =	sld [smem:$0x3FA8];
	_ =	sdelay $0x3  }
0x34: {  	[smem:$0x3FA8] =	sst s10  }
0x35: {  	s10 =	sld [smem:$0x3FA7];
	_ =	sdelay $0x3  }
0x36: {  	p1 =	seq.s32 s10, $0x1;
	s10 =	sld [smem:$0x3FA8];
	_ =	sdelay $0x3  }
0x37: {  	[smem:$0x3FA8] =	sst s10  }
0x38: {  	s10 =	sld [smem:$0x3FA9]  }
0x39: {  	_ = 	snop;
	(pc) =	sbr.ind lr, $3  }
0x3a: {  	_ = 	snop  }
0x3b: {  	_ = 	snop  }
0x3c: {  	p2 =	seq.s32 s10, $0x1;
	s10 =	sld [smem:$0x3FA8]  }
0x3d: {  	_ =	shalt  }
0x3e: {  	_ =	shalt  }
0x3f: {  	_ =	shalt  }
0x40: {  	_ =	shalt  }
0x41: {  	_ =	shalt  }
0x42: {  	_ =	shalt  }
0x43: {  	_ =	shalt  }
0x44: {  	_ =	shalt  }
0x45: {  	_ =	shalt  }
0x46: {  	_ =	shalt  }
0x47: {  	_ =	shalt  }
0x48: {  	_ =	shalt  }
0x49: {  	_ =	shalt  }
0x4a: {  	_ =	shalt  }
0x4b: {  	_ =	shalt  }
0x4c: {  	_ =	shalt  }
0x4d: {  	_ =	shalt  }
0x4e: {  	_ =	shalt  }
0x4f: {  	_ =	shalt  }
0x50: {  	_ =	shalt  }
0x51: {  	_ =	shalt  }
0x52: {  	_ =	shalt  }
0x53: {  	_ =	shalt  }
0x54: {  	_ =	shalt  }
0x55: {  	_ =	shalt  }
0x56: {  	_ =	shalt  }
0x57: {  	_ =	shalt  }
0x58: {  	_ =	shalt  }
0x59: {  	_ =	shalt  }
0x5a: {  	_ =	shalt  }
0x5b: {  	_ =	shalt  }
0x5c: {  	_ =	shalt  }
0x5d: {  	_ =	shalt  }
0x5e: {  	_ =	shalt  }
0x5f: {  	_ =	shalt  }
0x60: {  	_ =	shalt  }
0x61: {  	_ =	shalt  }
0x62: {  	_ =	shalt  }
0x63: {  	_ =	shalt  }
0x64: {  	_ =	shalt  }
0x65: {  	_ =	shalt  }
0x66: {  	_ =	shalt  }
0x67: {  	_ =	shalt  }
0x68: {  	_ =	shalt  }
0x69: {  	_ =	shalt  }
0x6a: {  	_ =	shalt  }
0x6b: {  	_ =	shalt  }
0x6c: {  	_ =	shalt  }
0x6d: {  	_ =	shalt  }
0x6e: {  	_ =	shalt  }
0x6f: {  	_ =	shalt  }
0x70: {  	_ =	shalt  }
0x71: {  	_ =	shalt  }
0x72: {  	_ =	shalt  }
0x73: {  	_ =	shalt  }
0x74: {  	_ =	shalt  }
0x75: {  	_ =	shalt  }
0x76: {  	_ =	shalt  }
0x77: {  	_ =	shalt  }
0x78: {  	_ =	shalt  }
0x79: {  	_ =	shalt  }
0x7a: {  	_ =	shalt  }
0x7b: {  	_ =	shalt  }
0x7c: {  	_ =	shalt  }
0x7d: {  	_ =	shalt  }
0x7e: {  	_ =	shalt  }
0x7f: {  	_ =	shalt  }
0x80: {  	_ =	shalt  }
0x81: {  	_ =	shalt  }
0x82: {  	_ =	shalt  }
0x83: {  	_ =	shalt  }
0x84: {  	_ =	shalt  }
0x85: {  	_ =	shalt  }
0x86: {  	_ =	shalt  }
0x87: {  	_ =	shalt  }
.Lfunc_end0:
.L_simem_size_0:
called_computation.1_lowered:
.L_overlay_start_0:
0x88: {  	s2 =	sld [smem:$0x3FD9]  }
0x89: {  	s3 =	sld [smem:$0x3FFE];
	_ =	sdelay $0x1  }
0x8a: {  	s1 =	srdreg.scid  }
0x8b: {  	s0 =	sand.u32 $0x1, s1  }
0x8c: {  	s16 =	sshll.u32 s0, $0xA;
	s2 =	sadd.s32 s3, s2  }
0x8d: {  	s2 =	sadd.s32 s2, s16  }
0x8e: {  	[smem:$0x3FB4] =	sst s2  }
0x8f: {  	_ = 	snop  }
0x90: {  	(tm) =	ssettm $0x1  }
0x91: {  	s17 =	sld [smem:$0x3FFB];
	_ =	sdelay $0x3  }
0x92: {  	_ =	strace s17  }
0x93: {  	s2 =	sld [smem:$0x3FFC];
	_ =	sdelay $0x3  }
0x94: {  	_ =	strace s2  }
0x95: {  	s2 =	sld [smem:$0x3FFD];
	_ =	sdelay $0x3  }
0x96: {  	_ =	strace s2  }
0x97: {  	_ =	strace $0x8FFFFFFF  }
0x98: {  	s18 =	sld [smem:$0x3FDB];
	_ =	sdelay $0x1  }
0x99: {  	s19 =	simm.s32 $_scs_section_size  }
0x9a: {  	s4 =	simm.s32 $_size__tile_overlayer_lowered;
	s5 =	simm.s32 $_tile_overlayer_lowered  }
0x9b: {  	s22 =	simm.s32 $0x1BFF;
	s21 =	sshll.u32 s5, $0x1;
	s2 =	sadd.s32 s19, s18  }
0x9c: {  	s6 =	simm.s32 $0x0;
	s20 =	sshll.u32 s4, $0x1;
	s4 =	sadd.s32 s21, s2  }
0x9d: {  	[timem:s6], [sflag:s22] =	dma.local [hbm:s4], s20  }
0x9e: {  	_ =	swait.ge [sflag:s22], s20  }
0x9f: {  	s3 =	ssub.s32 $0x0, s20;
	[sflag:s22] =	ssyncset.done $0x0  }
0xa0: {  	[sflag:s22] =	ssyncadd.s32 s3;
	_ =	sdelay $0x1  }
0xa1: {  	s23 =	simm.s32 $0x1B8B  }
0xa2: {  	_ =	swait.ge [sflag:s23], $0x1  }
0xa3: {  	[sflag:s23] =	ssyncset.done $0x0  }
0xa4: {  	s25 =	simm.s32 $0x1B8E;
	s24 =	sld [smem:$0x3FFE];
	[sflag:s23] =	ssyncadd.s32 $0xFFFFFFFF  }
0xa5: {  	s26 =	simm.s32 $execute0_lowered;
	[smem:$0x3FD2] =	sst s25  }
0xa6: {  	s4 =	sshll.u32 s26, $0x1;
	_ =	strace $0x80000049;
	[dreg:$0x1] =	wrdreg $0xFFFFFFFF  }
0xa7: {  	s28 =	simm.s32 $_size_execute0_lowered;
	s2 =	sadd.s32 s2, s4;
	[dreg:$0x0] =	wrdreg $0x0  }
0xa8: {  	s4 =	sshll.u32 s28, $0x1;
	[dreg:$0x2] =	wrdreg s2  }
0xa9: {  	[dreg:$0x3] =	wrdreg s4  }
0xaa: {  	[dreg:$0x4] =	wrdreg $0xC0  }
0xab: {  	_ =	task [dreg:s6], $0x5FFFF  }
0xac: {  	[dreg:$0x1] =	wrdreg $0xFFFFFFFF  }
0xad: {  	[dreg:$0x0] =	wrdreg $0x60  }
0xae: {  	[dreg:$0x2] =	wrdreg s24  }
0xaf: {  	[dreg:$0x3] =	wrdreg $0x68000  }
0xb0: {  	[dreg:$0x4] =	wrdreg $0x9  }
0xb1: {  	_ =	task.clear_ibuf [dreg:s6], $0x5FFFF;
	_ =	strace $0x90000049  }
0xb2: {  	s29 =	simm.s32 $0x9;
	_ =	strace $0x8000004B  }
0xb3: {  	_ =	swait.ge [sflag:s29], $0x1  }
0xb4: {  	[sflag:s29] =	ssyncadd.s32 $0xFFFFFFFF  }
0xb5: {  	_ =	strace $0x9000004B  }
0xb6: {  	_ =	sfence  }
0xb7: {  	s30 =	sld [smem:$0x0];
	_ =	sdelay $0x2  }
0xb8: {  	s31 =	sshll.u32 s1, $0xD;
	s1 =	sshrl.u32 s1, $0x2  }
0xb9: {  	s3 =	sand.u32 $0x4000, s31;
	s1 =	sadd.s32 s1, s30  }
0xba: {  	s0 =	sor.u32 s3, s0;
	s1 =	sshll.u32 s1, $0x11  }
0xbb: {  	s0 =	sor.u32 s1, s0  }
0xbc: {  	s0 =	sadd.s32 $0x8F2B, s0  }
0xbd: {  	[sflag:s0] =	ssyncadd.remote.s32 $0x1  }
0xbe: {  	_ =	sfence.sel $0xFFFF  }
0xbf: {  	[dreg:$0x0] =	wrdreg $0xFFFFFFFF;
	(pc) =	sbr.abs _section_cstart, $3  }
0xc0: {  	[dreg:$0x1] =	wrdreg $0xFFFFFFFF  }
0xc1: {  	_ =	task.clear_ibuf [dreg:s6], $0x2FFFF;
	_ =	strace $0x9FFFFFFF  }
0xc2: {  	(tm) =	ssettm $0x7FFFFFFF  }
0xc3: {  	_ =	shalt  }
tec
execute0_lowered:
.L_overlay_start_1:
0x0: {  	(tag) =	ssettag $0x1  }
0x1: {  	s7 =	rddreg [dreg:$0x0]  }
0x2: {  	s1 =	rddreg [dreg:$0x1];
	s3 =	srdreg.scid  }
0x3: {  	s0 =	rddreg [dreg:$0x2];
	s2 =	simm.s32 $0x0;
	s5 =	sand.u32 $0x1, s3  }
0x4: {  	s15 =	simm.s32 $0x800;
	s16 =	simm.s32 $0x2800;
	s6 =	smul.u32 $0x18800, s5  }
0x5: {  	s17 =	simm.s32 $0x600;
	s3 =	stileid.u32;
	s8 =	smul.u32 $0x31000, s5  }
0x6: {  	s18 =	simm.s32 $0x2;
	[smem:$0x7FF] =	sst s2;
	s10 =	smul.u32 $0x18800, s3  }
0x7: {  	s4 =	sadd.s32 $0x67000, s7;
	s31 =	sadd.s32 $0x36000, s7;
	s12 =	smul.u32 $0x620, s5  }
0x8: {  	_ =	strace $0x8000004A;
	s28 =	ssub.s32 $0x2, s5;
	s14 =	smul.u32 $0x62, s3  }
0x9: {  	s29 =	sshll.u32 s3, $0x6;
	s30 =	smul.u32 $0x1880, s3;
	s11 =	sshrl.u32 s28, $0x1  }
0xa: {  	s9 =	sadd.s32 s6, s7;
	s8 =	sadd.s32 s8, s7;
	s11 =	ssub.s32 s28, s11  }
0xb: {  	s13 =	sadd.s32 s10, s1;
	s19 =	sshrl.u32 s10, $0x3;
	s6 =	sor.u32 $0x1C03, s29  }
0xc: {  	s12 =	sadd.s32 s14, s12;
	s10 =	simm.s32 $0x3;
	s14 =	simm.s32 $0x200  }
0xd: {  	s5 =	sadd.s32 s4, s19;
	s12 =	sshll.u32 s12, $0x6;
	s9 =	sadd.s32 s30, s9  }
0xe: {  	s20 =	sadd.s32 $0x98000, s8;
	s7 =	smax.u32 s11, $0x1;
	s8 =	sadd.s32 $0x5000, s9  }
0xf: {  	s9 =	sshrl.u32 s13, $0x3;
	s11 =	sadd.s32 s31, s12;
	s12 =	simm.s32 $0x400  }
0x10: {  	s13 =	simm.s32 $0x1;
	s19 =	sadd.s32 s19, s20;
	s20 =	simm.s32 $0x0  }
.LBB2_1:
0x11: {  	[spmem:s9], [sflag:s6] =	dma.local [hbm:s5], $0x3100  }
0x12: {  	_ =	swait.ge [sflag:s10], $0x3100  }
0x13: {  	[sflag:s10] =	ssyncset.done $0x0  }
0x14: {  	[sflag:s10] =	ssyncadd.s32 $0xFFFFCF00  }
0x15: {  	s21 =	sadd.s32 $0x0, s8;
	[bflag:$0x0] =	sbarrier.arrive $0xFFFF  }
0x16: {  	[tilespmem:s2], [sflag:$0x1] =	stream.linear.gather [hbm4b:s21+s2], $0x400, $0x38;
	[tilespmem:$0x1F000] =	vst v63  }
0x17: {  	s31 =	sadd.s32 $0x0, s11  }
0x18: {  	[tilespmem:s12], [sflag:$0x1] =	stream.linear.gather [hbm4b:s31+s2], $0x400, $0x38;
	[tilespmem:$0x1F000] =	vst v63  }
0x19: {  	_ =	swait.ge [sflag:s13], $0x400  }
0x1a: {  	[sflag:s13] =	ssyncset.done $0x0  }
0x1b: {  	[sflag:s13] =	ssyncadd.s32 $0xFFFFFC00  }
0x1c: {  	_ =	swait.ge [sflag:s13], $0x400  }
0x1d: {  	[sflag:s13] =	ssyncset.done $0x0  }
0x1e: {  	[sflag:s13] =	ssyncadd.s32 $0xFFFFFC00  }
0x1f: {  	[tilespmem:s15], [sflag:$0x1] =	stream.indirect.gather [hbm4b:s4+s14], $0x10, s2, s14, $0xb8;
	[tilespmem:$0x1F000] =	vst v63  }
0x20: {  	_ = 	snop  }
0x21: {  	[tilespmem:s16], [sflag:$0x1] =	stream.indirect.gather [hbm4b:s4+s14], $0x10, s14, s14, $0xb8;
	[tilespmem:$0x1F000] =	vst v63  }
0x22: {  	_ =	swait.ge [sflag:s13], $0x2000  }
0x23: {  	[sflag:s13] =	ssyncset.done $0x0  }
0x24: {  	[sflag:s13] =	ssyncadd.s32 $0xFFFFE000  }
0x25: {  	[spmem:s1] =	stream.indirect.scatter.add.f32 [tilespmem:s15], [sflag:$0x2], $0x10, s12, s14, $0xb8;
	[tilespmem:$0x1F000] =	vst v63  }
0x26: {  	_ =	swait.ge [sflag:s13], $0x2000  }
0x27: {  	[sflag:s13] =	ssyncset.done $0x0  }
0x28: {  	[sflag:s13] =	ssyncadd.s32 $0xFFFFE000  }
0x29: {  	[spmem:s1] =	stream.indirect.scatter.add.f32 [tilespmem:s16], [sflag:$0x2], $0x10, s17, s14, $0xb8;
	[tilespmem:$0x1F000] =	vst v63  }
0x2a: {  	_ =	swait.ge [sflag:s18], $0x2000  }
0x2b: {  	[sflag:s18] =	ssyncset.done $0x0  }
0x2c: {  	[sflag:s18] =	ssyncadd.s32 $0xFFFFE000  }
0x2d: {  	_ =	swait.ge [sflag:s18], $0x2000  }
0x2e: {  	s22 =	simm.s32 $0x100;
	s21 =	simm.s32 $0x80;
	[sflag:s18] =	ssyncset.done $0x0  }
.LBB2_2:
0x2f: {  	s23 =	sadd.s32 s21, s8  }
0x30: {  	[sflag:s18] =	ssyncadd.s32 $0xFFFFE000;
	s24 =	smov.u32 s22;
	s25 =	sadd.s32 $0x80, s22  }
0x31: {  	[tilespmem:s2], [sflag:$0x1] =	stream.linear.gather [hbm4b:s23+s2], $0x400, $0x38;
	[tilespmem:$0x1F000] =	vst v63  }
0x32: {  	p0 =	sne.s32 s22, $0x1800;
	s22 =	sadd.s32 s21, s11;
	s21 =	smov.u32 s24  }
0x33: {  	[tilespmem:s12], [sflag:$0x1] =	stream.linear.gather [hbm4b:s22+s2], $0x400, $0x38;
	[tilespmem:$0x1F000] =	vst v63  }
0x34: {  	_ =	swait.ge [sflag:s13], $0x400  }
0x35: {  	[sflag:s13] =	ssyncset.done $0x0  }
0x36: {  	[sflag:s13] =	ssyncadd.s32 $0xFFFFFC00  }
0x37: {  	_ =	swait.ge [sflag:s13], $0x400  }
0x38: {  	[sflag:s13] =	ssyncset.done $0x0  }
0x39: {  	[sflag:s13] =	ssyncadd.s32 $0xFFFFFC00  }
0x3a: {  	[tilespmem:s15], [sflag:$0x1] =	stream.indirect.gather [hbm4b:s4+s14], $0x10, s2, s14, $0xb8;
	[tilespmem:$0x1F000] =	vst v63  }
0x3b: {  	_ = 	snop  }
0x3c: {  	[tilespmem:s16], [sflag:$0x1] =	stream.indirect.gather [hbm4b:s4+s14], $0x10, s14, s14, $0xb8;
	[tilespmem:$0x1F000] =	vst v63  }
0x3d: {  	_ =	swait.ge [sflag:s13], $0x2000  }
0x3e: {  	[sflag:s13] =	ssyncset.done $0x0  }
0x3f: {  	[sflag:s13] =	ssyncadd.s32 $0xFFFFE000  }
0x40: {  	[spmem:s1] =	stream.indirect.scatter.add.f32 [tilespmem:s15], [sflag:$0x2], $0x10, s12, s14, $0xb8;
	[tilespmem:$0x1F000] =	vst v63  }
0x41: {  	_ =	swait.ge [sflag:s13], $0x2000  }
0x42: {  	[sflag:s13] =	ssyncset.done $0x0  }
0x43: {  	[sflag:s13] =	ssyncadd.s32 $0xFFFFE000  }
0x44: {  	[spmem:s1] =	stream.indirect.scatter.add.f32 [tilespmem:s16], [sflag:$0x2], $0x10, s17, s14, $0xb8;
	[tilespmem:$0x1F000] =	vst v63  }
.Ltmp0:
0x45: {  	_ =	swait.ge [sflag:s18], $0x2000;
	(pc) =	sbr.rel @p0 .LBB2_2-.Ltmp0, $4  }
0x46: {  	[sflag:s18] =	ssyncset.done $0x0  }
0x47: {  	[sflag:s18] =	ssyncadd.s32 $0xFFFFE000  }
0x48: {  	_ =	swait.ge [sflag:s18], $0x2000  }
0x49: {  	s22 =	smov.u32 s25;
	[sflag:s18] =	ssyncset.done $0x0  }
0x4a: {  	s22 =	sadd.s32 s21, s8;
	[sflag:s18] =	ssyncadd.s32 $0xFFFFE000  }
0x4b: {  	[tilespmem:s2], [sflag:$0x1] =	stream.linear.gather [hbm4b:s22+s2], $0x400, $0x38;
	[tilespmem:$0x1F000] =	vst v63  }
0x4c: {  	s31 =	sadd.s32 s21, s11  }
0x4d: {  	[tilespmem:s12], [sflag:$0x1] =	stream.linear.gather [hbm4b:s31+s2], $0x400, $0x38;
	[tilespmem:$0x1F000] =	vst v63  }
0x4e: {  	_ =	swait.ge [sflag:s13], $0x400  }
0x4f: {  	[sflag:s13] =	ssyncset.done $0x0  }
0x50: {  	[sflag:s13] =	ssyncadd.s32 $0xFFFFFC00  }
0x51: {  	_ =	swait.ge [sflag:s13], $0x400  }
0x52: {  	[sflag:s13] =	ssyncset.done $0x0  }
0x53: {  	[sflag:s13] =	ssyncadd.s32 $0xFFFFFC00  }
0x54: {  	[tilespmem:s15], [sflag:$0x1] =	stream.indirect.gather [hbm4b:s4+s14], $0x10, s2, s14, $0xb8;
	[tilespmem:$0x1F000] =	vst v63  }
0x55: {  	_ = 	snop  }
0x56: {  	[tilespmem:s16], [sflag:$0x1] =	stream.indirect.gather [hbm4b:s4+s14], $0x10, s14, s14, $0xb8;
	[tilespmem:$0x1F000] =	vst v63  }
0x57: {  	_ =	swait.ge [sflag:s13], $0x2000  }
0x58: {  	[sflag:s13] =	ssyncset.done $0x0  }
0x59: {  	[sflag:s13] =	ssyncadd.s32 $0xFFFFE000  }
0x5a: {  	[spmem:s1] =	stream.indirect.scatter.add.f32 [tilespmem:s15], [sflag:$0x2], $0x10, s12, s14, $0xb8;
	[tilespmem:$0x1F000] =	vst v63  }
0x5b: {  	_ =	swait.ge [sflag:s13], $0x2000  }
0x5c: {  	[sflag:s13] =	ssyncset.done $0x0  }
0x5d: {  	[sflag:s13] =	ssyncadd.s32 $0xFFFFE000  }
0x5e: {  	[spmem:s1] =	stream.indirect.scatter.add.f32 [tilespmem:s16], [sflag:$0x2], $0x10, s17, s14, $0xb8;
	[tilespmem:$0x1F000] =	vst v63  }
0x5f: {  	_ =	swait.ge [sflag:s18], $0x2000  }
0x60: {  	[sflag:s18] =	ssyncset.done $0x0  }
0x61: {  	[sflag:s18] =	ssyncadd.s32 $0xFFFFE000  }
0x62: {  	_ =	swait.ge [sflag:s18], $0x2000  }
0x63: {  	s20 =	sadd.s32 $0x1, s20;
	[sflag:s18] =	ssyncset.done $0x0  }
0x64: {  	p0 =	sne.s32 s20, s7;
	[sflag:s18] =	ssyncadd.s32 $0xFFFFE000  }
.Ltmp1:
0x65: {  	[bflag:$0x0] =	sbarrier.arrive $0xFFFF;
	(pc) =	sbr.rel @p0 .LBB2_1-.Ltmp1, $4  }
0x66: {  	[hbm:s19], [sflag:s6] =	dma.local [spmem:s9], $0x3100  }
0x67: {  	_ =	swait.ge [sflag:s10], $0x3100  }
0x68: {  	[sflag:s10] =	ssyncset.done $0x0  }
0x69: {  	[sflag:s10] =	ssyncadd.s32 $0xFFFFCF00  }
0x6a: {  	_ =	sfence.sel $0x180000  }
0x6b: {  	[bflag:$0x0] =	sbarrier.arrive $0xFFFF  }
0x6c: {  	p0 =	sne.s32 s3, $0x0;
	_ =	strace $0x9000004A  }
0x6d: {  	s0 =	sadd.s32 @!p0 $0x100000, s0;
	[bflag:$0x2] =	sbarrier.arrive $0xFFFF  }
0x6e: {  	[sflag:s0] =	ssyncadd.tile.s32 @!p0 $0x1;
	_ =	shalt  }
.Lfunc_end2:
_tile_overlayer_lowered:
.L_overlay_start_2:
0x6f: {  	(tag) =	ssettag $0x2  }
0x70: {  	s0 =	rddreg [dreg:$0x0];
	s2 =	stileid.u32  }
0x71: {  	s1 =	rddreg [dreg:$0x1];
	p0 =	sne.s32 s2, $0x0  }
0x72: {  	s3 =	rddreg [dreg:$0x2];
	[bflag:$0x3] =	sbarrier.arrive $0xFFFF;
	s2 =	simm.s32 @!p0 $0x1C03  }
0x73: {  	[timem:s3], [sflag:s2] =	dma.local @!p0 [hbm:s0], s1  }
0x74: {  	s0 =	simm.s32 @!p0 $0x3  }
0x75: {  	_ =	swait.ge @!p0 [sflag:s0], s1  }
0x76: {  	s1 =	ssub.s32 @!p0 $0x0, s1;
	[sflag:s0] =	ssyncset.done @!p0 $0x0  }
0x77: {  	[sflag:s0] =	ssyncadd.s32 @!p0 s1  }
0x78: {  	[bflag:$0x3] =	sbarrier.arrive $0xFFFF  }
0x79: {  	_ =	shalt  }

// kernel: kernel.19.cloned.1.call-start
scs
__scs_entry_jumppad:
0x0: {  	(pc) =	sbr.rel $0x88, $3  }
0x1: {  	(tag) =	ssettag $0x0;
	lr =	simm.s32 $0x1  }
0x2: {  	[smem:$0x3F8D] =	sst lr;
	_ =	strace $0xD0000000  }
0x3: {  	_ = 	snop  }
0x4: {  	_ = 	snop  }
0x5: {  	_ = 	snop  }
0x6: {  	_ = 	snop  }
0x7: {  	_ = 	snop  }
__scs_overlays_trampoline_lowered:
0x8: {  	[smem:$0x3F9C] =	sst s0  }
0x9: {  	[smem:$0x3F9D] =	sst s1  }
0xa: {  	[smem:$0x3F9E] =	sst s2  }
0xb: {  	[smem:$0x3F9F] =	sst s3  }
0xc: {  	[smem:$0x3FA0] =	sst s4  }
0xd: {  	[smem:$0x3FA1] =	sst s5  }
0xe: {  	[smem:$0x3FA2] =	sst s6  }
0xf: {  	[smem:$0x3FA3] =	sst s7  }
0x10: {  	[smem:$0x3FA4] =	sst s8  }
0x11: {  	[smem:$0x3FA5] =	sst s9;
	s0 =	simm.s32 @!p0 $0x0  }
0x12: {  	s1 =	sld [smem:$0x3F8B];
	s0 =	simm.s32 @p0 $0x1  }
0x13: {  	[smem:$0x3FA6] =	sst s0;
	s0 =	simm.s32 @!p1 $0x0  }
0x14: {  	s2 =	sld [smem:$0x3F8A];
	s0 =	simm.s32 @p1 $0x1  }
0x15: {  	[smem:$0x3FA7] =	sst s0;
	s0 =	simm.s32 @!p2 $0x0  }
0x16: {  	s3 =	sld [smem:$0x3FDB];
	s0 =	simm.s32 @p2 $0x1  }
0x17: {  	s4 =	simm.s32 $0x1BF5;
	[smem:$0x3FA9] =	sst s0  }
0x18: {  	s0 =	sld [smem:$0x3F8C];
	_ =	swait.ge [sflag:s4], $0x0  }
0x19: {  	s7 =	sld [smem:$0x3F8D]  }
0x1a: {  	s8 =	sadd.s32 $0xFFFFE003, lr  }
0x1b: {  	s9 =	sadd.s32 $0xFFFFFEF7, lr;
	s5 =	simm.s32 $0xFFFFFFFF;
	p2 =	slt.u32 s8, $0xFFFFF086  }
0x1c: {  	p1 =	slt.u32 s9, $0xF7A;
	s5 =	simm.s32 @!p2 $0x0  }
0x1d: {  	s5 =	simm.s32 @p1 $0x1;
	p0 =	seq.s32 s7, s2  }
0x1e: {  	s7 =	smul.u32 @!p0 $0xF7A, s2;
	p2 =	seq.s32 @!p0 s5, $0x0  }
0x1f: {  	s9 =	smul.u32 $0xF7A, s1;
	s8 =	simm.s32 @!p0 $0x1BF5;
	p2 =	por !p2, p0  }
0x20: {  	[sflag:s8] =	ssyncset.s32 @!p0 $0xFFFFF086;
	s6 =	sadd.s32 @!p0 s3, s7;
	s7 =	simm.s32 @!p0 $0x108  }
0x21: {  	s3 =	sadd.s32 s3, s9;
	s6 =	sadd.s32 @!p0 $0x88, s6;
	s7 =	simm.s32 @p2 $0x1082  }
0x22: {  	[simem:s7], [sflag:s8] =	dma.local @!p0 [hbm:s6], $0xF7A  }
0x23: {  	s9 =	sor.u32 $0xD0000000, s2;
	s6 =	simm.s32 $0x108;
	_ =	swait.ge @!p0 [sflag:s8], $0x0  }
0x24: {  	s3 =	sadd.s32 $0x88, s3;
	s6 =	simm.s32 @!p1 $0x1082;
	[sflag:s4] =	ssyncset.s32 $0xFFFFF086  }
0x25: {  	[simem:s6], [sflag:s4] =	dma.local [hbm:s3], $0xF7A  }
0x26: {  	[smem:$0x3F8D] =	sst s1;
	(tag) =	ssettag s2;
	_ =	strace s9  }
0x27: {  	s1 =	sld [smem:$0x3F9D]  }
0x28: {  	s2 =	sld [smem:$0x3F9E]  }
0x29: {  	s4 =	sld [smem:$0x3FA0]  }
0x2a: {  	p0 =	seq.s32 s5, $0x0;
	s5 =	sld [smem:$0x3FA1]  }
0x2b: {  	s6 =	sld [smem:$0x3FA2]  }
0x2c: {  	s7 =	sld [smem:$0x3FA3]  }
0x2d: {  	s3 =	simm.s32 $0x108;
	s8 =	sld [smem:$0x3FA4]  }
0x2e: {  	s3 =	simm.s32 @!p0 $0x1082;
	s9 =	sld [smem:$0x3FA5]  }
0x2f: {  	lr =	sadd.s32 s0, s3;
	s0 =	sld [smem:$0x3F9C]  }
0x30: {  	s3 =	sld [smem:$0x3F9F]  }
0x31: {  	[smem:$0x3FA8] =	sst s10  }
0x32: {  	s10 =	sld [smem:$0x3FA6];
	_ =	sdelay $0x3  }
0x33: {  	p0 =	seq.s32 s10, $0x1;
	s10 =	sld [smem:$0x3FA8];
	_ =	sdelay $0x3  }
0x34: {  	[smem:$0x3FA8] =	sst s10  }
0x35: {  	s10 =	sld [smem:$0x3FA7];
	_ =	sdelay $0x3  }
0x36: {  	p1 =	seq.s32 s10, $0x1;
	s10 =	sld [smem:$0x3FA8];
	_ =	sdelay $0x3  }
0x37: {  	[smem:$0x3FA8] =	sst s10  }
0x38: {  	s10 =	sld [smem:$0x3FA9]  }
0x39: {  	_ = 	snop;
	(pc) =	sbr.ind lr, $3  }
0x3a: {  	_ = 	snop  }
0x3b: {  	_ = 	snop  }
0x3c: {  	p2 =	seq.s32 s10, $0x1;
	s10 =	sld [smem:$0x3FA8]  }
0x3d: {  	_ =	shalt  }
0x3e: {  	_ =	shalt  }
0x3f: {  	_ =	shalt  }
0x40: {  	_ =	shalt  }
0x41: {  	_ =	shalt  }
0x42: {  	_ =	shalt  }
0x43: {  	_ =	shalt  }
0x44: {  	_ =	shalt  }
0x45: {  	_ =	shalt  }
0x46: {  	_ =	shalt  }
0x47: {  	_ =	shalt  }
0x48: {  	_ =	shalt  }
0x49: {  	_ =	shalt  }
0x4a: {  	_ =	shalt  }
0x4b: {  	_ =	shalt  }
0x4c: {  	_ =	shalt  }
0x4d: {  	_ =	shalt  }
0x4e: {  	_ =	shalt  }
0x4f: {  	_ =	shalt  }
0x50: {  	_ =	shalt  }
0x51: {  	_ =	shalt  }
0x52: {  	_ =	shalt  }
0x53: {  	_ =	shalt  }
0x54: {  	_ =	shalt  }
0x55: {  	_ =	shalt  }
0x56: {  	_ =	shalt  }
0x57: {  	_ =	shalt  }
0x58: {  	_ =	shalt  }
0x59: {  	_ =	shalt  }
0x5a: {  	_ =	shalt  }
0x5b: {  	_ =	shalt  }
0x5c: {  	_ =	shalt  }
0x5d: {  	_ =	shalt  }
0x5e: {  	_ =	shalt  }
0x5f: {  	_ =	shalt  }
0x60: {  	_ =	shalt  }
0x61: {  	_ =	shalt  }
0x62: {  	_ =	shalt  }
0x63: {  	_ =	shalt  }
0x64: {  	_ =	shalt  }
0x65: {  	_ =	shalt  }
0x66: {  	_ =	shalt  }
0x67: {  	_ =	shalt  }
0x68: {  	_ =	shalt  }
0x69: {  	_ =	shalt  }
0x6a: {  	_ =	shalt  }
0x6b: {  	_ =	shalt  }
0x6c: {  	_ =	shalt  }
0x6d: {  	_ =	shalt  }
0x6e: {  	_ =	shalt  }
0x6f: {  	_ =	shalt  }
0x70: {  	_ =	shalt  }
0x71: {  	_ =	shalt  }
0x72: {  	_ =	shalt  }
0x73: {  	_ =	shalt  }
0x74: {  	_ =	shalt  }
0x75: {  	_ =	shalt  }
0x76: {  	_ =	shalt  }
0x77: {  	_ =	shalt  }
0x78: {  	_ =	shalt  }
0x79: {  	_ =	shalt  }
0x7a: {  	_ =	shalt  }
0x7b: {  	_ =	shalt  }
0x7c: {  	_ =	shalt  }
0x7d: {  	_ =	shalt  }
0x7e: {  	_ =	shalt  }
0x7f: {  	_ =	shalt  }
0x80: {  	_ =	shalt  }
0x81: {  	_ =	shalt  }
0x82: {  	_ =	shalt  }
0x83: {  	_ =	shalt  }
0x84: {  	_ =	shalt  }
0x85: {  	_ =	shalt  }
0x86: {  	_ =	shalt  }
0x87: {  	_ =	shalt  }
.Lfunc_end0:
.L_simem_size_0:
called_computation.2_lowered:
.L_overlay_start_0:
0x88: {  	s2 =	sld [smem:$0x3FD9]  }
0x89: {  	s3 =	sld [smem:$0x3FFE];
	_ =	sdelay $0x1  }
0x8a: {  	s1 =	srdreg.scid  }
0x8b: {  	s0 =	sand.u32 $0x1, s1  }
0x8c: {  	s16 =	sshll.u32 s0, $0xA;
	s2 =	sadd.s32 s3, s2  }
0x8d: {  	s2 =	sadd.s32 s2, s16  }
0x8e: {  	[smem:$0x3FB4] =	sst s2  }
0x8f: {  	_ = 	snop  }
0x90: {  	(tm) =	ssettm $0x1  }
0x91: {  	s17 =	sld [smem:$0x3FFB];
	_ =	sdelay $0x3  }
0x92: {  	_ =	strace s17  }
0x93: {  	s2 =	sld [smem:$0x3FFC];
	_ =	sdelay $0x3  }
0x94: {  	_ =	strace s2  }
0x95: {  	s2 =	sld [smem:$0x3FFD];
	_ =	sdelay $0x3  }
0x96: {  	_ =	strace s2  }
0x97: {  	_ =	strace $0x8FFFFFFF  }
0x98: {  	s18 =	sld [smem:$0x3FDB];
	_ =	sdelay $0x1  }
0x99: {  	s19 =	simm.s32 $_scs_section_size  }
0x9a: {  	s4 =	simm.s32 $_size__tile_overlayer_lowered;
	s5 =	simm.s32 $_tile_overlayer_lowered  }
0x9b: {  	s22 =	simm.s32 $0x1BFF;
	s21 =	sshll.u32 s5, $0x1;
	s2 =	sadd.s32 s19, s18  }
0x9c: {  	s6 =	simm.s32 $0x0;
	s20 =	sshll.u32 s4, $0x1;
	s4 =	sadd.s32 s21, s2  }
0x9d: {  	[timem:s6], [sflag:s22] =	dma.local [hbm:s4], s20  }
0x9e: {  	_ =	swait.ge [sflag:s22], s20  }
0x9f: {  	s3 =	ssub.s32 $0x0, s20;
	[sflag:s22] =	ssyncset.done $0x0  }
0xa0: {  	[sflag:s22] =	ssyncadd.s32 s3;
	_ =	sdelay $0x1  }
0xa1: {  	s23 =	simm.s32 $0x1B8B  }
0xa2: {  	_ =	swait.ge [sflag:s23], $0x1  }
0xa3: {  	[sflag:s23] =	ssyncset.done $0x0  }
0xa4: {  	s25 =	simm.s32 $0x1B8E;
	s24 =	sld [smem:$0x3FFE];
	[sflag:s23] =	ssyncadd.s32 $0xFFFFFFFF  }
0xa5: {  	s26 =	simm.s32 $execute0_lowered;
	[smem:$0x3FD2] =	sst s25  }
0xa6: {  	s4 =	sshll.u32 s26, $0x1;
	_ =	strace $0x8000004C;
	[dreg:$0x1] =	wrdreg $0xFFFFFFFF  }
0xa7: {  	s28 =	simm.s32 $_size_execute0_lowered;
	s2 =	sadd.s32 s2, s4;
	[dreg:$0x0] =	wrdreg $0x0  }
0xa8: {  	s4 =	sshll.u32 s28, $0x1;
	[dreg:$0x2] =	wrdreg s2  }
0xa9: {  	[dreg:$0x3] =	wrdreg s4  }
0xaa: {  	[dreg:$0x4] =	wrdreg $0xC0  }
0xab: {  	_ =	task [dreg:s6], $0x5FFFF  }
0xac: {  	[dreg:$0x1] =	wrdreg $0xFFFFFFFF  }
0xad: {  	[dreg:$0x0] =	wrdreg $0x60  }
0xae: {  	[dreg:$0x2] =	wrdreg s24  }
0xaf: {  	[dreg:$0x3] =	wrdreg $0x70000  }
0xb0: {  	[dreg:$0x4] =	wrdreg $0x9  }
0xb1: {  	_ =	task.clear_ibuf [dreg:s6], $0x5FFFF;
	_ =	strace $0x9000004C  }
0xb2: {  	s29 =	simm.s32 $0x9;
	_ =	strace $0x8000004E  }
0xb3: {  	_ =	swait.ge [sflag:s29], $0x1  }
0xb4: {  	[sflag:s29] =	ssyncadd.s32 $0xFFFFFFFF  }
0xb5: {  	_ =	strace $0x9000004E  }
0xb6: {  	_ =	sfence  }
0xb7: {  	s30 =	sld [smem:$0x0];
	_ =	sdelay $0x2  }
0xb8: {  	s31 =	sshll.u32 s1, $0xD;
	s1 =	sshrl.u32 s1, $0x2  }
0xb9: {  	s3 =	sand.u32 $0x4000, s31;
	s1 =	sadd.s32 s1, s30  }
0xba: {  	s0 =	sor.u32 s3, s0;
	s1 =	sshll.u32 s1, $0x11  }
0xbb: {  	s0 =	sor.u32 s1, s0  }
0xbc: {  	s0 =	sadd.s32 $0x8F2B, s0  }
0xbd: {  	[sflag:s0] =	ssyncadd.remote.s32 $0x1  }
0xbe: {  	_ =	sfence.sel $0xFFFF  }
0xbf: {  	[dreg:$0x0] =	wrdreg $0xFFFFFFFF;
	(pc) =	sbr.abs _section_cstart, $3  }
0xc0: {  	[dreg:$0x1] =	wrdreg $0xFFFFFFFF  }
0xc1: {  	_ =	task.clear_ibuf [dreg:s6], $0x2FFFF;
	_ =	strace $0x9FFFFFFF  }
0xc2: {  	(tm) =	ssettm $0x7FFFFFFF  }
0xc3: {  	_ =	shalt  }
tec
execute0_lowered:
.L_overlay_start_1:
0x0: {  	(tag) =	ssettag $0x1  }
0x1: {  	s0 =	rddreg [dreg:$0x0]  }
0x2: {  	s2 =	rddreg [dreg:$0x1];
	s3 =	simm.s32 $0x0  }
0x3: {  	s1 =	stileid.u32;
	s4 =	srdreg.scid;
	s16 =	simm.s32 $0x200  }
0x4: {  	s17 =	simm.s32 $0x1000;
	s18 =	simm.s32 $0x3000;
	s19 =	simm.s32 $0x400  }
0x5: {  	s20 =	simm.s32 $0x5000;
	s21 =	simm.s32 $0xA00;
	s22 =	simm.s32 $0x2  }
0x6: {  	s23 =	simm.s32 $0x600;
	s26 =	simm.s32 $0xC00;
	s28 =	simm.s32 $0xE00  }
0x7: {  	s29 =	simm.s32 $0x0;
	[smem:$0x7FF] =	sst s3;
	s13 =	smul.u32 $0x3100, s1  }
0x8: {  	s8 =	sadd.s32 $0xFA000, s0;
	s4 =	sand.u32 $0x1, s4;
	s5 =	smul.u32 $0x18800, s1  }
0x9: {  	s11 =	sadd.s32 $0x1BE000, s0;
	s30 =	sshll.u32 s1, $0x6;
	s9 =	smul.u32 $0x62000, s4  }
0xa: {  	_ =	strace $0x8000004D;
	s6 =	ssub.s32 $0x2, s4;
	s12 =	smul.u32 $0x310000, s4  }
0xb: {  	s10 =	sadd.s32 s13, s0;
	s7 =	sshrl.u32 s6, $0x1;
	s15 =	sadd.s32 s5, s2  }
0xc: {  	s5 =	sshrl.u32 s5, $0x3;
	s0 =	sadd.s32 $0x36000, s0;
	s14 =	ssub.s32 s6, s7  }
0xd: {  	s4 =	sadd.s32 s8, s9;
	s12 =	sshrl.u32 s12, $0x3;
	s7 =	sor.u32 $0x1C03, s30  }
0xe: {  	s24 =	sadd.s32 s11, s9;
	s10 =	sadd.s32 $0x5000, s10;
	s13 =	sadd.s32 s0, s13  }
0xf: {  	s31 =	sadd.s32 s5, s4;
	s12 =	sadd.s32 $0x31000, s12;
	s9 =	smax.u32 s14, $0x1  }
0x10: {  	s14 =	simm.s32 $0x800;
	s24 =	sadd.s32 s5, s24;
	[dreg:$0x3] =	wrdreg s31  }
0x11: {  	s8 =	sadd.s32 s8, s12;
	s25 =	sadd.s32 s11, s12;
	s11 =	sshrl.u32 s15, $0x3  }
0x12: {  	s12 =	simm.s32 $0x3;
	s15 =	simm.s32 $0x1;
	s25 =	sadd.s32 s5, s25  }
.LBB2_1:
0x13: {  	s0 =	rddreg [dreg:$0x3]  }
0x14: {  	[spmem:s11], [sflag:s7] =	dma.local [hbm:s0], $0x3100  }
0x15: {  	_ =	swait.ge [sflag:s12], $0x3100  }
0x16: {  	[sflag:s12] =	ssyncset.done $0x0  }
0x17: {  	[sflag:s12] =	ssyncadd.s32 $0xFFFFCF00  }
0x18: {  	s1 =	sadd.s32 $0x0, s10;
	[bflag:$0x0] =	sbarrier.arrive $0xFFFF  }
0x19: {  	[tilespmem:s3], [sflag:$0x1] =	stream.linear.gather [hbm4b:s1+s3], $0x800, $0x38;
	[tilespmem:$0x1F800] =	vst v63  }
0x1a: {  	s6 =	sadd.s32 $0x0, s13  }
0x1b: {  	[tilespmem:s14], [sflag:$0x1] =	stream.linear.gather [hbm4b:s6+s3], $0x800, $0x38;
	[tilespmem:$0x1F800] =	vst v63  }
0x1c: {  	_ =	swait.ge [sflag:s15], $0x800  }
0x1d: {  	[sflag:s15] =	ssyncset.done $0x0  }
0x1e: {  	[sflag:s15] =	ssyncadd.s32 $0xFFFFF800  }
0x1f: {  	_ =	swait.ge [sflag:s15], $0x800  }
0x20: {  	[sflag:s15] =	ssyncset.done $0x0  }
0x21: {  	[sflag:s15] =	ssyncadd.s32 $0xFFFFF800  }
0x22: {  	[tilespmem:s17], [sflag:$0x1] =	stream.indirect.gather [hbm4b:s4+s16], $0x10, s3, s16, $0xb8;
	[tilespmem:$0x1F800] =	vst v63  }
0x23: {  	_ = 	snop  }
0x24: {  	[tilespmem:s18], [sflag:$0x1] =	stream.indirect.gather [hbm4b:s4+s16], $0x10, s16, s16, $0xb8;
	[tilespmem:$0x1F800] =	vst v63  }
0x25: {  	_ =	swait.ge [sflag:s15], $0x2000  }
0x26: {  	[sflag:s15] =	ssyncset.done $0x0  }
0x27: {  	[sflag:s15] =	ssyncadd.s32 $0xFFFFE000  }
0x28: {  	[spmem:s2] =	stream.indirect.scatter.add.f32 [tilespmem:s17], [sflag:$0x2], $0x10, s14, s16, $0xb8;
	[tilespmem:$0x1F800] =	vst v63  }
0x29: {  	_ = 	snop  }
0x2a: {  	[tilespmem:s20], [sflag:$0x1] =	stream.indirect.gather [hbm4b:s4+s16], $0x10, s19, s16, $0xb8;
	[tilespmem:$0x1F800] =	vst v63  }
0x2b: {  	_ =	swait.ge [sflag:s15], $0x2000  }
0x2c: {  	[sflag:s15] =	ssyncset.done $0x0  }
0x2d: {  	[sflag:s15] =	ssyncadd.s32 $0xFFFFE000  }
0x2e: {  	[spmem:s2] =	stream.indirect.scatter.add.f32 [tilespmem:s18], [sflag:$0x2], $0x10, s21, s16, $0xb8;
	[tilespmem:$0x1F800] =	vst v63  }
0x2f: {  	_ =	swait.ge [sflag:s22], $0x2000  }
0x30: {  	[sflag:s22] =	ssyncset.done $0x0  }
0x31: {  	[sflag:s22] =	ssyncadd.s32 $0xFFFFE000  }
0x32: {  	[tilespmem:s17], [sflag:$0x1] =	stream.indirect.gather [hbm4b:s4+s16], $0x10, s23, s16, $0xb8;
	[tilespmem:$0x1F800] =	vst v63  }
0x33: {  	_ =	swait.ge [sflag:s15], $0x2000  }
0x34: {  	[sflag:s15] =	ssyncset.done $0x0  }
0x35: {  	[sflag:s15] =	ssyncadd.s32 $0xFFFFE000  }
0x36: {  	[spmem:s2] =	stream.indirect.scatter.add.f32 [tilespmem:s20], [sflag:$0x2], $0x10, s26, s16, $0xb8;
	[tilespmem:$0x1F800] =	vst v63  }
0x37: {  	_ =	swait.ge [sflag:s15], $0x2000  }
0x38: {  	[sflag:s15] =	ssyncset.done $0x0  }
0x39: {  	[sflag:s15] =	ssyncadd.s32 $0xFFFFE000  }
0x3a: {  	[spmem:s2] =	stream.indirect.scatter.add.f32 [tilespmem:s17], [sflag:$0x2], $0x10, s28, s16, $0xb8;
	[tilespmem:$0x1F800] =	vst v63  }
0x3b: {  	_ =	swait.ge [sflag:s22], $0x2000  }
0x3c: {  	[sflag:s22] =	ssyncset.done $0x0  }
0x3d: {  	[sflag:s22] =	ssyncadd.s32 $0xFFFFE000  }
0x3e: {  	_ =	swait.ge [sflag:s22], $0x2000  }
0x3f: {  	[sflag:s22] =	ssyncset.done $0x0  }
0x40: {  	[sflag:s22] =	ssyncadd.s32 $0xFFFFE000  }
0x41: {  	_ =	swait.ge [sflag:s22], $0x2000  }
0x42: {  	s30 =	simm.s32 $0x100;
	s31 =	simm.s32 $0x200;
	[sflag:s22] =	ssyncset.done $0x0  }
.LBB2_2:
0x43: {  	s1 =	sadd.s32 s30, s10  }
0x44: {  	[sflag:s22] =	ssyncadd.s32 $0xFFFFE000;
	s6 =	smov.u32 s31;
	s0 =	sadd.s32 $0x100, s31  }
0x45: {  	[tilespmem:s3], [sflag:$0x1] =	stream.linear.gather [hbm4b:s1+s3], $0x800, $0x38;
	[tilespmem:$0x1F800] =	vst v63  }
0x46: {  	p0 =	sne.s32 s31, $0x3000;
	s1 =	sadd.s32 s30, s13;
	s30 =	smov.u32 s6  }
0x47: {  	[tilespmem:s14], [sflag:$0x1] =	stream.linear.gather [hbm4b:s1+s3], $0x800, $0x38;
	[tilespmem:$0x1F800] =	vst v63  }
0x48: {  	_ =	swait.ge [sflag:s15], $0x800  }
0x49: {  	[sflag:s15] =	ssyncset.done $0x0  }
0x4a: {  	[sflag:s15] =	ssyncadd.s32 $0xFFFFF800  }
0x4b: {  	_ =	swait.ge [sflag:s15], $0x800  }
0x4c: {  	[sflag:s15] =	ssyncset.done $0x0  }
0x4d: {  	[sflag:s15] =	ssyncadd.s32 $0xFFFFF800  }
0x4e: {  	[tilespmem:s17], [sflag:$0x1] =	stream.indirect.gather [hbm4b:s4+s16], $0x10, s3, s16, $0xb8;
	[tilespmem:$0x1F800] =	vst v63  }
0x4f: {  	_ = 	snop  }
0x50: {  	[tilespmem:s18], [sflag:$0x1] =	stream.indirect.gather [hbm4b:s4+s16], $0x10, s16, s16, $0xb8;
	[tilespmem:$0x1F800] =	vst v63  }
0x51: {  	_ =	swait.ge [sflag:s15], $0x2000  }
0x52: {  	[sflag:s15] =	ssyncset.done $0x0  }
0x53: {  	[sflag:s15] =	ssyncadd.s32 $0xFFFFE000  }
0x54: {  	[spmem:s2] =	stream.indirect.scatter.add.f32 [tilespmem:s17], [sflag:$0x2], $0x10, s14, s16, $0xb8;
	[tilespmem:$0x1F800] =	vst v63  }
0x55: {  	_ = 	snop  }
0x56: {  	[tilespmem:s20], [sflag:$0x1] =	stream.indirect.gather [hbm4b:s4+s16], $0x10, s19, s16, $0xb8;
	[tilespmem:$0x1F800] =	vst v63  }
0x57: {  	_ =	swait.ge [sflag:s15], $0x2000  }
0x58: {  	[sflag:s15] =	ssyncset.done $0x0  }
0x59: {  	[sflag:s15] =	ssyncadd.s32 $0xFFFFE000  }
0x5a: {  	[spmem:s2] =	stream.indirect.scatter.add.f32 [tilespmem:s18], [sflag:$0x2], $0x10, s21, s16, $0xb8;
	[tilespmem:$0x1F800] =	vst v63  }
0x5b: {  	_ =	swait.ge [sflag:s22], $0x2000  }
0x5c: {  	[sflag:s22] =	ssyncset.done $0x0  }
0x5d: {  	[sflag:s22] =	ssyncadd.s32 $0xFFFFE000  }
0x5e: {  	[tilespmem:s17], [sflag:$0x1] =	stream.indirect.gather [hbm4b:s4+s16], $0x10, s23, s16, $0xb8;
	[tilespmem:$0x1F800] =	vst v63  }
0x5f: {  	_ =	swait.ge [sflag:s15], $0x2000  }
0x60: {  	[sflag:s15] =	ssyncset.done $0x0  }
0x61: {  	[sflag:s15] =	ssyncadd.s32 $0xFFFFE000  }
0x62: {  	[spmem:s2] =	stream.indirect.scatter.add.f32 [tilespmem:s20], [sflag:$0x2], $0x10, s26, s16, $0xb8;
	[tilespmem:$0x1F800] =	vst v63  }
0x63: {  	_ =	swait.ge [sflag:s15], $0x2000  }
0x64: {  	[sflag:s15] =	ssyncset.done $0x0  }
0x65: {  	[sflag:s15] =	ssyncadd.s32 $0xFFFFE000  }
0x66: {  	[spmem:s2] =	stream.indirect.scatter.add.f32 [tilespmem:s17], [sflag:$0x2], $0x10, s28, s16, $0xb8;
	[tilespmem:$0x1F800] =	vst v63  }
0x67: {  	_ =	swait.ge [sflag:s22], $0x2000  }
0x68: {  	[sflag:s22] =	ssyncset.done $0x0  }
0x69: {  	[sflag:s22] =	ssyncadd.s32 $0xFFFFE000  }
.Ltmp0:
0x6a: {  	_ =	swait.ge [sflag:s22], $0x2000;
	(pc) =	sbr.rel @p0 .LBB2_2-.Ltmp0, $4  }
0x6b: {  	[sflag:s22] =	ssyncset.done $0x0  }
0x6c: {  	[sflag:s22] =	ssyncadd.s32 $0xFFFFE000  }
0x6d: {  	_ =	swait.ge [sflag:s22], $0x2000  }
0x6e: {  	s31 =	smov.u32 s0;
	[sflag:s22] =	ssyncset.done $0x0  }
0x6f: {  	s0 =	sadd.s32 s30, s10;
	[sflag:s22] =	ssyncadd.s32 $0xFFFFE000  }
0x70: {  	[tilespmem:s3], [sflag:$0x1] =	stream.linear.gather [hbm4b:s0+s3], $0x800, $0x38;
	[tilespmem:$0x1F800] =	vst v63  }
0x71: {  	s31 =	sadd.s32 s30, s13  }
0x72: {  	[tilespmem:s14], [sflag:$0x1] =	stream.linear.gather [hbm4b:s31+s3], $0x800, $0x38;
	[tilespmem:$0x1F800] =	vst v63  }
0x73: {  	_ =	swait.ge [sflag:s15], $0x800  }
0x74: {  	[sflag:s15] =	ssyncset.done $0x0  }
0x75: {  	[sflag:s15] =	ssyncadd.s32 $0xFFFFF800  }
0x76: {  	_ =	swait.ge [sflag:s15], $0x800  }
0x77: {  	[sflag:s15] =	ssyncset.done $0x0  }
0x78: {  	[sflag:s15] =	ssyncadd.s32 $0xFFFFF800  }
0x79: {  	[tilespmem:s17], [sflag:$0x1] =	stream.indirect.gather [hbm4b:s4+s16], $0x10, s3, s16, $0xb8;
	[tilespmem:$0x1F800] =	vst v63  }
0x7a: {  	_ = 	snop  }
0x7b: {  	[tilespmem:s18], [sflag:$0x1] =	stream.indirect.gather [hbm4b:s4+s16], $0x10, s16, s16, $0xb8;
	[tilespmem:$0x1F800] =	vst v63  }
0x7c: {  	_ =	swait.ge [sflag:s15], $0x2000  }
0x7d: {  	[sflag:s15] =	ssyncset.done $0x0  }
0x7e: {  	[sflag:s15] =	ssyncadd.s32 $0xFFFFE000  }
0x7f: {  	[spmem:s2] =	stream.indirect.scatter.add.f32 [tilespmem:s17], [sflag:$0x2], $0x10, s14, s16, $0xb8;
	[tilespmem:$0x1F800] =	vst v63  }
0x80: {  	_ = 	snop  }
0x81: {  	[tilespmem:s20], [sflag:$0x1] =	stream.indirect.gather [hbm4b:s4+s16], $0x10, s19, s16, $0xb8;
	[tilespmem:$0x1F800] =	vst v63  }
0x82: {  	_ =	swait.ge [sflag:s15], $0x2000  }
0x83: {  	[sflag:s15] =	ssyncset.done $0x0  }
0x84: {  	[sflag:s15] =	ssyncadd.s32 $0xFFFFE000  }
0x85: {  	[spmem:s2] =	stream.indirect.scatter.add.f32 [tilespmem:s18], [sflag:$0x2], $0x10, s21, s16, $0xb8;
	[tilespmem:$0x1F800] =	vst v63  }
0x86: {  	_ =	swait.ge [sflag:s22], $0x2000  }
0x87: {  	[sflag:s22] =	ssyncset.done $0x0  }
0x88: {  	[sflag:s22] =	ssyncadd.s32 $0xFFFFE000  }
0x89: {  	[tilespmem:s17], [sflag:$0x1] =	stream.indirect.gather [hbm4b:s4+s16], $0x10, s23, s16, $0xb8;
	[tilespmem:$0x1F800] =	vst v63  }
0x8a: {  	_ =	swait.ge [sflag:s15], $0x2000  }
0x8b: {  	[sflag:s15] =	ssyncset.done $0x0  }
0x8c: {  	[sflag:s15] =	ssyncadd.s32 $0xFFFFE000  }
0x8d: {  	[spmem:s2] =	stream.indirect.scatter.add.f32 [tilespmem:s20], [sflag:$0x2], $0x10, s26, s16, $0xb8;
	[tilespmem:$0x1F800] =	vst v63  }
0x8e: {  	_ =	swait.ge [sflag:s15], $0x2000  }
0x8f: {  	[sflag:s15] =	ssyncset.done $0x0  }
0x90: {  	[sflag:s15] =	ssyncadd.s32 $0xFFFFE000  }
0x91: {  	[spmem:s2] =	stream.indirect.scatter.add.f32 [tilespmem:s17], [sflag:$0x2], $0x10, s28, s16, $0xb8;
	[tilespmem:$0x1F800] =	vst v63  }
0x92: {  	_ =	swait.ge [sflag:s22], $0x2000  }
0x93: {  	[sflag:s22] =	ssyncset.done $0x0  }
0x94: {  	[sflag:s22] =	ssyncadd.s32 $0xFFFFE000  }
0x95: {  	_ =	swait.ge [sflag:s22], $0x2000  }
0x96: {  	[sflag:s22] =	ssyncset.done $0x0  }
0x97: {  	[sflag:s22] =	ssyncadd.s32 $0xFFFFE000  }
0x98: {  	_ =	swait.ge [sflag:s22], $0x2000  }
0x99: {  	[sflag:s22] =	ssyncset.done $0x0  }
0x9a: {  	[sflag:s22] =	ssyncadd.s32 $0xFFFFE000  }
0x9b: {  	[bflag:$0x0] =	sbarrier.arrive $0xFFFF  }
0x9c: {  	[hbm:s24], [sflag:s7] =	dma.local [spmem:s11], $0x3100  }
0x9d: {  	_ =	swait.ge [sflag:s12], $0x3100  }
0x9e: {  	[sflag:s12] =	ssyncset.done $0x0  }
0x9f: {  	[sflag:s12] =	ssyncadd.s32 $0xFFFFCF00  }
0xa0: {  	s1 =	sadd.s32 s5, s8;
	[bflag:$0x0] =	sbarrier.arrive $0xFFFF  }
0xa1: {  	[spmem:s11], [sflag:s7] =	dma.local [hbm:s1], $0x3100  }
0xa2: {  	_ =	swait.ge [sflag:s12], $0x3100  }
0xa3: {  	[sflag:s12] =	ssyncset.done $0x0  }
0xa4: {  	[sflag:s12] =	ssyncadd.s32 $0xFFFFCF00  }
0xa5: {  	s6 =	sadd.s32 $0x0, s10;
	[bflag:$0x0] =	sbarrier.arrive $0xFFFF  }
0xa6: {  	[tilespmem:s3], [sflag:$0x1] =	stream.linear.gather [hbm4b:s6+s3], $0x800, $0x38;
	[tilespmem:$0x1F800] =	vst v63  }
0xa7: {  	s31 =	sadd.s32 $0x0, s13  }
0xa8: {  	[tilespmem:s14], [sflag:$0x1] =	stream.linear.gather [hbm4b:s31+s3], $0x800, $0x38;
	[tilespmem:$0x1F800] =	vst v63  }
0xa9: {  	_ =	swait.ge [sflag:s15], $0x800  }
0xaa: {  	[sflag:s15] =	ssyncset.done $0x0  }
0xab: {  	[sflag:s15] =	ssyncadd.s32 $0xFFFFF800  }
0xac: {  	_ =	swait.ge [sflag:s15], $0x800  }
0xad: {  	[sflag:s15] =	ssyncset.done $0x0  }
0xae: {  	[sflag:s15] =	ssyncadd.s32 $0xFFFFF800  }
0xaf: {  	[tilespmem:s17], [sflag:$0x1] =	stream.indirect.gather [hbm4b:s8+s16], $0x10, s3, s16, $0xb8;
	[tilespmem:$0x1F800] =	vst v63  }
0xb0: {  	_ = 	snop  }
0xb1: {  	[tilespmem:s18], [sflag:$0x1] =	stream.indirect.gather [hbm4b:s8+s16], $0x10, s16, s16, $0xb8;
	[tilespmem:$0x1F800] =	vst v63  }
0xb2: {  	_ =	swait.ge [sflag:s15], $0x2000  }
0xb3: {  	[sflag:s15] =	ssyncset.done $0x0  }
0xb4: {  	[sflag:s15] =	ssyncadd.s32 $0xFFFFE000  }
0xb5: {  	[spmem:s2] =	stream.indirect.scatter.add.f32 [tilespmem:s17], [sflag:$0x2], $0x10, s14, s16, $0xb8;
	[tilespmem:$0x1F800] =	vst v63  }
0xb6: {  	_ = 	snop  }
0xb7: {  	[tilespmem:s20], [sflag:$0x1] =	stream.indirect.gather [hbm4b:s8+s16], $0x10, s19, s16, $0xb8;
	[tilespmem:$0x1F800] =	vst v63  }
0xb8: {  	_ =	swait.ge [sflag:s15], $0x2000  }
0xb9: {  	[sflag:s15] =	ssyncset.done $0x0  }
0xba: {  	[sflag:s15] =	ssyncadd.s32 $0xFFFFE000  }
0xbb: {  	[spmem:s2] =	stream.indirect.scatter.add.f32 [tilespmem:s18], [sflag:$0x2], $0x10, s21, s16, $0xb8;
	[tilespmem:$0x1F800] =	vst v63  }
0xbc: {  	_ =	swait.ge [sflag:s22], $0x2000  }
0xbd: {  	[sflag:s22] =	ssyncset.done $0x0  }
0xbe: {  	[sflag:s22] =	ssyncadd.s32 $0xFFFFE000  }
0xbf: {  	[tilespmem:s17], [sflag:$0x1] =	stream.indirect.gather [hbm4b:s8+s16], $0x10, s23, s16, $0xb8;
	[tilespmem:$0x1F800] =	vst v63  }
0xc0: {  	_ =	swait.ge [sflag:s15], $0x2000  }
0xc1: {  	[sflag:s15] =	ssyncset.done $0x0  }
0xc2: {  	[sflag:s15] =	ssyncadd.s32 $0xFFFFE000  }
0xc3: {  	[spmem:s2] =	stream.indirect.scatter.add.f32 [tilespmem:s20], [sflag:$0x2], $0x10, s26, s16, $0xb8;
	[tilespmem:$0x1F800] =	vst v63  }
0xc4: {  	_ =	swait.ge [sflag:s15], $0x2000  }
0xc5: {  	[sflag:s15] =	ssyncset.done $0x0  }
0xc6: {  	[sflag:s15] =	ssyncadd.s32 $0xFFFFE000  }
0xc7: {  	[spmem:s2] =	stream.indirect.scatter.add.f32 [tilespmem:s17], [sflag:$0x2], $0x10, s28, s16, $0xb8;
	[tilespmem:$0x1F800] =	vst v63  }
0xc8: {  	_ =	swait.ge [sflag:s22], $0x2000  }
0xc9: {  	[sflag:s22] =	ssyncset.done $0x0  }
0xca: {  	[sflag:s22] =	ssyncadd.s32 $0xFFFFE000  }
0xcb: {  	_ =	swait.ge [sflag:s22], $0x2000  }
0xcc: {  	[sflag:s22] =	ssyncset.done $0x0  }
0xcd: {  	[sflag:s22] =	ssyncadd.s32 $0xFFFFE000  }
0xce: {  	_ =	swait.ge [sflag:s22], $0x2000  }
0xcf: {  	s30 =	simm.s32 $0x100;
	s0 =	simm.s32 $0x200;
	[sflag:s22] =	ssyncset.done $0x0  }
.LBB2_4:
0xd0: {  	s1 =	sadd.s32 s30, s10  }
0xd1: {  	[sflag:s22] =	ssyncadd.s32 $0xFFFFE000;
	s6 =	smov.u32 s0;
	s31 =	sadd.s32 $0x100, s0  }
0xd2: {  	[tilespmem:s3], [sflag:$0x1] =	stream.linear.gather [hbm4b:s1+s3], $0x800, $0x38;
	[tilespmem:$0x1F800] =	vst v63  }
0xd3: {  	p0 =	sne.s32 s0, $0x3000;
	s0 =	sadd.s32 s30, s13;
	s30 =	smov.u32 s6  }
0xd4: {  	[tilespmem:s14], [sflag:$0x1] =	stream.linear.gather [hbm4b:s0+s3], $0x800, $0x38;
	[tilespmem:$0x1F800] =	vst v63  }
0xd5: {  	_ =	swait.ge [sflag:s15], $0x800  }
0xd6: {  	[sflag:s15] =	ssyncset.done $0x0  }
0xd7: {  	[sflag:s15] =	ssyncadd.s32 $0xFFFFF800  }
0xd8: {  	_ =	swait.ge [sflag:s15], $0x800  }
0xd9: {  	[sflag:s15] =	ssyncset.done $0x0  }
0xda: {  	[sflag:s15] =	ssyncadd.s32 $0xFFFFF800  }
0xdb: {  	[tilespmem:s17], [sflag:$0x1] =	stream.indirect.gather [hbm4b:s8+s16], $0x10, s3, s16, $0xb8;
	[tilespmem:$0x1F800] =	vst v63  }
0xdc: {  	_ = 	snop  }
0xdd: {  	[tilespmem:s18], [sflag:$0x1] =	stream.indirect.gather [hbm4b:s8+s16], $0x10, s16, s16, $0xb8;
	[tilespmem:$0x1F800] =	vst v63  }
0xde: {  	_ =	swait.ge [sflag:s15], $0x2000  }
0xdf: {  	[sflag:s15] =	ssyncset.done $0x0  }
0xe0: {  	[sflag:s15] =	ssyncadd.s32 $0xFFFFE000  }
0xe1: {  	[spmem:s2] =	stream.indirect.scatter.add.f32 [tilespmem:s17], [sflag:$0x2], $0x10, s14, s16, $0xb8;
	[tilespmem:$0x1F800] =	vst v63  }
0xe2: {  	_ = 	snop  }
0xe3: {  	[tilespmem:s20], [sflag:$0x1] =	stream.indirect.gather [hbm4b:s8+s16], $0x10, s19, s16, $0xb8;
	[tilespmem:$0x1F800] =	vst v63  }
0xe4: {  	_ =	swait.ge [sflag:s15], $0x2000  }
0xe5: {  	[sflag:s15] =	ssyncset.done $0x0  }
0xe6: {  	[sflag:s15] =	ssyncadd.s32 $0xFFFFE000  }
0xe7: {  	[spmem:s2] =	stream.indirect.scatter.add.f32 [tilespmem:s18], [sflag:$0x2], $0x10, s21, s16, $0xb8;
	[tilespmem:$0x1F800] =	vst v63  }
0xe8: {  	_ =	swait.ge [sflag:s22], $0x2000  }
0xe9: {  	[sflag:s22] =	ssyncset.done $0x0  }
0xea: {  	[sflag:s22] =	ssyncadd.s32 $0xFFFFE000  }
0xeb: {  	[tilespmem:s17], [sflag:$0x1] =	stream.indirect.gather [hbm4b:s8+s16], $0x10, s23, s16, $0xb8;
	[tilespmem:$0x1F800] =	vst v63  }
0xec: {  	_ =	swait.ge [sflag:s15], $0x2000  }
0xed: {  	[sflag:s15] =	ssyncset.done $0x0  }
0xee: {  	[sflag:s15] =	ssyncadd.s32 $0xFFFFE000  }
0xef: {  	[spmem:s2] =	stream.indirect.scatter.add.f32 [tilespmem:s20], [sflag:$0x2], $0x10, s26, s16, $0xb8;
	[tilespmem:$0x1F800] =	vst v63  }
0xf0: {  	_ =	swait.ge [sflag:s15], $0x2000  }
0xf1: {  	[sflag:s15] =	ssyncset.done $0x0  }
0xf2: {  	[sflag:s15] =	ssyncadd.s32 $0xFFFFE000  }
0xf3: {  	[spmem:s2] =	stream.indirect.scatter.add.f32 [tilespmem:s17], [sflag:$0x2], $0x10, s28, s16, $0xb8;
	[tilespmem:$0x1F800] =	vst v63  }
0xf4: {  	_ =	swait.ge [sflag:s22], $0x2000  }
0xf5: {  	[sflag:s22] =	ssyncset.done $0x0  }
0xf6: {  	[sflag:s22] =	ssyncadd.s32 $0xFFFFE000  }
.Ltmp1:
0xf7: {  	_ =	swait.ge [sflag:s22], $0x2000;
	(pc) =	sbr.rel @p0 .LBB2_4-.Ltmp1, $4  }
0xf8: {  	[sflag:s22] =	ssyncset.done $0x0  }
0xf9: {  	[sflag:s22] =	ssyncadd.s32 $0xFFFFE000  }
0xfa: {  	_ =	swait.ge [sflag:s22], $0x2000  }
0xfb: {  	s0 =	smov.u32 s31;
	[sflag:s22] =	ssyncset.done $0x0  }
0xfc: {  	s0 =	sadd.s32 s30, s10;
	[sflag:s22] =	ssyncadd.s32 $0xFFFFE000  }
0xfd: {  	[tilespmem:s3], [sflag:$0x1] =	stream.linear.gather [hbm4b:s0+s3], $0x800, $0x38;
	[tilespmem:$0x1F800] =	vst v63  }
0xfe: {  	s31 =	sadd.s32 s30, s13  }
0xff: {  	[tilespmem:s14], [sflag:$0x1] =	stream.linear.gather [hbm4b:s31+s3], $0x800, $0x38;
	[tilespmem:$0x1F800] =	vst v63  }
0x100: {  	_ =	swait.ge [sflag:s15], $0x800  }
0x101: {  	[sflag:s15] =	ssyncset.done $0x0  }
0x102: {  	[sflag:s15] =	ssyncadd.s32 $0xFFFFF800  }
0x103: {  	_ =	swait.ge [sflag:s15], $0x800  }
0x104: {  	[sflag:s15] =	ssyncset.done $0x0  }
0x105: {  	[sflag:s15] =	ssyncadd.s32 $0xFFFFF800  }
0x106: {  	[tilespmem:s17], [sflag:$0x1] =	stream.indirect.gather [hbm4b:s8+s16], $0x10, s3, s16, $0xb8;
	[tilespmem:$0x1F800] =	vst v63  }
0x107: {  	_ = 	snop  }
0x108: {  	[tilespmem:s18], [sflag:$0x1] =	stream.indirect.gather [hbm4b:s8+s16], $0x10, s16, s16, $0xb8;
	[tilespmem:$0x1F800] =	vst v63  }
0x109: {  	_ =	swait.ge [sflag:s15], $0x2000  }
0x10a: {  	[sflag:s15] =	ssyncset.done $0x0  }
0x10b: {  	[sflag:s15] =	ssyncadd.s32 $0xFFFFE000  }
0x10c: {  	[spmem:s2] =	stream.indirect.scatter.add.f32 [tilespmem:s17], [sflag:$0x2], $0x10, s14, s16, $0xb8;
	[tilespmem:$0x1F800] =	vst v63  }
0x10d: {  	_ = 	snop  }
0x10e: {  	[tilespmem:s20], [sflag:$0x1] =	stream.indirect.gather [hbm4b:s8+s16], $0x10, s19, s16, $0xb8;
	[tilespmem:$0x1F800] =	vst v63  }
0x10f: {  	_ =	swait.ge [sflag:s15], $0x2000  }
0x110: {  	[sflag:s15] =	ssyncset.done $0x0  }
0x111: {  	[sflag:s15] =	ssyncadd.s32 $0xFFFFE000  }
0x112: {  	[spmem:s2] =	stream.indirect.scatter.add.f32 [tilespmem:s18], [sflag:$0x2], $0x10, s21, s16, $0xb8;
	[tilespmem:$0x1F800] =	vst v63  }
0x113: {  	_ =	swait.ge [sflag:s22], $0x2000  }
0x114: {  	[sflag:s22] =	ssyncset.done $0x0  }
0x115: {  	[sflag:s22] =	ssyncadd.s32 $0xFFFFE000  }
0x116: {  	[tilespmem:s17], [sflag:$0x1] =	stream.indirect.gather [hbm4b:s8+s16], $0x10, s23, s16, $0xb8;
	[tilespmem:$0x1F800] =	vst v63  }
0x117: {  	_ =	swait.ge [sflag:s15], $0x2000  }
0x118: {  	[sflag:s15] =	ssyncset.done $0x0  }
0x119: {  	[sflag:s15] =	ssyncadd.s32 $0xFFFFE000  }
0x11a: {  	[spmem:s2] =	stream.indirect.scatter.add.f32 [tilespmem:s20], [sflag:$0x2], $0x10, s26, s16, $0xb8;
	[tilespmem:$0x1F800] =	vst v63  }
0x11b: {  	_ =	swait.ge [sflag:s15], $0x2000  }
0x11c: {  	[sflag:s15] =	ssyncset.done $0x0  }
0x11d: {  	[sflag:s15] =	ssyncadd.s32 $0xFFFFE000  }
0x11e: {  	[spmem:s2] =	stream.indirect.scatter.add.f32 [tilespmem:s17], [sflag:$0x2], $0x10, s28, s16, $0xb8;
	[tilespmem:$0x1F800] =	vst v63  }
0x11f: {  	_ =	swait.ge [sflag:s22], $0x2000  }
0x120: {  	[sflag:s22] =	ssyncset.done $0x0  }
0x121: {  	[sflag:s22] =	ssyncadd.s32 $0xFFFFE000  }
0x122: {  	_ =	swait.ge [sflag:s22], $0x2000  }
0x123: {  	[sflag:s22] =	ssyncset.done $0x0  }
0x124: {  	[sflag:s22] =	ssyncadd.s32 $0xFFFFE000  }
0x125: {  	_ =	swait.ge [sflag:s22], $0x2000  }
0x126: {  	s29 =	sadd.s32 $0x1, s29;
	[sflag:s22] =	ssyncset.done $0x0  }
0x127: {  	p0 =	sne.s32 s29, s9;
	[sflag:s22] =	ssyncadd.s32 $0xFFFFE000  }
.Ltmp2:
0x128: {  	[bflag:$0x0] =	sbarrier.arrive $0xFFFF;
	(pc) =	sbr.rel @p0 .LBB2_1-.Ltmp2, $4  }
0x129: {  	[hbm:s25], [sflag:s7] =	dma.local [spmem:s11], $0x3100  }
0x12a: {  	_ =	swait.ge [sflag:s12], $0x3100  }
0x12b: {  	[sflag:s12] =	ssyncset.done $0x0  }
0x12c: {  	[sflag:s12] =	ssyncadd.s32 $0xFFFFCF00  }
0x12d: {  	_ =	sfence.sel $0x180000  }
0x12e: {  	[bflag:$0x0] =	sbarrier.arrive $0xFFFF  }
0x12f: {  	_ =	strace $0x9000004D  }
0x130: {  	s0 =	stileid.u32;
	[bflag:$0x2] =	sbarrier.arrive $0xFFFF  }
0x131: {  	p0 =	sne.s32 s0, $0x0;
	s0 =	rddreg [dreg:$0x2]  }
0x132: {  	s0 =	sadd.s32 @!p0 $0x100000, s0  }
0x133: {  	[sflag:s0] =	ssyncadd.tile.s32 @!p0 $0x1;
	_ =	shalt  }
.Lfunc_end2:
_tile_overlayer_lowered:
.L_overlay_start_2:
0x134: {  	(tag) =	ssettag $0x2  }
0x135: {  	s0 =	rddreg [dreg:$0x0];
	s2 =	stileid.u32  }
0x136: {  	s1 =	rddreg [dreg:$0x1];
	p0 =	sne.s32 s2, $0x0  }
0x137: {  	s3 =	rddreg [dreg:$0x2];
	[bflag:$0x3] =	sbarrier.arrive $0xFFFF;
	s2 =	simm.s32 @!p0 $0x1C03  }
0x138: {  	[timem:s3], [sflag:s2] =	dma.local @!p0 [hbm:s0], s1  }
0x139: {  	s0 =	simm.s32 @!p0 $0x3  }
0x13a: {  	_ =	swait.ge @!p0 [sflag:s0], s1  }
0x13b: {  	s1 =	ssub.s32 @!p0 $0x0, s1;
	[sflag:s0] =	ssyncset.done @!p0 $0x0  }
0x13c: {  	[sflag:s0] =	ssyncadd.s32 @!p0 s1  }
0x13d: {  	[bflag:$0x3] =	sbarrier.arrive $0xFFFF  }
0x13e: {  	_ =	shalt  }

// kernel: kernel.22.cloned.1.call-start
scs
__scs_entry_jumppad:
0x0: {  	(pc) =	sbr.rel $0x88, $3  }
0x1: {  	(tag) =	ssettag $0x0;
	lr =	simm.s32 $0x1  }
0x2: {  	[smem:$0x3F8D] =	sst lr;
	_ =	strace $0xD0000000  }
0x3: {  	_ = 	snop  }
0x4: {  	_ = 	snop  }
0x5: {  	_ = 	snop  }
0x6: {  	_ = 	snop  }
0x7: {  	_ = 	snop  }
__scs_overlays_trampoline_lowered:
0x8: {  	[smem:$0x3F9C] =	sst s0  }
0x9: {  	[smem:$0x3F9D] =	sst s1  }
0xa: {  	[smem:$0x3F9E] =	sst s2  }
0xb: {  	[smem:$0x3F9F] =	sst s3  }
0xc: {  	[smem:$0x3FA0] =	sst s4  }
0xd: {  	[smem:$0x3FA1] =	sst s5  }
0xe: {  	[smem:$0x3FA2] =	sst s6  }
0xf: {  	[smem:$0x3FA3] =	sst s7  }
0x10: {  	[smem:$0x3FA4] =	sst s8  }
0x11: {  	[smem:$0x3FA5] =	sst s9;
	s0 =	simm.s32 @!p0 $0x0  }
0x12: {  	s1 =	sld [smem:$0x3F8B];
	s0 =	simm.s32 @p0 $0x1  }
0x13: {  	[smem:$0x3FA6] =	sst s0;
	s0 =	simm.s32 @!p1 $0x0  }
0x14: {  	s2 =	sld [smem:$0x3F8A];
	s0 =	simm.s32 @p1 $0x1  }
0x15: {  	[smem:$0x3FA7] =	sst s0;
	s0 =	simm.s32 @!p2 $0x0  }
0x16: {  	s3 =	sld [smem:$0x3FDB];
	s0 =	simm.s32 @p2 $0x1  }
0x17: {  	s4 =	simm.s32 $0x1BF5;
	[smem:$0x3FA9] =	sst s0  }
0x18: {  	s0 =	sld [smem:$0x3F8C];
	_ =	swait.ge [sflag:s4], $0x0  }
0x19: {  	s7 =	sld [smem:$0x3F8D]  }
0x1a: {  	s8 =	sadd.s32 $0xFFFFE003, lr  }
0x1b: {  	s9 =	sadd.s32 $0xFFFFFEF7, lr;
	s5 =	simm.s32 $0xFFFFFFFF;
	p2 =	slt.u32 s8, $0xFFFFF086  }
0x1c: {  	p1 =	slt.u32 s9, $0xF7A;
	s5 =	simm.s32 @!p2 $0x0  }
0x1d: {  	s5 =	simm.s32 @p1 $0x1;
	p0 =	seq.s32 s7, s2  }
0x1e: {  	s7 =	smul.u32 @!p0 $0xF7A, s2;
	p2 =	seq.s32 @!p0 s5, $0x0  }
0x1f: {  	s9 =	smul.u32 $0xF7A, s1;
	s8 =	simm.s32 @!p0 $0x1BF5;
	p2 =	por !p2, p0  }
0x20: {  	[sflag:s8] =	ssyncset.s32 @!p0 $0xFFFFF086;
	s6 =	sadd.s32 @!p0 s3, s7;
	s7 =	simm.s32 @!p0 $0x108  }
0x21: {  	s3 =	sadd.s32 s3, s9;
	s6 =	sadd.s32 @!p0 $0x88, s6;
	s7 =	simm.s32 @p2 $0x1082  }
0x22: {  	[simem:s7], [sflag:s8] =	dma.local @!p0 [hbm:s6], $0xF7A  }
0x23: {  	s9 =	sor.u32 $0xD0000000, s2;
	s6 =	simm.s32 $0x108;
	_ =	swait.ge @!p0 [sflag:s8], $0x0  }
0x24: {  	s3 =	sadd.s32 $0x88, s3;
	s6 =	simm.s32 @!p1 $0x1082;
	[sflag:s4] =	ssyncset.s32 $0xFFFFF086  }
0x25: {  	[simem:s6], [sflag:s4] =	dma.local [hbm:s3], $0xF7A  }
0x26: {  	[smem:$0x3F8D] =	sst s1;
	(tag) =	ssettag s2;
	_ =	strace s9  }
0x27: {  	s1 =	sld [smem:$0x3F9D]  }
0x28: {  	s2 =	sld [smem:$0x3F9E]  }
0x29: {  	s4 =	sld [smem:$0x3FA0]  }
0x2a: {  	p0 =	seq.s32 s5, $0x0;
	s5 =	sld [smem:$0x3FA1]  }
0x2b: {  	s6 =	sld [smem:$0x3FA2]  }
0x2c: {  	s7 =	sld [smem:$0x3FA3]  }
0x2d: {  	s3 =	simm.s32 $0x108;
	s8 =	sld [smem:$0x3FA4]  }
0x2e: {  	s3 =	simm.s32 @!p0 $0x1082;
	s9 =	sld [smem:$0x3FA5]  }
0x2f: {  	lr =	sadd.s32 s0, s3;
	s0 =	sld [smem:$0x3F9C]  }
0x30: {  	s3 =	sld [smem:$0x3F9F]  }
0x31: {  	[smem:$0x3FA8] =	sst s10  }
0x32: {  	s10 =	sld [smem:$0x3FA6];
	_ =	sdelay $0x3  }
0x33: {  	p0 =	seq.s32 s10, $0x1;
	s10 =	sld [smem:$0x3FA8];
	_ =	sdelay $0x3  }
0x34: {  	[smem:$0x3FA8] =	sst s10  }
0x35: {  	s10 =	sld [smem:$0x3FA7];
	_ =	sdelay $0x3  }
0x36: {  	p1 =	seq.s32 s10, $0x1;
	s10 =	sld [smem:$0x3FA8];
	_ =	sdelay $0x3  }
0x37: {  	[smem:$0x3FA8] =	sst s10  }
0x38: {  	s10 =	sld [smem:$0x3FA9]  }
0x39: {  	_ = 	snop;
	(pc) =	sbr.ind lr, $3  }
0x3a: {  	_ = 	snop  }
0x3b: {  	_ = 	snop  }
0x3c: {  	p2 =	seq.s32 s10, $0x1;
	s10 =	sld [smem:$0x3FA8]  }
0x3d: {  	_ =	shalt  }
0x3e: {  	_ =	shalt  }
0x3f: {  	_ =	shalt  }
0x40: {  	_ =	shalt  }
0x41: {  	_ =	shalt  }
0x42: {  	_ =	shalt  }
0x43: {  	_ =	shalt  }
0x44: {  	_ =	shalt  }
0x45: {  	_ =	shalt  }
0x46: {  	_ =	shalt  }
0x47: {  	_ =	shalt  }
0x48: {  	_ =	shalt  }
0x49: {  	_ =	shalt  }
0x4a: {  	_ =	shalt  }
0x4b: {  	_ =	shalt  }
0x4c: {  	_ =	shalt  }
0x4d: {  	_ =	shalt  }
0x4e: {  	_ =	shalt  }
0x4f: {  	_ =	shalt  }
0x50: {  	_ =	shalt  }
0x51: {  	_ =	shalt  }
0x52: {  	_ =	shalt  }
0x53: {  	_ =	shalt  }
0x54: {  	_ =	shalt  }
0x55: {  	_ =	shalt  }
0x56: {  	_ =	shalt  }
0x57: {  	_ =	shalt  }
0x58: {  	_ =	shalt  }
0x59: {  	_ =	shalt  }
0x5a: {  	_ =	shalt  }
0x5b: {  	_ =	shalt  }
0x5c: {  	_ =	shalt  }
0x5d: {  	_ =	shalt  }
0x5e: {  	_ =	shalt  }
0x5f: {  	_ =	shalt  }
0x60: {  	_ =	shalt  }
0x61: {  	_ =	shalt  }
0x62: {  	_ =	shalt  }
0x63: {  	_ =	shalt  }
0x64: {  	_ =	shalt  }
0x65: {  	_ =	shalt  }
0x66: {  	_ =	shalt  }
0x67: {  	_ =	shalt  }
0x68: {  	_ =	shalt  }
0x69: {  	_ =	shalt  }
0x6a: {  	_ =	shalt  }
0x6b: {  	_ =	shalt  }
0x6c: {  	_ =	shalt  }
0x6d: {  	_ =	shalt  }
0x6e: {  	_ =	shalt  }
0x6f: {  	_ =	shalt  }
0x70: {  	_ =	shalt  }
0x71: {  	_ =	shalt  }
0x72: {  	_ =	shalt  }
0x73: {  	_ =	shalt  }
0x74: {  	_ =	shalt  }
0x75: {  	_ =	shalt  }
0x76: {  	_ =	shalt  }
0x77: {  	_ =	shalt  }
0x78: {  	_ =	shalt  }
0x79: {  	_ =	shalt  }
0x7a: {  	_ =	shalt  }
0x7b: {  	_ =	shalt  }
0x7c: {  	_ =	shalt  }
0x7d: {  	_ =	shalt  }
0x7e: {  	_ =	shalt  }
0x7f: {  	_ =	shalt  }
0x80: {  	_ =	shalt  }
0x81: {  	_ =	shalt  }
0x82: {  	_ =	shalt  }
0x83: {  	_ =	shalt  }
0x84: {  	_ =	shalt  }
0x85: {  	_ =	shalt  }
0x86: {  	_ =	shalt  }
0x87: {  	_ =	shalt  }
.Lfunc_end0:
.L_simem_size_0:
called_computation.3_lowered:
.L_overlay_start_0:
0x88: {  	s2 =	sld [smem:$0x3FD9]  }
0x89: {  	s3 =	sld [smem:$0x3FFE];
	_ =	sdelay $0x1  }
0x8a: {  	s1 =	srdreg.scid  }
0x8b: {  	s0 =	sand.u32 $0x1, s1  }
0x8c: {  	s16 =	sshll.u32 s0, $0xA;
	s2 =	sadd.s32 s3, s2  }
0x8d: {  	s2 =	sadd.s32 s2, s16  }
0x8e: {  	[smem:$0x3FB4] =	sst s2  }
0x8f: {  	_ = 	snop  }
0x90: {  	(tm) =	ssettm $0x1  }
0x91: {  	s17 =	sld [smem:$0x3FFB];
	_ =	sdelay $0x3  }
0x92: {  	_ =	strace s17  }
0x93: {  	s2 =	sld [smem:$0x3FFC];
	_ =	sdelay $0x3  }
0x94: {  	_ =	strace s2  }
0x95: {  	s2 =	sld [smem:$0x3FFD];
	_ =	sdelay $0x3  }
0x96: {  	_ =	strace s2  }
0x97: {  	_ =	strace $0x8FFFFFFF  }
0x98: {  	s18 =	sld [smem:$0x3FDB];
	_ =	sdelay $0x1  }
0x99: {  	s19 =	simm.s32 $_scs_section_size  }
0x9a: {  	s4 =	simm.s32 $_size__tile_overlayer_lowered;
	s5 =	simm.s32 $_tile_overlayer_lowered  }
0x9b: {  	s22 =	simm.s32 $0x1BFF;
	s21 =	sshll.u32 s5, $0x1;
	s2 =	sadd.s32 s19, s18  }
0x9c: {  	s6 =	simm.s32 $0x0;
	s20 =	sshll.u32 s4, $0x1;
	s4 =	sadd.s32 s21, s2  }
0x9d: {  	[timem:s6], [sflag:s22] =	dma.local [hbm:s4], s20  }
0x9e: {  	_ =	swait.ge [sflag:s22], s20  }
0x9f: {  	s3 =	ssub.s32 $0x0, s20;
	[sflag:s22] =	ssyncset.done $0x0  }
0xa0: {  	[sflag:s22] =	ssyncadd.s32 s3;
	_ =	sdelay $0x1  }
0xa1: {  	s23 =	simm.s32 $0x1B8B  }
0xa2: {  	_ =	swait.ge [sflag:s23], $0x1  }
0xa3: {  	[sflag:s23] =	ssyncset.done $0x0  }
0xa4: {  	s25 =	simm.s32 $0x1B8E;
	s24 =	sld [smem:$0x3FFE];
	[sflag:s23] =	ssyncadd.s32 $0xFFFFFFFF  }
0xa5: {  	s26 =	simm.s32 $execute0_lowered;
	[smem:$0x3FD2] =	sst s25  }
0xa6: {  	s4 =	sshll.u32 s26, $0x1;
	_ =	strace $0x8000004F;
	[dreg:$0x1] =	wrdreg $0xFFFFFFFF  }
0xa7: {  	s28 =	simm.s32 $_size_execute0_lowered;
	s2 =	sadd.s32 s2, s4;
	[dreg:$0x0] =	wrdreg $0x0  }
0xa8: {  	s4 =	sshll.u32 s28, $0x1;
	[dreg:$0x2] =	wrdreg s2  }
0xa9: {  	[dreg:$0x3] =	wrdreg s4  }
0xaa: {  	[dreg:$0x4] =	wrdreg $0xC0  }
0xab: {  	_ =	task [dreg:s6], $0x5FFFF  }
0xac: {  	[dreg:$0x1] =	wrdreg $0xFFFFFFFF  }
0xad: {  	[dreg:$0x0] =	wrdreg $0x60  }
0xae: {  	[dreg:$0x2] =	wrdreg s24  }
0xaf: {  	[dreg:$0x3] =	wrdreg $0x70000  }
0xb0: {  	[dreg:$0x4] =	wrdreg $0x9  }
0xb1: {  	_ =	task.clear_ibuf [dreg:s6], $0x5FFFF;
	_ =	strace $0x9000004F  }
0xb2: {  	s29 =	simm.s32 $0x9;
	_ =	strace $0x80000051  }
0xb3: {  	_ =	swait.ge [sflag:s29], $0x1  }
0xb4: {  	[sflag:s29] =	ssyncadd.s32 $0xFFFFFFFF  }
0xb5: {  	_ =	strace $0x90000051  }
0xb6: {  	_ =	sfence  }
0xb7: {  	s30 =	sld [smem:$0x0];
	_ =	sdelay $0x2  }
0xb8: {  	s31 =	sshll.u32 s1, $0xD;
	s1 =	sshrl.u32 s1, $0x2  }
0xb9: {  	s3 =	sand.u32 $0x4000, s31;
	s1 =	sadd.s32 s1, s30  }
0xba: {  	s0 =	sor.u32 s3, s0;
	s1 =	sshll.u32 s1, $0x11  }
0xbb: {  	s0 =	sor.u32 s1, s0  }
0xbc: {  	s0 =	sadd.s32 $0x8F2B, s0  }
0xbd: {  	[sflag:s0] =	ssyncadd.remote.s32 $0x1  }
0xbe: {  	_ =	sfence.sel $0xFFFF  }
0xbf: {  	[dreg:$0x0] =	wrdreg $0xFFFFFFFF;
	(pc) =	sbr.abs _section_cstart, $3  }
0xc0: {  	[dreg:$0x1] =	wrdreg $0xFFFFFFFF  }
0xc1: {  	_ =	task.clear_ibuf [dreg:s6], $0x2FFFF;
	_ =	strace $0x9FFFFFFF  }
0xc2: {  	(tm) =	ssettm $0x7FFFFFFF  }
0xc3: {  	_ =	shalt  }
tec
execute0_lowered:
.L_overlay_start_1:
0x0: {  	(tag) =	ssettag $0x1  }
0x1: {  	s0 =	rddreg [dreg:$0x0]  }
0x2: {  	s2 =	rddreg [dreg:$0x1];
	s3 =	simm.s32 $0x0  }
0x3: {  	s1 =	stileid.u32;
	s4 =	srdreg.scid;
	s16 =	simm.s32 $0x200  }
0x4: {  	s17 =	simm.s32 $0x1000;
	s18 =	simm.s32 $0x3000;
	s19 =	simm.s32 $0x400  }
0x5: {  	s20 =	simm.s32 $0x5000;
	s21 =	simm.s32 $0xA00;
	s22 =	simm.s32 $0x2  }
0x6: {  	s23 =	simm.s32 $0x600;
	s26 =	simm.s32 $0xC00;
	s28 =	simm.s32 $0xE00  }
0x7: {  	s29 =	simm.s32 $0x0;
	[smem:$0x7FF] =	sst s3;
	s13 =	smul.u32 $0x3100, s1  }
0x8: {  	s8 =	sadd.s32 $0x67000, s0;
	s4 =	sand.u32 $0x1, s4;
	s5 =	smul.u32 $0x18800, s1  }
0x9: {  	s11 =	sadd.s32 $0x12B000, s0;
	s30 =	sshll.u32 s1, $0x6;
	s9 =	smul.u32 $0x62000, s4  }
0xa: {  	_ =	strace $0x80000050;
	s6 =	ssub.s32 $0x2, s4;
	s12 =	smul.u32 $0x310000, s4  }
0xb: {  	s10 =	sadd.s32 s13, s0;
	s7 =	sshrl.u32 s6, $0x1;
	s15 =	sadd.s32 s5, s2  }
0xc: {  	s5 =	sshrl.u32 s5, $0x3;
	s0 =	sadd.s32 $0x36000, s0;
	s14 =	ssub.s32 s6, s7  }
0xd: {  	s4 =	sadd.s32 s8, s9;
	s12 =	sshrl.u32 s12, $0x3;
	s7 =	sor.u32 $0x1C03, s30  }
0xe: {  	s24 =	sadd.s32 s11, s9;
	s10 =	sadd.s32 $0x5000, s10;
	s13 =	sadd.s32 s0, s13  }
0xf: {  	s31 =	sadd.s32 s5, s4;
	s12 =	sadd.s32 $0x31000, s12;
	s9 =	smax.u32 s14, $0x1  }
0x10: {  	s14 =	simm.s32 $0x800;
	s24 =	sadd.s32 s5, s24;
	[dreg:$0x3] =	wrdreg s31  }
0x11: {  	s8 =	sadd.s32 s8, s12;
	s25 =	sadd.s32 s11, s12;
	s11 =	sshrl.u32 s15, $0x3  }
0x12: {  	s12 =	simm.s32 $0x3;
	s15 =	simm.s32 $0x1;
	s25 =	sadd.s32 s5, s25  }
.LBB2_1:
0x13: {  	s0 =	rddreg [dreg:$0x3]  }
0x14: {  	[spmem:s11], [sflag:s7] =	dma.local [hbm:s0], $0x3100  }
0x15: {  	_ =	swait.ge [sflag:s12], $0x3100  }
0x16: {  	[sflag:s12] =	ssyncset.done $0x0  }
0x17: {  	[sflag:s12] =	ssyncadd.s32 $0xFFFFCF00  }
0x18: {  	s1 =	sadd.s32 $0x0, s10;
	[bflag:$0x0] =	sbarrier.arrive $0xFFFF  }
0x19: {  	[tilespmem:s3], [sflag:$0x1] =	stream.linear.gather [hbm4b:s1+s3], $0x800, $0x38;
	[tilespmem:$0x1F800] =	vst v63  }
0x1a: {  	s6 =	sadd.s32 $0x0, s13  }
0x1b: {  	[tilespmem:s14], [sflag:$0x1] =	stream.linear.gather [hbm4b:s6+s3], $0x800, $0x38;
	[tilespmem:$0x1F800] =	vst v63  }
0x1c: {  	_ =	swait.ge [sflag:s15], $0x800  }
0x1d: {  	[sflag:s15] =	ssyncset.done $0x0  }
0x1e: {  	[sflag:s15] =	ssyncadd.s32 $0xFFFFF800  }
0x1f: {  	_ =	swait.ge [sflag:s15], $0x800  }
0x20: {  	[sflag:s15] =	ssyncset.done $0x0  }
0x21: {  	[sflag:s15] =	ssyncadd.s32 $0xFFFFF800  }
0x22: {  	[tilespmem:s17], [sflag:$0x1] =	stream.indirect.gather [hbm4b:s4+s16], $0x10, s3, s16, $0xb8;
	[tilespmem:$0x1F800] =	vst v63  }
0x23: {  	_ = 	snop  }
0x24: {  	[tilespmem:s18], [sflag:$0x1] =	stream.indirect.gather [hbm4b:s4+s16], $0x10, s16, s16, $0xb8;
	[tilespmem:$0x1F800] =	vst v63  }
0x25: {  	_ =	swait.ge [sflag:s15], $0x2000  }
0x26: {  	[sflag:s15] =	ssyncset.done $0x0  }
0x27: {  	[sflag:s15] =	ssyncadd.s32 $0xFFFFE000  }
0x28: {  	[spmem:s2] =	stream.indirect.scatter.add.f32 [tilespmem:s17], [sflag:$0x2], $0x10, s14, s16, $0xb8;
	[tilespmem:$0x1F800] =	vst v63  }
0x29: {  	_ = 	snop  }
0x2a: {  	[tilespmem:s20], [sflag:$0x1] =	stream.indirect.gather [hbm4b:s4+s16], $0x10, s19, s16, $0xb8;
	[tilespmem:$0x1F800] =	vst v63  }
0x2b: {  	_ =	swait.ge [sflag:s15], $0x2000  }
0x2c: {  	[sflag:s15] =	ssyncset.done $0x0  }
0x2d: {  	[sflag:s15] =	ssyncadd.s32 $0xFFFFE000  }
0x2e: {  	[spmem:s2] =	stream.indirect.scatter.add.f32 [tilespmem:s18], [sflag:$0x2], $0x10, s21, s16, $0xb8;
	[tilespmem:$0x1F800] =	vst v63  }
0x2f: {  	_ =	swait.ge [sflag:s22], $0x2000  }
0x30: {  	[sflag:s22] =	ssyncset.done $0x0  }
0x31: {  	[sflag:s22] =	ssyncadd.s32 $0xFFFFE000  }
0x32: {  	[tilespmem:s17], [sflag:$0x1] =	stream.indirect.gather [hbm4b:s4+s16], $0x10, s23, s16, $0xb8;
	[tilespmem:$0x1F800] =	vst v63  }
0x33: {  	_ =	swait.ge [sflag:s15], $0x2000  }
0x34: {  	[sflag:s15] =	ssyncset.done $0x0  }
0x35: {  	[sflag:s15] =	ssyncadd.s32 $0xFFFFE000  }
0x36: {  	[spmem:s2] =	stream.indirect.scatter.add.f32 [tilespmem:s20], [sflag:$0x2], $0x10, s26, s16, $0xb8;
	[tilespmem:$0x1F800] =	vst v63  }
0x37: {  	_ =	swait.ge [sflag:s15], $0x2000  }
0x38: {  	[sflag:s15] =	ssyncset.done $0x0  }
0x39: {  	[sflag:s15] =	ssyncadd.s32 $0xFFFFE000  }
0x3a: {  	[spmem:s2] =	stream.indirect.scatter.add.f32 [tilespmem:s17], [sflag:$0x2], $0x10, s28, s16, $0xb8;
	[tilespmem:$0x1F800] =	vst v63  }
0x3b: {  	_ =	swait.ge [sflag:s22], $0x2000  }
0x3c: {  	[sflag:s22] =	ssyncset.done $0x0  }
0x3d: {  	[sflag:s22] =	ssyncadd.s32 $0xFFFFE000  }
0x3e: {  	_ =	swait.ge [sflag:s22], $0x2000  }
0x3f: {  	[sflag:s22] =	ssyncset.done $0x0  }
0x40: {  	[sflag:s22] =	ssyncadd.s32 $0xFFFFE000  }
0x41: {  	_ =	swait.ge [sflag:s22], $0x2000  }
0x42: {  	s30 =	simm.s32 $0x100;
	s31 =	simm.s32 $0x200;
	[sflag:s22] =	ssyncset.done $0x0  }
.LBB2_2:
0x43: {  	s1 =	sadd.s32 s30, s10  }
0x44: {  	[sflag:s22] =	ssyncadd.s32 $0xFFFFE000;
	s6 =	smov.u32 s31;
	s0 =	sadd.s32 $0x100, s31  }
0x45: {  	[tilespmem:s3], [sflag:$0x1] =	stream.linear.gather [hbm4b:s1+s3], $0x800, $0x38;
	[tilespmem:$0x1F800] =	vst v63  }
0x46: {  	p0 =	sne.s32 s31, $0x3000;
	s1 =	sadd.s32 s30, s13;
	s30 =	smov.u32 s6  }
0x47: {  	[tilespmem:s14], [sflag:$0x1] =	stream.linear.gather [hbm4b:s1+s3], $0x800, $0x38;
	[tilespmem:$0x1F800] =	vst v63  }
0x48: {  	_ =	swait.ge [sflag:s15], $0x800  }
0x49: {  	[sflag:s15] =	ssyncset.done $0x0  }
0x4a: {  	[sflag:s15] =	ssyncadd.s32 $0xFFFFF800  }
0x4b: {  	_ =	swait.ge [sflag:s15], $0x800  }
0x4c: {  	[sflag:s15] =	ssyncset.done $0x0  }
0x4d: {  	[sflag:s15] =	ssyncadd.s32 $0xFFFFF800  }
0x4e: {  	[tilespmem:s17], [sflag:$0x1] =	stream.indirect.gather [hbm4b:s4+s16], $0x10, s3, s16, $0xb8;
	[tilespmem:$0x1F800] =	vst v63  }
0x4f: {  	_ = 	snop  }
0x50: {  	[tilespmem:s18], [sflag:$0x1] =	stream.indirect.gather [hbm4b:s4+s16], $0x10, s16, s16, $0xb8;
	[tilespmem:$0x1F800] =	vst v63  }
0x51: {  	_ =	swait.ge [sflag:s15], $0x2000  }
0x52: {  	[sflag:s15] =	ssyncset.done $0x0  }
0x53: {  	[sflag:s15] =	ssyncadd.s32 $0xFFFFE000  }
0x54: {  	[spmem:s2] =	stream.indirect.scatter.add.f32 [tilespmem:s17], [sflag:$0x2], $0x10, s14, s16, $0xb8;
	[tilespmem:$0x1F800] =	vst v63  }
0x55: {  	_ = 	snop  }
0x56: {  	[tilespmem:s20], [sflag:$0x1] =	stream.indirect.gather [hbm4b:s4+s16], $0x10, s19, s16, $0xb8;
	[tilespmem:$0x1F800] =	vst v63  }
0x57: {  	_ =	swait.ge [sflag:s15], $0x2000  }
0x58: {  	[sflag:s15] =	ssyncset.done $0x0  }
0x59: {  	[sflag:s15] =	ssyncadd.s32 $0xFFFFE000  }
0x5a: {  	[spmem:s2] =	stream.indirect.scatter.add.f32 [tilespmem:s18], [sflag:$0x2], $0x10, s21, s16, $0xb8;
	[tilespmem:$0x1F800] =	vst v63  }
0x5b: {  	_ =	swait.ge [sflag:s22], $0x2000  }
0x5c: {  	[sflag:s22] =	ssyncset.done $0x0  }
0x5d: {  	[sflag:s22] =	ssyncadd.s32 $0xFFFFE000  }
0x5e: {  	[tilespmem:s17], [sflag:$0x1] =	stream.indirect.gather [hbm4b:s4+s16], $0x10, s23, s16, $0xb8;
	[tilespmem:$0x1F800] =	vst v63  }
0x5f: {  	_ =	swait.ge [sflag:s15], $0x2000  }
0x60: {  	[sflag:s15] =	ssyncset.done $0x0  }
0x61: {  	[sflag:s15] =	ssyncadd.s32 $0xFFFFE000  }
0x62: {  	[spmem:s2] =	stream.indirect.scatter.add.f32 [tilespmem:s20], [sflag:$0x2], $0x10, s26, s16, $0xb8;
	[tilespmem:$0x1F800] =	vst v63  }
0x63: {  	_ =	swait.ge [sflag:s15], $0x2000  }
0x64: {  	[sflag:s15] =	ssyncset.done $0x0  }
0x65: {  	[sflag:s15] =	ssyncadd.s32 $0xFFFFE000  }
0x66: {  	[spmem:s2] =	stream.indirect.scatter.add.f32 [tilespmem:s17], [sflag:$0x2], $0x10, s28, s16, $0xb8;
	[tilespmem:$0x1F800] =	vst v63  }
0x67: {  	_ =	swait.ge [sflag:s22], $0x2000  }
0x68: {  	[sflag:s22] =	ssyncset.done $0x0  }
0x69: {  	[sflag:s22] =	ssyncadd.s32 $0xFFFFE000  }
.Ltmp0:
0x6a: {  	_ =	swait.ge [sflag:s22], $0x2000;
	(pc) =	sbr.rel @p0 .LBB2_2-.Ltmp0, $4  }
0x6b: {  	[sflag:s22] =	ssyncset.done $0x0  }
0x6c: {  	[sflag:s22] =	ssyncadd.s32 $0xFFFFE000  }
0x6d: {  	_ =	swait.ge [sflag:s22], $0x2000  }
0x6e: {  	s31 =	smov.u32 s0;
	[sflag:s22] =	ssyncset.done $0x0  }
0x6f: {  	s0 =	sadd.s32 s30, s10;
	[sflag:s22] =	ssyncadd.s32 $0xFFFFE000  }
0x70: {  	[tilespmem:s3], [sflag:$0x1] =	stream.linear.gather [hbm4b:s0+s3], $0x800, $0x38;
	[tilespmem:$0x1F800] =	vst v63  }
0x71: {  	s31 =	sadd.s32 s30, s13  }
0x72: {  	[tilespmem:s14], [sflag:$0x1] =	stream.linear.gather [hbm4b:s31+s3], $0x800, $0x38;
	[tilespmem:$0x1F800] =	vst v63  }
0x73: {  	_ =	swait.ge [sflag:s15], $0x800  }
0x74: {  	[sflag:s15] =	ssyncset.done $0x0  }
0x75: {  	[sflag:s15] =	ssyncadd.s32 $0xFFFFF800  }
0x76: {  	_ =	swait.ge [sflag:s15], $0x800  }
0x77: {  	[sflag:s15] =	ssyncset.done $0x0  }
0x78: {  	[sflag:s15] =	ssyncadd.s32 $0xFFFFF800  }
0x79: {  	[tilespmem:s17], [sflag:$0x1] =	stream.indirect.gather [hbm4b:s4+s16], $0x10, s3, s16, $0xb8;
	[tilespmem:$0x1F800] =	vst v63  }
0x7a: {  	_ = 	snop  }
0x7b: {  	[tilespmem:s18], [sflag:$0x1] =	stream.indirect.gather [hbm4b:s4+s16], $0x10, s16, s16, $0xb8;
	[tilespmem:$0x1F800] =	vst v63  }
0x7c: {  	_ =	swait.ge [sflag:s15], $0x2000  }
0x7d: {  	[sflag:s15] =	ssyncset.done $0x0  }
0x7e: {  	[sflag:s15] =	ssyncadd.s32 $0xFFFFE000  }
0x7f: {  	[spmem:s2] =	stream.indirect.scatter.add.f32 [tilespmem:s17], [sflag:$0x2], $0x10, s14, s16, $0xb8;
	[tilespmem:$0x1F800] =	vst v63  }
0x80: {  	_ = 	snop  }
0x81: {  	[tilespmem:s20], [sflag:$0x1] =	stream.indirect.gather [hbm4b:s4+s16], $0x10, s19, s16, $0xb8;
	[tilespmem:$0x1F800] =	vst v63  }
0x82: {  	_ =	swait.ge [sflag:s15], $0x2000  }
0x83: {  	[sflag:s15] =	ssyncset.done $0x0  }
0x84: {  	[sflag:s15] =	ssyncadd.s32 $0xFFFFE000  }
0x85: {  	[spmem:s2] =	stream.indirect.scatter.add.f32 [tilespmem:s18], [sflag:$0x2], $0x10, s21, s16, $0xb8;
	[tilespmem:$0x1F800] =	vst v63  }
0x86: {  	_ =	swait.ge [sflag:s22], $0x2000  }
0x87: {  	[sflag:s22] =	ssyncset.done $0x0  }
0x88: {  	[sflag:s22] =	ssyncadd.s32 $0xFFFFE000  }
0x89: {  	[tilespmem:s17], [sflag:$0x1] =	stream.indirect.gather [hbm4b:s4+s16], $0x10, s23, s16, $0xb8;
	[tilespmem:$0x1F800] =	vst v63  }
0x8a: {  	_ =	swait.ge [sflag:s15], $0x2000  }
0x8b: {  	[sflag:s15] =	ssyncset.done $0x0  }
0x8c: {  	[sflag:s15] =	ssyncadd.s32 $0xFFFFE000  }
0x8d: {  	[spmem:s2] =	stream.indirect.scatter.add.f32 [tilespmem:s20], [sflag:$0x2], $0x10, s26, s16, $0xb8;
	[tilespmem:$0x1F800] =	vst v63  }
0x8e: {  	_ =	swait.ge [sflag:s15], $0x2000  }
0x8f: {  	[sflag:s15] =	ssyncset.done $0x0  }
0x90: {  	[sflag:s15] =	ssyncadd.s32 $0xFFFFE000  }
0x91: {  	[spmem:s2] =	stream.indirect.scatter.add.f32 [tilespmem:s17], [sflag:$0x2], $0x10, s28, s16, $0xb8;
	[tilespmem:$0x1F800] =	vst v63  }
0x92: {  	_ =	swait.ge [sflag:s22], $0x2000  }
0x93: {  	[sflag:s22] =	ssyncset.done $0x0  }
0x94: {  	[sflag:s22] =	ssyncadd.s32 $0xFFFFE000  }
0x95: {  	_ =	swait.ge [sflag:s22], $0x2000  }
0x96: {  	[sflag:s22] =	ssyncset.done $0x0  }
0x97: {  	[sflag:s22] =	ssyncadd.s32 $0xFFFFE000  }
0x98: {  	_ =	swait.ge [sflag:s22], $0x2000  }
0x99: {  	[sflag:s22] =	ssyncset.done $0x0  }
0x9a: {  	[sflag:s22] =	ssyncadd.s32 $0xFFFFE000  }
0x9b: {  	[bflag:$0x0] =	sbarrier.arrive $0xFFFF  }
0x9c: {  	[hbm:s24], [sflag:s7] =	dma.local [spmem:s11], $0x3100  }
0x9d: {  	_ =	swait.ge [sflag:s12], $0x3100  }
0x9e: {  	[sflag:s12] =	ssyncset.done $0x0  }
0x9f: {  	[sflag:s12] =	ssyncadd.s32 $0xFFFFCF00  }
0xa0: {  	s1 =	sadd.s32 s5, s8;
	[bflag:$0x0] =	sbarrier.arrive $0xFFFF  }
0xa1: {  	[spmem:s11], [sflag:s7] =	dma.local [hbm:s1], $0x3100  }
0xa2: {  	_ =	swait.ge [sflag:s12], $0x3100  }
0xa3: {  	[sflag:s12] =	ssyncset.done $0x0  }
0xa4: {  	[sflag:s12] =	ssyncadd.s32 $0xFFFFCF00  }
0xa5: {  	s6 =	sadd.s32 $0x0, s10;
	[bflag:$0x0] =	sbarrier.arrive $0xFFFF  }
0xa6: {  	[tilespmem:s3], [sflag:$0x1] =	stream.linear.gather [hbm4b:s6+s3], $0x800, $0x38;
	[tilespmem:$0x1F800] =	vst v63  }
0xa7: {  	s31 =	sadd.s32 $0x0, s13  }
0xa8: {  	[tilespmem:s14], [sflag:$0x1] =	stream.linear.gather [hbm4b:s31+s3], $0x800, $0x38;
	[tilespmem:$0x1F800] =	vst v63  }
0xa9: {  	_ =	swait.ge [sflag:s15], $0x800  }
0xaa: {  	[sflag:s15] =	ssyncset.done $0x0  }
0xab: {  	[sflag:s15] =	ssyncadd.s32 $0xFFFFF800  }
0xac: {  	_ =	swait.ge [sflag:s15], $0x800  }
0xad: {  	[sflag:s15] =	ssyncset.done $0x0  }
0xae: {  	[sflag:s15] =	ssyncadd.s32 $0xFFFFF800  }
0xaf: {  	[tilespmem:s17], [sflag:$0x1] =	stream.indirect.gather [hbm4b:s8+s16], $0x10, s3, s16, $0xb8;
	[tilespmem:$0x1F800] =	vst v63  }
0xb0: {  	_ = 	snop  }
0xb1: {  	[tilespmem:s18], [sflag:$0x1] =	stream.indirect.gather [hbm4b:s8+s16], $0x10, s16, s16, $0xb8;
	[tilespmem:$0x1F800] =	vst v63  }
0xb2: {  	_ =	swait.ge [sflag:s15], $0x2000  }
0xb3: {  	[sflag:s15] =	ssyncset.done $0x0  }
0xb4: {  	[sflag:s15] =	ssyncadd.s32 $0xFFFFE000  }
0xb5: {  	[spmem:s2] =	stream.indirect.scatter.add.f32 [tilespmem:s17], [sflag:$0x2], $0x10, s14, s16, $0xb8;
	[tilespmem:$0x1F800] =	vst v63  }
0xb6: {  	_ = 	snop  }
0xb7: {  	[tilespmem:s20], [sflag:$0x1] =	stream.indirect.gather [hbm4b:s8+s16], $0x10, s19, s16, $0xb8;
	[tilespmem:$0x1F800] =	vst v63  }
0xb8: {  	_ =	swait.ge [sflag:s15], $0x2000  }
0xb9: {  	[sflag:s15] =	ssyncset.done $0x0  }
0xba: {  	[sflag:s15] =	ssyncadd.s32 $0xFFFFE000  }
0xbb: {  	[spmem:s2] =	stream.indirect.scatter.add.f32 [tilespmem:s18], [sflag:$0x2], $0x10, s21, s16, $0xb8;
	[tilespmem:$0x1F800] =	vst v63  }
0xbc: {  	_ =	swait.ge [sflag:s22], $0x2000  }
0xbd: {  	[sflag:s22] =	ssyncset.done $0x0  }
0xbe: {  	[sflag:s22] =	ssyncadd.s32 $0xFFFFE000  }
0xbf: {  	[tilespmem:s17], [sflag:$0x1] =	stream.indirect.gather [hbm4b:s8+s16], $0x10, s23, s16, $0xb8;
	[tilespmem:$0x1F800] =	vst v63  }
0xc0: {  	_ =	swait.ge [sflag:s15], $0x2000  }
0xc1: {  	[sflag:s15] =	ssyncset.done $0x0  }
0xc2: {  	[sflag:s15] =	ssyncadd.s32 $0xFFFFE000  }
0xc3: {  	[spmem:s2] =	stream.indirect.scatter.add.f32 [tilespmem:s20], [sflag:$0x2], $0x10, s26, s16, $0xb8;
	[tilespmem:$0x1F800] =	vst v63  }
0xc4: {  	_ =	swait.ge [sflag:s15], $0x2000  }
0xc5: {  	[sflag:s15] =	ssyncset.done $0x0  }
0xc6: {  	[sflag:s15] =	ssyncadd.s32 $0xFFFFE000  }
0xc7: {  	[spmem:s2] =	stream.indirect.scatter.add.f32 [tilespmem:s17], [sflag:$0x2], $0x10, s28, s16, $0xb8;
	[tilespmem:$0x1F800] =	vst v63  }
0xc8: {  	_ =	swait.ge [sflag:s22], $0x2000  }
0xc9: {  	[sflag:s22] =	ssyncset.done $0x0  }
0xca: {  	[sflag:s22] =	ssyncadd.s32 $0xFFFFE000  }
0xcb: {  	_ =	swait.ge [sflag:s22], $0x2000  }
0xcc: {  	[sflag:s22] =	ssyncset.done $0x0  }
0xcd: {  	[sflag:s22] =	ssyncadd.s32 $0xFFFFE000  }
0xce: {  	_ =	swait.ge [sflag:s22], $0x2000  }
0xcf: {  	s30 =	simm.s32 $0x100;
	s0 =	simm.s32 $0x200;
	[sflag:s22] =	ssyncset.done $0x0  }
.LBB2_4:
0xd0: {  	s1 =	sadd.s32 s30, s10  }
0xd1: {  	[sflag:s22] =	ssyncadd.s32 $0xFFFFE000;
	s6 =	smov.u32 s0;
	s31 =	sadd.s32 $0x100, s0  }
0xd2: {  	[tilespmem:s3], [sflag:$0x1] =	stream.linear.gather [hbm4b:s1+s3], $0x800, $0x38;
	[tilespmem:$0x1F800] =	vst v63  }
0xd3: {  	p0 =	sne.s32 s0, $0x3000;
	s0 =	sadd.s32 s30, s13;
	s30 =	smov.u32 s6  }
0xd4: {  	[tilespmem:s14], [sflag:$0x1] =	stream.linear.gather [hbm4b:s0+s3], $0x800, $0x38;
	[tilespmem:$0x1F800] =	vst v63  }
0xd5: {  	_ =	swait.ge [sflag:s15], $0x800  }
0xd6: {  	[sflag:s15] =	ssyncset.done $0x0  }
0xd7: {  	[sflag:s15] =	ssyncadd.s32 $0xFFFFF800  }
0xd8: {  	_ =	swait.ge [sflag:s15], $0x800  }
0xd9: {  	[sflag:s15] =	ssyncset.done $0x0  }
0xda: {  	[sflag:s15] =	ssyncadd.s32 $0xFFFFF800  }
0xdb: {  	[tilespmem:s17], [sflag:$0x1] =	stream.indirect.gather [hbm4b:s8+s16], $0x10, s3, s16, $0xb8;
	[tilespmem:$0x1F800] =	vst v63  }
0xdc: {  	_ = 	snop  }
0xdd: {  	[tilespmem:s18], [sflag:$0x1] =	stream.indirect.gather [hbm4b:s8+s16], $0x10, s16, s16, $0xb8;
	[tilespmem:$0x1F800] =	vst v63  }
0xde: {  	_ =	swait.ge [sflag:s15], $0x2000  }
0xdf: {  	[sflag:s15] =	ssyncset.done $0x0  }
0xe0: {  	[sflag:s15] =	ssyncadd.s32 $0xFFFFE000  }
0xe1: {  	[spmem:s2] =	stream.indirect.scatter.add.f32 [tilespmem:s17], [sflag:$0x2], $0x10, s14, s16, $0xb8;
	[tilespmem:$0x1F800] =	vst v63  }
0xe2: {  	_ = 	snop  }
0xe3: {  	[tilespmem:s20], [sflag:$0x1] =	stream.indirect.gather [hbm4b:s8+s16], $0x10, s19, s16, $0xb8;
	[tilespmem:$0x1F800] =	vst v63  }
0xe4: {  	_ =	swait.ge [sflag:s15], $0x2000  }
0xe5: {  	[sflag:s15] =	ssyncset.done $0x0  }
0xe6: {  	[sflag:s15] =	ssyncadd.s32 $0xFFFFE000  }
0xe7: {  	[spmem:s2] =	stream.indirect.scatter.add.f32 [tilespmem:s18], [sflag:$0x2], $0x10, s21, s16, $0xb8;
	[tilespmem:$0x1F800] =	vst v63  }
0xe8: {  	_ =	swait.ge [sflag:s22], $0x2000  }
0xe9: {  	[sflag:s22] =	ssyncset.done $0x0  }
0xea: {  	[sflag:s22] =	ssyncadd.s32 $0xFFFFE000  }
0xeb: {  	[tilespmem:s17], [sflag:$0x1] =	stream.indirect.gather [hbm4b:s8+s16], $0x10, s23, s16, $0xb8;
	[tilespmem:$0x1F800] =	vst v63  }
0xec: {  	_ =	swait.ge [sflag:s15], $0x2000  }
0xed: {  	[sflag:s15] =	ssyncset.done $0x0  }
0xee: {  	[sflag:s15] =	ssyncadd.s32 $0xFFFFE000  }
0xef: {  	[spmem:s2] =	stream.indirect.scatter.add.f32 [tilespmem:s20], [sflag:$0x2], $0x10, s26, s16, $0xb8;
	[tilespmem:$0x1F800] =	vst v63  }
0xf0: {  	_ =	swait.ge [sflag:s15], $0x2000  }
0xf1: {  	[sflag:s15] =	ssyncset.done $0x0  }
0xf2: {  	[sflag:s15] =	ssyncadd.s32 $0xFFFFE000  }
0xf3: {  	[spmem:s2] =	stream.indirect.scatter.add.f32 [tilespmem:s17], [sflag:$0x2], $0x10, s28, s16, $0xb8;
	[tilespmem:$0x1F800] =	vst v63  }
0xf4: {  	_ =	swait.ge [sflag:s22], $0x2000  }
0xf5: {  	[sflag:s22] =	ssyncset.done $0x0  }
0xf6: {  	[sflag:s22] =	ssyncadd.s32 $0xFFFFE000  }
.Ltmp1:
0xf7: {  	_ =	swait.ge [sflag:s22], $0x2000;
	(pc) =	sbr.rel @p0 .LBB2_4-.Ltmp1, $4  }
0xf8: {  	[sflag:s22] =	ssyncset.done $0x0  }
0xf9: {  	[sflag:s22] =	ssyncadd.s32 $0xFFFFE000  }
0xfa: {  	_ =	swait.ge [sflag:s22], $0x2000  }
0xfb: {  	s0 =	smov.u32 s31;
	[sflag:s22] =	ssyncset.done $0x0  }
0xfc: {  	s0 =	sadd.s32 s30, s10;
	[sflag:s22] =	ssyncadd.s32 $0xFFFFE000  }
0xfd: {  	[tilespmem:s3], [sflag:$0x1] =	stream.linear.gather [hbm4b:s0+s3], $0x800, $0x38;
	[tilespmem:$0x1F800] =	vst v63  }
0xfe: {  	s31 =	sadd.s32 s30, s13  }
0xff: {  	[tilespmem:s14], [sflag:$0x1] =	stream.linear.gather [hbm4b:s31+s3], $0x800, $0x38;
	[tilespmem:$0x1F800] =	vst v63  }
0x100: {  	_ =	swait.ge [sflag:s15], $0x800  }
0x101: {  	[sflag:s15] =	ssyncset.done $0x0  }
0x102: {  	[sflag:s15] =	ssyncadd.s32 $0xFFFFF800  }
0x103: {  	_ =	swait.ge [sflag:s15], $0x800  }
0x104: {  	[sflag:s15] =	ssyncset.done $0x0  }
0x105: {  	[sflag:s15] =	ssyncadd.s32 $0xFFFFF800  }
0x106: {  	[tilespmem:s17], [sflag:$0x1] =	stream.indirect.gather [hbm4b:s8+s16], $0x10, s3, s16, $0xb8;
	[tilespmem:$0x1F800] =	vst v63  }
0x107: {  	_ = 	snop  }
0x108: {  	[tilespmem:s18], [sflag:$0x1] =	stream.indirect.gather [hbm4b:s8+s16], $0x10, s16, s16, $0xb8;
	[tilespmem:$0x1F800] =	vst v63  }
0x109: {  	_ =	swait.ge [sflag:s15], $0x2000  }
0x10a: {  	[sflag:s15] =	ssyncset.done $0x0  }
0x10b: {  	[sflag:s15] =	ssyncadd.s32 $0xFFFFE000  }
0x10c: {  	[spmem:s2] =	stream.indirect.scatter.add.f32 [tilespmem:s17], [sflag:$0x2], $0x10, s14, s16, $0xb8;
	[tilespmem:$0x1F800] =	vst v63  }
0x10d: {  	_ = 	snop  }
0x10e: {  	[tilespmem:s20], [sflag:$0x1] =	stream.indirect.gather [hbm4b:s8+s16], $0x10, s19, s16, $0xb8;
	[tilespmem:$0x1F800] =	vst v63  }
0x10f: {  	_ =	swait.ge [sflag:s15], $0x2000  }
0x110: {  	[sflag:s15] =	ssyncset.done $0x0  }
0x111: {  	[sflag:s15] =	ssyncadd.s32 $0xFFFFE000  }
0x112: {  	[spmem:s2] =	stream.indirect.scatter.add.f32 [tilespmem:s18], [sflag:$0x2], $0x10, s21, s16, $0xb8;
	[tilespmem:$0x1F800] =	vst v63  }
0x113: {  	_ =	swait.ge [sflag:s22], $0x2000  }
0x114: {  	[sflag:s22] =	ssyncset.done $0x0  }
0x115: {  	[sflag:s22] =	ssyncadd.s32 $0xFFFFE000  }
0x116: {  	[tilespmem:s17], [sflag:$0x1] =	stream.indirect.gather [hbm4b:s8+s16], $0x10, s23, s16, $0xb8;
	[tilespmem:$0x1F800] =	vst v63  }
0x117: {  	_ =	swait.ge [sflag:s15], $0x2000  }
0x118: {  	[sflag:s15] =	ssyncset.done $0x0  }
0x119: {  	[sflag:s15] =	ssyncadd.s32 $0xFFFFE000  }
0x11a: {  	[spmem:s2] =	stream.indirect.scatter.add.f32 [tilespmem:s20], [sflag:$0x2], $0x10, s26, s16, $0xb8;
	[tilespmem:$0x1F800] =	vst v63  }
0x11b: {  	_ =	swait.ge [sflag:s15], $0x2000  }
0x11c: {  	[sflag:s15] =	ssyncset.done $0x0  }
0x11d: {  	[sflag:s15] =	ssyncadd.s32 $0xFFFFE000  }
0x11e: {  	[spmem:s2] =	stream.indirect.scatter.add.f32 [tilespmem:s17], [sflag:$0x2], $0x10, s28, s16, $0xb8;
	[tilespmem:$0x1F800] =	vst v63  }
0x11f: {  	_ =	swait.ge [sflag:s22], $0x2000  }
0x120: {  	[sflag:s22] =	ssyncset.done $0x0  }
0x121: {  	[sflag:s22] =	ssyncadd.s32 $0xFFFFE000  }
0x122: {  	_ =	swait.ge [sflag:s22], $0x2000  }
0x123: {  	[sflag:s22] =	ssyncset.done $0x0  }
0x124: {  	[sflag:s22] =	ssyncadd.s32 $0xFFFFE000  }
0x125: {  	_ =	swait.ge [sflag:s22], $0x2000  }
0x126: {  	s29 =	sadd.s32 $0x1, s29;
	[sflag:s22] =	ssyncset.done $0x0  }
0x127: {  	p0 =	sne.s32 s29, s9;
	[sflag:s22] =	ssyncadd.s32 $0xFFFFE000  }
.Ltmp2:
0x128: {  	[bflag:$0x0] =	sbarrier.arrive $0xFFFF;
	(pc) =	sbr.rel @p0 .LBB2_1-.Ltmp2, $4  }
0x129: {  	[hbm:s25], [sflag:s7] =	dma.local [spmem:s11], $0x3100  }
0x12a: {  	_ =	swait.ge [sflag:s12], $0x3100  }
0x12b: {  	[sflag:s12] =	ssyncset.done $0x0  }
0x12c: {  	[sflag:s12] =	ssyncadd.s32 $0xFFFFCF00  }
0x12d: {  	_ =	sfence.sel $0x180000  }
0x12e: {  	[bflag:$0x0] =	sbarrier.arrive $0xFFFF  }
0x12f: {  	_ =	strace $0x90000050  }
0x130: {  	s0 =	stileid.u32;
	[bflag:$0x2] =	sbarrier.arrive $0xFFFF  }
0x131: {  	p0 =	sne.s32 s0, $0x0;
	s0 =	rddreg [dreg:$0x2]  }
0x132: {  	s0 =	sadd.s32 @!p0 $0x100000, s0  }
0x133: {  	[sflag:s0] =	ssyncadd.tile.s32 @!p0 $0x1;
	_ =	shalt  }
.Lfunc_end2:
_tile_overlayer_lowered:
.L_overlay_start_2:
0x134: {  	(tag) =	ssettag $0x2  }
0x135: {  	s0 =	rddreg [dreg:$0x0];
	s2 =	stileid.u32  }
0x136: {  	s1 =	rddreg [dreg:$0x1];
	p0 =	sne.s32 s2, $0x0  }
0x137: {  	s3 =	rddreg [dreg:$0x2];
	[bflag:$0x3] =	sbarrier.arrive $0xFFFF;
	s2 =	simm.s32 @!p0 $0x1C03  }
0x138: {  	[timem:s3], [sflag:s2] =	dma.local @!p0 [hbm:s0], s1  }
0x139: {  	s0 =	simm.s32 @!p0 $0x3  }
0x13a: {  	_ =	swait.ge @!p0 [sflag:s0], s1  }
0x13b: {  	s1 =	ssub.s32 @!p0 $0x0, s1;
	[sflag:s0] =	ssyncset.done @!p0 $0x0  }
0x13c: {  	[sflag:s0] =	ssyncadd.s32 @!p0 s1  }
0x13d: {  	[bflag:$0x3] =	sbarrier.arrive $0xFFFF  }
0x13e: {  	_ =	shalt  }

// kernel: kernel.25.cloned.1.call-start
scs
__scs_entry_jumppad:
0x0: {  	(pc) =	sbr.rel $0x88, $3  }
0x1: {  	(tag) =	ssettag $0x0;
	lr =	simm.s32 $0x1  }
0x2: {  	[smem:$0x3F8D] =	sst lr;
	_ =	strace $0xD0000000  }
0x3: {  	_ = 	snop  }
0x4: {  	_ = 	snop  }
0x5: {  	_ = 	snop  }
0x6: {  	_ = 	snop  }
0x7: {  	_ = 	snop  }
__scs_overlays_trampoline_lowered:
0x8: {  	[smem:$0x3F9C] =	sst s0  }
0x9: {  	[smem:$0x3F9D] =	sst s1  }
0xa: {  	[smem:$0x3F9E] =	sst s2  }
0xb: {  	[smem:$0x3F9F] =	sst s3  }
0xc: {  	[smem:$0x3FA0] =	sst s4  }
0xd: {  	[smem:$0x3FA1] =	sst s5  }
0xe: {  	[smem:$0x3FA2] =	sst s6  }
0xf: {  	[smem:$0x3FA3] =	sst s7  }
0x10: {  	[smem:$0x3FA4] =	sst s8  }
0x11: {  	[smem:$0x3FA5] =	sst s9;
	s0 =	simm.s32 @!p0 $0x0  }
0x12: {  	s1 =	sld [smem:$0x3F8B];
	s0 =	simm.s32 @p0 $0x1  }
0x13: {  	[smem:$0x3FA6] =	sst s0;
	s0 =	simm.s32 @!p1 $0x0  }
0x14: {  	s2 =	sld [smem:$0x3F8A];
	s0 =	simm.s32 @p1 $0x1  }
0x15: {  	[smem:$0x3FA7] =	sst s0;
	s0 =	simm.s32 @!p2 $0x0  }
0x16: {  	s3 =	sld [smem:$0x3FDB];
	s0 =	simm.s32 @p2 $0x1  }
0x17: {  	s4 =	simm.s32 $0x1BF5;
	[smem:$0x3FA9] =	sst s0  }
0x18: {  	s0 =	sld [smem:$0x3F8C];
	_ =	swait.ge [sflag:s4], $0x0  }
0x19: {  	s7 =	sld [smem:$0x3F8D]  }
0x1a: {  	s8 =	sadd.s32 $0xFFFFE003, lr  }
0x1b: {  	s9 =	sadd.s32 $0xFFFFFEF7, lr;
	s5 =	simm.s32 $0xFFFFFFFF;
	p2 =	slt.u32 s8, $0xFFFFF086  }
0x1c: {  	p1 =	slt.u32 s9, $0xF7A;
	s5 =	simm.s32 @!p2 $0x0  }
0x1d: {  	s5 =	simm.s32 @p1 $0x1;
	p0 =	seq.s32 s7, s2  }
0x1e: {  	s7 =	smul.u32 @!p0 $0xF7A, s2;
	p2 =	seq.s32 @!p0 s5, $0x0  }
0x1f: {  	s9 =	smul.u32 $0xF7A, s1;
	s8 =	simm.s32 @!p0 $0x1BF5;
	p2 =	por !p2, p0  }
0x20: {  	[sflag:s8] =	ssyncset.s32 @!p0 $0xFFFFF086;
	s6 =	sadd.s32 @!p0 s3, s7;
	s7 =	simm.s32 @!p0 $0x108  }
0x21: {  	s3 =	sadd.s32 s3, s9;
	s6 =	sadd.s32 @!p0 $0x88, s6;
	s7 =	simm.s32 @p2 $0x1082  }
0x22: {  	[simem:s7], [sflag:s8] =	dma.local @!p0 [hbm:s6], $0xF7A  }
0x23: {  	s9 =	sor.u32 $0xD0000000, s2;
	s6 =	simm.s32 $0x108;
	_ =	swait.ge @!p0 [sflag:s8], $0x0  }
0x24: {  	s3 =	sadd.s32 $0x88, s3;
	s6 =	simm.s32 @!p1 $0x1082;
	[sflag:s4] =	ssyncset.s32 $0xFFFFF086  }
0x25: {  	[simem:s6], [sflag:s4] =	dma.local [hbm:s3], $0xF7A  }
0x26: {  	[smem:$0x3F8D] =	sst s1;
	(tag) =	ssettag s2;
	_ =	strace s9  }
0x27: {  	s1 =	sld [smem:$0x3F9D]  }
0x28: {  	s2 =	sld [smem:$0x3F9E]  }
0x29: {  	s4 =	sld [smem:$0x3FA0]  }
0x2a: {  	p0 =	seq.s32 s5, $0x0;
	s5 =	sld [smem:$0x3FA1]  }
0x2b: {  	s6 =	sld [smem:$0x3FA2]  }
0x2c: {  	s7 =	sld [smem:$0x3FA3]  }
0x2d: {  	s3 =	simm.s32 $0x108;
	s8 =	sld [smem:$0x3FA4]  }
0x2e: {  	s3 =	simm.s32 @!p0 $0x1082;
	s9 =	sld [smem:$0x3FA5]  }
0x2f: {  	lr =	sadd.s32 s0, s3;
	s0 =	sld [smem:$0x3F9C]  }
0x30: {  	s3 =	sld [smem:$0x3F9F]  }
0x31: {  	[smem:$0x3FA8] =	sst s10  }
0x32: {  	s10 =	sld [smem:$0x3FA6];
	_ =	sdelay $0x3  }
0x33: {  	p0 =	seq.s32 s10, $0x1;
	s10 =	sld [smem:$0x3FA8];
	_ =	sdelay $0x3  }
0x34: {  	[smem:$0x3FA8] =	sst s10  }
0x35: {  	s10 =	sld [smem:$0x3FA7];
	_ =	sdelay $0x3  }
0x36: {  	p1 =	seq.s32 s10, $0x1;
	s10 =	sld [smem:$0x3FA8];
	_ =	sdelay $0x3  }
0x37: {  	[smem:$0x3FA8] =	sst s10  }
0x38: {  	s10 =	sld [smem:$0x3FA9]  }
0x39: {  	_ = 	snop;
	(pc) =	sbr.ind lr, $3  }
0x3a: {  	_ = 	snop  }
0x3b: {  	_ = 	snop  }
0x3c: {  	p2 =	seq.s32 s10, $0x1;
	s10 =	sld [smem:$0x3FA8]  }
0x3d: {  	_ =	shalt  }
0x3e: {  	_ =	shalt  }
0x3f: {  	_ =	shalt  }
0x40: {  	_ =	shalt  }
0x41: {  	_ =	shalt  }
0x42: {  	_ =	shalt  }
0x43: {  	_ =	shalt  }
0x44: {  	_ =	shalt  }
0x45: {  	_ =	shalt  }
0x46: {  	_ =	shalt  }
0x47: {  	_ =	shalt  }
0x48: {  	_ =	shalt  }
0x49: {  	_ =	shalt  }
0x4a: {  	_ =	shalt  }
0x4b: {  	_ =	shalt  }
0x4c: {  	_ =	shalt  }
0x4d: {  	_ =	shalt  }
0x4e: {  	_ =	shalt  }
0x4f: {  	_ =	shalt  }
0x50: {  	_ =	shalt  }
0x51: {  	_ =	shalt  }
0x52: {  	_ =	shalt  }
0x53: {  	_ =	shalt  }
0x54: {  	_ =	shalt  }
0x55: {  	_ =	shalt  }
0x56: {  	_ =	shalt  }
0x57: {  	_ =	shalt  }
0x58: {  	_ =	shalt  }
0x59: {  	_ =	shalt  }
0x5a: {  	_ =	shalt  }
0x5b: {  	_ =	shalt  }
0x5c: {  	_ =	shalt  }
0x5d: {  	_ =	shalt  }
0x5e: {  	_ =	shalt  }
0x5f: {  	_ =	shalt  }
0x60: {  	_ =	shalt  }
0x61: {  	_ =	shalt  }
0x62: {  	_ =	shalt  }
0x63: {  	_ =	shalt  }
0x64: {  	_ =	shalt  }
0x65: {  	_ =	shalt  }
0x66: {  	_ =	shalt  }
0x67: {  	_ =	shalt  }
0x68: {  	_ =	shalt  }
0x69: {  	_ =	shalt  }
0x6a: {  	_ =	shalt  }
0x6b: {  	_ =	shalt  }
0x6c: {  	_ =	shalt  }
0x6d: {  	_ =	shalt  }
0x6e: {  	_ =	shalt  }
0x6f: {  	_ =	shalt  }
0x70: {  	_ =	shalt  }
0x71: {  	_ =	shalt  }
0x72: {  	_ =	shalt  }
0x73: {  	_ =	shalt  }
0x74: {  	_ =	shalt  }
0x75: {  	_ =	shalt  }
0x76: {  	_ =	shalt  }
0x77: {  	_ =	shalt  }
0x78: {  	_ =	shalt  }
0x79: {  	_ =	shalt  }
0x7a: {  	_ =	shalt  }
0x7b: {  	_ =	shalt  }
0x7c: {  	_ =	shalt  }
0x7d: {  	_ =	shalt  }
0x7e: {  	_ =	shalt  }
0x7f: {  	_ =	shalt  }
0x80: {  	_ =	shalt  }
0x81: {  	_ =	shalt  }
0x82: {  	_ =	shalt  }
0x83: {  	_ =	shalt  }
0x84: {  	_ =	shalt  }
0x85: {  	_ =	shalt  }
0x86: {  	_ =	shalt  }
0x87: {  	_ =	shalt  }
.Lfunc_end0:
.L_simem_size_0:
called_computation.4_lowered:
.L_overlay_start_0:
0x88: {  	s2 =	sld [smem:$0x3FD9]  }
0x89: {  	s3 =	sld [smem:$0x3FFE];
	_ =	sdelay $0x1  }
0x8a: {  	s1 =	srdreg.scid  }
0x8b: {  	s0 =	sand.u32 $0x1, s1  }
0x8c: {  	s17 =	sshll.u32 s0, $0xA;
	s2 =	sadd.s32 s3, s2  }
0x8d: {  	s2 =	sadd.s32 s2, s17  }
0x8e: {  	[smem:$0x3FB4] =	sst s2  }
0x8f: {  	_ = 	snop  }
0x90: {  	s2 =	sld [smem:$0x3FC7];
	(tm) =	ssettm $0x1  }
0x91: {  	s18 =	sld [smem:$0x3FFB];
	_ =	sdelay $0x3  }
0x92: {  	_ =	strace s18  }
0x93: {  	s3 =	sld [smem:$0x3FFC];
	_ =	sdelay $0x3  }
0x94: {  	_ =	strace s3  }
0x95: {  	s3 =	sld [smem:$0x3FFD];
	_ =	sdelay $0x3  }
0x96: {  	_ =	strace s3  }
0x97: {  	_ =	strace $0x8FFFFFFF  }
0x98: {  	s19 =	sld [smem:$0x3FDB];
	_ =	sdelay $0x1  }
0x99: {  	s4 =	simm.s32 $_scs_section_size  }
0x9a: {  	s5 =	simm.s32 $_size__tile_overlayer_lowered;
	s6 =	simm.s32 $_tile_overlayer_lowered  }
0x9b: {  	s22 =	simm.s32 $0x1BFF;
	s21 =	sshll.u32 s6, $0x1;
	s3 =	sadd.s32 s4, s19  }
0x9c: {  	s7 =	simm.s32 $0x0;
	s20 =	sshll.u32 s5, $0x1;
	s5 =	sadd.s32 s21, s3  }
0x9d: {  	[timem:s7], [sflag:s22] =	dma.local [hbm:s5], s20  }
0x9e: {  	_ =	swait.ge [sflag:s22], s20  }
0x9f: {  	s4 =	ssub.s32 $0x0, s20;
	[sflag:s22] =	ssyncset.done $0x0  }
0xa0: {  	[sflag:s22] =	ssyncadd.s32 s4;
	_ =	sdelay $0x1  }
0xa1: {  	s23 =	simm.s32 $0x1B8B  }
0xa2: {  	_ =	swait.ge [sflag:s23], $0x1  }
0xa3: {  	[sflag:s23] =	ssyncset.done $0x0  }
0xa4: {  	s25 =	simm.s32 $0x1B8E;
	s24 =	sld [smem:$0x3FFE];
	[sflag:s23] =	ssyncadd.s32 $0xFFFFFFFF  }
0xa5: {  	s26 =	simm.s32 $execute0_lowered;
	[smem:$0x3FD2] =	sst s25  }
0xa6: {  	s5 =	sshll.u32 s26, $0x1;
	_ =	strace $0x80000052;
	[dreg:$0x1] =	wrdreg $0xFFFFFFFF  }
0xa7: {  	s28 =	simm.s32 $_size_execute0_lowered;
	s3 =	sadd.s32 s3, s5;
	[dreg:$0x0] =	wrdreg $0x0  }
0xa8: {  	s5 =	sshll.u32 s28, $0x1;
	[dreg:$0x2] =	wrdreg s3  }
0xa9: {  	[dreg:$0x3] =	wrdreg s5  }
0xaa: {  	[dreg:$0x4] =	wrdreg $0xC0  }
0xab: {  	_ =	task [dreg:s7], $0x5FFFF  }
0xac: {  	[dreg:$0x1] =	wrdreg $0xFFFFFFFF  }
0xad: {  	[dreg:$0x0] =	wrdreg $0x60  }
0xae: {  	[dreg:$0x2] =	wrdreg s24  }
0xaf: {  	[dreg:$0x3] =	wrdreg s2  }
0xb0: {  	[dreg:$0x4] =	wrdreg $0x48800  }
0xb1: {  	[dreg:$0x5] =	wrdreg $0x9  }
0xb2: {  	_ =	task.clear_ibuf [dreg:s7], $0x6FFFF;
	_ =	strace $0x90000052  }
0xb3: {  	s29 =	simm.s32 $0x9;
	_ =	strace $0x80000054  }
0xb4: {  	_ =	swait.ge [sflag:s29], $0x1  }
0xb5: {  	[sflag:s29] =	ssyncadd.s32 $0xFFFFFFFF  }
0xb6: {  	_ =	strace $0x90000054  }
0xb7: {  	_ =	sfence  }
0xb8: {  	s30 =	sld [smem:$0x0];
	_ =	sdelay $0x2  }
0xb9: {  	s31 =	sshll.u32 s1, $0xD;
	s1 =	sshrl.u32 s1, $0x2  }
0xba: {  	s3 =	sand.u32 $0x4000, s31;
	s1 =	sadd.s32 s1, s30  }
0xbb: {  	s0 =	sor.u32 s3, s0;
	s1 =	sshll.u32 s1, $0x11  }
0xbc: {  	s0 =	sor.u32 s1, s0  }
0xbd: {  	s0 =	sadd.s32 $0x8F2B, s0  }
0xbe: {  	[sflag:s0] =	ssyncadd.remote.s32 $0x1  }
0xbf: {  	_ =	sfence.sel $0xFFFF  }
0xc0: {  	[dreg:$0x0] =	wrdreg $0xFFFFFFFF;
	(pc) =	sbr.abs _section_cstart, $3  }
0xc1: {  	[dreg:$0x1] =	wrdreg $0xFFFFFFFF  }
0xc2: {  	_ =	task.clear_ibuf [dreg:s7], $0x2FFFF;
	_ =	strace $0x9FFFFFFF  }
0xc3: {  	(tm) =	ssettm $0x7FFFFFFF  }
tec
execute0_lowered:
.L_overlay_start_1:
0x0: {  	(tag) =	ssettag $0x1  }
0x1: {  	s29 =	rddreg [dreg:$0x0]  }
0x2: {  	s4 =	rddreg [dreg:$0x1]  }
0x3: {  	s1 =	rddreg [dreg:$0x2];
	s3 =	simm.s32 $0x0  }
0x4: {  	s5 =	srdreg.scid;
	v0 =	vimm.f32 $0.0e+00;
	[smem:$0x7FF] =	sst s3  }
0x5: {  	s2 =	stileid.u32;
	s30 =	sand.u32 $0x1, s5;
	_ =	strace $0x80000053;
	[tilespmem:$0x4820] =	vst v0  }
0x6: {  	s12 =	sshll.u32 s2, $0x7;
	s5 =	sshll.u32 s30, $0xB;
	[tilespmem:$0x4830] =	vst v0  }
0x7: {  	s25 =	sadd.s32 $0xCA200, s29;
	[tilespmem:$0x4840] =	vst v0;
	s5 =	sor.u32 s12, s5  }
0x8: {  	s26 =	sadd.s32 $0xCA400, s29;
	[tilespmem:$0x4800] =	vst v0;
	s6 =	sadd.s32 s5, s29;
	s4 =	sadd.s32 s4, s5  }
0x9: {  	[tilespmem:$0x4870] =	vst v0;
	s31 =	sshrl.u32 s5, $0x3;
	[dreg:$0x4] =	wrdreg s4;
	s23 =	sadd.s32 $0xC9000, s6  }
0xa: {  	[tilespmem:$0x4860] =	vst v0;
	s22 =	sadd.s32 s31, s29;
	s5 =	sadd.s32 s31, s25;
	[dreg:$0x5] =	wrdreg s23  }
0xb: {  	[tilespmem:$0x4850] =	vst v0;
	s4 =	sadd.s32 s12, s1;
	s7 =	sadd.s32 s31, s26;
	[dreg:$0x7] =	wrdreg s5  }
0xc: {  	[tilespmem:$0x4810] =	vst v0;
	s6 =	simm.s32 $0x4800;
	s24 =	sadd.s32 $0xCA000, s22;
	[dreg:$0x8] =	wrdreg s7  }
0xd: {  	[spmem:s4] =	stream.linear.scatter [tilespmem:s6], [sflag:$0x3], $0x80, $0x38;
	[tilespmem:$0x4A80] =	vst v63  }
0xe: {  	s5 =	simm.s32 $0x3;
	[dreg:$0x6] =	wrdreg s24  }
0xf: {  	_ =	swait.ge [sflag:s5], $0x80  }
0x10: {  	s7 =	sadd.s32 $0x800, s1;
	[sflag:s5] =	ssyncset.done $0x0  }
0x11: {  	s8 =	sadd.s32 s12, s7;
	[sflag:s5] =	ssyncadd.s32 $0xFFFFFF80  }
0x12: {  	[spmem:s8] =	stream.linear.scatter [tilespmem:s6], [sflag:$0x3], $0x80, $0x38;
	[tilespmem:$0x4A80] =	vst v63  }
0x13: {  	_ =	swait.ge [sflag:s5], $0x80  }
0x14: {  	s9 =	sadd.s32 $0x1000, s1;
	[sflag:s5] =	ssyncset.done $0x0  }
0x15: {  	s10 =	sadd.s32 s12, s9;
	[sflag:s5] =	ssyncadd.s32 $0xFFFFFF80  }
0x16: {  	[spmem:s10] =	stream.linear.scatter [tilespmem:s6], [sflag:$0x3], $0x80, $0x38;
	[tilespmem:$0x4A80] =	vst v63  }
0x17: {  	_ =	swait.ge [sflag:s5], $0x80  }
0x18: {  	s11 =	sadd.s32 $0x1800, s1;
	[sflag:s5] =	ssyncset.done $0x0  }
0x19: {  	s12 =	sadd.s32 s12, s11;
	[sflag:s5] =	ssyncadd.s32 $0xFFFFFF80  }
0x1a: {  	[spmem:s12] =	stream.linear.scatter [tilespmem:s6], [sflag:$0x3], $0x80, $0x38;
	[tilespmem:$0x4A80] =	vst v63  }
0x1b: {  	_ =	swait.ge [sflag:s5], $0x80  }
0x1c: {  	[sflag:s5] =	ssyncset.done $0x0  }
0x1d: {  	[sflag:s5] =	ssyncadd.s32 $0xFFFFFF80  }
0x1e: {  	[bflag:$0x0] =	sbarrier.arrive $0xFFFF  }
0x1f: {  	s13 =	rddreg [dreg:$0x4]  }
0x20: {  	[tilespmem:s3], [sflag:$0x3] =	stream.linear.gather [hbm4b:s13+s3], $0x400, $0x38;
	[tilespmem:$0x4A80] =	vst v63  }
0x21: {  	_ =	swait.ge [sflag:s5], $0x400  }
0x22: {  	[sflag:s5] =	ssyncset.done $0x0  }
0x23: {  	s13 =	simm.s32 $0x400;
	s14 =	rddreg [dreg:$0x5];
	[sflag:s5] =	ssyncadd.s32 $0xFFFFFC00  }
0x24: {  	[tilespmem:s13], [sflag:$0x3] =	stream.linear.gather [hbm4b:s14+s3], $0x400, $0x38;
	[tilespmem:$0x4A80] =	vst v63  }
0x25: {  	_ =	swait.ge [sflag:s5], $0x400  }
0x26: {  	s15 =	simm.s32 $0x200;
	[sflag:s5] =	ssyncset.done $0x0  }
0x27: {  	s16 =	simm.s32 $0x800;
	s14 =	sadd.s32 $0x5000, s29;
	[sflag:s5] =	ssyncadd.s32 $0xFFFFFC00  }
0x28: {  	[tilespmem:s16], [sflag:$0x1] =	stream.indirect.gather [hbm4b:s14+s15], $0x10, s3, s15, $0xb8;
	[tilespmem:$0x4A80] =	vst v63  }
0x29: {  	s17 =	simm.s32 $0x2800;
	s18 =	simm.s32 $0x1  }
0x2a: {  	[tilespmem:s17], [sflag:$0x1] =	stream.indirect.gather [hbm4b:s14+s15], $0x10, s15, s15, $0xb8;
	[tilespmem:$0x4A80] =	vst v63  }
0x2b: {  	_ =	swait.ge [sflag:s18], $0x2000  }
0x2c: {  	[sflag:s18] =	ssyncset.done $0x0  }
0x2d: {  	[sflag:s18] =	ssyncadd.s32 $0xFFFFE000  }
0x2e: {  	[spmem:s1] =	stream.indirect.scatter.add.f32 [tilespmem:s16], [sflag:$0x2], $0x10, s13, s15, $0xb8;
	[tilespmem:$0x4A80] =	vst v63  }
0x2f: {  	_ =	swait.ge [sflag:s18], $0x2000  }
0x30: {  	[sflag:s18] =	ssyncset.done $0x0  }
0x31: {  	s19 =	simm.s32 $0x600;
	s20 =	simm.s32 $0x2;
	[sflag:s18] =	ssyncadd.s32 $0xFFFFE000  }
0x32: {  	[spmem:s1] =	stream.indirect.scatter.add.f32 [tilespmem:s17], [sflag:$0x2], $0x10, s19, s15, $0xb8;
	[tilespmem:$0x4A80] =	vst v63  }
0x33: {  	_ =	swait.ge [sflag:s20], $0x2000  }
0x34: {  	[sflag:s20] =	ssyncset.done $0x0  }
0x35: {  	[sflag:s20] =	ssyncadd.s32 $0xFFFFE000  }
0x36: {  	_ =	swait.ge [sflag:s20], $0x2000  }
0x37: {  	[sflag:s20] =	ssyncset.done $0x0  }
0x38: {  	s21 =	sadd.s32 $0x36000, s29;
	[sflag:s20] =	ssyncadd.s32 $0xFFFFE000  }
0x39: {  	[tilespmem:s16], [sflag:$0x1] =	stream.indirect.gather [hbm4b:s21+s15], $0x10, s3, s15, $0xb8;
	[tilespmem:$0x4A80] =	vst v63  }
0x3a: {  	_ = 	snop  }
0x3b: {  	[tilespmem:s17], [sflag:$0x1] =	stream.indirect.gather [hbm4b:s21+s15], $0x10, s15, s15, $0xb8;
	[tilespmem:$0x4A80] =	vst v63  }
0x3c: {  	_ =	swait.ge [sflag:s18], $0x2000  }
0x3d: {  	[sflag:s18] =	ssyncset.done $0x0  }
0x3e: {  	[sflag:s18] =	ssyncadd.s32 $0xFFFFE000  }
0x3f: {  	[spmem:s7] =	stream.indirect.scatter.add.f32 [tilespmem:s16], [sflag:$0x2], $0x10, s13, s15, $0xb8;
	[tilespmem:$0x4A80] =	vst v63  }
0x40: {  	_ =	swait.ge [sflag:s18], $0x2000  }
0x41: {  	[sflag:s18] =	ssyncset.done $0x0  }
0x42: {  	[sflag:s18] =	ssyncadd.s32 $0xFFFFE000  }
0x43: {  	[spmem:s7] =	stream.indirect.scatter.add.f32 [tilespmem:s17], [sflag:$0x2], $0x10, s19, s15, $0xb8;
	[tilespmem:$0x4A80] =	vst v63  }
0x44: {  	_ =	swait.ge [sflag:s20], $0x2000  }
0x45: {  	[sflag:s20] =	ssyncset.done $0x0  }
0x46: {  	[sflag:s20] =	ssyncadd.s32 $0xFFFFE000  }
0x47: {  	_ =	swait.ge [sflag:s20], $0x2000  }
0x48: {  	[sflag:s20] =	ssyncset.done $0x0  }
0x49: {  	s22 =	sadd.s32 $0x67000, s29;
	[sflag:s20] =	ssyncadd.s32 $0xFFFFE000  }
0x4a: {  	[tilespmem:s16], [sflag:$0x1] =	stream.indirect.gather [hbm4b:s22+s15], $0x10, s3, s15, $0xb8;
	[tilespmem:$0x4A80] =	vst v63  }
0x4b: {  	_ = 	snop  }
0x4c: {  	[tilespmem:s17], [sflag:$0x1] =	stream.indirect.gather [hbm4b:s22+s15], $0x10, s15, s15, $0xb8;
	[tilespmem:$0x4A80] =	vst v63  }
0x4d: {  	_ =	swait.ge [sflag:s18], $0x2000  }
0x4e: {  	[sflag:s18] =	ssyncset.done $0x0  }
0x4f: {  	[sflag:s18] =	ssyncadd.s32 $0xFFFFE000  }
0x50: {  	[spmem:s9] =	stream.indirect.scatter.add.f32 [tilespmem:s16], [sflag:$0x2], $0x10, s13, s15, $0xb8;
	[tilespmem:$0x4A80] =	vst v63  }
0x51: {  	_ =	swait.ge [sflag:s18], $0x2000  }
0x52: {  	[sflag:s18] =	ssyncset.done $0x0  }
0x53: {  	[sflag:s18] =	ssyncadd.s32 $0xFFFFE000  }
0x54: {  	[spmem:s9] =	stream.indirect.scatter.add.f32 [tilespmem:s17], [sflag:$0x2], $0x10, s19, s15, $0xb8;
	[tilespmem:$0x4A80] =	vst v63  }
0x55: {  	_ =	swait.ge [sflag:s20], $0x2000  }
0x56: {  	[sflag:s20] =	ssyncset.done $0x0  }
0x57: {  	[sflag:s20] =	ssyncadd.s32 $0xFFFFE000  }
0x58: {  	_ =	swait.ge [sflag:s20], $0x2000  }
0x59: {  	[sflag:s20] =	ssyncset.done $0x0  }
0x5a: {  	s23 =	sadd.s32 $0x98000, s29;
	[sflag:s20] =	ssyncadd.s32 $0xFFFFE000  }
0x5b: {  	[tilespmem:s16], [sflag:$0x1] =	stream.indirect.gather [hbm4b:s23+s15], $0x10, s3, s15, $0xb8;
	[tilespmem:$0x4A80] =	vst v63  }
0x5c: {  	_ = 	snop  }
0x5d: {  	[tilespmem:s17], [sflag:$0x1] =	stream.indirect.gather [hbm4b:s23+s15], $0x10, s15, s15, $0xb8;
	[tilespmem:$0x4A80] =	vst v63  }
0x5e: {  	_ =	swait.ge [sflag:s18], $0x2000  }
0x5f: {  	[sflag:s18] =	ssyncset.done $0x0  }
0x60: {  	[sflag:s18] =	ssyncadd.s32 $0xFFFFE000  }
0x61: {  	[spmem:s11] =	stream.indirect.scatter.add.f32 [tilespmem:s16], [sflag:$0x2], $0x10, s13, s15, $0xb8;
	[tilespmem:$0x4A80] =	vst v63  }
0x62: {  	_ =	swait.ge [sflag:s18], $0x2000  }
0x63: {  	[sflag:s18] =	ssyncset.done $0x0  }
0x64: {  	[sflag:s18] =	ssyncadd.s32 $0xFFFFE000  }
0x65: {  	[spmem:s11] =	stream.indirect.scatter.add.f32 [tilespmem:s17], [sflag:$0x2], $0x10, s19, s15, $0xb8;
	[tilespmem:$0x4A80] =	vst v63  }
0x66: {  	_ =	swait.ge [sflag:s20], $0x2000  }
0x67: {  	[sflag:s20] =	ssyncset.done $0x0  }
0x68: {  	[sflag:s20] =	ssyncadd.s32 $0xFFFFE000  }
0x69: {  	_ =	swait.ge [sflag:s20], $0x2000  }
0x6a: {  	[sflag:s20] =	ssyncset.done $0x0  }
0x6b: {  	[sflag:s20] =	ssyncadd.s32 $0xFFFFE000  }
0x6c: {  	s24 =	sshll.u32 s2, $0x6;
	[bflag:$0x0] =	sbarrier.arrive $0xFFFF  }
0x6d: {  	s25 =	sshrl.u32 s4, $0x3;
	s24 =	sor.u32 $0x1C03, s24;
	s26 =	rddreg [dreg:$0x6]  }
0x6e: {  	[hbm:s26], [sflag:s24] =	dma.local [spmem:s25], $0x10  }
0x6f: {  	_ =	swait.ge [sflag:s5], $0x10  }
0x70: {  	[sflag:s5] =	ssyncset.done $0x0  }
0x71: {  	s26 =	sshrl.u32 s8, $0x3;
	s28 =	rddreg [dreg:$0x7];
	[sflag:s5] =	ssyncadd.s32 $0xFFFFFFF0  }
0x72: {  	[hbm:s28], [sflag:s24] =	dma.local [spmem:s26], $0x10  }
0x73: {  	_ =	swait.ge [sflag:s5], $0x10  }
0x74: {  	[sflag:s5] =	ssyncset.done $0x0  }
0x75: {  	s28 =	sshrl.u32 s10, $0x3;
	s0 =	rddreg [dreg:$0x8];
	[sflag:s5] =	ssyncadd.s32 $0xFFFFFFF0  }
0x76: {  	[hbm:s0], [sflag:s24] =	dma.local [spmem:s28], $0x10  }
0x77: {  	s0 =	ssub.s32 $0x2, s30  }
0x78: {  	s30 =	sshrl.u32 s0, $0x1  }
0x79: {  	s0 =	ssub.s32 s0, s30  }
0x7a: {  	s0 =	smax.u32 s0, $0x1  }
0x7b: {  	_ =	swait.ge [sflag:s5], $0x10;
	p0 =	sne.s32 s0, $0x1  }
.Ltmp0:
0x7c: {  	s29 =	sadd.s32 $0xCA600, s29;
	[sflag:s5] =	ssyncset.done $0x0;
	(pc) =	sbr.rel @!p0 .LBB2_2-.Ltmp0, $4  }
0x7d: {  	s29 =	sadd.s32 s31, s29;
	s30 =	sshrl.u32 s12, $0x3;
	[sflag:s5] =	ssyncadd.s32 $0xFFFFFFF0  }
0x7e: {  	[hbm:s29], [sflag:s24] =	dma.local [spmem:s30], $0x10  }
0x7f: {  	_ =	swait.ge [sflag:s5], $0x10  }
0x80: {  	s31 =	sadd.s32 $0xFFFFFFFF, s0;
	[sflag:s5] =	ssyncset.done $0x0  }
.LBB2_1:
0x81: {  	[sflag:s5] =	ssyncadd.s32 $0xFFFFFFF0  }
0x82: {  	[tilespmem:$0x4820] =	vst v0  }
0x83: {  	[tilespmem:$0x4830] =	vst v0  }
0x84: {  	[tilespmem:$0x4840] =	vst v0  }
0x85: {  	[tilespmem:$0x4800] =	vst v0  }
0x86: {  	[tilespmem:$0x4870] =	vst v0  }
0x87: {  	[tilespmem:$0x4860] =	vst v0  }
0x88: {  	[tilespmem:$0x4850] =	vst v0  }
0x89: {  	[tilespmem:$0x4810] =	vst v0  }
0x8a: {  	[spmem:s4] =	stream.linear.scatter [tilespmem:s6], [sflag:$0x3], $0x80, $0x38;
	[tilespmem:$0x4A80] =	vst v63  }
0x8b: {  	_ =	swait.ge [sflag:s5], $0x80  }
0x8c: {  	[sflag:s5] =	ssyncset.done $0x0  }
0x8d: {  	[sflag:s5] =	ssyncadd.s32 $0xFFFFFF80  }
0x8e: {  	[spmem:s8] =	stream.linear.scatter [tilespmem:s6], [sflag:$0x3], $0x80, $0x38;
	[tilespmem:$0x4A80] =	vst v63  }
0x8f: {  	_ =	swait.ge [sflag:s5], $0x80  }
0x90: {  	[sflag:s5] =	ssyncset.done $0x0  }
0x91: {  	[sflag:s5] =	ssyncadd.s32 $0xFFFFFF80  }
0x92: {  	[spmem:s10] =	stream.linear.scatter [tilespmem:s6], [sflag:$0x3], $0x80, $0x38;
	[tilespmem:$0x4A80] =	vst v63  }
0x93: {  	_ =	swait.ge [sflag:s5], $0x80  }
0x94: {  	[sflag:s5] =	ssyncset.done $0x0  }
0x95: {  	[sflag:s5] =	ssyncadd.s32 $0xFFFFFF80  }
0x96: {  	[spmem:s12] =	stream.linear.scatter [tilespmem:s6], [sflag:$0x3], $0x80, $0x38;
	[tilespmem:$0x4A80] =	vst v63  }
0x97: {  	_ =	swait.ge [sflag:s5], $0x80  }
0x98: {  	[sflag:s5] =	ssyncset.done $0x0  }
0x99: {  	[sflag:s5] =	ssyncadd.s32 $0xFFFFFF80  }
0x9a: {  	[bflag:$0x0] =	sbarrier.arrive $0xFFFF  }
0x9b: {  	s0 =	rddreg [dreg:$0x4]  }
0x9c: {  	[tilespmem:s3], [sflag:$0x3] =	stream.linear.gather [hbm4b:s0+s3], $0x400, $0x38;
	[tilespmem:$0x4A80] =	vst v63  }
0x9d: {  	_ =	swait.ge [sflag:s5], $0x400  }
0x9e: {  	[sflag:s5] =	ssyncset.done $0x0  }
0x9f: {  	s0 =	rddreg [dreg:$0x5];
	[sflag:s5] =	ssyncadd.s32 $0xFFFFFC00  }
0xa0: {  	[tilespmem:s13], [sflag:$0x3] =	stream.linear.gather [hbm4b:s0+s3], $0x400, $0x38;
	[tilespmem:$0x4A80] =	vst v63  }
0xa1: {  	_ =	swait.ge [sflag:s5], $0x400  }
0xa2: {  	[sflag:s5] =	ssyncset.done $0x0  }
0xa3: {  	[sflag:s5] =	ssyncadd.s32 $0xFFFFFC00  }
0xa4: {  	[tilespmem:s16], [sflag:$0x1] =	stream.indirect.gather [hbm4b:s14+s15], $0x10, s3, s15, $0xb8;
	[tilespmem:$0x4A80] =	vst v63  }
0xa5: {  	_ = 	snop  }
0xa6: {  	[tilespmem:s17], [sflag:$0x1] =	stream.indirect.gather [hbm4b:s14+s15], $0x10, s15, s15, $0xb8;
	[tilespmem:$0x4A80] =	vst v63  }
0xa7: {  	_ =	swait.ge [sflag:s18], $0x2000  }
0xa8: {  	[sflag:s18] =	ssyncset.done $0x0  }
0xa9: {  	[sflag:s18] =	ssyncadd.s32 $0xFFFFE000  }
0xaa: {  	[spmem:s1] =	stream.indirect.scatter.add.f32 [tilespmem:s16], [sflag:$0x2], $0x10, s13, s15, $0xb8;
	[tilespmem:$0x4A80] =	vst v63  }
0xab: {  	_ =	swait.ge [sflag:s18], $0x2000  }
0xac: {  	[sflag:s18] =	ssyncset.done $0x0  }
0xad: {  	[sflag:s18] =	ssyncadd.s32 $0xFFFFE000  }
0xae: {  	[spmem:s1] =	stream.indirect.scatter.add.f32 [tilespmem:s17], [sflag:$0x2], $0x10, s19, s15, $0xb8;
	[tilespmem:$0x4A80] =	vst v63  }
0xaf: {  	_ =	swait.ge [sflag:s20], $0x2000  }
0xb0: {  	[sflag:s20] =	ssyncset.done $0x0  }
0xb1: {  	[sflag:s20] =	ssyncadd.s32 $0xFFFFE000  }
0xb2: {  	_ =	swait.ge [sflag:s20], $0x2000  }
0xb3: {  	[sflag:s20] =	ssyncset.done $0x0  }
0xb4: {  	[sflag:s20] =	ssyncadd.s32 $0xFFFFE000  }
0xb5: {  	[tilespmem:s16], [sflag:$0x1] =	stream.indirect.gather [hbm4b:s21+s15], $0x10, s3, s15, $0xb8;
	[tilespmem:$0x4A80] =	vst v63  }
0xb6: {  	_ = 	snop  }
0xb7: {  	[tilespmem:s17], [sflag:$0x1] =	stream.indirect.gather [hbm4b:s21+s15], $0x10, s15, s15, $0xb8;
	[tilespmem:$0x4A80] =	vst v63  }
0xb8: {  	_ =	swait.ge [sflag:s18], $0x2000  }
0xb9: {  	[sflag:s18] =	ssyncset.done $0x0  }
0xba: {  	[sflag:s18] =	ssyncadd.s32 $0xFFFFE000  }
0xbb: {  	[spmem:s7] =	stream.indirect.scatter.add.f32 [tilespmem:s16], [sflag:$0x2], $0x10, s13, s15, $0xb8;
	[tilespmem:$0x4A80] =	vst v63  }
0xbc: {  	_ =	swait.ge [sflag:s18], $0x2000  }
0xbd: {  	[sflag:s18] =	ssyncset.done $0x0  }
0xbe: {  	[sflag:s18] =	ssyncadd.s32 $0xFFFFE000  }
0xbf: {  	[spmem:s7] =	stream.indirect.scatter.add.f32 [tilespmem:s17], [sflag:$0x2], $0x10, s19, s15, $0xb8;
	[tilespmem:$0x4A80] =	vst v63  }
0xc0: {  	_ =	swait.ge [sflag:s20], $0x2000  }
0xc1: {  	[sflag:s20] =	ssyncset.done $0x0  }
0xc2: {  	[sflag:s20] =	ssyncadd.s32 $0xFFFFE000  }
0xc3: {  	_ =	swait.ge [sflag:s20], $0x2000  }
0xc4: {  	[sflag:s20] =	ssyncset.done $0x0  }
0xc5: {  	[sflag:s20] =	ssyncadd.s32 $0xFFFFE000  }
0xc6: {  	[tilespmem:s16], [sflag:$0x1] =	stream.indirect.gather [hbm4b:s22+s15], $0x10, s3, s15, $0xb8;
	[tilespmem:$0x4A80] =	vst v63  }
0xc7: {  	_ = 	snop  }
0xc8: {  	[tilespmem:s17], [sflag:$0x1] =	stream.indirect.gather [hbm4b:s22+s15], $0x10, s15, s15, $0xb8;
	[tilespmem:$0x4A80] =	vst v63  }
0xc9: {  	_ =	swait.ge [sflag:s18], $0x2000  }
0xca: {  	[sflag:s18] =	ssyncset.done $0x0  }
0xcb: {  	[sflag:s18] =	ssyncadd.s32 $0xFFFFE000  }
0xcc: {  	[spmem:s9] =	stream.indirect.scatter.add.f32 [tilespmem:s16], [sflag:$0x2], $0x10, s13, s15, $0xb8;
	[tilespmem:$0x4A80] =	vst v63  }
0xcd: {  	_ =	swait.ge [sflag:s18], $0x2000  }
0xce: {  	[sflag:s18] =	ssyncset.done $0x0  }
0xcf: {  	[sflag:s18] =	ssyncadd.s32 $0xFFFFE000  }
0xd0: {  	[spmem:s9] =	stream.indirect.scatter.add.f32 [tilespmem:s17], [sflag:$0x2], $0x10, s19, s15, $0xb8;
	[tilespmem:$0x4A80] =	vst v63  }
0xd1: {  	_ =	swait.ge [sflag:s20], $0x2000  }
0xd2: {  	[sflag:s20] =	ssyncset.done $0x0  }
0xd3: {  	[sflag:s20] =	ssyncadd.s32 $0xFFFFE000  }
0xd4: {  	_ =	swait.ge [sflag:s20], $0x2000  }
0xd5: {  	[sflag:s20] =	ssyncset.done $0x0  }
0xd6: {  	[sflag:s20] =	ssyncadd.s32 $0xFFFFE000  }
0xd7: {  	[tilespmem:s16], [sflag:$0x1] =	stream.indirect.gather [hbm4b:s23+s15], $0x10, s3, s15, $0xb8;
	[tilespmem:$0x4A80] =	vst v63  }
0xd8: {  	_ = 	snop  }
0xd9: {  	[tilespmem:s17], [sflag:$0x1] =	stream.indirect.gather [hbm4b:s23+s15], $0x10, s15, s15, $0xb8;
	[tilespmem:$0x4A80] =	vst v63  }
0xda: {  	_ =	swait.ge [sflag:s18], $0x2000  }
0xdb: {  	[sflag:s18] =	ssyncset.done $0x0  }
0xdc: {  	[sflag:s18] =	ssyncadd.s32 $0xFFFFE000  }
0xdd: {  	[spmem:s11] =	stream.indirect.scatter.add.f32 [tilespmem:s16], [sflag:$0x2], $0x10, s13, s15, $0xb8;
	[tilespmem:$0x4A80] =	vst v63  }
0xde: {  	_ =	swait.ge [sflag:s18], $0x2000  }
0xdf: {  	[sflag:s18] =	ssyncset.done $0x0  }
0xe0: {  	[sflag:s18] =	ssyncadd.s32 $0xFFFFE000  }
0xe1: {  	[spmem:s11] =	stream.indirect.scatter.add.f32 [tilespmem:s17], [sflag:$0x2], $0x10, s19, s15, $0xb8;
	[tilespmem:$0x4A80] =	vst v63  }
0xe2: {  	_ =	swait.ge [sflag:s20], $0x2000  }
0xe3: {  	[sflag:s20] =	ssyncset.done $0x0  }
0xe4: {  	[sflag:s20] =	ssyncadd.s32 $0xFFFFE000  }
0xe5: {  	_ =	swait.ge [sflag:s20], $0x2000  }
0xe6: {  	[sflag:s20] =	ssyncset.done $0x0  }
0xe7: {  	[sflag:s20] =	ssyncadd.s32 $0xFFFFE000  }
0xe8: {  	[bflag:$0x0] =	sbarrier.arrive $0xFFFF  }
0xe9: {  	s0 =	rddreg [dreg:$0x6]  }
0xea: {  	[hbm:s0], [sflag:s24] =	dma.local [spmem:s25], $0x10  }
0xeb: {  	_ =	swait.ge [sflag:s5], $0x10  }
0xec: {  	[sflag:s5] =	ssyncset.done $0x0  }
0xed: {  	s0 =	rddreg [dreg:$0x7];
	[sflag:s5] =	ssyncadd.s32 $0xFFFFFFF0  }
0xee: {  	[hbm:s0], [sflag:s24] =	dma.local [spmem:s26], $0x10  }
0xef: {  	_ =	swait.ge [sflag:s5], $0x10  }
0xf0: {  	[sflag:s5] =	ssyncset.done $0x0  }
0xf1: {  	s0 =	rddreg [dreg:$0x8];
	[sflag:s5] =	ssyncadd.s32 $0xFFFFFFF0  }
0xf2: {  	[hbm:s0], [sflag:s24] =	dma.local [spmem:s28], $0x10  }
0xf3: {  	p0 =	sne.s32 s31, $0x1;
	_ =	swait.ge [sflag:s5], $0x10  }
.Ltmp1:
0xf4: {  	[sflag:s5] =	ssyncset.done $0x0;
	(pc) =	sbr.rel @p0 .LBB2_1-.Ltmp1, $4  }
0xf5: {  	[sflag:s5] =	ssyncadd.s32 $0xFFFFFFF0  }
0xf6: {  	[hbm:s29], [sflag:s24] =	dma.local [spmem:s30], $0x10  }
0xf7: {  	_ =	swait.ge [sflag:s5], $0x10  }
0xf8: {  	s31 =	sadd.s32 $0xFFFFFFFF, s31;
	[sflag:s5] =	ssyncset.done $0x0  }
.LBB2_2:
0xf9: {  	[sflag:s5] =	ssyncadd.s32 $0xFFFFFFF0  }
0xfa: {  	_ =	sfence.sel $0x180000  }
0xfb: {  	[bflag:$0x0] =	sbarrier.arrive $0xFFFF  }
0xfc: {  	_ =	strace $0x90000053  }
0xfd: {  	[bflag:$0x2] =	sbarrier.arrive $0xFFFF  }
0xfe: {  	p0 =	sne.s32 s2, $0x0;
	s0 =	rddreg [dreg:$0x3]  }
0xff: {  	s0 =	sadd.s32 @!p0 $0x100000, s0  }
0x100: {  	[sflag:s0] =	ssyncadd.tile.s32 @!p0 $0x1;
	_ =	shalt  }
.Lfunc_end2:
_tile_overlayer_lowered:
.L_overlay_start_2:
0x101: {  	(tag) =	ssettag $0x2  }
0x102: {  	s0 =	rddreg [dreg:$0x0];
	s2 =	stileid.u32  }
0x103: {  	s1 =	rddreg [dreg:$0x1];
	p0 =	sne.s32 s2, $0x0  }
0x104: {  	s3 =	rddreg [dreg:$0x2];
	[bflag:$0x3] =	sbarrier.arrive $0xFFFF;
	s2 =	simm.s32 @!p0 $0x1C03  }
0x105: {  	[timem:s3], [sflag:s2] =	dma.local @!p0 [hbm:s0], s1  }
0x106: {  	s0 =	simm.s32 @!p0 $0x3  }
0x107: {  	_ =	swait.ge @!p0 [sflag:s0], s1  }
0x108: {  	s1 =	ssub.s32 @!p0 $0x0, s1;
	[sflag:s0] =	ssyncset.done @!p0 $0x0  }
0x109: {  	[sflag:s0] =	ssyncadd.s32 @!p0 s1  }
0x10a: {  	[bflag:$0x3] =	sbarrier.arrive $0xFFFF  }
0x10b: {  	_ =	shalt  }

</sc_bundles>
